<compile_context>
chip_gen: v7x
topology: tpu7x:2x2x1
jax: 0.10.2.dev20260603
libtpu: 0.0.44.dev20260713+nightly
codegen_flags: <defaults>
</compile_context>

<pallas_src>
import functools

import jax
import jax.numpy as jnp
from jax import lax
from jax.experimental import pallas as pl
from jax.experimental.pallas import tpu as pltpu
from jax.experimental.pallas import tpu_sc as plsc

D_MODEL = 1024
SCALE = float(D_MODEL) ** 0.5

_INFO = plsc.get_sparse_core_info()
NC, NS, L = _INFO.num_cores, _INFO.num_subcores, _INFO.num_lanes
NW = NC * NS

N_TOK = 4 * 8192
RPW = N_TOK // NW
C = 16
NCH = RPW // C
NBUF = 4


def _body(ids_hbm, table_hbm, out_hbm,
          idx_v, buf0, buf1, buf2, buf3,
          gsem0, gsem1, gsem2, gsem3, osem0, osem1, osem2, osem3):
    bufs = (buf0, buf1, buf2, buf3)
    gsems = (gsem0, gsem1, gsem2, gsem3)
    osems = (osem0, osem1, osem2, osem3)

    wid = lax.axis_index("s") * NC + lax.axis_index("c")
    base = pl.multiple_of(wid * RPW, RPW)
    pltpu.sync_copy(ids_hbm.at[pl.ds(base, RPW)], idx_v)

    def gather(g, b):
        off = pl.multiple_of(g * C, C)
        pltpu.async_copy(table_hbm.at[idx_v.at[pl.ds(off, C)]], bufs[b],
                         gsems[b])

    def wait_gather(b):
        pltpu.make_async_copy(out_hbm.at[pl.ds(0, C)], bufs[b],
                              gsems[b]).wait()

    def wait_out(b):
        pltpu.make_async_copy(out_hbm.at[pl.ds(0, C)], bufs[b],
                              osems[b]).wait()

    def scale(b):
        @plsc.parallel_loop(0, C, step=1)
        def row(r):
            for j in range(D_MODEL // L):
                sl = pl.ds(j * L, L)
                bufs[b][r, sl] = bufs[b][r, sl] * SCALE

    def writeback(g, b):
        off = pl.multiple_of(g * C, C)
        pltpu.async_copy(bufs[b], out_hbm.at[pl.ds(base + off, C)],
                         osems[b])

    gather(0, 0)
    gather(1, 1)

    def outer(go, carry):
        for j in range(NBUF):
            g = go * NBUF + j
            wait_gather(j)
            nb = (j + 2) % NBUF
            @pl.when(g + 2 < NCH)
            def _():
                @pl.when(g >= 2)
                def _():
                    wait_out(nb)
                gather(g + 2, nb)
            scale(j)
            writeback(g, j)
        return carry

    lax.fori_loop(0, NCH // NBUF, outer, 0)

    for b in range(NBUF):
        wait_out(b)


_encoder = functools.partial(
    pl.kernel,
    out_type=jax.ShapeDtypeStruct((N_TOK, D_MODEL), jnp.float32),
    mesh=plsc.VectorSubcoreMesh(core_axis_name="c", subcore_axis_name="s"),
    scratch_types=[
        pltpu.VMEM((RPW,), jnp.int32),
        pltpu.VMEM((C, D_MODEL), jnp.float32),
        pltpu.VMEM((C, D_MODEL), jnp.float32),
        pltpu.VMEM((C, D_MODEL), jnp.float32),
        pltpu.VMEM((C, D_MODEL), jnp.float32),
        pltpu.SemaphoreType.DMA,
        pltpu.SemaphoreType.DMA,
        pltpu.SemaphoreType.DMA,
        pltpu.SemaphoreType.DMA,
        pltpu.SemaphoreType.DMA,
        pltpu.SemaphoreType.DMA,
        pltpu.SemaphoreType.DMA,
        pltpu.SemaphoreType.DMA,
    ],
)(_body)


def kernel(input_ids, embedding_weight):
    ids = input_ids.reshape(-1).astype(jnp.int32)
    out = _encoder(ids, embedding_weight)
    return out.reshape(*input_ids.shape, D_MODEL)

# --- scband reference (transcript-rebuilt; emitter-appended) ---
"""Pipeline reference for scband-input-encoder-61005715472938 (READ-ONLY COPY).

The authoritative reference and input builder live on the scoring server;
editing this copy changes nothing except your own understanding.
"""

import jax, jax.numpy as jnp
import numpy as np

D_MODEL = 1024
VOCAB = 100000
B = 4
S = 8192


def setup_inputs(seed: int = 0) -> dict:
    key = jax.random.key(seed)
    k_ids, k_emb = jax.random.split(key)
    input_ids = jax.random.randint(k_ids, (B, S), 0, VOCAB)
    embedding_weight = jax.random.normal(k_emb, (VOCAB, D_MODEL), dtype=jnp.float32)
    return {"input_ids": input_ids, "embedding_weight": embedding_weight}


def reference(input_ids, embedding_weight):
    # x = self.embedding(input_ids) * sqrt(d_model)
    # positional_encoder is None; dropout=0.0 (identity at inference)
    x = jnp.take(embedding_weight, input_ids, axis=0) * (D_MODEL ** 0.5)
    return x

if __name__ == "__main__":
    import jax
    _d = setup_inputs()
    print(jax.jit(kernel)(*tuple(_d.values())))

</pallas_src>

<mosaic_0001>
#map = affine_map<(d0, d1) -> (0)>
#map1 = affine_map<(d0, d1) -> (0, 0)>
module attributes {stable_mosaic.version = 14 : i64} {
  func.func @_body(%arg0: i32, %arg1: i32, %arg2: memref<32768xi32, #tpu.memory_space<hbm>>, %arg3: memref<100000x1024xf32, #tpu.memory_space<hbm>>, %arg4: memref<32768x1024xf32, #tpu.memory_space<hbm>>, %arg5: memref<1024xi32, #tpu.memory_space<vmem>>, %arg6: memref<16x1024xf32, #tpu.memory_space<vmem>>, %arg7: memref<16x1024xf32, #tpu.memory_space<vmem>>, %arg8: memref<16x1024xf32, #tpu.memory_space<vmem>>, %arg9: memref<16x1024xf32, #tpu.memory_space<vmem>>, %arg10: memref<!tpu.dma_semaphore, #tpu.memory_space<semaphore_mem>>, %arg11: memref<!tpu.dma_semaphore, #tpu.memory_space<semaphore_mem>>, %arg12: memref<!tpu.dma_semaphore, #tpu.memory_space<semaphore_mem>>, %arg13: memref<!tpu.dma_semaphore, #tpu.memory_space<semaphore_mem>>, %arg14: memref<!tpu.dma_semaphore, #tpu.memory_space<semaphore_mem>>, %arg15: memref<!tpu.dma_semaphore, #tpu.memory_space<semaphore_mem>>, %arg16: memref<!tpu.dma_semaphore, #tpu.memory_space<semaphore_mem>>, %arg17: memref<!tpu.dma_semaphore, #tpu.memory_space<semaphore_mem>>) attributes {dimension_semantics = [#tpu.dimension_semantics<core_parallel>, #tpu.dimension_semantics<subcore_parallel>], iteration_bounds = array<i64: 2, 16>, scalar_prefetch = 0 : i64, scratch_operands = 13 : i64, tpu.core_type = #tpu.core_type<sc_vector_subcore>, window_params = [{transform_indices = #map}, {transform_indices = #map1}, {transform_indices = #map1}]} {
    %mul3A = arith.constant 2 : i32
    %mul3A_0 = arith.muli %arg1, %mul3A : i32
    %add3A = arith.addi %mul3A_0, %arg0 : i32
    %mul3A_1 = arith.constant 1024 : i32
    %mul3A_2 = arith.muli %add3A, %mul3A_1 : i32
    %multiple_of3A = tpu.assume_multiple %mul3A_2, 1024 : i32
    "tpu.region"() ({
      %run_scoped3A = tpu.sem_alloc : memref<!tpu.dma_semaphore, #tpu.memory_space<semaphore_mem>>
      %dma_start3A_42 = tpu.memref_slice %arg2[%multiple_of3A] : memref<32768xi32, #tpu.memory_space<hbm>> -> memref<1024xi32, #tpu.memory_space<hbm>>
      %dma_start3A_43 = tpu.memref_slice %arg2[%multiple_of3A] : memref<32768xi32, #tpu.memory_space<hbm>> -> memref<1024xi32, #tpu.memory_space<hbm>>
      tpu.enqueue_dma source(%dma_start3A_43 : memref<1024xi32, #tpu.memory_space<hbm>>) target(%arg5 : memref<1024xi32, #tpu.memory_space<vmem>>) target_semaphore(%run_scoped3A : memref<!tpu.dma_semaphore, #tpu.memory_space<semaphore_mem>>)
      %dma_wait3A_44 = tpu.memref_slice %arg2[%multiple_of3A] : memref<32768xi32, #tpu.memory_space<hbm>> -> memref<1024xi32, #tpu.memory_space<hbm>>
      %dma_wait3A_45 = tpu.memref_slice %arg2[%multiple_of3A] : memref<32768xi32, #tpu.memory_space<hbm>> -> memref<1024xi32, #tpu.memory_space<hbm>>
      tpu.wait_dma2 semaphore(%run_scoped3A : memref<!tpu.dma_semaphore, #tpu.memory_space<semaphore_mem>>) src(%dma_wait3A_45 : memref<1024xi32, #tpu.memory_space<hbm>>) dst(%arg5 : memref<1024xi32, #tpu.memory_space<vmem>>)
      tpu.yield
    }) : () -> ()
    %multiple_of3A_3 = arith.constant 0 : i32
    %multiple_of3A_4 = tpu.assume_multiple %multiple_of3A_3, 16 : i32
    %dma_start3A = tpu.memref_slice %arg5[%multiple_of3A_4] : memref<1024xi32, #tpu.memory_space<vmem>> -> memref<16xi32, #tpu.memory_space<vmem>>
    %dma_start3A_5 = arith.constant 0 : i32
    %dma_start3A_6 = arith.constant 0 : i32
    %dma_start3A_7 = tpu.memref_slice %arg3[%dma_start3A_5, %dma_start3A_6] : memref<100000x1024xf32, #tpu.memory_space<hbm>> -> memref<100000x1024xf32, #tpu.memory_space<hbm>>
    tpu.enqueue_indirect_dma source(%dma_start3A_7 : memref<100000x1024xf32, #tpu.memory_space<hbm>>) target(%arg6 : memref<16x1024xf32, #tpu.memory_space<vmem>>) offsets(%dma_start3A : memref<16xi32, #tpu.memory_space<vmem>>) semaphore(%arg10 : memref<!tpu.dma_semaphore, #tpu.memory_space<semaphore_mem>>)
    %multiple_of3A_8 = arith.constant 16 : i32
    %multiple_of3A_9 = tpu.assume_multiple %multiple_of3A_8, 16 : i32
    %dma_start3A_10 = tpu.memref_slice %arg5[%multiple_of3A_9] : memref<1024xi32, #tpu.memory_space<vmem>> -> memref<16xi32, #tpu.memory_space<vmem>>
    %dma_start3A_11 = arith.constant 0 : i32
    %dma_start3A_12 = arith.constant 0 : i32
    %dma_start3A_13 = tpu.memref_slice %arg3[%dma_start3A_11, %dma_start3A_12] : memref<100000x1024xf32, #tpu.memory_space<hbm>> -> memref<100000x1024xf32, #tpu.memory_space<hbm>>
    tpu.enqueue_indirect_dma source(%dma_start3A_13 : memref<100000x1024xf32, #tpu.memory_space<hbm>>) target(%arg7 : memref<16x1024xf32, #tpu.memory_space<vmem>>) offsets(%dma_start3A_10 : memref<16xi32, #tpu.memory_space<vmem>>) semaphore(%arg11 : memref<!tpu.dma_semaphore, #tpu.memory_space<semaphore_mem>>)
    %scan3A = arith.constant 0 : i32
    %scan3A_14 = arith.constant 0 : i32
    %scan3A_15 = arith.constant 16 : i32
    %scan3A_16 = arith.addi %scan3A_14, %scan3A_15 : i32
    %scan3A_17 = arith.constant 1 : i32
    scf.for %scan3A_42 = %scan3A_14 to %scan3A_16 step %scan3A_17  : i32 {
      %mul3A_43 = arith.constant 4 : i32
      %mul3A_44 = arith.muli %scan3A_42, %mul3A_43 : i32
      %add3A_45 = arith.constant 0 : i32
      %add3A_46 = arith.addi %mul3A_44, %add3A_45 : i32
      %dma_wait3A_47 = arith.constant 0 : i32
      %dma_wait3A_48 = arith.constant 0 : i32
      %dma_wait3A_49 = tpu.memref_slice %arg4[%dma_wait3A_47, %dma_wait3A_48] : memref<32768x1024xf32, #tpu.memory_space<hbm>> -> memref<16x1024xf32, #tpu.memory_space<hbm>>
      %dma_wait3A_50 = arith.constant 0 : i32
      %dma_wait3A_51 = arith.constant 0 : i32
      %dma_wait3A_52 = tpu.memref_slice %arg4[%dma_wait3A_50, %dma_wait3A_51] : memref<32768x1024xf32, #tpu.memory_space<hbm>> -> memref<16x1024xf32, #tpu.memory_space<hbm>>
      tpu.wait_dma2 semaphore(%arg10 : memref<!tpu.dma_semaphore, #tpu.memory_space<semaphore_mem>>) src(%dma_wait3A_52 : memref<16x1024xf32, #tpu.memory_space<hbm>>) dst(%arg6 : memref<16x1024xf32, #tpu.memory_space<vmem>>)
      %add3A_53 = arith.constant 2 : i32
      %add3A_54 = arith.addi %add3A_46, %add3A_53 : i32
      %lt3A = arith.constant 64 : i32
      %lt3A_55 = arith.cmpi slt, %add3A_54, %lt3A : i32
      %convert_element_type3A = arith.extui %lt3A_55 : i1 to i32
      %cond3A = arith.constant 0 : i32
      %cond3A_56 = arith.cmpi ne, %convert_element_type3A, %cond3A : i32
      scf.if %cond3A_56 {
        %ge3A = arith.constant 2 : i32
        %ge3A_151 = arith.cmpi sge, %add3A_46, %ge3A : i32
        %convert_element_type3A_152 = arith.extui %ge3A_151 : i1 to i32
        %cond3A_153 = arith.constant 0 : i32
        %cond3A_154 = arith.cmpi ne, %convert_element_type3A_152, %cond3A_153 : i32
        scf.if %cond3A_154 {
          %dma_wait3A_164 = arith.constant 0 : i32
          %dma_wait3A_165 = arith.constant 0 : i32
          %dma_wait3A_166 = tpu.memref_slice %arg4[%dma_wait3A_164, %dma_wait3A_165] : memref<32768x1024xf32, #tpu.memory_space<hbm>> -> memref<16x1024xf32, #tpu.memory_space<hbm>>
          %dma_wait3A_167 = arith.constant 0 : i32
          %dma_wait3A_168 = arith.constant 0 : i32
          %dma_wait3A_169 = tpu.memref_slice %arg4[%dma_wait3A_167, %dma_wait3A_168] : memref<32768x1024xf32, #tpu.memory_space<hbm>> -> memref<16x1024xf32, #tpu.memory_space<hbm>>
          tpu.wait_dma2 semaphore(%arg16 : memref<!tpu.dma_semaphore, #tpu.memory_space<semaphore_mem>>) src(%dma_wait3A_169 : memref<16x1024xf32, #tpu.memory_space<hbm>>) dst(%arg8 : memref<16x1024xf32, #tpu.memory_space<vmem>>)
        } else {
        }
        %add3A_155 = arith.constant 2 : i32
        %add3A_156 = arith.addi %add3A_46, %add3A_155 : i32
        %mul3A_157 = arith.constant 16 : i32
        %mul3A_158 = arith.muli %add3A_156, %mul3A_157 : i32
        %multiple_of3A_159 = tpu.assume_multiple %mul3A_158, 16 : i32
        %dma_start3A_160 = tpu.memref_slice %arg5[%multiple_of3A_159] : memref<1024xi32, #tpu.memory_space<vmem>> -> memref<16xi32, #tpu.memory_space<vmem>>
        %dma_start3A_161 = arith.constant 0 : i32
        %dma_start3A_162 = arith.constant 0 : i32
        %dma_start3A_163 = tpu.memref_slice %arg3[%dma_start3A_161, %dma_start3A_162] : memref<100000x1024xf32, #tpu.memory_space<hbm>> -> memref<100000x1024xf32, #tpu.memory_space<hbm>>
        tpu.enqueue_indirect_dma source(%dma_start3A_163 : memref<100000x1024xf32, #tpu.memory_space<hbm>>) target(%arg8 : memref<16x1024xf32, #tpu.memory_space<vmem>>) offsets(%dma_start3A_160 : memref<16xi32, #tpu.memory_space<vmem>>) semaphore(%arg12 : memref<!tpu.dma_semaphore, #tpu.memory_space<semaphore_mem>>)
      } else {
      }
      %parallel_loop3A = arith.constant 0 : i32
      %parallel_loop3A_57 = arith.constant 16 : i32
      %parallel_loop3A_58 = arith.constant 1 : i32
      scf.for %parallel_loop3A_151 = %parallel_loop3A to %parallel_loop3A_57 step %parallel_loop3A_58  : i32 {
        %parallel_loop3A_152 = arith.index_cast %parallel_loop3A_151 : i32 to index
        %parallel_loop3A_153 = arith.constant 0 : index
        %parallel_loop3A_154 = tpu.vector_load %arg6[%parallel_loop3A_152, %parallel_loop3A_153] {strides = array<i32>} : memref<16x1024xf32, #tpu.memory_space<vmem>>, vector<1x16xf32>,
        %parallel_loop3A_155 = vector.shape_cast %parallel_loop3A_154 : vector<1x16xf32> to vector<16xf32>
        %parallel_loop3A_156 = arith.constant 3.200000e+01 : f32
        %parallel_loop3A_157 = vector.broadcast %parallel_loop3A_156 : f32 to vector<16xf32>
        %parallel_loop3A_158 = arith.mulf %parallel_loop3A_155, %parallel_loop3A_157 : vector<16xf32>
        %parallel_loop3A_159 = arith.index_cast %parallel_loop3A_151 : i32 to index
        %parallel_loop3A_160 = arith.constant 0 : index
        %parallel_loop3A_161 = tpu.vector_load %arg6[%parallel_loop3A_159, %parallel_loop3A_160] {strides = array<i32>} : memref<16x1024xf32, #tpu.memory_space<vmem>>, vector<1x16xf32>,
        %parallel_loop3A_162 = vector.shape_cast %parallel_loop3A_161 : vector<1x16xf32> to vector<16xf32>
        %parallel_loop3A_163 = vector.shape_cast %parallel_loop3A_158 : vector<16xf32> to vector<1x16xf32>
        tpu.vector_store %arg6[%parallel_loop3A_159, %parallel_loop3A_160], %parallel_loop3A_163 {strides = array<i32>} : memref<16x1024xf32, #tpu.memory_space<vmem>>, vector<1x16xf32>,
        %parallel_loop3A_164 = arith.index_cast %parallel_loop3A_151 : i32 to index
        %parallel_loop3A_165 = arith.constant 16 : index
        %parallel_loop3A_166 = tpu.vector_load %arg6[%parallel_loop3A_164, %parallel_loop3A_165] {strides = array<i32>} : memref<16x1024xf32, #tpu.memory_space<vmem>>, vector<1x16xf32>,
        %parallel_loop3A_167 = vector.shape_cast %parallel_loop3A_166 : vector<1x16xf32> to vector<16xf32>
        %parallel_loop3A_168 = arith.constant 3.200000e+01 : f32
        %parallel_loop3A_169 = vector.broadcast %parallel_loop3A_168 : f32 to vector<16xf32>
        %parallel_loop3A_170 = arith.mulf %parallel_loop3A_167, %parallel_loop3A_169 : vector<16xf32>
        %parallel_loop3A_171 = arith.index_cast %parallel_loop3A_151 : i32 to index
        %parallel_loop3A_172 = arith.constant 16 : index
        %parallel_loop3A_173 = tpu.vector_load %arg6[%parallel_loop3A_171, %parallel_loop3A_172] {strides = array<i32>} : memref<16x1024xf32, #tpu.memory_space<vmem>>, vector<1x16xf32>,
        %parallel_loop3A_174 = vector.shape_cast %parallel_loop3A_173 : vector<1x16xf32> to vector<16xf32>
        %parallel_loop3A_175 = vector.shape_cast %parallel_loop3A_170 : vector<16xf32> to vector<1x16xf32>
        tpu.vector_store %arg6[%parallel_loop3A_171, %parallel_loop3A_172], %parallel_loop3A_175 {strides = array<i32>} : memref<16x1024xf32, #tpu.memory_space<vmem>>, vector<1x16xf32>,
        %parallel_loop3A_176 = arith.index_cast %parallel_loop3A_151 : i32 to index
        %parallel_loop3A_177 = arith.constant 32 : index
        %parallel_loop3A_178 = tpu.vector_load %arg6[%parallel_loop3A_176, %parallel_loop3A_177] {strides = array<i32>} : memref<16x1024xf32, #tpu.memory_space<vmem>>, vector<1x16xf32>,
        %parallel_loop3A_179 = vector.shape_cast %parallel_loop3A_178 : vector<1x16xf32> to vector<16xf32>
        %parallel_loop3A_180 = arith.constant 3.200000e+01 : f32
        %parallel_loop3A_181 = vector.broadcast %parallel_loop3A_180 : f32 to vector<16xf32>
        %parallel_loop3A_182 = arith.mulf %parallel_loop3A_179, %parallel_loop3A_181 : vector<16xf32>
        %parallel_loop3A_183 = arith.index_cast %parallel_loop3A_151 : i32 to index
        %parallel_loop3A_184 = arith.constant 32 : index
        %parallel_loop3A_185 = tpu.vector_load %arg6[%parallel_loop3A_183, %parallel_loop3A_184] {strides = array<i32>} : memref<16x1024xf32, #tpu.memory_space<vmem>>, vector<1x16xf32>,
        %parallel_loop3A_186 = vector.shape_cast %parallel_loop3A_185 : vector<1x16xf32> to vector<16xf32>
        %parallel_loop3A_187 = vector.shape_cast %parallel_loop3A_182 : vector<16xf32> to vector<1x16xf32>
        tpu.vector_store %arg6[%parallel_loop3A_183, %parallel_loop3A_184], %parallel_loop3A_187 {strides = array<i32>} : memref<16x1024xf32, #tpu.memory_space<vmem>>, vector<1x16xf32>,
        %parallel_loop3A_188 = arith.index_cast %parallel_loop3A_151 : i32 to index
        %parallel_loop3A_189 = arith.constant 48 : index
        %parallel_loop3A_190 = tpu.vector_load %arg6[%parallel_loop3A_188, %parallel_loop3A_189] {strides = array<i32>} : memref<16x1024xf32, #tpu.memory_space<vmem>>, vector<1x16xf32>,
        %parallel_loop3A_191 = vector.shape_cast %parallel_loop3A_190 : vector<1x16xf32> to vector<16xf32>
        %parallel_loop3A_192 = arith.constant 3.200000e+01 : f32
        %parallel_loop3A_193 = vector.broadcast %parallel_loop3A_192 : f32 to vector<16xf32>
        %parallel_loop3A_194 = arith.mulf %parallel_loop3A_191, %parallel_loop3A_193 : vector<16xf32>
        %parallel_loop3A_195 = arith.index_cast %parallel_loop3A_151 : i32 to index
        %parallel_loop3A_196 = arith.constant 48 : index
        %parallel_loop3A_197 = tpu.vector_load %arg6[%parallel_loop3A_195, %parallel_loop3A_196] {strides = array<i32>} : memref<16x1024xf32, #tpu.memory_space<vmem>>, vector<1x16xf32>,
        %parallel_loop3A_198 = vector.shape_cast %parallel_loop3A_197 : vector<1x16xf32> to vector<16xf32>
        %parallel_loop3A_199 = vector.shape_cast %parallel_loop3A_194 : vector<16xf32> to vector<1x16xf32>
        tpu.vector_store %arg6[%parallel_loop3A_195, %parallel_loop3A_196], %parallel_loop3A_199 {strides = array<i32>} : memref<16x1024xf32, #tpu.memory_space<vmem>>, vector<1x16xf32>,
        %parallel_loop3A_200 = arith.index_cast %parallel_loop3A_151 : i32 to index
        %parallel_loop3A_201 = arith.constant 64 : index
        %parallel_loop3A_202 = tpu.vector_load %arg6[%parallel_loop3A_200, %parallel_loop3A_201] {strides = array<i32>} : memref<16x1024xf32, #tpu.memory_space<vmem>>, vector<1x16xf32>,
        %parallel_loop3A_203 = vector.shape_cast %parallel_loop3A_202 : vector<1x16xf32> to vector<16xf32>
        %parallel_loop3A_204 = arith.constant 3.200000e+01 : f32
        %parallel_loop3A_205 = vector.broadcast %parallel_loop3A_204 : f32 to vector<16xf32>
        %parallel_loop3A_206 = arith.mulf %parallel_loop3A_203, %parallel_loop3A_205 : vector<16xf32>
        %parallel_loop3A_207 = arith.index_cast %parallel_loop3A_151 : i32 to index
        %parallel_loop3A_208 = arith.constant 64 : index
        %parallel_loop3A_209 = tpu.vector_load %arg6[%parallel_loop3A_207, %parallel_loop3A_208] {strides = array<i32>} : memref<16x1024xf32, #tpu.memory_space<vmem>>, vector<1x16xf32>,
        %parallel_loop3A_210 = vector.shape_cast %parallel_loop3A_209 : vector<1x16xf32> to vector<16xf32>
        %parallel_loop3A_211 = vector.shape_cast %parallel_loop3A_206 : vector<16xf32> to vector<1x16xf32>
        tpu.vector_store %arg6[%parallel_loop3A_207, %parallel_loop3A_208], %parallel_loop3A_211 {strides = array<i32>} : memref<16x1024xf32, #tpu.memory_space<vmem>>, vector<1x16xf32>,
        %parallel_loop3A_212 = arith.index_cast %parallel_loop3A_151 : i32 to index
        %parallel_loop3A_213 = arith.constant 80 : index
        %parallel_loop3A_214 = tpu.vector_load %arg6[%parallel_loop3A_212, %parallel_loop3A_213] {strides = array<i32>} : memref<16x1024xf32, #tpu.memory_space<vmem>>, vector<1x16xf32>,
        %parallel_loop3A_215 = vector.shape_cast %parallel_loop3A_214 : vector<1x16xf32> to vector<16xf32>
        %parallel_loop3A_216 = arith.constant 3.200000e+01 : f32
        %parallel_loop3A_217 = vector.broadcast %parallel_loop3A_216 : f32 to vector<16xf32>
        %parallel_loop3A_218 = arith.mulf %parallel_loop3A_215, %parallel_loop3A_217 : vector<16xf32>
        %parallel_loop3A_219 = arith.index_cast %parallel_loop3A_151 : i32 to index
        %parallel_loop3A_220 = arith.constant 80 : index
        %parallel_loop3A_221 = tpu.vector_load %arg6[%parallel_loop3A_219, %parallel_loop3A_220] {strides = array<i32>} : memref<16x1024xf32, #tpu.memory_space<vmem>>, vector<1x16xf32>,
        %parallel_loop3A_222 = vector.shape_cast %parallel_loop3A_221 : vector<1x16xf32> to vector<16xf32>
        %parallel_loop3A_223 = vector.shape_cast %parallel_loop3A_218 : vector<16xf32> to vector<1x16xf32>
        tpu.vector_store %arg6[%parallel_loop3A_219, %parallel_loop3A_220], %parallel_loop3A_223 {strides = array<i32>} : memref<16x1024xf32, #tpu.memory_space<vmem>>, vector<1x16xf32>,
        %parallel_loop3A_224 = arith.index_cast %parallel_loop3A_151 : i32 to index
        %parallel_loop3A_225 = arith.constant 96 : index
        %parallel_loop3A_226 = tpu.vector_load %arg6[%parallel_loop3A_224, %parallel_loop3A_225] {strides = array<i32>} : memref<16x1024xf32, #tpu.memory_space<vmem>>, vector<1x16xf32>,
        %parallel_loop3A_227 = vector.shape_cast %parallel_loop3A_226 : vector<1x16xf32> to vector<16xf32>
        %parallel_loop3A_228 = arith.constant 3.200000e+01 : f32
        %parallel_loop3A_229 = vector.broadcast %parallel_loop3A_228 : f32 to vector<16xf32>
        %parallel_loop3A_230 = arith.mulf %parallel_loop3A_227, %parallel_loop3A_229 : vector<16xf32>
        %parallel_loop3A_231 = arith.index_cast %parallel_loop3A_151 : i32 to index
        %parallel_loop3A_232 = arith.constant 96 : index
        %parallel_loop3A_233 = tpu.vector_load %arg6[%parallel_loop3A_231, %parallel_loop3A_232] {strides = array<i32>} : memref<16x1024xf32, #tpu.memory_space<vmem>>, vector<1x16xf32>,
        %parallel_loop3A_234 = vector.shape_cast %parallel_loop3A_233 : vector<1x16xf32> to vector<16xf32>
        %parallel_loop3A_235 = vector.shape_cast %parallel_loop3A_230 : vector<16xf32> to vector<1x16xf32>
        tpu.vector_store %arg6[%parallel_loop3A_231, %parallel_loop3A_232], %parallel_loop3A_235 {strides = array<i32>} : memref<16x1024xf32, #tpu.memory_space<vmem>>, vector<1x16xf32>,
        %parallel_loop3A_236 = arith.index_cast %parallel_loop3A_151 : i32 to index
        %parallel_loop3A_237 = arith.constant 112 : index
        %parallel_loop3A_238 = tpu.vector_load %arg6[%parallel_loop3A_236, %parallel_loop3A_237] {strides = array<i32>} : memref<16x1024xf32, #tpu.memory_space<vmem>>, vector<1x16xf32>,
        %parallel_loop3A_239 = vector.shape_cast %parallel_loop3A_238 : vector<1x16xf32> to vector<16xf32>
        %parallel_loop3A_240 = arith.constant 3.200000e+01 : f32
        %parallel_loop3A_241 = vector.broadcast %parallel_loop3A_240 : f32 to vector<16xf32>
        %parallel_loop3A_242 = arith.mulf %parallel_loop3A_239, %parallel_loop3A_241 : vector<16xf32>
        %parallel_loop3A_243 = arith.index_cast %parallel_loop3A_151 : i32 to index
        %parallel_loop3A_244 = arith.constant 112 : index
        %parallel_loop3A_245 = tpu.vector_load %arg6[%parallel_loop3A_243, %parallel_loop3A_244] {strides = array<i32>} : memref<16x1024xf32, #tpu.memory_space<vmem>>, vector<1x16xf32>,
        %parallel_loop3A_246 = vector.shape_cast %parallel_loop3A_245 : vector<1x16xf32> to vector<16xf32>
        %parallel_loop3A_247 = vector.shape_cast %parallel_loop3A_242 : vector<16xf32> to vector<1x16xf32>
        tpu.vector_store %arg6[%parallel_loop3A_243, %parallel_loop3A_244], %parallel_loop3A_247 {strides = array<i32>} : memref<16x1024xf32, #tpu.memory_space<vmem>>, vector<1x16xf32>,
        %parallel_loop3A_248 = arith.index_cast %parallel_loop3A_151 : i32 to index
        %parallel_loop3A_249 = arith.constant 128 : index
        %parallel_loop3A_250 = tpu.vector_load %arg6[%parallel_loop3A_248, %parallel_loop3A_249] {strides = array<i32>} : memref<16x1024xf32, #tpu.memory_space<vmem>>, vector<1x16xf32>,
        %parallel_loop3A_251 = vector.shape_cast %parallel_loop3A_250 : vector<1x16xf32> to vector<16xf32>
        %parallel_loop3A_252 = arith.constant 3.200000e+01 : f32
        %parallel_loop3A_253 = vector.broadcast %parallel_loop3A_252 : f32 to vector<16xf32>
        %parallel_loop3A_254 = arith.mulf %parallel_loop3A_251, %parallel_loop3A_253 : vector<16xf32>
        %parallel_loop3A_255 = arith.index_cast %parallel_loop3A_151 : i32 to index
        %parallel_loop3A_256 = arith.constant 128 : index
        %parallel_loop3A_257 = tpu.vector_load %arg6[%parallel_loop3A_255, %parallel_loop3A_256] {strides = array<i32>} : memref<16x1024xf32, #tpu.memory_space<vmem>>, vector<1x16xf32>,
        %parallel_loop3A_258 = vector.shape_cast %parallel_loop3A_257 : vector<1x16xf32> to vector<16xf32>
        %parallel_loop3A_259 = vector.shape_cast %parallel_loop3A_254 : vector<16xf32> to vector<1x16xf32>
        tpu.vector_store %arg6[%parallel_loop3A_255, %parallel_loop3A_256], %parallel_loop3A_259 {strides = array<i32>} : memref<16x1024xf32, #tpu.memory_space<vmem>>, vector<1x16xf32>,
        %parallel_loop3A_260 = arith.index_cast %parallel_loop3A_151 : i32 to index
        %parallel_loop3A_261 = arith.constant 144 : index
        %parallel_loop3A_262 = tpu.vector_load %arg6[%parallel_loop3A_260, %parallel_loop3A_261] {strides = array<i32>} : memref<16x1024xf32, #tpu.memory_space<vmem>>, vector<1x16xf32>,
        %parallel_loop3A_263 = vector.shape_cast %parallel_loop3A_262 : vector<1x16xf32> to vector<16xf32>
        %parallel_loop3A_264 = arith.constant 3.200000e+01 : f32
        %parallel_loop3A_265 = vector.broadcast %parallel_loop3A_264 : f32 to vector<16xf32>
        %parallel_loop3A_266 = arith.mulf %parallel_loop3A_263, %parallel_loop3A_265 : vector<16xf32>
        %parallel_loop3A_267 = arith.index_cast %parallel_loop3A_151 : i32 to index
        %parallel_loop3A_268 = arith.constant 144 : index
        %parallel_loop3A_269 = tpu.vector_load %arg6[%parallel_loop3A_267, %parallel_loop3A_268] {strides = array<i32>} : memref<16x1024xf32, #tpu.memory_space<vmem>>, vector<1x16xf32>,
        %parallel_loop3A_270 = vector.shape_cast %parallel_loop3A_269 : vector<1x16xf32> to vector<16xf32>
        %parallel_loop3A_271 = vector.shape_cast %parallel_loop3A_266 : vector<16xf32> to vector<1x16xf32>
        tpu.vector_store %arg6[%parallel_loop3A_267, %parallel_loop3A_268], %parallel_loop3A_271 {strides = array<i32>} : memref<16x1024xf32, #tpu.memory_space<vmem>>, vector<1x16xf32>,
        %parallel_loop3A_272 = arith.index_cast %parallel_loop3A_151 : i32 to index
        %parallel_loop3A_273 = arith.constant 160 : index
        %parallel_loop3A_274 = tpu.vector_load %arg6[%parallel_loop3A_272, %parallel_loop3A_273] {strides = array<i32>} : memref<16x1024xf32, #tpu.memory_space<vmem>>, vector<1x16xf32>,
        %parallel_loop3A_275 = vector.shape_cast %parallel_loop3A_274 : vector<1x16xf32> to vector<16xf32>
        %parallel_loop3A_276 = arith.constant 3.200000e+01 : f32
        %parallel_loop3A_277 = vector.broadcast %parallel_loop3A_276 : f32 to vector<16xf32>
        %parallel_loop3A_278 = arith.mulf %parallel_loop3A_275, %parallel_loop3A_277 : vector<16xf32>
        %parallel_loop3A_279 = arith.index_cast %parallel_loop3A_151 : i32 to index
        %parallel_loop3A_280 = arith.constant 160 : index
        %parallel_loop3A_281 = tpu.vector_load %arg6[%parallel_loop3A_279, %parallel_loop3A_280] {strides = array<i32>} : memref<16x1024xf32, #tpu.memory_space<vmem>>, vector<1x16xf32>,
        %parallel_loop3A_282 = vector.shape_cast %parallel_loop3A_281 : vector<1x16xf32> to vector<16xf32>
        %parallel_loop3A_283 = vector.shape_cast %parallel_loop3A_278 : vector<16xf32> to vector<1x16xf32>
        tpu.vector_store %arg6[%parallel_loop3A_279, %parallel_loop3A_280], %parallel_loop3A_283 {strides = array<i32>} : memref<16x1024xf32, #tpu.memory_space<vmem>>, vector<1x16xf32>,
        %parallel_loop3A_284 = arith.index_cast %parallel_loop3A_151 : i32 to index
        %parallel_loop3A_285 = arith.constant 176 : index
        %parallel_loop3A_286 = tpu.vector_load %arg6[%parallel_loop3A_284, %parallel_loop3A_285] {strides = array<i32>} : memref<16x1024xf32, #tpu.memory_space<vmem>>, vector<1x16xf32>,
        %parallel_loop3A_287 = vector.shape_cast %parallel_loop3A_286 : vector<1x16xf32> to vector<16xf32>
        %parallel_loop3A_288 = arith.constant 3.200000e+01 : f32
        %parallel_loop3A_289 = vector.broadcast %parallel_loop3A_288 : f32 to vector<16xf32>
        %parallel_loop3A_290 = arith.mulf %parallel_loop3A_287, %parallel_loop3A_289 : vector<16xf32>
        %parallel_loop3A_291 = arith.index_cast %parallel_loop3A_151 : i32 to index
        %parallel_loop3A_292 = arith.constant 176 : index
        %parallel_loop3A_293 = tpu.vector_load %arg6[%parallel_loop3A_291, %parallel_loop3A_292] {strides = array<i32>} : memref<16x1024xf32, #tpu.memory_space<vmem>>, vector<1x16xf32>,
        %parallel_loop3A_294 = vector.shape_cast %parallel_loop3A_293 : vector<1x16xf32> to vector<16xf32>
        %parallel_loop3A_295 = vector.shape_cast %parallel_loop3A_290 : vector<16xf32> to vector<1x16xf32>
        tpu.vector_store %arg6[%parallel_loop3A_291, %parallel_loop3A_292], %parallel_loop3A_295 {strides = array<i32>} : memref<16x1024xf32, #tpu.memory_space<vmem>>, vector<1x16xf32>,
        %parallel_loop3A_296 = arith.index_cast %parallel_loop3A_151 : i32 to index
        %parallel_loop3A_297 = arith.constant 192 : index
        %parallel_loop3A_298 = tpu.vector_load %arg6[%parallel_loop3A_296, %parallel_loop3A_297] {strides = array<i32>} : memref<16x1024xf32, #tpu.memory_space<vmem>>, vector<1x16xf32>,
        %parallel_loop3A_299 = vector.shape_cast %parallel_loop3A_298 : vector<1x16xf32> to vector<16xf32>
        %parallel_loop3A_300 = arith.constant 3.200000e+01 : f32
        %parallel_loop3A_301 = vector.broadcast %parallel_loop3A_300 : f32 to vector<16xf32>
        %parallel_loop3A_302 = arith.mulf %parallel_loop3A_299, %parallel_loop3A_301 : vector<16xf32>
        %parallel_loop3A_303 = arith.index_cast %parallel_loop3A_151 : i32 to index
        %parallel_loop3A_304 = arith.constant 192 : index
        %parallel_loop3A_305 = tpu.vector_load %arg6[%parallel_loop3A_303, %parallel_loop3A_304] {strides = array<i32>} : memref<16x1024xf32, #tpu.memory_space<vmem>>, vector<1x16xf32>,
        %parallel_loop3A_306 = vector.shape_cast %parallel_loop3A_305 : vector<1x16xf32> to vector<16xf32>
        %parallel_loop3A_307 = vector.shape_cast %parallel_loop3A_302 : vector<16xf32> to vector<1x16xf32>
        tpu.vector_store %arg6[%parallel_loop3A_303, %parallel_loop3A_304], %parallel_loop3A_307 {strides = array<i32>} : memref<16x1024xf32, #tpu.memory_space<vmem>>, vector<1x16xf32>,
        %parallel_loop3A_308 = arith.index_cast %parallel_loop3A_151 : i32 to index
        %parallel_loop3A_309 = arith.constant 208 : index
        %parallel_loop3A_310 = tpu.vector_load %arg6[%parallel_loop3A_308, %parallel_loop3A_309] {strides = array<i32>} : memref<16x1024xf32, #tpu.memory_space<vmem>>, vector<1x16xf32>,
        %parallel_loop3A_311 = vector.shape_cast %parallel_loop3A_310 : vector<1x16xf32> to vector<16xf32>
        %parallel_loop3A_312 = arith.constant 3.200000e+01 : f32
        %parallel_loop3A_313 = vector.broadcast %parallel_loop3A_312 : f32 to vector<16xf32>
        %parallel_loop3A_314 = arith.mulf %parallel_loop3A_311, %parallel_loop3A_313 : vector<16xf32>
        %parallel_loop3A_315 = arith.index_cast %parallel_loop3A_151 : i32 to index
        %parallel_loop3A_316 = arith.constant 208 : index
        %parallel_loop3A_317 = tpu.vector_load %arg6[%parallel_loop3A_315, %parallel_loop3A_316] {strides = array<i32>} : memref<16x1024xf32, #tpu.memory_space<vmem>>, vector<1x16xf32>,
        %parallel_loop3A_318 = vector.shape_cast %parallel_loop3A_317 : vector<1x16xf32> to vector<16xf32>
        %parallel_loop3A_319 = vector.shape_cast %parallel_loop3A_314 : vector<16xf32> to vector<1x16xf32>
        tpu.vector_store %arg6[%parallel_loop3A_315, %parallel_loop3A_316], %parallel_loop3A_319 {strides = array<i32>} : memref<16x1024xf32, #tpu.memory_space<vmem>>, vector<1x16xf32>,
        %parallel_loop3A_320 = arith.index_cast %parallel_loop3A_151 : i32 to index
        %parallel_loop3A_321 = arith.constant 224 : index
        %parallel_loop3A_322 = tpu.vector_load %arg6[%parallel_loop3A_320, %parallel_loop3A_321] {strides = array<i32>} : memref<16x1024xf32, #tpu.memory_space<vmem>>, vector<1x16xf32>,
        %parallel_loop3A_323 = vector.shape_cast %parallel_loop3A_322 : vector<1x16xf32> to vector<16xf32>
        %parallel_loop3A_324 = arith.constant 3.200000e+01 : f32
        %parallel_loop3A_325 = vector.broadcast %parallel_loop3A_324 : f32 to vector<16xf32>
        %parallel_loop3A_326 = arith.mulf %parallel_loop3A_323, %parallel_loop3A_325 : vector<16xf32>
        %parallel_loop3A_327 = arith.index_cast %parallel_loop3A_151 : i32 to index
        %parallel_loop3A_328 = arith.constant 224 : index
        %parallel_loop3A_329 = tpu.vector_load %arg6[%parallel_loop3A_327, %parallel_loop3A_328] {strides = array<i32>} : memref<16x1024xf32, #tpu.memory_space<vmem>>, vector<1x16xf32>,
        %parallel_loop3A_330 = vector.shape_cast %parallel_loop3A_329 : vector<1x16xf32> to vector<16xf32>
        %parallel_loop3A_331 = vector.shape_cast %parallel_loop3A_326 : vector<16xf32> to vector<1x16xf32>
        tpu.vector_store %arg6[%parallel_loop3A_327, %parallel_loop3A_328], %parallel_loop3A_331 {strides = array<i32>} : memref<16x1024xf32, #tpu.memory_space<vmem>>, vector<1x16xf32>,
        %parallel_loop3A_332 = arith.index_cast %parallel_loop3A_151 : i32 to index
        %parallel_loop3A_333 = arith.constant 240 : index
        %parallel_loop3A_334 = tpu.vector_load %arg6[%parallel_loop3A_332, %parallel_loop3A_333] {strides = array<i32>} : memref<16x1024xf32, #tpu.memory_space<vmem>>, vector<1x16xf32>,
        %parallel_loop3A_335 = vector.shape_cast %parallel_loop3A_334 : vector<1x16xf32> to vector<16xf32>
        %parallel_loop3A_336 = arith.constant 3.200000e+01 : f32
        %parallel_loop3A_337 = vector.broadcast %parallel_loop3A_336 : f32 to vector<16xf32>
        %parallel_loop3A_338 = arith.mulf %parallel_loop3A_335, %parallel_loop3A_337 : vector<16xf32>
        %parallel_loop3A_339 = arith.index_cast %parallel_loop3A_151 : i32 to index
        %parallel_loop3A_340 = arith.constant 240 : index
        %parallel_loop3A_341 = tpu.vector_load %arg6[%parallel_loop3A_339, %parallel_loop3A_340] {strides = array<i32>} : memref<16x1024xf32, #tpu.memory_space<vmem>>, vector<1x16xf32>,
        %parallel_loop3A_342 = vector.shape_cast %parallel_loop3A_341 : vector<1x16xf32> to vector<16xf32>
        %parallel_loop3A_343 = vector.shape_cast %parallel_loop3A_338 : vector<16xf32> to vector<1x16xf32>
        tpu.vector_store %arg6[%parallel_loop3A_339, %parallel_loop3A_340], %parallel_loop3A_343 {strides = array<i32>} : memref<16x1024xf32, #tpu.memory_space<vmem>>, vector<1x16xf32>,
        %parallel_loop3A_344 = arith.index_cast %parallel_loop3A_151 : i32 to index
        %parallel_loop3A_345 = arith.constant 256 : index
        %parallel_loop3A_346 = tpu.vector_load %arg6[%parallel_loop3A_344, %parallel_loop3A_345] {strides = array<i32>} : memref<16x1024xf32, #tpu.memory_space<vmem>>, vector<1x16xf32>,
        %parallel_loop3A_347 = vector.shape_cast %parallel_loop3A_346 : vector<1x16xf32> to vector<16xf32>
        %parallel_loop3A_348 = arith.constant 3.200000e+01 : f32
        %parallel_loop3A_349 = vector.broadcast %parallel_loop3A_348 : f32 to vector<16xf32>
        %parallel_loop3A_350 = arith.mulf %parallel_loop3A_347, %parallel_loop3A_349 : vector<16xf32>
        %parallel_loop3A_351 = arith.index_cast %parallel_loop3A_151 : i32 to index
        %parallel_loop3A_352 = arith.constant 256 : index
        %parallel_loop3A_353 = tpu.vector_load %arg6[%parallel_loop3A_351, %parallel_loop3A_352] {strides = array<i32>} : memref<16x1024xf32, #tpu.memory_space<vmem>>, vector<1x16xf32>,
        %parallel_loop3A_354 = vector.shape_cast %parallel_loop3A_353 : vector<1x16xf32> to vector<16xf32>
        %parallel_loop3A_355 = vector.shape_cast %parallel_loop3A_350 : vector<16xf32> to vector<1x16xf32>
        tpu.vector_store %arg6[%parallel_loop3A_351, %parallel_loop3A_352], %parallel_loop3A_355 {strides = array<i32>} : memref<16x1024xf32, #tpu.memory_space<vmem>>, vector<1x16xf32>,
        %parallel_loop3A_356 = arith.index_cast %parallel_loop3A_151 : i32 to index
        %parallel_loop3A_357 = arith.constant 272 : index
        %parallel_loop3A_358 = tpu.vector_load %arg6[%parallel_loop3A_356, %parallel_loop3A_357] {strides = array<i32>} : memref<16x1024xf32, #tpu.memory_space<vmem>>, vector<1x16xf32>,
        %parallel_loop3A_359 = vector.shape_cast %parallel_loop3A_358 : vector<1x16xf32> to vector<16xf32>
        %parallel_loop3A_360 = arith.constant 3.200000e+01 : f32
        %parallel_loop3A_361 = vector.broadcast %parallel_loop3A_360 : f32 to vector<16xf32>
        %parallel_loop3A_362 = arith.mulf %parallel_loop3A_359, %parallel_loop3A_361 : vector<16xf32>
        %parallel_loop3A_363 = arith.index_cast %parallel_loop3A_151 : i32 to index
        %parallel_loop3A_364 = arith.constant 272 : index
        %parallel_loop3A_365 = tpu.vector_load %arg6[%parallel_loop3A_363, %parallel_loop3A_364] {strides = array<i32>} : memref<16x1024xf32, #tpu.memory_space<vmem>>, vector<1x16xf32>,
        %parallel_loop3A_366 = vector.shape_cast %parallel_loop3A_365 : vector<1x16xf32> to vector<16xf32>
        %parallel_loop3A_367 = vector.shape_cast %parallel_loop3A_362 : vector<16xf32> to vector<1x16xf32>
        tpu.vector_store %arg6[%parallel_loop3A_363, %parallel_loop3A_364], %parallel_loop3A_367 {strides = array<i32>} : memref<16x1024xf32, #tpu.memory_space<vmem>>, vector<1x16xf32>,
        %parallel_loop3A_368 = arith.index_cast %parallel_loop3A_151 : i32 to index
        %parallel_loop3A_369 = arith.constant 288 : index
        %parallel_loop3A_370 = tpu.vector_load %arg6[%parallel_loop3A_368, %parallel_loop3A_369] {strides = array<i32>} : memref<16x1024xf32, #tpu.memory_space<vmem>>, vector<1x16xf32>,
        %parallel_loop3A_371 = vector.shape_cast %parallel_loop3A_370 : vector<1x16xf32> to vector<16xf32>
        %parallel_loop3A_372 = arith.constant 3.200000e+01 : f32
        %parallel_loop3A_373 = vector.broadcast %parallel_loop3A_372 : f32 to vector<16xf32>
        %parallel_loop3A_374 = arith.mulf %parallel_loop3A_371, %parallel_loop3A_373 : vector<16xf32>
        %parallel_loop3A_375 = arith.index_cast %parallel_loop3A_151 : i32 to index
        %parallel_loop3A_376 = arith.constant 288 : index
        %parallel_loop3A_377 = tpu.vector_load %arg6[%parallel_loop3A_375, %parallel_loop3A_376] {strides = array<i32>} : memref<16x1024xf32, #tpu.memory_space<vmem>>, vector<1x16xf32>,
        %parallel_loop3A_378 = vector.shape_cast %parallel_loop3A_377 : vector<1x16xf32> to vector<16xf32>
        %parallel_loop3A_379 = vector.shape_cast %parallel_loop3A_374 : vector<16xf32> to vector<1x16xf32>
        tpu.vector_store %arg6[%parallel_loop3A_375, %parallel_loop3A_376], %parallel_loop3A_379 {strides = array<i32>} : memref<16x1024xf32, #tpu.memory_space<vmem>>, vector<1x16xf32>,
        %parallel_loop3A_380 = arith.index_cast %parallel_loop3A_151 : i32 to index
        %parallel_loop3A_381 = arith.constant 304 : index
        %parallel_loop3A_382 = tpu.vector_load %arg6[%parallel_loop3A_380, %parallel_loop3A_381] {strides = array<i32>} : memref<16x1024xf32, #tpu.memory_space<vmem>>, vector<1x16xf32>,
        %parallel_loop3A_383 = vector.shape_cast %parallel_loop3A_382 : vector<1x16xf32> to vector<16xf32>
        %parallel_loop3A_384 = arith.constant 3.200000e+01 : f32
        %parallel_loop3A_385 = vector.broadcast %parallel_loop3A_384 : f32 to vector<16xf32>
        %parallel_loop3A_386 = arith.mulf %parallel_loop3A_383, %parallel_loop3A_385 : vector<16xf32>
        %parallel_loop3A_387 = arith.index_cast %parallel_loop3A_151 : i32 to index
        %parallel_loop3A_388 = arith.constant 304 : index
        %parallel_loop3A_389 = tpu.vector_load %arg6[%parallel_loop3A_387, %parallel_loop3A_388] {strides = array<i32>} : memref<16x1024xf32, #tpu.memory_space<vmem>>, vector<1x16xf32>,
        %parallel_loop3A_390 = vector.shape_cast %parallel_loop3A_389 : vector<1x16xf32> to vector<16xf32>
        %parallel_loop3A_391 = vector.shape_cast %parallel_loop3A_386 : vector<16xf32> to vector<1x16xf32>
        tpu.vector_store %arg6[%parallel_loop3A_387, %parallel_loop3A_388], %parallel_loop3A_391 {strides = array<i32>} : memref<16x1024xf32, #tpu.memory_space<vmem>>, vector<1x16xf32>,
        %parallel_loop3A_392 = arith.index_cast %parallel_loop3A_151 : i32 to index
        %parallel_loop3A_393 = arith.constant 320 : index
        %parallel_loop3A_394 = tpu.vector_load %arg6[%parallel_loop3A_392, %parallel_loop3A_393] {strides = array<i32>} : memref<16x1024xf32, #tpu.memory_space<vmem>>, vector<1x16xf32>,
        %parallel_loop3A_395 = vector.shape_cast %parallel_loop3A_394 : vector<1x16xf32> to vector<16xf32>
        %parallel_loop3A_396 = arith.constant 3.200000e+01 : f32
        %parallel_loop3A_397 = vector.broadcast %parallel_loop3A_396 : f32 to vector<16xf32>
        %parallel_loop3A_398 = arith.mulf %parallel_loop3A_395, %parallel_loop3A_397 : vector<16xf32>
        %parallel_loop3A_399 = arith.index_cast %parallel_loop3A_151 : i32 to index
        %parallel_loop3A_400 = arith.constant 320 : index
        %parallel_loop3A_401 = tpu.vector_load %arg6[%parallel_loop3A_399, %parallel_loop3A_400] {strides = array<i32>} : memref<16x1024xf32, #tpu.memory_space<vmem>>, vector<1x16xf32>,
        %parallel_loop3A_402 = vector.shape_cast %parallel_loop3A_401 : vector<1x16xf32> to vector<16xf32>
        %parallel_loop3A_403 = vector.shape_cast %parallel_loop3A_398 : vector<16xf32> to vector<1x16xf32>
        tpu.vector_store %arg6[%parallel_loop3A_399, %parallel_loop3A_400], %parallel_loop3A_403 {strides = array<i32>} : memref<16x1024xf32, #tpu.memory_space<vmem>>, vector<1x16xf32>,
        %parallel_loop3A_404 = arith.index_cast %parallel_loop3A_151 : i32 to index
        %parallel_loop3A_405 = arith.constant 336 : index
        %parallel_loop3A_406 = tpu.vector_load %arg6[%parallel_loop3A_404, %parallel_loop3A_405] {strides = array<i32>} : memref<16x1024xf32, #tpu.memory_space<vmem>>, vector<1x16xf32>,
        %parallel_loop3A_407 = vector.shape_cast %parallel_loop3A_406 : vector<1x16xf32> to vector<16xf32>
        %parallel_loop3A_408 = arith.constant 3.200000e+01 : f32
        %parallel_loop3A_409 = vector.broadcast %parallel_loop3A_408 : f32 to vector<16xf32>
        %parallel_loop3A_410 = arith.mulf %parallel_loop3A_407, %parallel_loop3A_409 : vector<16xf32>
        %parallel_loop3A_411 = arith.index_cast %parallel_loop3A_151 : i32 to index
        %parallel_loop3A_412 = arith.constant 336 : index
        %parallel_loop3A_413 = tpu.vector_load %arg6[%parallel_loop3A_411, %parallel_loop3A_412] {strides = array<i32>} : memref<16x1024xf32, #tpu.memory_space<vmem>>, vector<1x16xf32>,
        %parallel_loop3A_414 = vector.shape_cast %parallel_loop3A_413 : vector<1x16xf32> to vector<16xf32>
        %parallel_loop3A_415 = vector.shape_cast %parallel_loop3A_410 : vector<16xf32> to vector<1x16xf32>
        tpu.vector_store %arg6[%parallel_loop3A_411, %parallel_loop3A_412], %parallel_loop3A_415 {strides = array<i32>} : memref<16x1024xf32, #tpu.memory_space<vmem>>, vector<1x16xf32>,
        %parallel_loop3A_416 = arith.index_cast %parallel_loop3A_151 : i32 to index
        %parallel_loop3A_417 = arith.constant 352 : index
        %parallel_loop3A_418 = tpu.vector_load %arg6[%parallel_loop3A_416, %parallel_loop3A_417] {strides = array<i32>} : memref<16x1024xf32, #tpu.memory_space<vmem>>, vector<1x16xf32>,
        %parallel_loop3A_419 = vector.shape_cast %parallel_loop3A_418 : vector<1x16xf32> to vector<16xf32>
        %parallel_loop3A_420 = arith.constant 3.200000e+01 : f32
        %parallel_loop3A_421 = vector.broadcast %parallel_loop3A_420 : f32 to vector<16xf32>
        %parallel_loop3A_422 = arith.mulf %parallel_loop3A_419, %parallel_loop3A_421 : vector<16xf32>
        %parallel_loop3A_423 = arith.index_cast %parallel_loop3A_151 : i32 to index
        %parallel_loop3A_424 = arith.constant 352 : index
        %parallel_loop3A_425 = tpu.vector_load %arg6[%parallel_loop3A_423, %parallel_loop3A_424] {strides = array<i32>} : memref<16x1024xf32, #tpu.memory_space<vmem>>, vector<1x16xf32>,
        %parallel_loop3A_426 = vector.shape_cast %parallel_loop3A_425 : vector<1x16xf32> to vector<16xf32>
        %parallel_loop3A_427 = vector.shape_cast %parallel_loop3A_422 : vector<16xf32> to vector<1x16xf32>
        tpu.vector_store %arg6[%parallel_loop3A_423, %parallel_loop3A_424], %parallel_loop3A_427 {strides = array<i32>} : memref<16x1024xf32, #tpu.memory_space<vmem>>, vector<1x16xf32>,
        %parallel_loop3A_428 = arith.index_cast %parallel_loop3A_151 : i32 to index
        %parallel_loop3A_429 = arith.constant 368 : index
        %parallel_loop3A_430 = tpu.vector_load %arg6[%parallel_loop3A_428, %parallel_loop3A_429] {strides = array<i32>} : memref<16x1024xf32, #tpu.memory_space<vmem>>, vector<1x16xf32>,
        %parallel_loop3A_431 = vector.shape_cast %parallel_loop3A_430 : vector<1x16xf32> to vector<16xf32>
        %parallel_loop3A_432 = arith.constant 3.200000e+01 : f32
        %parallel_loop3A_433 = vector.broadcast %parallel_loop3A_432 : f32 to vector<16xf32>
        %parallel_loop3A_434 = arith.mulf %parallel_loop3A_431, %parallel_loop3A_433 : vector<16xf32>
        %parallel_loop3A_435 = arith.index_cast %parallel_loop3A_151 : i32 to index
        %parallel_loop3A_436 = arith.constant 368 : index
        %parallel_loop3A_437 = tpu.vector_load %arg6[%parallel_loop3A_435, %parallel_loop3A_436] {strides = array<i32>} : memref<16x1024xf32, #tpu.memory_space<vmem>>, vector<1x16xf32>,
        %parallel_loop3A_438 = vector.shape_cast %parallel_loop3A_437 : vector<1x16xf32> to vector<16xf32>
        %parallel_loop3A_439 = vector.shape_cast %parallel_loop3A_434 : vector<16xf32> to vector<1x16xf32>
        tpu.vector_store %arg6[%parallel_loop3A_435, %parallel_loop3A_436], %parallel_loop3A_439 {strides = array<i32>} : memref<16x1024xf32, #tpu.memory_space<vmem>>, vector<1x16xf32>,
        %parallel_loop3A_440 = arith.index_cast %parallel_loop3A_151 : i32 to index
        %parallel_loop3A_441 = arith.constant 384 : index
        %parallel_loop3A_442 = tpu.vector_load %arg6[%parallel_loop3A_440, %parallel_loop3A_441] {strides = array<i32>} : memref<16x1024xf32, #tpu.memory_space<vmem>>, vector<1x16xf32>,
        %parallel_loop3A_443 = vector.shape_cast %parallel_loop3A_442 : vector<1x16xf32> to vector<16xf32>
        %parallel_loop3A_444 = arith.constant 3.200000e+01 : f32
        %parallel_loop3A_445 = vector.broadcast %parallel_loop3A_444 : f32 to vector<16xf32>
        %parallel_loop3A_446 = arith.mulf %parallel_loop3A_443, %parallel_loop3A_445 : vector<16xf32>
        %parallel_loop3A_447 = arith.index_cast %parallel_loop3A_151 : i32 to index
        %parallel_loop3A_448 = arith.constant 384 : index
        %parallel_loop3A_449 = tpu.vector_load %arg6[%parallel_loop3A_447, %parallel_loop3A_448] {strides = array<i32>} : memref<16x1024xf32, #tpu.memory_space<vmem>>, vector<1x16xf32>,
        %parallel_loop3A_450 = vector.shape_cast %parallel_loop3A_449 : vector<1x16xf32> to vector<16xf32>
        %parallel_loop3A_451 = vector.shape_cast %parallel_loop3A_446 : vector<16xf32> to vector<1x16xf32>
        tpu.vector_store %arg6[%parallel_loop3A_447, %parallel_loop3A_448], %parallel_loop3A_451 {strides = array<i32>} : memref<16x1024xf32, #tpu.memory_space<vmem>>, vector<1x16xf32>,
        %parallel_loop3A_452 = arith.index_cast %parallel_loop3A_151 : i32 to index
        %parallel_loop3A_453 = arith.constant 400 : index
        %parallel_loop3A_454 = tpu.vector_load %arg6[%parallel_loop3A_452, %parallel_loop3A_453] {strides = array<i32>} : memref<16x1024xf32, #tpu.memory_space<vmem>>, vector<1x16xf32>,
        %parallel_loop3A_455 = vector.shape_cast %parallel_loop3A_454 : vector<1x16xf32> to vector<16xf32>
        %parallel_loop3A_456 = arith.constant 3.200000e+01 : f32
        %parallel_loop3A_457 = vector.broadcast %parallel_loop3A_456 : f32 to vector<16xf32>
        %parallel_loop3A_458 = arith.mulf %parallel_loop3A_455, %parallel_loop3A_457 : vector<16xf32>
        %parallel_loop3A_459 = arith.index_cast %parallel_loop3A_151 : i32 to index
        %parallel_loop3A_460 = arith.constant 400 : index
        %parallel_loop3A_461 = tpu.vector_load %arg6[%parallel_loop3A_459, %parallel_loop3A_460] {strides = array<i32>} : memref<16x1024xf32, #tpu.memory_space<vmem>>, vector<1x16xf32>,
        %parallel_loop3A_462 = vector.shape_cast %parallel_loop3A_461 : vector<1x16xf32> to vector<16xf32>
        %parallel_loop3A_463 = vector.shape_cast %parallel_loop3A_458 : vector<16xf32> to vector<1x16xf32>
        tpu.vector_store %arg6[%parallel_loop3A_459, %parallel_loop3A_460], %parallel_loop3A_463 {strides = array<i32>} : memref<16x1024xf32, #tpu.memory_space<vmem>>, vector<1x16xf32>,
        %parallel_loop3A_464 = arith.index_cast %parallel_loop3A_151 : i32 to index
        %parallel_loop3A_465 = arith.constant 416 : index
        %parallel_loop3A_466 = tpu.vector_load %arg6[%parallel_loop3A_464, %parallel_loop3A_465] {strides = array<i32>} : memref<16x1024xf32, #tpu.memory_space<vmem>>, vector<1x16xf32>,
        %parallel_loop3A_467 = vector.shape_cast %parallel_loop3A_466 : vector<1x16xf32> to vector<16xf32>
        %parallel_loop3A_468 = arith.constant 3.200000e+01 : f32
        %parallel_loop3A_469 = vector.broadcast %parallel_loop3A_468 : f32 to vector<16xf32>
        %parallel_loop3A_470 = arith.mulf %parallel_loop3A_467, %parallel_loop3A_469 : vector<16xf32>
        %parallel_loop3A_471 = arith.index_cast %parallel_loop3A_151 : i32 to index
        %parallel_loop3A_472 = arith.constant 416 : index
        %parallel_loop3A_473 = tpu.vector_load %arg6[%parallel_loop3A_471, %parallel_loop3A_472] {strides = array<i32>} : memref<16x1024xf32, #tpu.memory_space<vmem>>, vector<1x16xf32>,
        %parallel_loop3A_474 = vector.shape_cast %parallel_loop3A_473 : vector<1x16xf32> to vector<16xf32>
        %parallel_loop3A_475 = vector.shape_cast %parallel_loop3A_470 : vector<16xf32> to vector<1x16xf32>
        tpu.vector_store %arg6[%parallel_loop3A_471, %parallel_loop3A_472], %parallel_loop3A_475 {strides = array<i32>} : memref<16x1024xf32, #tpu.memory_space<vmem>>, vector<1x16xf32>,
        %parallel_loop3A_476 = arith.index_cast %parallel_loop3A_151 : i32 to index
        %parallel_loop3A_477 = arith.constant 432 : index
        %parallel_loop3A_478 = tpu.vector_load %arg6[%parallel_loop3A_476, %parallel_loop3A_477] {strides = array<i32>} : memref<16x1024xf32, #tpu.memory_space<vmem>>, vector<1x16xf32>,
        %parallel_loop3A_479 = vector.shape_cast %parallel_loop3A_478 : vector<1x16xf32> to vector<16xf32>
        %parallel_loop3A_480 = arith.constant 3.200000e+01 : f32
        %parallel_loop3A_481 = vector.broadcast %parallel_loop3A_480 : f32 to vector<16xf32>
        %parallel_loop3A_482 = arith.mulf %parallel_loop3A_479, %parallel_loop3A_481 : vector<16xf32>
        %parallel_loop3A_483 = arith.index_cast %parallel_loop3A_151 : i32 to index
        %parallel_loop3A_484 = arith.constant 432 : index
        %parallel_loop3A_485 = tpu.vector_load %arg6[%parallel_loop3A_483, %parallel_loop3A_484] {strides = array<i32>} : memref<16x1024xf32, #tpu.memory_space<vmem>>, vector<1x16xf32>,
        %parallel_loop3A_486 = vector.shape_cast %parallel_loop3A_485 : vector<1x16xf32> to vector<16xf32>
        %parallel_loop3A_487 = vector.shape_cast %parallel_loop3A_482 : vector<16xf32> to vector<1x16xf32>
        tpu.vector_store %arg6[%parallel_loop3A_483, %parallel_loop3A_484], %parallel_loop3A_487 {strides = array<i32>} : memref<16x1024xf32, #tpu.memory_space<vmem>>, vector<1x16xf32>,
        %parallel_loop3A_488 = arith.index_cast %parallel_loop3A_151 : i32 to index
        %parallel_loop3A_489 = arith.constant 448 : index
        %parallel_loop3A_490 = tpu.vector_load %arg6[%parallel_loop3A_488, %parallel_loop3A_489] {strides = array<i32>} : memref<16x1024xf32, #tpu.memory_space<vmem>>, vector<1x16xf32>,
        %parallel_loop3A_491 = vector.shape_cast %parallel_loop3A_490 : vector<1x16xf32> to vector<16xf32>
        %parallel_loop3A_492 = arith.constant 3.200000e+01 : f32
        %parallel_loop3A_493 = vector.broadcast %parallel_loop3A_492 : f32 to vector<16xf32>
        %parallel_loop3A_494 = arith.mulf %parallel_loop3A_491, %parallel_loop3A_493 : vector<16xf32>
        %parallel_loop3A_495 = arith.index_cast %parallel_loop3A_151 : i32 to index
        %parallel_loop3A_496 = arith.constant 448 : index
        %parallel_loop3A_497 = tpu.vector_load %arg6[%parallel_loop3A_495, %parallel_loop3A_496] {strides = array<i32>} : memref<16x1024xf32, #tpu.memory_space<vmem>>, vector<1x16xf32>,
        %parallel_loop3A_498 = vector.shape_cast %parallel_loop3A_497 : vector<1x16xf32> to vector<16xf32>
        %parallel_loop3A_499 = vector.shape_cast %parallel_loop3A_494 : vector<16xf32> to vector<1x16xf32>
        tpu.vector_store %arg6[%parallel_loop3A_495, %parallel_loop3A_496], %parallel_loop3A_499 {strides = array<i32>} : memref<16x1024xf32, #tpu.memory_space<vmem>>, vector<1x16xf32>,
        %parallel_loop3A_500 = arith.index_cast %parallel_loop3A_151 : i32 to index
        %parallel_loop3A_501 = arith.constant 464 : index
        %parallel_loop3A_502 = tpu.vector_load %arg6[%parallel_loop3A_500, %parallel_loop3A_501] {strides = array<i32>} : memref<16x1024xf32, #tpu.memory_space<vmem>>, vector<1x16xf32>,
        %parallel_loop3A_503 = vector.shape_cast %parallel_loop3A_502 : vector<1x16xf32> to vector<16xf32>
        %parallel_loop3A_504 = arith.constant 3.200000e+01 : f32
        %parallel_loop3A_505 = vector.broadcast %parallel_loop3A_504 : f32 to vector<16xf32>
        %parallel_loop3A_506 = arith.mulf %parallel_loop3A_503, %parallel_loop3A_505 : vector<16xf32>
        %parallel_loop3A_507 = arith.index_cast %parallel_loop3A_151 : i32 to index
        %parallel_loop3A_508 = arith.constant 464 : index
        %parallel_loop3A_509 = tpu.vector_load %arg6[%parallel_loop3A_507, %parallel_loop3A_508] {strides = array<i32>} : memref<16x1024xf32, #tpu.memory_space<vmem>>, vector<1x16xf32>,
        %parallel_loop3A_510 = vector.shape_cast %parallel_loop3A_509 : vector<1x16xf32> to vector<16xf32>
        %parallel_loop3A_511 = vector.shape_cast %parallel_loop3A_506 : vector<16xf32> to vector<1x16xf32>
        tpu.vector_store %arg6[%parallel_loop3A_507, %parallel_loop3A_508], %parallel_loop3A_511 {strides = array<i32>} : memref<16x1024xf32, #tpu.memory_space<vmem>>, vector<1x16xf32>,
        %parallel_loop3A_512 = arith.index_cast %parallel_loop3A_151 : i32 to index
        %parallel_loop3A_513 = arith.constant 480 : index
        %parallel_loop3A_514 = tpu.vector_load %arg6[%parallel_loop3A_512, %parallel_loop3A_513] {strides = array<i32>} : memref<16x1024xf32, #tpu.memory_space<vmem>>, vector<1x16xf32>,
        %parallel_loop3A_515 = vector.shape_cast %parallel_loop3A_514 : vector<1x16xf32> to vector<16xf32>
        %parallel_loop3A_516 = arith.constant 3.200000e+01 : f32
        %parallel_loop3A_517 = vector.broadcast %parallel_loop3A_516 : f32 to vector<16xf32>
        %parallel_loop3A_518 = arith.mulf %parallel_loop3A_515, %parallel_loop3A_517 : vector<16xf32>
        %parallel_loop3A_519 = arith.index_cast %parallel_loop3A_151 : i32 to index
        %parallel_loop3A_520 = arith.constant 480 : index
        %parallel_loop3A_521 = tpu.vector_load %arg6[%parallel_loop3A_519, %parallel_loop3A_520] {strides = array<i32>} : memref<16x1024xf32, #tpu.memory_space<vmem>>, vector<1x16xf32>,
        %parallel_loop3A_522 = vector.shape_cast %parallel_loop3A_521 : vector<1x16xf32> to vector<16xf32>
        %parallel_loop3A_523 = vector.shape_cast %parallel_loop3A_518 : vector<16xf32> to vector<1x16xf32>
        tpu.vector_store %arg6[%parallel_loop3A_519, %parallel_loop3A_520], %parallel_loop3A_523 {strides = array<i32>} : memref<16x1024xf32, #tpu.memory_space<vmem>>, vector<1x16xf32>,
        %parallel_loop3A_524 = arith.index_cast %parallel_loop3A_151 : i32 to index
        %parallel_loop3A_525 = arith.constant 496 : index
        %parallel_loop3A_526 = tpu.vector_load %arg6[%parallel_loop3A_524, %parallel_loop3A_525] {strides = array<i32>} : memref<16x1024xf32, #tpu.memory_space<vmem>>, vector<1x16xf32>,
        %parallel_loop3A_527 = vector.shape_cast %parallel_loop3A_526 : vector<1x16xf32> to vector<16xf32>
        %parallel_loop3A_528 = arith.constant 3.200000e+01 : f32
        %parallel_loop3A_529 = vector.broadcast %parallel_loop3A_528 : f32 to vector<16xf32>
        %parallel_loop3A_530 = arith.mulf %parallel_loop3A_527, %parallel_loop3A_529 : vector<16xf32>
        %parallel_loop3A_531 = arith.index_cast %parallel_loop3A_151 : i32 to index
        %parallel_loop3A_532 = arith.constant 496 : index
        %parallel_loop3A_533 = tpu.vector_load %arg6[%parallel_loop3A_531, %parallel_loop3A_532] {strides = array<i32>} : memref<16x1024xf32, #tpu.memory_space<vmem>>, vector<1x16xf32>,
        %parallel_loop3A_534 = vector.shape_cast %parallel_loop3A_533 : vector<1x16xf32> to vector<16xf32>
        %parallel_loop3A_535 = vector.shape_cast %parallel_loop3A_530 : vector<16xf32> to vector<1x16xf32>
        tpu.vector_store %arg6[%parallel_loop3A_531, %parallel_loop3A_532], %parallel_loop3A_535 {strides = array<i32>} : memref<16x1024xf32, #tpu.memory_space<vmem>>, vector<1x16xf32>,
        %parallel_loop3A_536 = arith.index_cast %parallel_loop3A_151 : i32 to index
        %parallel_loop3A_537 = arith.constant 512 : index
        %parallel_loop3A_538 = tpu.vector_load %arg6[%parallel_loop3A_536, %parallel_loop3A_537] {strides = array<i32>} : memref<16x1024xf32, #tpu.memory_space<vmem>>, vector<1x16xf32>,
        %parallel_loop3A_539 = vector.shape_cast %parallel_loop3A_538 : vector<1x16xf32> to vector<16xf32>
        %parallel_loop3A_540 = arith.constant 3.200000e+01 : f32
        %parallel_loop3A_541 = vector.broadcast %parallel_loop3A_540 : f32 to vector<16xf32>
        %parallel_loop3A_542 = arith.mulf %parallel_loop3A_539, %parallel_loop3A_541 : vector<16xf32>
        %parallel_loop3A_543 = arith.index_cast %parallel_loop3A_151 : i32 to index
        %parallel_loop3A_544 = arith.constant 512 : index
        %parallel_loop3A_545 = tpu.vector_load %arg6[%parallel_loop3A_543, %parallel_loop3A_544] {strides = array<i32>} : memref<16x1024xf32, #tpu.memory_space<vmem>>, vector<1x16xf32>,
        %parallel_loop3A_546 = vector.shape_cast %parallel_loop3A_545 : vector<1x16xf32> to vector<16xf32>
        %parallel_loop3A_547 = vector.shape_cast %parallel_loop3A_542 : vector<16xf32> to vector<1x16xf32>
        tpu.vector_store %arg6[%parallel_loop3A_543, %parallel_loop3A_544], %parallel_loop3A_547 {strides = array<i32>} : memref<16x1024xf32, #tpu.memory_space<vmem>>, vector<1x16xf32>,
        %parallel_loop3A_548 = arith.index_cast %parallel_loop3A_151 : i32 to index
        %parallel_loop3A_549 = arith.constant 528 : index
        %parallel_loop3A_550 = tpu.vector_load %arg6[%parallel_loop3A_548, %parallel_loop3A_549] {strides = array<i32>} : memref<16x1024xf32, #tpu.memory_space<vmem>>, vector<1x16xf32>,
        %parallel_loop3A_551 = vector.shape_cast %parallel_loop3A_550 : vector<1x16xf32> to vector<16xf32>
        %parallel_loop3A_552 = arith.constant 3.200000e+01 : f32
        %parallel_loop3A_553 = vector.broadcast %parallel_loop3A_552 : f32 to vector<16xf32>
        %parallel_loop3A_554 = arith.mulf %parallel_loop3A_551, %parallel_loop3A_553 : vector<16xf32>
        %parallel_loop3A_555 = arith.index_cast %parallel_loop3A_151 : i32 to index
        %parallel_loop3A_556 = arith.constant 528 : index
        %parallel_loop3A_557 = tpu.vector_load %arg6[%parallel_loop3A_555, %parallel_loop3A_556] {strides = array<i32>} : memref<16x1024xf32, #tpu.memory_space<vmem>>, vector<1x16xf32>,
        %parallel_loop3A_558 = vector.shape_cast %parallel_loop3A_557 : vector<1x16xf32> to vector<16xf32>
        %parallel_loop3A_559 = vector.shape_cast %parallel_loop3A_554 : vector<16xf32> to vector<1x16xf32>
        tpu.vector_store %arg6[%parallel_loop3A_555, %parallel_loop3A_556], %parallel_loop3A_559 {strides = array<i32>} : memref<16x1024xf32, #tpu.memory_space<vmem>>, vector<1x16xf32>,
        %parallel_loop3A_560 = arith.index_cast %parallel_loop3A_151 : i32 to index
        %parallel_loop3A_561 = arith.constant 544 : index
        %parallel_loop3A_562 = tpu.vector_load %arg6[%parallel_loop3A_560, %parallel_loop3A_561] {strides = array<i32>} : memref<16x1024xf32, #tpu.memory_space<vmem>>, vector<1x16xf32>,
        %parallel_loop3A_563 = vector.shape_cast %parallel_loop3A_562 : vector<1x16xf32> to vector<16xf32>
        %parallel_loop3A_564 = arith.constant 3.200000e+01 : f32
        %parallel_loop3A_565 = vector.broadcast %parallel_loop3A_564 : f32 to vector<16xf32>
        %parallel_loop3A_566 = arith.mulf %parallel_loop3A_563, %parallel_loop3A_565 : vector<16xf32>
        %parallel_loop3A_567 = arith.index_cast %parallel_loop3A_151 : i32 to index
        %parallel_loop3A_568 = arith.constant 544 : index
        %parallel_loop3A_569 = tpu.vector_load %arg6[%parallel_loop3A_567, %parallel_loop3A_568] {strides = array<i32>} : memref<16x1024xf32, #tpu.memory_space<vmem>>, vector<1x16xf32>,
        %parallel_loop3A_570 = vector.shape_cast %parallel_loop3A_569 : vector<1x16xf32> to vector<16xf32>
        %parallel_loop3A_571 = vector.shape_cast %parallel_loop3A_566 : vector<16xf32> to vector<1x16xf32>
        tpu.vector_store %arg6[%parallel_loop3A_567, %parallel_loop3A_568], %parallel_loop3A_571 {strides = array<i32>} : memref<16x1024xf32, #tpu.memory_space<vmem>>, vector<1x16xf32>,
        %parallel_loop3A_572 = arith.index_cast %parallel_loop3A_151 : i32 to index
        %parallel_loop3A_573 = arith.constant 560 : index
        %parallel_loop3A_574 = tpu.vector_load %arg6[%parallel_loop3A_572, %parallel_loop3A_573] {strides = array<i32>} : memref<16x1024xf32, #tpu.memory_space<vmem>>, vector<1x16xf32>,
        %parallel_loop3A_575 = vector.shape_cast %parallel_loop3A_574 : vector<1x16xf32> to vector<16xf32>
        %parallel_loop3A_576 = arith.constant 3.200000e+01 : f32
        %parallel_loop3A_577 = vector.broadcast %parallel_loop3A_576 : f32 to vector<16xf32>
        %parallel_loop3A_578 = arith.mulf %parallel_loop3A_575, %parallel_loop3A_577 : vector<16xf32>
        %parallel_loop3A_579 = arith.index_cast %parallel_loop3A_151 : i32 to index
        %parallel_loop3A_580 = arith.constant 560 : index
        %parallel_loop3A_581 = tpu.vector_load %arg6[%parallel_loop3A_579, %parallel_loop3A_580] {strides = array<i32>} : memref<16x1024xf32, #tpu.memory_space<vmem>>, vector<1x16xf32>,
        %parallel_loop3A_582 = vector.shape_cast %parallel_loop3A_581 : vector<1x16xf32> to vector<16xf32>
        %parallel_loop3A_583 = vector.shape_cast %parallel_loop3A_578 : vector<16xf32> to vector<1x16xf32>
        tpu.vector_store %arg6[%parallel_loop3A_579, %parallel_loop3A_580], %parallel_loop3A_583 {strides = array<i32>} : memref<16x1024xf32, #tpu.memory_space<vmem>>, vector<1x16xf32>,
        %parallel_loop3A_584 = arith.index_cast %parallel_loop3A_151 : i32 to index
        %parallel_loop3A_585 = arith.constant 576 : index
        %parallel_loop3A_586 = tpu.vector_load %arg6[%parallel_loop3A_584, %parallel_loop3A_585] {strides = array<i32>} : memref<16x1024xf32, #tpu.memory_space<vmem>>, vector<1x16xf32>,
        %parallel_loop3A_587 = vector.shape_cast %parallel_loop3A_586 : vector<1x16xf32> to vector<16xf32>
        %parallel_loop3A_588 = arith.constant 3.200000e+01 : f32
        %parallel_loop3A_589 = vector.broadcast %parallel_loop3A_588 : f32 to vector<16xf32>
        %parallel_loop3A_590 = arith.mulf %parallel_loop3A_587, %parallel_loop3A_589 : vector<16xf32>
        %parallel_loop3A_591 = arith.index_cast %parallel_loop3A_151 : i32 to index
        %parallel_loop3A_592 = arith.constant 576 : index
        %parallel_loop3A_593 = tpu.vector_load %arg6[%parallel_loop3A_591, %parallel_loop3A_592] {strides = array<i32>} : memref<16x1024xf32, #tpu.memory_space<vmem>>, vector<1x16xf32>,
        %parallel_loop3A_594 = vector.shape_cast %parallel_loop3A_593 : vector<1x16xf32> to vector<16xf32>
        %parallel_loop3A_595 = vector.shape_cast %parallel_loop3A_590 : vector<16xf32> to vector<1x16xf32>
        tpu.vector_store %arg6[%parallel_loop3A_591, %parallel_loop3A_592], %parallel_loop3A_595 {strides = array<i32>} : memref<16x1024xf32, #tpu.memory_space<vmem>>, vector<1x16xf32>,
        %parallel_loop3A_596 = arith.index_cast %parallel_loop3A_151 : i32 to index
        %parallel_loop3A_597 = arith.constant 592 : index
        %parallel_loop3A_598 = tpu.vector_load %arg6[%parallel_loop3A_596, %parallel_loop3A_597] {strides = array<i32>} : memref<16x1024xf32, #tpu.memory_space<vmem>>, vector<1x16xf32>,
        %parallel_loop3A_599 = vector.shape_cast %parallel_loop3A_598 : vector<1x16xf32> to vector<16xf32>
        %parallel_loop3A_600 = arith.constant 3.200000e+01 : f32
        %parallel_loop3A_601 = vector.broadcast %parallel_loop3A_600 : f32 to vector<16xf32>
        %parallel_loop3A_602 = arith.mulf %parallel_loop3A_599, %parallel_loop3A_601 : vector<16xf32>
        %parallel_loop3A_603 = arith.index_cast %parallel_loop3A_151 : i32 to index
        %parallel_loop3A_604 = arith.constant 592 : index
        %parallel_loop3A_605 = tpu.vector_load %arg6[%parallel_loop3A_603, %parallel_loop3A_604] {strides = array<i32>} : memref<16x1024xf32, #tpu.memory_space<vmem>>, vector<1x16xf32>,
        %parallel_loop3A_606 = vector.shape_cast %parallel_loop3A_605 : vector<1x16xf32> to vector<16xf32>
        %parallel_loop3A_607 = vector.shape_cast %parallel_loop3A_602 : vector<16xf32> to vector<1x16xf32>
        tpu.vector_store %arg6[%parallel_loop3A_603, %parallel_loop3A_604], %parallel_loop3A_607 {strides = array<i32>} : memref<16x1024xf32, #tpu.memory_space<vmem>>, vector<1x16xf32>,
        %parallel_loop3A_608 = arith.index_cast %parallel_loop3A_151 : i32 to index
        %parallel_loop3A_609 = arith.constant 608 : index
        %parallel_loop3A_610 = tpu.vector_load %arg6[%parallel_loop3A_608, %parallel_loop3A_609] {strides = array<i32>} : memref<16x1024xf32, #tpu.memory_space<vmem>>, vector<1x16xf32>,
        %parallel_loop3A_611 = vector.shape_cast %parallel_loop3A_610 : vector<1x16xf32> to vector<16xf32>
        %parallel_loop3A_612 = arith.constant 3.200000e+01 : f32
        %parallel_loop3A_613 = vector.broadcast %parallel_loop3A_612 : f32 to vector<16xf32>
        %parallel_loop3A_614 = arith.mulf %parallel_loop3A_611, %parallel_loop3A_613 : vector<16xf32>
        %parallel_loop3A_615 = arith.index_cast %parallel_loop3A_151 : i32 to index
        %parallel_loop3A_616 = arith.constant 608 : index
        %parallel_loop3A_617 = tpu.vector_load %arg6[%parallel_loop3A_615, %parallel_loop3A_616] {strides = array<i32>} : memref<16x1024xf32, #tpu.memory_space<vmem>>, vector<1x16xf32>,
        %parallel_loop3A_618 = vector.shape_cast %parallel_loop3A_617 : vector<1x16xf32> to vector<16xf32>
        %parallel_loop3A_619 = vector.shape_cast %parallel_loop3A_614 : vector<16xf32> to vector<1x16xf32>
        tpu.vector_store %arg6[%parallel_loop3A_615, %parallel_loop3A_616], %parallel_loop3A_619 {strides = array<i32>} : memref<16x1024xf32, #tpu.memory_space<vmem>>, vector<1x16xf32>,
        %parallel_loop3A_620 = arith.index_cast %parallel_loop3A_151 : i32 to index
        %parallel_loop3A_621 = arith.constant 624 : index
        %parallel_loop3A_622 = tpu.vector_load %arg6[%parallel_loop3A_620, %parallel_loop3A_621] {strides = array<i32>} : memref<16x1024xf32, #tpu.memory_space<vmem>>, vector<1x16xf32>,
        %parallel_loop3A_623 = vector.shape_cast %parallel_loop3A_622 : vector<1x16xf32> to vector<16xf32>
        %parallel_loop3A_624 = arith.constant 3.200000e+01 : f32
        %parallel_loop3A_625 = vector.broadcast %parallel_loop3A_624 : f32 to vector<16xf32>
        %parallel_loop3A_626 = arith.mulf %parallel_loop3A_623, %parallel_loop3A_625 : vector<16xf32>
        %parallel_loop3A_627 = arith.index_cast %parallel_loop3A_151 : i32 to index
        %parallel_loop3A_628 = arith.constant 624 : index
        %parallel_loop3A_629 = tpu.vector_load %arg6[%parallel_loop3A_627, %parallel_loop3A_628] {strides = array<i32>} : memref<16x1024xf32, #tpu.memory_space<vmem>>, vector<1x16xf32>,
        %parallel_loop3A_630 = vector.shape_cast %parallel_loop3A_629 : vector<1x16xf32> to vector<16xf32>
        %parallel_loop3A_631 = vector.shape_cast %parallel_loop3A_626 : vector<16xf32> to vector<1x16xf32>
        tpu.vector_store %arg6[%parallel_loop3A_627, %parallel_loop3A_628], %parallel_loop3A_631 {strides = array<i32>} : memref<16x1024xf32, #tpu.memory_space<vmem>>, vector<1x16xf32>,
        %parallel_loop3A_632 = arith.index_cast %parallel_loop3A_151 : i32 to index
        %parallel_loop3A_633 = arith.constant 640 : index
        %parallel_loop3A_634 = tpu.vector_load %arg6[%parallel_loop3A_632, %parallel_loop3A_633] {strides = array<i32>} : memref<16x1024xf32, #tpu.memory_space<vmem>>, vector<1x16xf32>,
        %parallel_loop3A_635 = vector.shape_cast %parallel_loop3A_634 : vector<1x16xf32> to vector<16xf32>
        %parallel_loop3A_636 = arith.constant 3.200000e+01 : f32
        %parallel_loop3A_637 = vector.broadcast %parallel_loop3A_636 : f32 to vector<16xf32>
        %parallel_loop3A_638 = arith.mulf %parallel_loop3A_635, %parallel_loop3A_637 : vector<16xf32>
        %parallel_loop3A_639 = arith.index_cast %parallel_loop3A_151 : i32 to index
        %parallel_loop3A_640 = arith.constant 640 : index
        %parallel_loop3A_641 = tpu.vector_load %arg6[%parallel_loop3A_639, %parallel_loop3A_640] {strides = array<i32>} : memref<16x1024xf32, #tpu.memory_space<vmem>>, vector<1x16xf32>,
        %parallel_loop3A_642 = vector.shape_cast %parallel_loop3A_641 : vector<1x16xf32> to vector<16xf32>
        %parallel_loop3A_643 = vector.shape_cast %parallel_loop3A_638 : vector<16xf32> to vector<1x16xf32>
        tpu.vector_store %arg6[%parallel_loop3A_639, %parallel_loop3A_640], %parallel_loop3A_643 {strides = array<i32>} : memref<16x1024xf32, #tpu.memory_space<vmem>>, vector<1x16xf32>,
        %parallel_loop3A_644 = arith.index_cast %parallel_loop3A_151 : i32 to index
        %parallel_loop3A_645 = arith.constant 656 : index
        %parallel_loop3A_646 = tpu.vector_load %arg6[%parallel_loop3A_644, %parallel_loop3A_645] {strides = array<i32>} : memref<16x1024xf32, #tpu.memory_space<vmem>>, vector<1x16xf32>,
        %parallel_loop3A_647 = vector.shape_cast %parallel_loop3A_646 : vector<1x16xf32> to vector<16xf32>
        %parallel_loop3A_648 = arith.constant 3.200000e+01 : f32
        %parallel_loop3A_649 = vector.broadcast %parallel_loop3A_648 : f32 to vector<16xf32>
        %parallel_loop3A_650 = arith.mulf %parallel_loop3A_647, %parallel_loop3A_649 : vector<16xf32>
        %parallel_loop3A_651 = arith.index_cast %parallel_loop3A_151 : i32 to index
        %parallel_loop3A_652 = arith.constant 656 : index
        %parallel_loop3A_653 = tpu.vector_load %arg6[%parallel_loop3A_651, %parallel_loop3A_652] {strides = array<i32>} : memref<16x1024xf32, #tpu.memory_space<vmem>>, vector<1x16xf32>,
        %parallel_loop3A_654 = vector.shape_cast %parallel_loop3A_653 : vector<1x16xf32> to vector<16xf32>
        %parallel_loop3A_655 = vector.shape_cast %parallel_loop3A_650 : vector<16xf32> to vector<1x16xf32>
        tpu.vector_store %arg6[%parallel_loop3A_651, %parallel_loop3A_652], %parallel_loop3A_655 {strides = array<i32>} : memref<16x1024xf32, #tpu.memory_space<vmem>>, vector<1x16xf32>,
        %parallel_loop3A_656 = arith.index_cast %parallel_loop3A_151 : i32 to index
        %parallel_loop3A_657 = arith.constant 672 : index
        %parallel_loop3A_658 = tpu.vector_load %arg6[%parallel_loop3A_656, %parallel_loop3A_657] {strides = array<i32>} : memref<16x1024xf32, #tpu.memory_space<vmem>>, vector<1x16xf32>,
        %parallel_loop3A_659 = vector.shape_cast %parallel_loop3A_658 : vector<1x16xf32> to vector<16xf32>
        %parallel_loop3A_660 = arith.constant 3.200000e+01 : f32
        %parallel_loop3A_661 = vector.broadcast %parallel_loop3A_660 : f32 to vector<16xf32>
        %parallel_loop3A_662 = arith.mulf %parallel_loop3A_659, %parallel_loop3A_661 : vector<16xf32>
        %parallel_loop3A_663 = arith.index_cast %parallel_loop3A_151 : i32 to index
        %parallel_loop3A_664 = arith.constant 672 : index
        %parallel_loop3A_665 = tpu.vector_load %arg6[%parallel_loop3A_663, %parallel_loop3A_664] {strides = array<i32>} : memref<16x1024xf32, #tpu.memory_space<vmem>>, vector<1x16xf32>,
        %parallel_loop3A_666 = vector.shape_cast %parallel_loop3A_665 : vector<1x16xf32> to vector<16xf32>
        %parallel_loop3A_667 = vector.shape_cast %parallel_loop3A_662 : vector<16xf32> to vector<1x16xf32>
        tpu.vector_store %arg6[%parallel_loop3A_663, %parallel_loop3A_664], %parallel_loop3A_667 {strides = array<i32>} : memref<16x1024xf32, #tpu.memory_space<vmem>>, vector<1x16xf32>,
        %parallel_loop3A_668 = arith.index_cast %parallel_loop3A_151 : i32 to index
        %parallel_loop3A_669 = arith.constant 688 : index
        %parallel_loop3A_670 = tpu.vector_load %arg6[%parallel_loop3A_668, %parallel_loop3A_669] {strides = array<i32>} : memref<16x1024xf32, #tpu.memory_space<vmem>>, vector<1x16xf32>,
        %parallel_loop3A_671 = vector.shape_cast %parallel_loop3A_670 : vector<1x16xf32> to vector<16xf32>
        %parallel_loop3A_672 = arith.constant 3.200000e+01 : f32
        %parallel_loop3A_673 = vector.broadcast %parallel_loop3A_672 : f32 to vector<16xf32>
        %parallel_loop3A_674 = arith.mulf %parallel_loop3A_671, %parallel_loop3A_673 : vector<16xf32>
        %parallel_loop3A_675 = arith.index_cast %parallel_loop3A_151 : i32 to index
        %parallel_loop3A_676 = arith.constant 688 : index
        %parallel_loop3A_677 = tpu.vector_load %arg6[%parallel_loop3A_675, %parallel_loop3A_676] {strides = array<i32>} : memref<16x1024xf32, #tpu.memory_space<vmem>>, vector<1x16xf32>,
        %parallel_loop3A_678 = vector.shape_cast %parallel_loop3A_677 : vector<1x16xf32> to vector<16xf32>
        %parallel_loop3A_679 = vector.shape_cast %parallel_loop3A_674 : vector<16xf32> to vector<1x16xf32>
        tpu.vector_store %arg6[%parallel_loop3A_675, %parallel_loop3A_676], %parallel_loop3A_679 {strides = array<i32>} : memref<16x1024xf32, #tpu.memory_space<vmem>>, vector<1x16xf32>,
        %parallel_loop3A_680 = arith.index_cast %parallel_loop3A_151 : i32 to index
        %parallel_loop3A_681 = arith.constant 704 : index
        %parallel_loop3A_682 = tpu.vector_load %arg6[%parallel_loop3A_680, %parallel_loop3A_681] {strides = array<i32>} : memref<16x1024xf32, #tpu.memory_space<vmem>>, vector<1x16xf32>,
        %parallel_loop3A_683 = vector.shape_cast %parallel_loop3A_682 : vector<1x16xf32> to vector<16xf32>
        %parallel_loop3A_684 = arith.constant 3.200000e+01 : f32
        %parallel_loop3A_685 = vector.broadcast %parallel_loop3A_684 : f32 to vector<16xf32>
        %parallel_loop3A_686 = arith.mulf %parallel_loop3A_683, %parallel_loop3A_685 : vector<16xf32>
        %parallel_loop3A_687 = arith.index_cast %parallel_loop3A_151 : i32 to index
        %parallel_loop3A_688 = arith.constant 704 : index
        %parallel_loop3A_689 = tpu.vector_load %arg6[%parallel_loop3A_687, %parallel_loop3A_688] {strides = array<i32>} : memref<16x1024xf32, #tpu.memory_space<vmem>>, vector<1x16xf32>,
        %parallel_loop3A_690 = vector.shape_cast %parallel_loop3A_689 : vector<1x16xf32> to vector<16xf32>
        %parallel_loop3A_691 = vector.shape_cast %parallel_loop3A_686 : vector<16xf32> to vector<1x16xf32>
        tpu.vector_store %arg6[%parallel_loop3A_687, %parallel_loop3A_688], %parallel_loop3A_691 {strides = array<i32>} : memref<16x1024xf32, #tpu.memory_space<vmem>>, vector<1x16xf32>,
        %parallel_loop3A_692 = arith.index_cast %parallel_loop3A_151 : i32 to index
        %parallel_loop3A_693 = arith.constant 720 : index
        %parallel_loop3A_694 = tpu.vector_load %arg6[%parallel_loop3A_692, %parallel_loop3A_693] {strides = array<i32>} : memref<16x1024xf32, #tpu.memory_space<vmem>>, vector<1x16xf32>,
        %parallel_loop3A_695 = vector.shape_cast %parallel_loop3A_694 : vector<1x16xf32> to vector<16xf32>
        %parallel_loop3A_696 = arith.constant 3.200000e+01 : f32
        %parallel_loop3A_697 = vector.broadcast %parallel_loop3A_696 : f32 to vector<16xf32>
        %parallel_loop3A_698 = arith.mulf %parallel_loop3A_695, %parallel_loop3A_697 : vector<16xf32>
        %parallel_loop3A_699 = arith.index_cast %parallel_loop3A_151 : i32 to index
        %parallel_loop3A_700 = arith.constant 720 : index
        %parallel_loop3A_701 = tpu.vector_load %arg6[%parallel_loop3A_699, %parallel_loop3A_700] {strides = array<i32>} : memref<16x1024xf32, #tpu.memory_space<vmem>>, vector<1x16xf32>,
        %parallel_loop3A_702 = vector.shape_cast %parallel_loop3A_701 : vector<1x16xf32> to vector<16xf32>
        %parallel_loop3A_703 = vector.shape_cast %parallel_loop3A_698 : vector<16xf32> to vector<1x16xf32>
        tpu.vector_store %arg6[%parallel_loop3A_699, %parallel_loop3A_700], %parallel_loop3A_703 {strides = array<i32>} : memref<16x1024xf32, #tpu.memory_space<vmem>>, vector<1x16xf32>,
        %parallel_loop3A_704 = arith.index_cast %parallel_loop3A_151 : i32 to index
        %parallel_loop3A_705 = arith.constant 736 : index
        %parallel_loop3A_706 = tpu.vector_load %arg6[%parallel_loop3A_704, %parallel_loop3A_705] {strides = array<i32>} : memref<16x1024xf32, #tpu.memory_space<vmem>>, vector<1x16xf32>,
        %parallel_loop3A_707 = vector.shape_cast %parallel_loop3A_706 : vector<1x16xf32> to vector<16xf32>
        %parallel_loop3A_708 = arith.constant 3.200000e+01 : f32
        %parallel_loop3A_709 = vector.broadcast %parallel_loop3A_708 : f32 to vector<16xf32>
        %parallel_loop3A_710 = arith.mulf %parallel_loop3A_707, %parallel_loop3A_709 : vector<16xf32>
        %parallel_loop3A_711 = arith.index_cast %parallel_loop3A_151 : i32 to index
        %parallel_loop3A_712 = arith.constant 736 : index
        %parallel_loop3A_713 = tpu.vector_load %arg6[%parallel_loop3A_711, %parallel_loop3A_712] {strides = array<i32>} : memref<16x1024xf32, #tpu.memory_space<vmem>>, vector<1x16xf32>,
        %parallel_loop3A_714 = vector.shape_cast %parallel_loop3A_713 : vector<1x16xf32> to vector<16xf32>
        %parallel_loop3A_715 = vector.shape_cast %parallel_loop3A_710 : vector<16xf32> to vector<1x16xf32>
        tpu.vector_store %arg6[%parallel_loop3A_711, %parallel_loop3A_712], %parallel_loop3A_715 {strides = array<i32>} : memref<16x1024xf32, #tpu.memory_space<vmem>>, vector<1x16xf32>,
        %parallel_loop3A_716 = arith.index_cast %parallel_loop3A_151 : i32 to index
        %parallel_loop3A_717 = arith.constant 752 : index
        %parallel_loop3A_718 = tpu.vector_load %arg6[%parallel_loop3A_716, %parallel_loop3A_717] {strides = array<i32>} : memref<16x1024xf32, #tpu.memory_space<vmem>>, vector<1x16xf32>,
        %parallel_loop3A_719 = vector.shape_cast %parallel_loop3A_718 : vector<1x16xf32> to vector<16xf32>
        %parallel_loop3A_720 = arith.constant 3.200000e+01 : f32
        %parallel_loop3A_721 = vector.broadcast %parallel_loop3A_720 : f32 to vector<16xf32>
        %parallel_loop3A_722 = arith.mulf %parallel_loop3A_719, %parallel_loop3A_721 : vector<16xf32>
        %parallel_loop3A_723 = arith.index_cast %parallel_loop3A_151 : i32 to index
        %parallel_loop3A_724 = arith.constant 752 : index
        %parallel_loop3A_725 = tpu.vector_load %arg6[%parallel_loop3A_723, %parallel_loop3A_724] {strides = array<i32>} : memref<16x1024xf32, #tpu.memory_space<vmem>>, vector<1x16xf32>,
        %parallel_loop3A_726 = vector.shape_cast %parallel_loop3A_725 : vector<1x16xf32> to vector<16xf32>
        %parallel_loop3A_727 = vector.shape_cast %parallel_loop3A_722 : vector<16xf32> to vector<1x16xf32>
        tpu.vector_store %arg6[%parallel_loop3A_723, %parallel_loop3A_724], %parallel_loop3A_727 {strides = array<i32>} : memref<16x1024xf32, #tpu.memory_space<vmem>>, vector<1x16xf32>,
        %parallel_loop3A_728 = arith.index_cast %parallel_loop3A_151 : i32 to index
        %parallel_loop3A_729 = arith.constant 768 : index
        %parallel_loop3A_730 = tpu.vector_load %arg6[%parallel_loop3A_728, %parallel_loop3A_729] {strides = array<i32>} : memref<16x1024xf32, #tpu.memory_space<vmem>>, vector<1x16xf32>,
        %parallel_loop3A_731 = vector.shape_cast %parallel_loop3A_730 : vector<1x16xf32> to vector<16xf32>
        %parallel_loop3A_732 = arith.constant 3.200000e+01 : f32
        %parallel_loop3A_733 = vector.broadcast %parallel_loop3A_732 : f32 to vector<16xf32>
        %parallel_loop3A_734 = arith.mulf %parallel_loop3A_731, %parallel_loop3A_733 : vector<16xf32>
        %parallel_loop3A_735 = arith.index_cast %parallel_loop3A_151 : i32 to index
        %parallel_loop3A_736 = arith.constant 768 : index
        %parallel_loop3A_737 = tpu.vector_load %arg6[%parallel_loop3A_735, %parallel_loop3A_736] {strides = array<i32>} : memref<16x1024xf32, #tpu.memory_space<vmem>>, vector<1x16xf32>,
        %parallel_loop3A_738 = vector.shape_cast %parallel_loop3A_737 : vector<1x16xf32> to vector<16xf32>
        %parallel_loop3A_739 = vector.shape_cast %parallel_loop3A_734 : vector<16xf32> to vector<1x16xf32>
        tpu.vector_store %arg6[%parallel_loop3A_735, %parallel_loop3A_736], %parallel_loop3A_739 {strides = array<i32>} : memref<16x1024xf32, #tpu.memory_space<vmem>>, vector<1x16xf32>,
        %parallel_loop3A_740 = arith.index_cast %parallel_loop3A_151 : i32 to index
        %parallel_loop3A_741 = arith.constant 784 : index
        %parallel_loop3A_742 = tpu.vector_load %arg6[%parallel_loop3A_740, %parallel_loop3A_741] {strides = array<i32>} : memref<16x1024xf32, #tpu.memory_space<vmem>>, vector<1x16xf32>,
        %parallel_loop3A_743 = vector.shape_cast %parallel_loop3A_742 : vector<1x16xf32> to vector<16xf32>
        %parallel_loop3A_744 = arith.constant 3.200000e+01 : f32
        %parallel_loop3A_745 = vector.broadcast %parallel_loop3A_744 : f32 to vector<16xf32>
        %parallel_loop3A_746 = arith.mulf %parallel_loop3A_743, %parallel_loop3A_745 : vector<16xf32>
        %parallel_loop3A_747 = arith.index_cast %parallel_loop3A_151 : i32 to index
        %parallel_loop3A_748 = arith.constant 784 : index
        %parallel_loop3A_749 = tpu.vector_load %arg6[%parallel_loop3A_747, %parallel_loop3A_748] {strides = array<i32>} : memref<16x1024xf32, #tpu.memory_space<vmem>>, vector<1x16xf32>,
        %parallel_loop3A_750 = vector.shape_cast %parallel_loop3A_749 : vector<1x16xf32> to vector<16xf32>
        %parallel_loop3A_751 = vector.shape_cast %parallel_loop3A_746 : vector<16xf32> to vector<1x16xf32>
        tpu.vector_store %arg6[%parallel_loop3A_747, %parallel_loop3A_748], %parallel_loop3A_751 {strides = array<i32>} : memref<16x1024xf32, #tpu.memory_space<vmem>>, vector<1x16xf32>,
        %parallel_loop3A_752 = arith.index_cast %parallel_loop3A_151 : i32 to index
        %parallel_loop3A_753 = arith.constant 800 : index
        %parallel_loop3A_754 = tpu.vector_load %arg6[%parallel_loop3A_752, %parallel_loop3A_753] {strides = array<i32>} : memref<16x1024xf32, #tpu.memory_space<vmem>>, vector<1x16xf32>,
        %parallel_loop3A_755 = vector.shape_cast %parallel_loop3A_754 : vector<1x16xf32> to vector<16xf32>
        %parallel_loop3A_756 = arith.constant 3.200000e+01 : f32
        %parallel_loop3A_757 = vector.broadcast %parallel_loop3A_756 : f32 to vector<16xf32>
        %parallel_loop3A_758 = arith.mulf %parallel_loop3A_755, %parallel_loop3A_757 : vector<16xf32>
        %parallel_loop3A_759 = arith.index_cast %parallel_loop3A_151 : i32 to index
        %parallel_loop3A_760 = arith.constant 800 : index
        %parallel_loop3A_761 = tpu.vector_load %arg6[%parallel_loop3A_759, %parallel_loop3A_760] {strides = array<i32>} : memref<16x1024xf32, #tpu.memory_space<vmem>>, vector<1x16xf32>,
        %parallel_loop3A_762 = vector.shape_cast %parallel_loop3A_761 : vector<1x16xf32> to vector<16xf32>
        %parallel_loop3A_763 = vector.shape_cast %parallel_loop3A_758 : vector<16xf32> to vector<1x16xf32>
        tpu.vector_store %arg6[%parallel_loop3A_759, %parallel_loop3A_760], %parallel_loop3A_763 {strides = array<i32>} : memref<16x1024xf32, #tpu.memory_space<vmem>>, vector<1x16xf32>,
        %parallel_loop3A_764 = arith.index_cast %parallel_loop3A_151 : i32 to index
        %parallel_loop3A_765 = arith.constant 816 : index
        %parallel_loop3A_766 = tpu.vector_load %arg6[%parallel_loop3A_764, %parallel_loop3A_765] {strides = array<i32>} : memref<16x1024xf32, #tpu.memory_space<vmem>>, vector<1x16xf32>,
        %parallel_loop3A_767 = vector.shape_cast %parallel_loop3A_766 : vector<1x16xf32> to vector<16xf32>
        %parallel_loop3A_768 = arith.constant 3.200000e+01 : f32
        %parallel_loop3A_769 = vector.broadcast %parallel_loop3A_768 : f32 to vector<16xf32>
        %parallel_loop3A_770 = arith.mulf %parallel_loop3A_767, %parallel_loop3A_769 : vector<16xf32>
        %parallel_loop3A_771 = arith.index_cast %parallel_loop3A_151 : i32 to index
        %parallel_loop3A_772 = arith.constant 816 : index
        %parallel_loop3A_773 = tpu.vector_load %arg6[%parallel_loop3A_771, %parallel_loop3A_772] {strides = array<i32>} : memref<16x1024xf32, #tpu.memory_space<vmem>>, vector<1x16xf32>,
        %parallel_loop3A_774 = vector.shape_cast %parallel_loop3A_773 : vector<1x16xf32> to vector<16xf32>
        %parallel_loop3A_775 = vector.shape_cast %parallel_loop3A_770 : vector<16xf32> to vector<1x16xf32>
        tpu.vector_store %arg6[%parallel_loop3A_771, %parallel_loop3A_772], %parallel_loop3A_775 {strides = array<i32>} : memref<16x1024xf32, #tpu.memory_space<vmem>>, vector<1x16xf32>,
        %parallel_loop3A_776 = arith.index_cast %parallel_loop3A_151 : i32 to index
        %parallel_loop3A_777 = arith.constant 832 : index
        %parallel_loop3A_778 = tpu.vector_load %arg6[%parallel_loop3A_776, %parallel_loop3A_777] {strides = array<i32>} : memref<16x1024xf32, #tpu.memory_space<vmem>>, vector<1x16xf32>,
        %parallel_loop3A_779 = vector.shape_cast %parallel_loop3A_778 : vector<1x16xf32> to vector<16xf32>
        %parallel_loop3A_780 = arith.constant 3.200000e+01 : f32
        %parallel_loop3A_781 = vector.broadcast %parallel_loop3A_780 : f32 to vector<16xf32>
        %parallel_loop3A_782 = arith.mulf %parallel_loop3A_779, %parallel_loop3A_781 : vector<16xf32>
        %parallel_loop3A_783 = arith.index_cast %parallel_loop3A_151 : i32 to index
        %parallel_loop3A_784 = arith.constant 832 : index
        %parallel_loop3A_785 = tpu.vector_load %arg6[%parallel_loop3A_783, %parallel_loop3A_784] {strides = array<i32>} : memref<16x1024xf32, #tpu.memory_space<vmem>>, vector<1x16xf32>,
        %parallel_loop3A_786 = vector.shape_cast %parallel_loop3A_785 : vector<1x16xf32> to vector<16xf32>
        %parallel_loop3A_787 = vector.shape_cast %parallel_loop3A_782 : vector<16xf32> to vector<1x16xf32>
        tpu.vector_store %arg6[%parallel_loop3A_783, %parallel_loop3A_784], %parallel_loop3A_787 {strides = array<i32>} : memref<16x1024xf32, #tpu.memory_space<vmem>>, vector<1x16xf32>,
        %parallel_loop3A_788 = arith.index_cast %parallel_loop3A_151 : i32 to index
        %parallel_loop3A_789 = arith.constant 848 : index
        %parallel_loop3A_790 = tpu.vector_load %arg6[%parallel_loop3A_788, %parallel_loop3A_789] {strides = array<i32>} : memref<16x1024xf32, #tpu.memory_space<vmem>>, vector<1x16xf32>,
        %parallel_loop3A_791 = vector.shape_cast %parallel_loop3A_790 : vector<1x16xf32> to vector<16xf32>
        %parallel_loop3A_792 = arith.constant 3.200000e+01 : f32
        %parallel_loop3A_793 = vector.broadcast %parallel_loop3A_792 : f32 to vector<16xf32>
        %parallel_loop3A_794 = arith.mulf %parallel_loop3A_791, %parallel_loop3A_793 : vector<16xf32>
        %parallel_loop3A_795 = arith.index_cast %parallel_loop3A_151 : i32 to index
        %parallel_loop3A_796 = arith.constant 848 : index
        %parallel_loop3A_797 = tpu.vector_load %arg6[%parallel_loop3A_795, %parallel_loop3A_796] {strides = array<i32>} : memref<16x1024xf32, #tpu.memory_space<vmem>>, vector<1x16xf32>,
        %parallel_loop3A_798 = vector.shape_cast %parallel_loop3A_797 : vector<1x16xf32> to vector<16xf32>
        %parallel_loop3A_799 = vector.shape_cast %parallel_loop3A_794 : vector<16xf32> to vector<1x16xf32>
        tpu.vector_store %arg6[%parallel_loop3A_795, %parallel_loop3A_796], %parallel_loop3A_799 {strides = array<i32>} : memref<16x1024xf32, #tpu.memory_space<vmem>>, vector<1x16xf32>,
        %parallel_loop3A_800 = arith.index_cast %parallel_loop3A_151 : i32 to index
        %parallel_loop3A_801 = arith.constant 864 : index
        %parallel_loop3A_802 = tpu.vector_load %arg6[%parallel_loop3A_800, %parallel_loop3A_801] {strides = array<i32>} : memref<16x1024xf32, #tpu.memory_space<vmem>>, vector<1x16xf32>,
        %parallel_loop3A_803 = vector.shape_cast %parallel_loop3A_802 : vector<1x16xf32> to vector<16xf32>
        %parallel_loop3A_804 = arith.constant 3.200000e+01 : f32
        %parallel_loop3A_805 = vector.broadcast %parallel_loop3A_804 : f32 to vector<16xf32>
        %parallel_loop3A_806 = arith.mulf %parallel_loop3A_803, %parallel_loop3A_805 : vector<16xf32>
        %parallel_loop3A_807 = arith.index_cast %parallel_loop3A_151 : i32 to index
        %parallel_loop3A_808 = arith.constant 864 : index
        %parallel_loop3A_809 = tpu.vector_load %arg6[%parallel_loop3A_807, %parallel_loop3A_808] {strides = array<i32>} : memref<16x1024xf32, #tpu.memory_space<vmem>>, vector<1x16xf32>,
        %parallel_loop3A_810 = vector.shape_cast %parallel_loop3A_809 : vector<1x16xf32> to vector<16xf32>
        %parallel_loop3A_811 = vector.shape_cast %parallel_loop3A_806 : vector<16xf32> to vector<1x16xf32>
        tpu.vector_store %arg6[%parallel_loop3A_807, %parallel_loop3A_808], %parallel_loop3A_811 {strides = array<i32>} : memref<16x1024xf32, #tpu.memory_space<vmem>>, vector<1x16xf32>,
        %parallel_loop3A_812 = arith.index_cast %parallel_loop3A_151 : i32 to index
        %parallel_loop3A_813 = arith.constant 880 : index
        %parallel_loop3A_814 = tpu.vector_load %arg6[%parallel_loop3A_812, %parallel_loop3A_813] {strides = array<i32>} : memref<16x1024xf32, #tpu.memory_space<vmem>>, vector<1x16xf32>,
        %parallel_loop3A_815 = vector.shape_cast %parallel_loop3A_814 : vector<1x16xf32> to vector<16xf32>
        %parallel_loop3A_816 = arith.constant 3.200000e+01 : f32
        %parallel_loop3A_817 = vector.broadcast %parallel_loop3A_816 : f32 to vector<16xf32>
        %parallel_loop3A_818 = arith.mulf %parallel_loop3A_815, %parallel_loop3A_817 : vector<16xf32>
        %parallel_loop3A_819 = arith.index_cast %parallel_loop3A_151 : i32 to index
        %parallel_loop3A_820 = arith.constant 880 : index
        %parallel_loop3A_821 = tpu.vector_load %arg6[%parallel_loop3A_819, %parallel_loop3A_820] {strides = array<i32>} : memref<16x1024xf32, #tpu.memory_space<vmem>>, vector<1x16xf32>,
        %parallel_loop3A_822 = vector.shape_cast %parallel_loop3A_821 : vector<1x16xf32> to vector<16xf32>
        %parallel_loop3A_823 = vector.shape_cast %parallel_loop3A_818 : vector<16xf32> to vector<1x16xf32>
        tpu.vector_store %arg6[%parallel_loop3A_819, %parallel_loop3A_820], %parallel_loop3A_823 {strides = array<i32>} : memref<16x1024xf32, #tpu.memory_space<vmem>>, vector<1x16xf32>,
        %parallel_loop3A_824 = arith.index_cast %parallel_loop3A_151 : i32 to index
        %parallel_loop3A_825 = arith.constant 896 : index
        %parallel_loop3A_826 = tpu.vector_load %arg6[%parallel_loop3A_824, %parallel_loop3A_825] {strides = array<i32>} : memref<16x1024xf32, #tpu.memory_space<vmem>>, vector<1x16xf32>,
        %parallel_loop3A_827 = vector.shape_cast %parallel_loop3A_826 : vector<1x16xf32> to vector<16xf32>
        %parallel_loop3A_828 = arith.constant 3.200000e+01 : f32
        %parallel_loop3A_829 = vector.broadcast %parallel_loop3A_828 : f32 to vector<16xf32>
        %parallel_loop3A_830 = arith.mulf %parallel_loop3A_827, %parallel_loop3A_829 : vector<16xf32>
        %parallel_loop3A_831 = arith.index_cast %parallel_loop3A_151 : i32 to index
        %parallel_loop3A_832 = arith.constant 896 : index
        %parallel_loop3A_833 = tpu.vector_load %arg6[%parallel_loop3A_831, %parallel_loop3A_832] {strides = array<i32>} : memref<16x1024xf32, #tpu.memory_space<vmem>>, vector<1x16xf32>,
        %parallel_loop3A_834 = vector.shape_cast %parallel_loop3A_833 : vector<1x16xf32> to vector<16xf32>
        %parallel_loop3A_835 = vector.shape_cast %parallel_loop3A_830 : vector<16xf32> to vector<1x16xf32>
        tpu.vector_store %arg6[%parallel_loop3A_831, %parallel_loop3A_832], %parallel_loop3A_835 {strides = array<i32>} : memref<16x1024xf32, #tpu.memory_space<vmem>>, vector<1x16xf32>,
        %parallel_loop3A_836 = arith.index_cast %parallel_loop3A_151 : i32 to index
        %parallel_loop3A_837 = arith.constant 912 : index
        %parallel_loop3A_838 = tpu.vector_load %arg6[%parallel_loop3A_836, %parallel_loop3A_837] {strides = array<i32>} : memref<16x1024xf32, #tpu.memory_space<vmem>>, vector<1x16xf32>,
        %parallel_loop3A_839 = vector.shape_cast %parallel_loop3A_838 : vector<1x16xf32> to vector<16xf32>
        %parallel_loop3A_840 = arith.constant 3.200000e+01 : f32
        %parallel_loop3A_841 = vector.broadcast %parallel_loop3A_840 : f32 to vector<16xf32>
        %parallel_loop3A_842 = arith.mulf %parallel_loop3A_839, %parallel_loop3A_841 : vector<16xf32>
        %parallel_loop3A_843 = arith.index_cast %parallel_loop3A_151 : i32 to index
        %parallel_loop3A_844 = arith.constant 912 : index
        %parallel_loop3A_845 = tpu.vector_load %arg6[%parallel_loop3A_843, %parallel_loop3A_844] {strides = array<i32>} : memref<16x1024xf32, #tpu.memory_space<vmem>>, vector<1x16xf32>,
        %parallel_loop3A_846 = vector.shape_cast %parallel_loop3A_845 : vector<1x16xf32> to vector<16xf32>
        %parallel_loop3A_847 = vector.shape_cast %parallel_loop3A_842 : vector<16xf32> to vector<1x16xf32>
        tpu.vector_store %arg6[%parallel_loop3A_843, %parallel_loop3A_844], %parallel_loop3A_847 {strides = array<i32>} : memref<16x1024xf32, #tpu.memory_space<vmem>>, vector<1x16xf32>,
        %parallel_loop3A_848 = arith.index_cast %parallel_loop3A_151 : i32 to index
        %parallel_loop3A_849 = arith.constant 928 : index
        %parallel_loop3A_850 = tpu.vector_load %arg6[%parallel_loop3A_848, %parallel_loop3A_849] {strides = array<i32>} : memref<16x1024xf32, #tpu.memory_space<vmem>>, vector<1x16xf32>,
        %parallel_loop3A_851 = vector.shape_cast %parallel_loop3A_850 : vector<1x16xf32> to vector<16xf32>
        %parallel_loop3A_852 = arith.constant 3.200000e+01 : f32
        %parallel_loop3A_853 = vector.broadcast %parallel_loop3A_852 : f32 to vector<16xf32>
        %parallel_loop3A_854 = arith.mulf %parallel_loop3A_851, %parallel_loop3A_853 : vector<16xf32>
        %parallel_loop3A_855 = arith.index_cast %parallel_loop3A_151 : i32 to index
        %parallel_loop3A_856 = arith.constant 928 : index
        %parallel_loop3A_857 = tpu.vector_load %arg6[%parallel_loop3A_855, %parallel_loop3A_856] {strides = array<i32>} : memref<16x1024xf32, #tpu.memory_space<vmem>>, vector<1x16xf32>,
        %parallel_loop3A_858 = vector.shape_cast %parallel_loop3A_857 : vector<1x16xf32> to vector<16xf32>
        %parallel_loop3A_859 = vector.shape_cast %parallel_loop3A_854 : vector<16xf32> to vector<1x16xf32>
        tpu.vector_store %arg6[%parallel_loop3A_855, %parallel_loop3A_856], %parallel_loop3A_859 {strides = array<i32>} : memref<16x1024xf32, #tpu.memory_space<vmem>>, vector<1x16xf32>,
        %parallel_loop3A_860 = arith.index_cast %parallel_loop3A_151 : i32 to index
        %parallel_loop3A_861 = arith.constant 944 : index
        %parallel_loop3A_862 = tpu.vector_load %arg6[%parallel_loop3A_860, %parallel_loop3A_861] {strides = array<i32>} : memref<16x1024xf32, #tpu.memory_space<vmem>>, vector<1x16xf32>,
        %parallel_loop3A_863 = vector.shape_cast %parallel_loop3A_862 : vector<1x16xf32> to vector<16xf32>
        %parallel_loop3A_864 = arith.constant 3.200000e+01 : f32
        %parallel_loop3A_865 = vector.broadcast %parallel_loop3A_864 : f32 to vector<16xf32>
        %parallel_loop3A_866 = arith.mulf %parallel_loop3A_863, %parallel_loop3A_865 : vector<16xf32>
        %parallel_loop3A_867 = arith.index_cast %parallel_loop3A_151 : i32 to index
        %parallel_loop3A_868 = arith.constant 944 : index
        %parallel_loop3A_869 = tpu.vector_load %arg6[%parallel_loop3A_867, %parallel_loop3A_868] {strides = array<i32>} : memref<16x1024xf32, #tpu.memory_space<vmem>>, vector<1x16xf32>,
        %parallel_loop3A_870 = vector.shape_cast %parallel_loop3A_869 : vector<1x16xf32> to vector<16xf32>
        %parallel_loop3A_871 = vector.shape_cast %parallel_loop3A_866 : vector<16xf32> to vector<1x16xf32>
        tpu.vector_store %arg6[%parallel_loop3A_867, %parallel_loop3A_868], %parallel_loop3A_871 {strides = array<i32>} : memref<16x1024xf32, #tpu.memory_space<vmem>>, vector<1x16xf32>,
        %parallel_loop3A_872 = arith.index_cast %parallel_loop3A_151 : i32 to index
        %parallel_loop3A_873 = arith.constant 960 : index
        %parallel_loop3A_874 = tpu.vector_load %arg6[%parallel_loop3A_872, %parallel_loop3A_873] {strides = array<i32>} : memref<16x1024xf32, #tpu.memory_space<vmem>>, vector<1x16xf32>,
        %parallel_loop3A_875 = vector.shape_cast %parallel_loop3A_874 : vector<1x16xf32> to vector<16xf32>
        %parallel_loop3A_876 = arith.constant 3.200000e+01 : f32
        %parallel_loop3A_877 = vector.broadcast %parallel_loop3A_876 : f32 to vector<16xf32>
        %parallel_loop3A_878 = arith.mulf %parallel_loop3A_875, %parallel_loop3A_877 : vector<16xf32>
        %parallel_loop3A_879 = arith.index_cast %parallel_loop3A_151 : i32 to index
        %parallel_loop3A_880 = arith.constant 960 : index
        %parallel_loop3A_881 = tpu.vector_load %arg6[%parallel_loop3A_879, %parallel_loop3A_880] {strides = array<i32>} : memref<16x1024xf32, #tpu.memory_space<vmem>>, vector<1x16xf32>,
        %parallel_loop3A_882 = vector.shape_cast %parallel_loop3A_881 : vector<1x16xf32> to vector<16xf32>
        %parallel_loop3A_883 = vector.shape_cast %parallel_loop3A_878 : vector<16xf32> to vector<1x16xf32>
        tpu.vector_store %arg6[%parallel_loop3A_879, %parallel_loop3A_880], %parallel_loop3A_883 {strides = array<i32>} : memref<16x1024xf32, #tpu.memory_space<vmem>>, vector<1x16xf32>,
        %parallel_loop3A_884 = arith.index_cast %parallel_loop3A_151 : i32 to index
        %parallel_loop3A_885 = arith.constant 976 : index
        %parallel_loop3A_886 = tpu.vector_load %arg6[%parallel_loop3A_884, %parallel_loop3A_885] {strides = array<i32>} : memref<16x1024xf32, #tpu.memory_space<vmem>>, vector<1x16xf32>,
        %parallel_loop3A_887 = vector.shape_cast %parallel_loop3A_886 : vector<1x16xf32> to vector<16xf32>
        %parallel_loop3A_888 = arith.constant 3.200000e+01 : f32
        %parallel_loop3A_889 = vector.broadcast %parallel_loop3A_888 : f32 to vector<16xf32>
        %parallel_loop3A_890 = arith.mulf %parallel_loop3A_887, %parallel_loop3A_889 : vector<16xf32>
        %parallel_loop3A_891 = arith.index_cast %parallel_loop3A_151 : i32 to index
        %parallel_loop3A_892 = arith.constant 976 : index
        %parallel_loop3A_893 = tpu.vector_load %arg6[%parallel_loop3A_891, %parallel_loop3A_892] {strides = array<i32>} : memref<16x1024xf32, #tpu.memory_space<vmem>>, vector<1x16xf32>,
        %parallel_loop3A_894 = vector.shape_cast %parallel_loop3A_893 : vector<1x16xf32> to vector<16xf32>
        %parallel_loop3A_895 = vector.shape_cast %parallel_loop3A_890 : vector<16xf32> to vector<1x16xf32>
        tpu.vector_store %arg6[%parallel_loop3A_891, %parallel_loop3A_892], %parallel_loop3A_895 {strides = array<i32>} : memref<16x1024xf32, #tpu.memory_space<vmem>>, vector<1x16xf32>,
        %parallel_loop3A_896 = arith.index_cast %parallel_loop3A_151 : i32 to index
        %parallel_loop3A_897 = arith.constant 992 : index
        %parallel_loop3A_898 = tpu.vector_load %arg6[%parallel_loop3A_896, %parallel_loop3A_897] {strides = array<i32>} : memref<16x1024xf32, #tpu.memory_space<vmem>>, vector<1x16xf32>,
        %parallel_loop3A_899 = vector.shape_cast %parallel_loop3A_898 : vector<1x16xf32> to vector<16xf32>
        %parallel_loop3A_900 = arith.constant 3.200000e+01 : f32
        %parallel_loop3A_901 = vector.broadcast %parallel_loop3A_900 : f32 to vector<16xf32>
        %parallel_loop3A_902 = arith.mulf %parallel_loop3A_899, %parallel_loop3A_901 : vector<16xf32>
        %parallel_loop3A_903 = arith.index_cast %parallel_loop3A_151 : i32 to index
        %parallel_loop3A_904 = arith.constant 992 : index
        %parallel_loop3A_905 = tpu.vector_load %arg6[%parallel_loop3A_903, %parallel_loop3A_904] {strides = array<i32>} : memref<16x1024xf32, #tpu.memory_space<vmem>>, vector<1x16xf32>,
        %parallel_loop3A_906 = vector.shape_cast %parallel_loop3A_905 : vector<1x16xf32> to vector<16xf32>
        %parallel_loop3A_907 = vector.shape_cast %parallel_loop3A_902 : vector<16xf32> to vector<1x16xf32>
        tpu.vector_store %arg6[%parallel_loop3A_903, %parallel_loop3A_904], %parallel_loop3A_907 {strides = array<i32>} : memref<16x1024xf32, #tpu.memory_space<vmem>>, vector<1x16xf32>,
        %parallel_loop3A_908 = arith.index_cast %parallel_loop3A_151 : i32 to index
        %parallel_loop3A_909 = arith.constant 1008 : index
        %parallel_loop3A_910 = tpu.vector_load %arg6[%parallel_loop3A_908, %parallel_loop3A_909] {strides = array<i32>} : memref<16x1024xf32, #tpu.memory_space<vmem>>, vector<1x16xf32>,
        %parallel_loop3A_911 = vector.shape_cast %parallel_loop3A_910 : vector<1x16xf32> to vector<16xf32>
        %parallel_loop3A_912 = arith.constant 3.200000e+01 : f32
        %parallel_loop3A_913 = vector.broadcast %parallel_loop3A_912 : f32 to vector<16xf32>
        %parallel_loop3A_914 = arith.mulf %parallel_loop3A_911, %parallel_loop3A_913 : vector<16xf32>
        %parallel_loop3A_915 = arith.index_cast %parallel_loop3A_151 : i32 to index
        %parallel_loop3A_916 = arith.constant 1008 : index
        %parallel_loop3A_917 = tpu.vector_load %arg6[%parallel_loop3A_915, %parallel_loop3A_916] {strides = array<i32>} : memref<16x1024xf32, #tpu.memory_space<vmem>>, vector<1x16xf32>,
        %parallel_loop3A_918 = vector.shape_cast %parallel_loop3A_917 : vector<1x16xf32> to vector<16xf32>
        %parallel_loop3A_919 = vector.shape_cast %parallel_loop3A_914 : vector<16xf32> to vector<1x16xf32>
        tpu.vector_store %arg6[%parallel_loop3A_915, %parallel_loop3A_916], %parallel_loop3A_919 {strides = array<i32>} : memref<16x1024xf32, #tpu.memory_space<vmem>>, vector<1x16xf32>,
      } {sc.loop_unroll_factor = 1 : i64, sc.parallel_access}
      %mul3A_59 = arith.constant 16 : i32
      %mul3A_60 = arith.muli %add3A_46, %mul3A_59 : i32
      %multiple_of3A_61 = tpu.assume_multiple %mul3A_60, 16 : i32
      %add3A_62 = arith.addi %multiple_of3A, %multiple_of3A_61 : i32
      %dma_start3A_63 = arith.constant 0 : i32
      %dma_start3A_64 = tpu.memref_slice %arg4[%add3A_62, %dma_start3A_63] : memref<32768x1024xf32, #tpu.memory_space<hbm>> -> memref<16x1024xf32, #tpu.memory_space<hbm>>
      %dma_start3A_65 = arith.constant 0 : i32
      %dma_start3A_66 = tpu.memref_slice %arg4[%add3A_62, %dma_start3A_65] : memref<32768x1024xf32, #tpu.memory_space<hbm>> -> memref<16x1024xf32, #tpu.memory_space<hbm>>
      tpu.enqueue_dma source(%arg6 : memref<16x1024xf32, #tpu.memory_space<vmem>>) target(%dma_start3A_66 : memref<16x1024xf32, #tpu.memory_space<hbm>>) target_semaphore(%arg14 : memref<!tpu.dma_semaphore, #tpu.memory_space<semaphore_mem>>)
      %mul3A_67 = arith.constant 4 : i32
      %mul3A_68 = arith.muli %scan3A_42, %mul3A_67 : i32
      %add3A_69 = arith.constant 1 : i32
      %add3A_70 = arith.addi %mul3A_68, %add3A_69 : i32
      %dma_wait3A_71 = arith.constant 0 : i32
      %dma_wait3A_72 = arith.constant 0 : i32
      %dma_wait3A_73 = tpu.memref_slice %arg4[%dma_wait3A_71, %dma_wait3A_72] : memref<32768x1024xf32, #tpu.memory_space<hbm>> -> memref<16x1024xf32, #tpu.memory_space<hbm>>
      %dma_wait3A_74 = arith.constant 0 : i32
      %dma_wait3A_75 = arith.constant 0 : i32
      %dma_wait3A_76 = tpu.memref_slice %arg4[%dma_wait3A_74, %dma_wait3A_75] : memref<32768x1024xf32, #tpu.memory_space<hbm>> -> memref<16x1024xf32, #tpu.memory_space<hbm>>
      tpu.wait_dma2 semaphore(%arg11 : memref<!tpu.dma_semaphore, #tpu.memory_space<semaphore_mem>>) src(%dma_wait3A_76 : memref<16x1024xf32, #tpu.memory_space<hbm>>) dst(%arg7 : memref<16x1024xf32, #tpu.memory_space<vmem>>)
      %add3A_77 = arith.constant 2 : i32
      %add3A_78 = arith.addi %add3A_70, %add3A_77 : i32
      %lt3A_79 = arith.constant 64 : i32
      %lt3A_80 = arith.cmpi slt, %add3A_78, %lt3A_79 : i32
      %convert_element_type3A_81 = arith.extui %lt3A_80 : i1 to i32
      %cond3A_82 = arith.constant 0 : i32
      %cond3A_83 = arith.cmpi ne, %convert_element_type3A_81, %cond3A_82 : i32
      scf.if %cond3A_83 {
        %ge3A = arith.constant 2 : i32
        %ge3A_151 = arith.cmpi sge, %add3A_70, %ge3A : i32
        %convert_element_type3A_152 = arith.extui %ge3A_151 : i1 to i32
        %cond3A_153 = arith.constant 0 : i32
        %cond3A_154 = arith.cmpi ne, %convert_element_type3A_152, %cond3A_153 : i32
        scf.if %cond3A_154 {
          %dma_wait3A_164 = arith.constant 0 : i32
          %dma_wait3A_165 = arith.constant 0 : i32
          %dma_wait3A_166 = tpu.memref_slice %arg4[%dma_wait3A_164, %dma_wait3A_165] : memref<32768x1024xf32, #tpu.memory_space<hbm>> -> memref<16x1024xf32, #tpu.memory_space<hbm>>
          %dma_wait3A_167 = arith.constant 0 : i32
          %dma_wait3A_168 = arith.constant 0 : i32
          %dma_wait3A_169 = tpu.memref_slice %arg4[%dma_wait3A_167, %dma_wait3A_168] : memref<32768x1024xf32, #tpu.memory_space<hbm>> -> memref<16x1024xf32, #tpu.memory_space<hbm>>
          tpu.wait_dma2 semaphore(%arg17 : memref<!tpu.dma_semaphore, #tpu.memory_space<semaphore_mem>>) src(%dma_wait3A_169 : memref<16x1024xf32, #tpu.memory_space<hbm>>) dst(%arg9 : memref<16x1024xf32, #tpu.memory_space<vmem>>)
        } else {
        }
        %add3A_155 = arith.constant 2 : i32
        %add3A_156 = arith.addi %add3A_70, %add3A_155 : i32
        %mul3A_157 = arith.constant 16 : i32
        %mul3A_158 = arith.muli %add3A_156, %mul3A_157 : i32
        %multiple_of3A_159 = tpu.assume_multiple %mul3A_158, 16 : i32
        %dma_start3A_160 = tpu.memref_slice %arg5[%multiple_of3A_159] : memref<1024xi32, #tpu.memory_space<vmem>> -> memref<16xi32, #tpu.memory_space<vmem>>
        %dma_start3A_161 = arith.constant 0 : i32
        %dma_start3A_162 = arith.constant 0 : i32
        %dma_start3A_163 = tpu.memref_slice %arg3[%dma_start3A_161, %dma_start3A_162] : memref<100000x1024xf32, #tpu.memory_space<hbm>> -> memref<100000x1024xf32, #tpu.memory_space<hbm>>
        tpu.enqueue_indirect_dma source(%dma_start3A_163 : memref<100000x1024xf32, #tpu.memory_space<hbm>>) target(%arg9 : memref<16x1024xf32, #tpu.memory_space<vmem>>) offsets(%dma_start3A_160 : memref<16xi32, #tpu.memory_space<vmem>>) semaphore(%arg13 : memref<!tpu.dma_semaphore, #tpu.memory_space<semaphore_mem>>)
      } else {
      }
      %parallel_loop3A_84 = arith.constant 0 : i32
      %parallel_loop3A_85 = arith.constant 16 : i32
      %parallel_loop3A_86 = arith.constant 1 : i32
      scf.for %parallel_loop3A_151 = %parallel_loop3A_84 to %parallel_loop3A_85 step %parallel_loop3A_86  : i32 {
        %parallel_loop3A_152 = arith.index_cast %parallel_loop3A_151 : i32 to index
        %parallel_loop3A_153 = arith.constant 0 : index
        %parallel_loop3A_154 = tpu.vector_load %arg7[%parallel_loop3A_152, %parallel_loop3A_153] {strides = array<i32>} : memref<16x1024xf32, #tpu.memory_space<vmem>>, vector<1x16xf32>,
        %parallel_loop3A_155 = vector.shape_cast %parallel_loop3A_154 : vector<1x16xf32> to vector<16xf32>
        %parallel_loop3A_156 = arith.constant 3.200000e+01 : f32
        %parallel_loop3A_157 = vector.broadcast %parallel_loop3A_156 : f32 to vector<16xf32>
        %parallel_loop3A_158 = arith.mulf %parallel_loop3A_155, %parallel_loop3A_157 : vector<16xf32>
        %parallel_loop3A_159 = arith.index_cast %parallel_loop3A_151 : i32 to index
        %parallel_loop3A_160 = arith.constant 0 : index
        %parallel_loop3A_161 = tpu.vector_load %arg7[%parallel_loop3A_159, %parallel_loop3A_160] {strides = array<i32>} : memref<16x1024xf32, #tpu.memory_space<vmem>>, vector<1x16xf32>,
        %parallel_loop3A_162 = vector.shape_cast %parallel_loop3A_161 : vector<1x16xf32> to vector<16xf32>
        %parallel_loop3A_163 = vector.shape_cast %parallel_loop3A_158 : vector<16xf32> to vector<1x16xf32>
        tpu.vector_store %arg7[%parallel_loop3A_159, %parallel_loop3A_160], %parallel_loop3A_163 {strides = array<i32>} : memref<16x1024xf32, #tpu.memory_space<vmem>>, vector<1x16xf32>,
        %parallel_loop3A_164 = arith.index_cast %parallel_loop3A_151 : i32 to index
        %parallel_loop3A_165 = arith.constant 16 : index
        %parallel_loop3A_166 = tpu.vector_load %arg7[%parallel_loop3A_164, %parallel_loop3A_165] {strides = array<i32>} : memref<16x1024xf32, #tpu.memory_space<vmem>>, vector<1x16xf32>,
        %parallel_loop3A_167 = vector.shape_cast %parallel_loop3A_166 : vector<1x16xf32> to vector<16xf32>
        %parallel_loop3A_168 = arith.constant 3.200000e+01 : f32
        %parallel_loop3A_169 = vector.broadcast %parallel_loop3A_168 : f32 to vector<16xf32>
        %parallel_loop3A_170 = arith.mulf %parallel_loop3A_167, %parallel_loop3A_169 : vector<16xf32>
        %parallel_loop3A_171 = arith.index_cast %parallel_loop3A_151 : i32 to index
        %parallel_loop3A_172 = arith.constant 16 : index
        %parallel_loop3A_173 = tpu.vector_load %arg7[%parallel_loop3A_171, %parallel_loop3A_172] {strides = array<i32>} : memref<16x1024xf32, #tpu.memory_space<vmem>>, vector<1x16xf32>,
        %parallel_loop3A_174 = vector.shape_cast %parallel_loop3A_173 : vector<1x16xf32> to vector<16xf32>
        %parallel_loop3A_175 = vector.shape_cast %parallel_loop3A_170 : vector<16xf32> to vector<1x16xf32>
        tpu.vector_store %arg7[%parallel_loop3A_171, %parallel_loop3A_172], %parallel_loop3A_175 {strides = array<i32>} : memref<16x1024xf32, #tpu.memory_space<vmem>>, vector<1x16xf32>,
        %parallel_loop3A_176 = arith.index_cast %parallel_loop3A_151 : i32 to index
        %parallel_loop3A_177 = arith.constant 32 : index
        %parallel_loop3A_178 = tpu.vector_load %arg7[%parallel_loop3A_176, %parallel_loop3A_177] {strides = array<i32>} : memref<16x1024xf32, #tpu.memory_space<vmem>>, vector<1x16xf32>,
        %parallel_loop3A_179 = vector.shape_cast %parallel_loop3A_178 : vector<1x16xf32> to vector<16xf32>
        %parallel_loop3A_180 = arith.constant 3.200000e+01 : f32
        %parallel_loop3A_181 = vector.broadcast %parallel_loop3A_180 : f32 to vector<16xf32>
        %parallel_loop3A_182 = arith.mulf %parallel_loop3A_179, %parallel_loop3A_181 : vector<16xf32>
        %parallel_loop3A_183 = arith.index_cast %parallel_loop3A_151 : i32 to index
        %parallel_loop3A_184 = arith.constant 32 : index
        %parallel_loop3A_185 = tpu.vector_load %arg7[%parallel_loop3A_183, %parallel_loop3A_184] {strides = array<i32>} : memref<16x1024xf32, #tpu.memory_space<vmem>>, vector<1x16xf32>,
        %parallel_loop3A_186 = vector.shape_cast %parallel_loop3A_185 : vector<1x16xf32> to vector<16xf32>
        %parallel_loop3A_187 = vector.shape_cast %parallel_loop3A_182 : vector<16xf32> to vector<1x16xf32>
        tpu.vector_store %arg7[%parallel_loop3A_183, %parallel_loop3A_184], %parallel_loop3A_187 {strides = array<i32>} : memref<16x1024xf32, #tpu.memory_space<vmem>>, vector<1x16xf32>,
        %parallel_loop3A_188 = arith.index_cast %parallel_loop3A_151 : i32 to index
        %parallel_loop3A_189 = arith.constant 48 : index
        %parallel_loop3A_190 = tpu.vector_load %arg7[%parallel_loop3A_188, %parallel_loop3A_189] {strides = array<i32>} : memref<16x1024xf32, #tpu.memory_space<vmem>>, vector<1x16xf32>,
        %parallel_loop3A_191 = vector.shape_cast %parallel_loop3A_190 : vector<1x16xf32> to vector<16xf32>
        %parallel_loop3A_192 = arith.constant 3.200000e+01 : f32
        %parallel_loop3A_193 = vector.broadcast %parallel_loop3A_192 : f32 to vector<16xf32>
        %parallel_loop3A_194 = arith.mulf %parallel_loop3A_191, %parallel_loop3A_193 : vector<16xf32>
        %parallel_loop3A_195 = arith.index_cast %parallel_loop3A_151 : i32 to index
        %parallel_loop3A_196 = arith.constant 48 : index
        %parallel_loop3A_197 = tpu.vector_load %arg7[%parallel_loop3A_195, %parallel_loop3A_196] {strides = array<i32>} : memref<16x1024xf32, #tpu.memory_space<vmem>>, vector<1x16xf32>,
        %parallel_loop3A_198 = vector.shape_cast %parallel_loop3A_197 : vector<1x16xf32> to vector<16xf32>
        %parallel_loop3A_199 = vector.shape_cast %parallel_loop3A_194 : vector<16xf32> to vector<1x16xf32>
        tpu.vector_store %arg7[%parallel_loop3A_195, %parallel_loop3A_196], %parallel_loop3A_199 {strides = array<i32>} : memref<16x1024xf32, #tpu.memory_space<vmem>>, vector<1x16xf32>,
        %parallel_loop3A_200 = arith.index_cast %parallel_loop3A_151 : i32 to index
        %parallel_loop3A_201 = arith.constant 64 : index
        %parallel_loop3A_202 = tpu.vector_load %arg7[%parallel_loop3A_200, %parallel_loop3A_201] {strides = array<i32>} : memref<16x1024xf32, #tpu.memory_space<vmem>>, vector<1x16xf32>,
        %parallel_loop3A_203 = vector.shape_cast %parallel_loop3A_202 : vector<1x16xf32> to vector<16xf32>
        %parallel_loop3A_204 = arith.constant 3.200000e+01 : f32
        %parallel_loop3A_205 = vector.broadcast %parallel_loop3A_204 : f32 to vector<16xf32>
        %parallel_loop3A_206 = arith.mulf %parallel_loop3A_203, %parallel_loop3A_205 : vector<16xf32>
        %parallel_loop3A_207 = arith.index_cast %parallel_loop3A_151 : i32 to index
        %parallel_loop3A_208 = arith.constant 64 : index
        %parallel_loop3A_209 = tpu.vector_load %arg7[%parallel_loop3A_207, %parallel_loop3A_208] {strides = array<i32>} : memref<16x1024xf32, #tpu.memory_space<vmem>>, vector<1x16xf32>,
        %parallel_loop3A_210 = vector.shape_cast %parallel_loop3A_209 : vector<1x16xf32> to vector<16xf32>
        %parallel_loop3A_211 = vector.shape_cast %parallel_loop3A_206 : vector<16xf32> to vector<1x16xf32>
        tpu.vector_store %arg7[%parallel_loop3A_207, %parallel_loop3A_208], %parallel_loop3A_211 {strides = array<i32>} : memref<16x1024xf32, #tpu.memory_space<vmem>>, vector<1x16xf32>,
        %parallel_loop3A_212 = arith.index_cast %parallel_loop3A_151 : i32 to index
        %parallel_loop3A_213 = arith.constant 80 : index
        %parallel_loop3A_214 = tpu.vector_load %arg7[%parallel_loop3A_212, %parallel_loop3A_213] {strides = array<i32>} : memref<16x1024xf32, #tpu.memory_space<vmem>>, vector<1x16xf32>,
        %parallel_loop3A_215 = vector.shape_cast %parallel_loop3A_214 : vector<1x16xf32> to vector<16xf32>
        %parallel_loop3A_216 = arith.constant 3.200000e+01 : f32
        %parallel_loop3A_217 = vector.broadcast %parallel_loop3A_216 : f32 to vector<16xf32>
        %parallel_loop3A_218 = arith.mulf %parallel_loop3A_215, %parallel_loop3A_217 : vector<16xf32>
        %parallel_loop3A_219 = arith.index_cast %parallel_loop3A_151 : i32 to index
        %parallel_loop3A_220 = arith.constant 80 : index
        %parallel_loop3A_221 = tpu.vector_load %arg7[%parallel_loop3A_219, %parallel_loop3A_220] {strides = array<i32>} : memref<16x1024xf32, #tpu.memory_space<vmem>>, vector<1x16xf32>,
        %parallel_loop3A_222 = vector.shape_cast %parallel_loop3A_221 : vector<1x16xf32> to vector<16xf32>
        %parallel_loop3A_223 = vector.shape_cast %parallel_loop3A_218 : vector<16xf32> to vector<1x16xf32>
        tpu.vector_store %arg7[%parallel_loop3A_219, %parallel_loop3A_220], %parallel_loop3A_223 {strides = array<i32>} : memref<16x1024xf32, #tpu.memory_space<vmem>>, vector<1x16xf32>,
        %parallel_loop3A_224 = arith.index_cast %parallel_loop3A_151 : i32 to index
        %parallel_loop3A_225 = arith.constant 96 : index
        %parallel_loop3A_226 = tpu.vector_load %arg7[%parallel_loop3A_224, %parallel_loop3A_225] {strides = array<i32>} : memref<16x1024xf32, #tpu.memory_space<vmem>>, vector<1x16xf32>,
        %parallel_loop3A_227 = vector.shape_cast %parallel_loop3A_226 : vector<1x16xf32> to vector<16xf32>
        %parallel_loop3A_228 = arith.constant 3.200000e+01 : f32
        %parallel_loop3A_229 = vector.broadcast %parallel_loop3A_228 : f32 to vector<16xf32>
        %parallel_loop3A_230 = arith.mulf %parallel_loop3A_227, %parallel_loop3A_229 : vector<16xf32>
        %parallel_loop3A_231 = arith.index_cast %parallel_loop3A_151 : i32 to index
        %parallel_loop3A_232 = arith.constant 96 : index
        %parallel_loop3A_233 = tpu.vector_load %arg7[%parallel_loop3A_231, %parallel_loop3A_232] {strides = array<i32>} : memref<16x1024xf32, #tpu.memory_space<vmem>>, vector<1x16xf32>,
        %parallel_loop3A_234 = vector.shape_cast %parallel_loop3A_233 : vector<1x16xf32> to vector<16xf32>
        %parallel_loop3A_235 = vector.shape_cast %parallel_loop3A_230 : vector<16xf32> to vector<1x16xf32>
        tpu.vector_store %arg7[%parallel_loop3A_231, %parallel_loop3A_232], %parallel_loop3A_235 {strides = array<i32>} : memref<16x1024xf32, #tpu.memory_space<vmem>>, vector<1x16xf32>,
        %parallel_loop3A_236 = arith.index_cast %parallel_loop3A_151 : i32 to index
        %parallel_loop3A_237 = arith.constant 112 : index
        %parallel_loop3A_238 = tpu.vector_load %arg7[%parallel_loop3A_236, %parallel_loop3A_237] {strides = array<i32>} : memref<16x1024xf32, #tpu.memory_space<vmem>>, vector<1x16xf32>,
        %parallel_loop3A_239 = vector.shape_cast %parallel_loop3A_238 : vector<1x16xf32> to vector<16xf32>
        %parallel_loop3A_240 = arith.constant 3.200000e+01 : f32
        %parallel_loop3A_241 = vector.broadcast %parallel_loop3A_240 : f32 to vector<16xf32>
        %parallel_loop3A_242 = arith.mulf %parallel_loop3A_239, %parallel_loop3A_241 : vector<16xf32>
        %parallel_loop3A_243 = arith.index_cast %parallel_loop3A_151 : i32 to index
        %parallel_loop3A_244 = arith.constant 112 : index
        %parallel_loop3A_245 = tpu.vector_load %arg7[%parallel_loop3A_243, %parallel_loop3A_244] {strides = array<i32>} : memref<16x1024xf32, #tpu.memory_space<vmem>>, vector<1x16xf32>,
        %parallel_loop3A_246 = vector.shape_cast %parallel_loop3A_245 : vector<1x16xf32> to vector<16xf32>
        %parallel_loop3A_247 = vector.shape_cast %parallel_loop3A_242 : vector<16xf32> to vector<1x16xf32>
        tpu.vector_store %arg7[%parallel_loop3A_243, %parallel_loop3A_244], %parallel_loop3A_247 {strides = array<i32>} : memref<16x1024xf32, #tpu.memory_space<vmem>>, vector<1x16xf32>,
        %parallel_loop3A_248 = arith.index_cast %parallel_loop3A_151 : i32 to index
        %parallel_loop3A_249 = arith.constant 128 : index
        %parallel_loop3A_250 = tpu.vector_load %arg7[%parallel_loop3A_248, %parallel_loop3A_249] {strides = array<i32>} : memref<16x1024xf32, #tpu.memory_space<vmem>>, vector<1x16xf32>,
        %parallel_loop3A_251 = vector.shape_cast %parallel_loop3A_250 : vector<1x16xf32> to vector<16xf32>
        %parallel_loop3A_252 = arith.constant 3.200000e+01 : f32
        %parallel_loop3A_253 = vector.broadcast %parallel_loop3A_252 : f32 to vector<16xf32>
        %parallel_loop3A_254 = arith.mulf %parallel_loop3A_251, %parallel_loop3A_253 : vector<16xf32>
        %parallel_loop3A_255 = arith.index_cast %parallel_loop3A_151 : i32 to index
        %parallel_loop3A_256 = arith.constant 128 : index
        %parallel_loop3A_257 = tpu.vector_load %arg7[%parallel_loop3A_255, %parallel_loop3A_256] {strides = array<i32>} : memref<16x1024xf32, #tpu.memory_space<vmem>>, vector<1x16xf32>,
        %parallel_loop3A_258 = vector.shape_cast %parallel_loop3A_257 : vector<1x16xf32> to vector<16xf32>
        %parallel_loop3A_259 = vector.shape_cast %parallel_loop3A_254 : vector<16xf32> to vector<1x16xf32>
        tpu.vector_store %arg7[%parallel_loop3A_255, %parallel_loop3A_256], %parallel_loop3A_259 {strides = array<i32>} : memref<16x1024xf32, #tpu.memory_space<vmem>>, vector<1x16xf32>,
        %parallel_loop3A_260 = arith.index_cast %parallel_loop3A_151 : i32 to index
        %parallel_loop3A_261 = arith.constant 144 : index
        %parallel_loop3A_262 = tpu.vector_load %arg7[%parallel_loop3A_260, %parallel_loop3A_261] {strides = array<i32>} : memref<16x1024xf32, #tpu.memory_space<vmem>>, vector<1x16xf32>,
        %parallel_loop3A_263 = vector.shape_cast %parallel_loop3A_262 : vector<1x16xf32> to vector<16xf32>
        %parallel_loop3A_264 = arith.constant 3.200000e+01 : f32
        %parallel_loop3A_265 = vector.broadcast %parallel_loop3A_264 : f32 to vector<16xf32>
        %parallel_loop3A_266 = arith.mulf %parallel_loop3A_263, %parallel_loop3A_265 : vector<16xf32>
        %parallel_loop3A_267 = arith.index_cast %parallel_loop3A_151 : i32 to index
        %parallel_loop3A_268 = arith.constant 144 : index
        %parallel_loop3A_269 = tpu.vector_load %arg7[%parallel_loop3A_267, %parallel_loop3A_268] {strides = array<i32>} : memref<16x1024xf32, #tpu.memory_space<vmem>>, vector<1x16xf32>,
        %parallel_loop3A_270 = vector.shape_cast %parallel_loop3A_269 : vector<1x16xf32> to vector<16xf32>
        %parallel_loop3A_271 = vector.shape_cast %parallel_loop3A_266 : vector<16xf32> to vector<1x16xf32>
        tpu.vector_store %arg7[%parallel_loop3A_267, %parallel_loop3A_268], %parallel_loop3A_271 {strides = array<i32>} : memref<16x1024xf32, #tpu.memory_space<vmem>>, vector<1x16xf32>,
        %parallel_loop3A_272 = arith.index_cast %parallel_loop3A_151 : i32 to index
        %parallel_loop3A_273 = arith.constant 160 : index
        %parallel_loop3A_274 = tpu.vector_load %arg7[%parallel_loop3A_272, %parallel_loop3A_273] {strides = array<i32>} : memref<16x1024xf32, #tpu.memory_space<vmem>>, vector<1x16xf32>,
        %parallel_loop3A_275 = vector.shape_cast %parallel_loop3A_274 : vector<1x16xf32> to vector<16xf32>
        %parallel_loop3A_276 = arith.constant 3.200000e+01 : f32
        %parallel_loop3A_277 = vector.broadcast %parallel_loop3A_276 : f32 to vector<16xf32>
        %parallel_loop3A_278 = arith.mulf %parallel_loop3A_275, %parallel_loop3A_277 : vector<16xf32>
        %parallel_loop3A_279 = arith.index_cast %parallel_loop3A_151 : i32 to index
        %parallel_loop3A_280 = arith.constant 160 : index
        %parallel_loop3A_281 = tpu.vector_load %arg7[%parallel_loop3A_279, %parallel_loop3A_280] {strides = array<i32>} : memref<16x1024xf32, #tpu.memory_space<vmem>>, vector<1x16xf32>,
        %parallel_loop3A_282 = vector.shape_cast %parallel_loop3A_281 : vector<1x16xf32> to vector<16xf32>
        %parallel_loop3A_283 = vector.shape_cast %parallel_loop3A_278 : vector<16xf32> to vector<1x16xf32>
        tpu.vector_store %arg7[%parallel_loop3A_279, %parallel_loop3A_280], %parallel_loop3A_283 {strides = array<i32>} : memref<16x1024xf32, #tpu.memory_space<vmem>>, vector<1x16xf32>,
        %parallel_loop3A_284 = arith.index_cast %parallel_loop3A_151 : i32 to index
        %parallel_loop3A_285 = arith.constant 176 : index
        %parallel_loop3A_286 = tpu.vector_load %arg7[%parallel_loop3A_284, %parallel_loop3A_285] {strides = array<i32>} : memref<16x1024xf32, #tpu.memory_space<vmem>>, vector<1x16xf32>,
        %parallel_loop3A_287 = vector.shape_cast %parallel_loop3A_286 : vector<1x16xf32> to vector<16xf32>
        %parallel_loop3A_288 = arith.constant 3.200000e+01 : f32
        %parallel_loop3A_289 = vector.broadcast %parallel_loop3A_288 : f32 to vector<16xf32>
        %parallel_loop3A_290 = arith.mulf %parallel_loop3A_287, %parallel_loop3A_289 : vector<16xf32>
        %parallel_loop3A_291 = arith.index_cast %parallel_loop3A_151 : i32 to index
        %parallel_loop3A_292 = arith.constant 176 : index
        %parallel_loop3A_293 = tpu.vector_load %arg7[%parallel_loop3A_291, %parallel_loop3A_292] {strides = array<i32>} : memref<16x1024xf32, #tpu.memory_space<vmem>>, vector<1x16xf32>,
        %parallel_loop3A_294 = vector.shape_cast %parallel_loop3A_293 : vector<1x16xf32> to vector<16xf32>
        %parallel_loop3A_295 = vector.shape_cast %parallel_loop3A_290 : vector<16xf32> to vector<1x16xf32>
        tpu.vector_store %arg7[%parallel_loop3A_291, %parallel_loop3A_292], %parallel_loop3A_295 {strides = array<i32>} : memref<16x1024xf32, #tpu.memory_space<vmem>>, vector<1x16xf32>,
        %parallel_loop3A_296 = arith.index_cast %parallel_loop3A_151 : i32 to index
        %parallel_loop3A_297 = arith.constant 192 : index
        %parallel_loop3A_298 = tpu.vector_load %arg7[%parallel_loop3A_296, %parallel_loop3A_297] {strides = array<i32>} : memref<16x1024xf32, #tpu.memory_space<vmem>>, vector<1x16xf32>,
        %parallel_loop3A_299 = vector.shape_cast %parallel_loop3A_298 : vector<1x16xf32> to vector<16xf32>
        %parallel_loop3A_300 = arith.constant 3.200000e+01 : f32
        %parallel_loop3A_301 = vector.broadcast %parallel_loop3A_300 : f32 to vector<16xf32>
        %parallel_loop3A_302 = arith.mulf %parallel_loop3A_299, %parallel_loop3A_301 : vector<16xf32>
        %parallel_loop3A_303 = arith.index_cast %parallel_loop3A_151 : i32 to index
        %parallel_loop3A_304 = arith.constant 192 : index
        %parallel_loop3A_305 = tpu.vector_load %arg7[%parallel_loop3A_303, %parallel_loop3A_304] {strides = array<i32>} : memref<16x1024xf32, #tpu.memory_space<vmem>>, vector<1x16xf32>,
        %parallel_loop3A_306 = vector.shape_cast %parallel_loop3A_305 : vector<1x16xf32> to vector<16xf32>
        %parallel_loop3A_307 = vector.shape_cast %parallel_loop3A_302 : vector<16xf32> to vector<1x16xf32>
        tpu.vector_store %arg7[%parallel_loop3A_303, %parallel_loop3A_304], %parallel_loop3A_307 {strides = array<i32>} : memref<16x1024xf32, #tpu.memory_space<vmem>>, vector<1x16xf32>,
        %parallel_loop3A_308 = arith.index_cast %parallel_loop3A_151 : i32 to index
        %parallel_loop3A_309 = arith.constant 208 : index
        %parallel_loop3A_310 = tpu.vector_load %arg7[%parallel_loop3A_308, %parallel_loop3A_309] {strides = array<i32>} : memref<16x1024xf32, #tpu.memory_space<vmem>>, vector<1x16xf32>,
        %parallel_loop3A_311 = vector.shape_cast %parallel_loop3A_310 : vector<1x16xf32> to vector<16xf32>
        %parallel_loop3A_312 = arith.constant 3.200000e+01 : f32
        %parallel_loop3A_313 = vector.broadcast %parallel_loop3A_312 : f32 to vector<16xf32>
        %parallel_loop3A_314 = arith.mulf %parallel_loop3A_311, %parallel_loop3A_313 : vector<16xf32>
        %parallel_loop3A_315 = arith.index_cast %parallel_loop3A_151 : i32 to index
        %parallel_loop3A_316 = arith.constant 208 : index
        %parallel_loop3A_317 = tpu.vector_load %arg7[%parallel_loop3A_315, %parallel_loop3A_316] {strides = array<i32>} : memref<16x1024xf32, #tpu.memory_space<vmem>>, vector<1x16xf32>,
        %parallel_loop3A_318 = vector.shape_cast %parallel_loop3A_317 : vector<1x16xf32> to vector<16xf32>
        %parallel_loop3A_319 = vector.shape_cast %parallel_loop3A_314 : vector<16xf32> to vector<1x16xf32>
        tpu.vector_store %arg7[%parallel_loop3A_315, %parallel_loop3A_316], %parallel_loop3A_319 {strides = array<i32>} : memref<16x1024xf32, #tpu.memory_space<vmem>>, vector<1x16xf32>,
        %parallel_loop3A_320 = arith.index_cast %parallel_loop3A_151 : i32 to index
        %parallel_loop3A_321 = arith.constant 224 : index
        %parallel_loop3A_322 = tpu.vector_load %arg7[%parallel_loop3A_320, %parallel_loop3A_321] {strides = array<i32>} : memref<16x1024xf32, #tpu.memory_space<vmem>>, vector<1x16xf32>,
        %parallel_loop3A_323 = vector.shape_cast %parallel_loop3A_322 : vector<1x16xf32> to vector<16xf32>
        %parallel_loop3A_324 = arith.constant 3.200000e+01 : f32
        %parallel_loop3A_325 = vector.broadcast %parallel_loop3A_324 : f32 to vector<16xf32>
        %parallel_loop3A_326 = arith.mulf %parallel_loop3A_323, %parallel_loop3A_325 : vector<16xf32>
        %parallel_loop3A_327 = arith.index_cast %parallel_loop3A_151 : i32 to index
        %parallel_loop3A_328 = arith.constant 224 : index
        %parallel_loop3A_329 = tpu.vector_load %arg7[%parallel_loop3A_327, %parallel_loop3A_328] {strides = array<i32>} : memref<16x1024xf32, #tpu.memory_space<vmem>>, vector<1x16xf32>,
        %parallel_loop3A_330 = vector.shape_cast %parallel_loop3A_329 : vector<1x16xf32> to vector<16xf32>
        %parallel_loop3A_331 = vector.shape_cast %parallel_loop3A_326 : vector<16xf32> to vector<1x16xf32>
        tpu.vector_store %arg7[%parallel_loop3A_327, %parallel_loop3A_328], %parallel_loop3A_331 {strides = array<i32>} : memref<16x1024xf32, #tpu.memory_space<vmem>>, vector<1x16xf32>,
        %parallel_loop3A_332 = arith.index_cast %parallel_loop3A_151 : i32 to index
        %parallel_loop3A_333 = arith.constant 240 : index
        %parallel_loop3A_334 = tpu.vector_load %arg7[%parallel_loop3A_332, %parallel_loop3A_333] {strides = array<i32>} : memref<16x1024xf32, #tpu.memory_space<vmem>>, vector<1x16xf32>,
        %parallel_loop3A_335 = vector.shape_cast %parallel_loop3A_334 : vector<1x16xf32> to vector<16xf32>
        %parallel_loop3A_336 = arith.constant 3.200000e+01 : f32
        %parallel_loop3A_337 = vector.broadcast %parallel_loop3A_336 : f32 to vector<16xf32>
        %parallel_loop3A_338 = arith.mulf %parallel_loop3A_335, %parallel_loop3A_337 : vector<16xf32>
        %parallel_loop3A_339 = arith.index_cast %parallel_loop3A_151 : i32 to index
        %parallel_loop3A_340 = arith.constant 240 : index
        %parallel_loop3A_341 = tpu.vector_load %arg7[%parallel_loop3A_339, %parallel_loop3A_340] {strides = array<i32>} : memref<16x1024xf32, #tpu.memory_space<vmem>>, vector<1x16xf32>,
        %parallel_loop3A_342 = vector.shape_cast %parallel_loop3A_341 : vector<1x16xf32> to vector<16xf32>
        %parallel_loop3A_343 = vector.shape_cast %parallel_loop3A_338 : vector<16xf32> to vector<1x16xf32>
        tpu.vector_store %arg7[%parallel_loop3A_339, %parallel_loop3A_340], %parallel_loop3A_343 {strides = array<i32>} : memref<16x1024xf32, #tpu.memory_space<vmem>>, vector<1x16xf32>,
        %parallel_loop3A_344 = arith.index_cast %parallel_loop3A_151 : i32 to index
        %parallel_loop3A_345 = arith.constant 256 : index
        %parallel_loop3A_346 = tpu.vector_load %arg7[%parallel_loop3A_344, %parallel_loop3A_345] {strides = array<i32>} : memref<16x1024xf32, #tpu.memory_space<vmem>>, vector<1x16xf32>,
        %parallel_loop3A_347 = vector.shape_cast %parallel_loop3A_346 : vector<1x16xf32> to vector<16xf32>
        %parallel_loop3A_348 = arith.constant 3.200000e+01 : f32
        %parallel_loop3A_349 = vector.broadcast %parallel_loop3A_348 : f32 to vector<16xf32>
        %parallel_loop3A_350 = arith.mulf %parallel_loop3A_347, %parallel_loop3A_349 : vector<16xf32>
        %parallel_loop3A_351 = arith.index_cast %parallel_loop3A_151 : i32 to index
        %parallel_loop3A_352 = arith.constant 256 : index
        %parallel_loop3A_353 = tpu.vector_load %arg7[%parallel_loop3A_351, %parallel_loop3A_352] {strides = array<i32>} : memref<16x1024xf32, #tpu.memory_space<vmem>>, vector<1x16xf32>,
        %parallel_loop3A_354 = vector.shape_cast %parallel_loop3A_353 : vector<1x16xf32> to vector<16xf32>
        %parallel_loop3A_355 = vector.shape_cast %parallel_loop3A_350 : vector<16xf32> to vector<1x16xf32>
        tpu.vector_store %arg7[%parallel_loop3A_351, %parallel_loop3A_352], %parallel_loop3A_355 {strides = array<i32>} : memref<16x1024xf32, #tpu.memory_space<vmem>>, vector<1x16xf32>,
        %parallel_loop3A_356 = arith.index_cast %parallel_loop3A_151 : i32 to index
        %parallel_loop3A_357 = arith.constant 272 : index
        %parallel_loop3A_358 = tpu.vector_load %arg7[%parallel_loop3A_356, %parallel_loop3A_357] {strides = array<i32>} : memref<16x1024xf32, #tpu.memory_space<vmem>>, vector<1x16xf32>,
        %parallel_loop3A_359 = vector.shape_cast %parallel_loop3A_358 : vector<1x16xf32> to vector<16xf32>
        %parallel_loop3A_360 = arith.constant 3.200000e+01 : f32
        %parallel_loop3A_361 = vector.broadcast %parallel_loop3A_360 : f32 to vector<16xf32>
        %parallel_loop3A_362 = arith.mulf %parallel_loop3A_359, %parallel_loop3A_361 : vector<16xf32>
        %parallel_loop3A_363 = arith.index_cast %parallel_loop3A_151 : i32 to index
        %parallel_loop3A_364 = arith.constant 272 : index
        %parallel_loop3A_365 = tpu.vector_load %arg7[%parallel_loop3A_363, %parallel_loop3A_364] {strides = array<i32>} : memref<16x1024xf32, #tpu.memory_space<vmem>>, vector<1x16xf32>,
        %parallel_loop3A_366 = vector.shape_cast %parallel_loop3A_365 : vector<1x16xf32> to vector<16xf32>
        %parallel_loop3A_367 = vector.shape_cast %parallel_loop3A_362 : vector<16xf32> to vector<1x16xf32>
        tpu.vector_store %arg7[%parallel_loop3A_363, %parallel_loop3A_364], %parallel_loop3A_367 {strides = array<i32>} : memref<16x1024xf32, #tpu.memory_space<vmem>>, vector<1x16xf32>,
        %parallel_loop3A_368 = arith.index_cast %parallel_loop3A_151 : i32 to index
        %parallel_loop3A_369 = arith.constant 288 : index
        %parallel_loop3A_370 = tpu.vector_load %arg7[%parallel_loop3A_368, %parallel_loop3A_369] {strides = array<i32>} : memref<16x1024xf32, #tpu.memory_space<vmem>>, vector<1x16xf32>,
        %parallel_loop3A_371 = vector.shape_cast %parallel_loop3A_370 : vector<1x16xf32> to vector<16xf32>
        %parallel_loop3A_372 = arith.constant 3.200000e+01 : f32
        %parallel_loop3A_373 = vector.broadcast %parallel_loop3A_372 : f32 to vector<16xf32>
        %parallel_loop3A_374 = arith.mulf %parallel_loop3A_371, %parallel_loop3A_373 : vector<16xf32>
        %parallel_loop3A_375 = arith.index_cast %parallel_loop3A_151 : i32 to index
        %parallel_loop3A_376 = arith.constant 288 : index
        %parallel_loop3A_377 = tpu.vector_load %arg7[%parallel_loop3A_375, %parallel_loop3A_376] {strides = array<i32>} : memref<16x1024xf32, #tpu.memory_space<vmem>>, vector<1x16xf32>,
        %parallel_loop3A_378 = vector.shape_cast %parallel_loop3A_377 : vector<1x16xf32> to vector<16xf32>
        %parallel_loop3A_379 = vector.shape_cast %parallel_loop3A_374 : vector<16xf32> to vector<1x16xf32>
        tpu.vector_store %arg7[%parallel_loop3A_375, %parallel_loop3A_376], %parallel_loop3A_379 {strides = array<i32>} : memref<16x1024xf32, #tpu.memory_space<vmem>>, vector<1x16xf32>,
        %parallel_loop3A_380 = arith.index_cast %parallel_loop3A_151 : i32 to index
        %parallel_loop3A_381 = arith.constant 304 : index
        %parallel_loop3A_382 = tpu.vector_load %arg7[%parallel_loop3A_380, %parallel_loop3A_381] {strides = array<i32>} : memref<16x1024xf32, #tpu.memory_space<vmem>>, vector<1x16xf32>,
        %parallel_loop3A_383 = vector.shape_cast %parallel_loop3A_382 : vector<1x16xf32> to vector<16xf32>
        %parallel_loop3A_384 = arith.constant 3.200000e+01 : f32
        %parallel_loop3A_385 = vector.broadcast %parallel_loop3A_384 : f32 to vector<16xf32>
        %parallel_loop3A_386 = arith.mulf %parallel_loop3A_383, %parallel_loop3A_385 : vector<16xf32>
        %parallel_loop3A_387 = arith.index_cast %parallel_loop3A_151 : i32 to index
        %parallel_loop3A_388 = arith.constant 304 : index
        %parallel_loop3A_389 = tpu.vector_load %arg7[%parallel_loop3A_387, %parallel_loop3A_388] {strides = array<i32>} : memref<16x1024xf32, #tpu.memory_space<vmem>>, vector<1x16xf32>,
        %parallel_loop3A_390 = vector.shape_cast %parallel_loop3A_389 : vector<1x16xf32> to vector<16xf32>
        %parallel_loop3A_391 = vector.shape_cast %parallel_loop3A_386 : vector<16xf32> to vector<1x16xf32>
        tpu.vector_store %arg7[%parallel_loop3A_387, %parallel_loop3A_388], %parallel_loop3A_391 {strides = array<i32>} : memref<16x1024xf32, #tpu.memory_space<vmem>>, vector<1x16xf32>,
        %parallel_loop3A_392 = arith.index_cast %parallel_loop3A_151 : i32 to index
        %parallel_loop3A_393 = arith.constant 320 : index
        %parallel_loop3A_394 = tpu.vector_load %arg7[%parallel_loop3A_392, %parallel_loop3A_393] {strides = array<i32>} : memref<16x1024xf32, #tpu.memory_space<vmem>>, vector<1x16xf32>,
        %parallel_loop3A_395 = vector.shape_cast %parallel_loop3A_394 : vector<1x16xf32> to vector<16xf32>
        %parallel_loop3A_396 = arith.constant 3.200000e+01 : f32
        %parallel_loop3A_397 = vector.broadcast %parallel_loop3A_396 : f32 to vector<16xf32>
        %parallel_loop3A_398 = arith.mulf %parallel_loop3A_395, %parallel_loop3A_397 : vector<16xf32>
        %parallel_loop3A_399 = arith.index_cast %parallel_loop3A_151 : i32 to index
        %parallel_loop3A_400 = arith.constant 320 : index
        %parallel_loop3A_401 = tpu.vector_load %arg7[%parallel_loop3A_399, %parallel_loop3A_400] {strides = array<i32>} : memref<16x1024xf32, #tpu.memory_space<vmem>>, vector<1x16xf32>,
        %parallel_loop3A_402 = vector.shape_cast %parallel_loop3A_401 : vector<1x16xf32> to vector<16xf32>
        %parallel_loop3A_403 = vector.shape_cast %parallel_loop3A_398 : vector<16xf32> to vector<1x16xf32>
        tpu.vector_store %arg7[%parallel_loop3A_399, %parallel_loop3A_400], %parallel_loop3A_403 {strides = array<i32>} : memref<16x1024xf32, #tpu.memory_space<vmem>>, vector<1x16xf32>,
        %parallel_loop3A_404 = arith.index_cast %parallel_loop3A_151 : i32 to index
        %parallel_loop3A_405 = arith.constant 336 : index
        %parallel_loop3A_406 = tpu.vector_load %arg7[%parallel_loop3A_404, %parallel_loop3A_405] {strides = array<i32>} : memref<16x1024xf32, #tpu.memory_space<vmem>>, vector<1x16xf32>,
        %parallel_loop3A_407 = vector.shape_cast %parallel_loop3A_406 : vector<1x16xf32> to vector<16xf32>
        %parallel_loop3A_408 = arith.constant 3.200000e+01 : f32
        %parallel_loop3A_409 = vector.broadcast %parallel_loop3A_408 : f32 to vector<16xf32>
        %parallel_loop3A_410 = arith.mulf %parallel_loop3A_407, %parallel_loop3A_409 : vector<16xf32>
        %parallel_loop3A_411 = arith.index_cast %parallel_loop3A_151 : i32 to index
        %parallel_loop3A_412 = arith.constant 336 : index
        %parallel_loop3A_413 = tpu.vector_load %arg7[%parallel_loop3A_411, %parallel_loop3A_412] {strides = array<i32>} : memref<16x1024xf32, #tpu.memory_space<vmem>>, vector<1x16xf32>,
        %parallel_loop3A_414 = vector.shape_cast %parallel_loop3A_413 : vector<1x16xf32> to vector<16xf32>
        %parallel_loop3A_415 = vector.shape_cast %parallel_loop3A_410 : vector<16xf32> to vector<1x16xf32>
        tpu.vector_store %arg7[%parallel_loop3A_411, %parallel_loop3A_412], %parallel_loop3A_415 {strides = array<i32>} : memref<16x1024xf32, #tpu.memory_space<vmem>>, vector<1x16xf32>,
        %parallel_loop3A_416 = arith.index_cast %parallel_loop3A_151 : i32 to index
        %parallel_loop3A_417 = arith.constant 352 : index
        %parallel_loop3A_418 = tpu.vector_load %arg7[%parallel_loop3A_416, %parallel_loop3A_417] {strides = array<i32>} : memref<16x1024xf32, #tpu.memory_space<vmem>>, vector<1x16xf32>,
        %parallel_loop3A_419 = vector.shape_cast %parallel_loop3A_418 : vector<1x16xf32> to vector<16xf32>
        %parallel_loop3A_420 = arith.constant 3.200000e+01 : f32
        %parallel_loop3A_421 = vector.broadcast %parallel_loop3A_420 : f32 to vector<16xf32>
        %parallel_loop3A_422 = arith.mulf %parallel_loop3A_419, %parallel_loop3A_421 : vector<16xf32>
        %parallel_loop3A_423 = arith.index_cast %parallel_loop3A_151 : i32 to index
        %parallel_loop3A_424 = arith.constant 352 : index
        %parallel_loop3A_425 = tpu.vector_load %arg7[%parallel_loop3A_423, %parallel_loop3A_424] {strides = array<i32>} : memref<16x1024xf32, #tpu.memory_space<vmem>>, vector<1x16xf32>,
        %parallel_loop3A_426 = vector.shape_cast %parallel_loop3A_425 : vector<1x16xf32> to vector<16xf32>
        %parallel_loop3A_427 = vector.shape_cast %parallel_loop3A_422 : vector<16xf32> to vector<1x16xf32>
        tpu.vector_store %arg7[%parallel_loop3A_423, %parallel_loop3A_424], %parallel_loop3A_427 {strides = array<i32>} : memref<16x1024xf32, #tpu.memory_space<vmem>>, vector<1x16xf32>,
        %parallel_loop3A_428 = arith.index_cast %parallel_loop3A_151 : i32 to index
        %parallel_loop3A_429 = arith.constant 368 : index
        %parallel_loop3A_430 = tpu.vector_load %arg7[%parallel_loop3A_428, %parallel_loop3A_429] {strides = array<i32>} : memref<16x1024xf32, #tpu.memory_space<vmem>>, vector<1x16xf32>,
        %parallel_loop3A_431 = vector.shape_cast %parallel_loop3A_430 : vector<1x16xf32> to vector<16xf32>
        %parallel_loop3A_432 = arith.constant 3.200000e+01 : f32
        %parallel_loop3A_433 = vector.broadcast %parallel_loop3A_432 : f32 to vector<16xf32>
        %parallel_loop3A_434 = arith.mulf %parallel_loop3A_431, %parallel_loop3A_433 : vector<16xf32>
        %parallel_loop3A_435 = arith.index_cast %parallel_loop3A_151 : i32 to index
        %parallel_loop3A_436 = arith.constant 368 : index
        %parallel_loop3A_437 = tpu.vector_load %arg7[%parallel_loop3A_435, %parallel_loop3A_436] {strides = array<i32>} : memref<16x1024xf32, #tpu.memory_space<vmem>>, vector<1x16xf32>,
        %parallel_loop3A_438 = vector.shape_cast %parallel_loop3A_437 : vector<1x16xf32> to vector<16xf32>
        %parallel_loop3A_439 = vector.shape_cast %parallel_loop3A_434 : vector<16xf32> to vector<1x16xf32>
        tpu.vector_store %arg7[%parallel_loop3A_435, %parallel_loop3A_436], %parallel_loop3A_439 {strides = array<i32>} : memref<16x1024xf32, #tpu.memory_space<vmem>>, vector<1x16xf32>,
        %parallel_loop3A_440 = arith.index_cast %parallel_loop3A_151 : i32 to index
        %parallel_loop3A_441 = arith.constant 384 : index
        %parallel_loop3A_442 = tpu.vector_load %arg7[%parallel_loop3A_440, %parallel_loop3A_441] {strides = array<i32>} : memref<16x1024xf32, #tpu.memory_space<vmem>>, vector<1x16xf32>,
        %parallel_loop3A_443 = vector.shape_cast %parallel_loop3A_442 : vector<1x16xf32> to vector<16xf32>
        %parallel_loop3A_444 = arith.constant 3.200000e+01 : f32
        %parallel_loop3A_445 = vector.broadcast %parallel_loop3A_444 : f32 to vector<16xf32>
        %parallel_loop3A_446 = arith.mulf %parallel_loop3A_443, %parallel_loop3A_445 : vector<16xf32>
        %parallel_loop3A_447 = arith.index_cast %parallel_loop3A_151 : i32 to index
        %parallel_loop3A_448 = arith.constant 384 : index
        %parallel_loop3A_449 = tpu.vector_load %arg7[%parallel_loop3A_447, %parallel_loop3A_448] {strides = array<i32>} : memref<16x1024xf32, #tpu.memory_space<vmem>>, vector<1x16xf32>,
        %parallel_loop3A_450 = vector.shape_cast %parallel_loop3A_449 : vector<1x16xf32> to vector<16xf32>
        %parallel_loop3A_451 = vector.shape_cast %parallel_loop3A_446 : vector<16xf32> to vector<1x16xf32>
        tpu.vector_store %arg7[%parallel_loop3A_447, %parallel_loop3A_448], %parallel_loop3A_451 {strides = array<i32>} : memref<16x1024xf32, #tpu.memory_space<vmem>>, vector<1x16xf32>,
        %parallel_loop3A_452 = arith.index_cast %parallel_loop3A_151 : i32 to index
        %parallel_loop3A_453 = arith.constant 400 : index
        %parallel_loop3A_454 = tpu.vector_load %arg7[%parallel_loop3A_452, %parallel_loop3A_453] {strides = array<i32>} : memref<16x1024xf32, #tpu.memory_space<vmem>>, vector<1x16xf32>,
        %parallel_loop3A_455 = vector.shape_cast %parallel_loop3A_454 : vector<1x16xf32> to vector<16xf32>
        %parallel_loop3A_456 = arith.constant 3.200000e+01 : f32
        %parallel_loop3A_457 = vector.broadcast %parallel_loop3A_456 : f32 to vector<16xf32>
        %parallel_loop3A_458 = arith.mulf %parallel_loop3A_455, %parallel_loop3A_457 : vector<16xf32>
        %parallel_loop3A_459 = arith.index_cast %parallel_loop3A_151 : i32 to index
        %parallel_loop3A_460 = arith.constant 400 : index
        %parallel_loop3A_461 = tpu.vector_load %arg7[%parallel_loop3A_459, %parallel_loop3A_460] {strides = array<i32>} : memref<16x1024xf32, #tpu.memory_space<vmem>>, vector<1x16xf32>,
        %parallel_loop3A_462 = vector.shape_cast %parallel_loop3A_461 : vector<1x16xf32> to vector<16xf32>
        %parallel_loop3A_463 = vector.shape_cast %parallel_loop3A_458 : vector<16xf32> to vector<1x16xf32>
        tpu.vector_store %arg7[%parallel_loop3A_459, %parallel_loop3A_460], %parallel_loop3A_463 {strides = array<i32>} : memref<16x1024xf32, #tpu.memory_space<vmem>>, vector<1x16xf32>,
        %parallel_loop3A_464 = arith.index_cast %parallel_loop3A_151 : i32 to index
        %parallel_loop3A_465 = arith.constant 416 : index
        %parallel_loop3A_466 = tpu.vector_load %arg7[%parallel_loop3A_464, %parallel_loop3A_465] {strides = array<i32>} : memref<16x1024xf32, #tpu.memory_space<vmem>>, vector<1x16xf32>,
        %parallel_loop3A_467 = vector.shape_cast %parallel_loop3A_466 : vector<1x16xf32> to vector<16xf32>
        %parallel_loop3A_468 = arith.constant 3.200000e+01 : f32
        %parallel_loop3A_469 = vector.broadcast %parallel_loop3A_468 : f32 to vector<16xf32>
        %parallel_loop3A_470 = arith.mulf %parallel_loop3A_467, %parallel_loop3A_469 : vector<16xf32>
        %parallel_loop3A_471 = arith.index_cast %parallel_loop3A_151 : i32 to index
        %parallel_loop3A_472 = arith.constant 416 : index
        %parallel_loop3A_473 = tpu.vector_load %arg7[%parallel_loop3A_471, %parallel_loop3A_472] {strides = array<i32>} : memref<16x1024xf32, #tpu.memory_space<vmem>>, vector<1x16xf32>,
        %parallel_loop3A_474 = vector.shape_cast %parallel_loop3A_473 : vector<1x16xf32> to vector<16xf32>
        %parallel_loop3A_475 = vector.shape_cast %parallel_loop3A_470 : vector<16xf32> to vector<1x16xf32>
        tpu.vector_store %arg7[%parallel_loop3A_471, %parallel_loop3A_472], %parallel_loop3A_475 {strides = array<i32>} : memref<16x1024xf32, #tpu.memory_space<vmem>>, vector<1x16xf32>,
        %parallel_loop3A_476 = arith.index_cast %parallel_loop3A_151 : i32 to index
        %parallel_loop3A_477 = arith.constant 432 : index
        %parallel_loop3A_478 = tpu.vector_load %arg7[%parallel_loop3A_476, %parallel_loop3A_477] {strides = array<i32>} : memref<16x1024xf32, #tpu.memory_space<vmem>>, vector<1x16xf32>,
        %parallel_loop3A_479 = vector.shape_cast %parallel_loop3A_478 : vector<1x16xf32> to vector<16xf32>
        %parallel_loop3A_480 = arith.constant 3.200000e+01 : f32
        %parallel_loop3A_481 = vector.broadcast %parallel_loop3A_480 : f32 to vector<16xf32>
        %parallel_loop3A_482 = arith.mulf %parallel_loop3A_479, %parallel_loop3A_481 : vector<16xf32>
        %parallel_loop3A_483 = arith.index_cast %parallel_loop3A_151 : i32 to index
        %parallel_loop3A_484 = arith.constant 432 : index
        %parallel_loop3A_485 = tpu.vector_load %arg7[%parallel_loop3A_483, %parallel_loop3A_484] {strides = array<i32>} : memref<16x1024xf32, #tpu.memory_space<vmem>>, vector<1x16xf32>,
        %parallel_loop3A_486 = vector.shape_cast %parallel_loop3A_485 : vector<1x16xf32> to vector<16xf32>
        %parallel_loop3A_487 = vector.shape_cast %parallel_loop3A_482 : vector<16xf32> to vector<1x16xf32>
        tpu.vector_store %arg7[%parallel_loop3A_483, %parallel_loop3A_484], %parallel_loop3A_487 {strides = array<i32>} : memref<16x1024xf32, #tpu.memory_space<vmem>>, vector<1x16xf32>,
        %parallel_loop3A_488 = arith.index_cast %parallel_loop3A_151 : i32 to index
        %parallel_loop3A_489 = arith.constant 448 : index
        %parallel_loop3A_490 = tpu.vector_load %arg7[%parallel_loop3A_488, %parallel_loop3A_489] {strides = array<i32>} : memref<16x1024xf32, #tpu.memory_space<vmem>>, vector<1x16xf32>,
        %parallel_loop3A_491 = vector.shape_cast %parallel_loop3A_490 : vector<1x16xf32> to vector<16xf32>
        %parallel_loop3A_492 = arith.constant 3.200000e+01 : f32
        %parallel_loop3A_493 = vector.broadcast %parallel_loop3A_492 : f32 to vector<16xf32>
        %parallel_loop3A_494 = arith.mulf %parallel_loop3A_491, %parallel_loop3A_493 : vector<16xf32>
        %parallel_loop3A_495 = arith.index_cast %parallel_loop3A_151 : i32 to index
        %parallel_loop3A_496 = arith.constant 448 : index
        %parallel_loop3A_497 = tpu.vector_load %arg7[%parallel_loop3A_495, %parallel_loop3A_496] {strides = array<i32>} : memref<16x1024xf32, #tpu.memory_space<vmem>>, vector<1x16xf32>,
        %parallel_loop3A_498 = vector.shape_cast %parallel_loop3A_497 : vector<1x16xf32> to vector<16xf32>
        %parallel_loop3A_499 = vector.shape_cast %parallel_loop3A_494 : vector<16xf32> to vector<1x16xf32>
        tpu.vector_store %arg7[%parallel_loop3A_495, %parallel_loop3A_496], %parallel_loop3A_499 {strides = array<i32>} : memref<16x1024xf32, #tpu.memory_space<vmem>>, vector<1x16xf32>,
        %parallel_loop3A_500 = arith.index_cast %parallel_loop3A_151 : i32 to index
        %parallel_loop3A_501 = arith.constant 464 : index
        %parallel_loop3A_502 = tpu.vector_load %arg7[%parallel_loop3A_500, %parallel_loop3A_501] {strides = array<i32>} : memref<16x1024xf32, #tpu.memory_space<vmem>>, vector<1x16xf32>,
        %parallel_loop3A_503 = vector.shape_cast %parallel_loop3A_502 : vector<1x16xf32> to vector<16xf32>
        %parallel_loop3A_504 = arith.constant 3.200000e+01 : f32
        %parallel_loop3A_505 = vector.broadcast %parallel_loop3A_504 : f32 to vector<16xf32>
        %parallel_loop3A_506 = arith.mulf %parallel_loop3A_503, %parallel_loop3A_505 : vector<16xf32>
        %parallel_loop3A_507 = arith.index_cast %parallel_loop3A_151 : i32 to index
        %parallel_loop3A_508 = arith.constant 464 : index
        %parallel_loop3A_509 = tpu.vector_load %arg7[%parallel_loop3A_507, %parallel_loop3A_508] {strides = array<i32>} : memref<16x1024xf32, #tpu.memory_space<vmem>>, vector<1x16xf32>,
        %parallel_loop3A_510 = vector.shape_cast %parallel_loop3A_509 : vector<1x16xf32> to vector<16xf32>
        %parallel_loop3A_511 = vector.shape_cast %parallel_loop3A_506 : vector<16xf32> to vector<1x16xf32>
        tpu.vector_store %arg7[%parallel_loop3A_507, %parallel_loop3A_508], %parallel_loop3A_511 {strides = array<i32>} : memref<16x1024xf32, #tpu.memory_space<vmem>>, vector<1x16xf32>,
        %parallel_loop3A_512 = arith.index_cast %parallel_loop3A_151 : i32 to index
        %parallel_loop3A_513 = arith.constant 480 : index
        %parallel_loop3A_514 = tpu.vector_load %arg7[%parallel_loop3A_512, %parallel_loop3A_513] {strides = array<i32>} : memref<16x1024xf32, #tpu.memory_space<vmem>>, vector<1x16xf32>,
        %parallel_loop3A_515 = vector.shape_cast %parallel_loop3A_514 : vector<1x16xf32> to vector<16xf32>
        %parallel_loop3A_516 = arith.constant 3.200000e+01 : f32
        %parallel_loop3A_517 = vector.broadcast %parallel_loop3A_516 : f32 to vector<16xf32>
        %parallel_loop3A_518 = arith.mulf %parallel_loop3A_515, %parallel_loop3A_517 : vector<16xf32>
        %parallel_loop3A_519 = arith.index_cast %parallel_loop3A_151 : i32 to index
        %parallel_loop3A_520 = arith.constant 480 : index
        %parallel_loop3A_521 = tpu.vector_load %arg7[%parallel_loop3A_519, %parallel_loop3A_520] {strides = array<i32>} : memref<16x1024xf32, #tpu.memory_space<vmem>>, vector<1x16xf32>,
        %parallel_loop3A_522 = vector.shape_cast %parallel_loop3A_521 : vector<1x16xf32> to vector<16xf32>
        %parallel_loop3A_523 = vector.shape_cast %parallel_loop3A_518 : vector<16xf32> to vector<1x16xf32>
        tpu.vector_store %arg7[%parallel_loop3A_519, %parallel_loop3A_520], %parallel_loop3A_523 {strides = array<i32>} : memref<16x1024xf32, #tpu.memory_space<vmem>>, vector<1x16xf32>,
        %parallel_loop3A_524 = arith.index_cast %parallel_loop3A_151 : i32 to index
        %parallel_loop3A_525 = arith.constant 496 : index
        %parallel_loop3A_526 = tpu.vector_load %arg7[%parallel_loop3A_524, %parallel_loop3A_525] {strides = array<i32>} : memref<16x1024xf32, #tpu.memory_space<vmem>>, vector<1x16xf32>,
        %parallel_loop3A_527 = vector.shape_cast %parallel_loop3A_526 : vector<1x16xf32> to vector<16xf32>
        %parallel_loop3A_528 = arith.constant 3.200000e+01 : f32
        %parallel_loop3A_529 = vector.broadcast %parallel_loop3A_528 : f32 to vector<16xf32>
        %parallel_loop3A_530 = arith.mulf %parallel_loop3A_527, %parallel_loop3A_529 : vector<16xf32>
        %parallel_loop3A_531 = arith.index_cast %parallel_loop3A_151 : i32 to index
        %parallel_loop3A_532 = arith.constant 496 : index
        %parallel_loop3A_533 = tpu.vector_load %arg7[%parallel_loop3A_531, %parallel_loop3A_532] {strides = array<i32>} : memref<16x1024xf32, #tpu.memory_space<vmem>>, vector<1x16xf32>,
        %parallel_loop3A_534 = vector.shape_cast %parallel_loop3A_533 : vector<1x16xf32> to vector<16xf32>
        %parallel_loop3A_535 = vector.shape_cast %parallel_loop3A_530 : vector<16xf32> to vector<1x16xf32>
        tpu.vector_store %arg7[%parallel_loop3A_531, %parallel_loop3A_532], %parallel_loop3A_535 {strides = array<i32>} : memref<16x1024xf32, #tpu.memory_space<vmem>>, vector<1x16xf32>,
        %parallel_loop3A_536 = arith.index_cast %parallel_loop3A_151 : i32 to index
        %parallel_loop3A_537 = arith.constant 512 : index
        %parallel_loop3A_538 = tpu.vector_load %arg7[%parallel_loop3A_536, %parallel_loop3A_537] {strides = array<i32>} : memref<16x1024xf32, #tpu.memory_space<vmem>>, vector<1x16xf32>,
        %parallel_loop3A_539 = vector.shape_cast %parallel_loop3A_538 : vector<1x16xf32> to vector<16xf32>
        %parallel_loop3A_540 = arith.constant 3.200000e+01 : f32
        %parallel_loop3A_541 = vector.broadcast %parallel_loop3A_540 : f32 to vector<16xf32>
        %parallel_loop3A_542 = arith.mulf %parallel_loop3A_539, %parallel_loop3A_541 : vector<16xf32>
        %parallel_loop3A_543 = arith.index_cast %parallel_loop3A_151 : i32 to index
        %parallel_loop3A_544 = arith.constant 512 : index
        %parallel_loop3A_545 = tpu.vector_load %arg7[%parallel_loop3A_543, %parallel_loop3A_544] {strides = array<i32>} : memref<16x1024xf32, #tpu.memory_space<vmem>>, vector<1x16xf32>,
        %parallel_loop3A_546 = vector.shape_cast %parallel_loop3A_545 : vector<1x16xf32> to vector<16xf32>
        %parallel_loop3A_547 = vector.shape_cast %parallel_loop3A_542 : vector<16xf32> to vector<1x16xf32>
        tpu.vector_store %arg7[%parallel_loop3A_543, %parallel_loop3A_544], %parallel_loop3A_547 {strides = array<i32>} : memref<16x1024xf32, #tpu.memory_space<vmem>>, vector<1x16xf32>,
        %parallel_loop3A_548 = arith.index_cast %parallel_loop3A_151 : i32 to index
        %parallel_loop3A_549 = arith.constant 528 : index
        %parallel_loop3A_550 = tpu.vector_load %arg7[%parallel_loop3A_548, %parallel_loop3A_549] {strides = array<i32>} : memref<16x1024xf32, #tpu.memory_space<vmem>>, vector<1x16xf32>,
        %parallel_loop3A_551 = vector.shape_cast %parallel_loop3A_550 : vector<1x16xf32> to vector<16xf32>
        %parallel_loop3A_552 = arith.constant 3.200000e+01 : f32
        %parallel_loop3A_553 = vector.broadcast %parallel_loop3A_552 : f32 to vector<16xf32>
        %parallel_loop3A_554 = arith.mulf %parallel_loop3A_551, %parallel_loop3A_553 : vector<16xf32>
        %parallel_loop3A_555 = arith.index_cast %parallel_loop3A_151 : i32 to index
        %parallel_loop3A_556 = arith.constant 528 : index
        %parallel_loop3A_557 = tpu.vector_load %arg7[%parallel_loop3A_555, %parallel_loop3A_556] {strides = array<i32>} : memref<16x1024xf32, #tpu.memory_space<vmem>>, vector<1x16xf32>,
        %parallel_loop3A_558 = vector.shape_cast %parallel_loop3A_557 : vector<1x16xf32> to vector<16xf32>
        %parallel_loop3A_559 = vector.shape_cast %parallel_loop3A_554 : vector<16xf32> to vector<1x16xf32>
        tpu.vector_store %arg7[%parallel_loop3A_555, %parallel_loop3A_556], %parallel_loop3A_559 {strides = array<i32>} : memref<16x1024xf32, #tpu.memory_space<vmem>>, vector<1x16xf32>,
        %parallel_loop3A_560 = arith.index_cast %parallel_loop3A_151 : i32 to index
        %parallel_loop3A_561 = arith.constant 544 : index
        %parallel_loop3A_562 = tpu.vector_load %arg7[%parallel_loop3A_560, %parallel_loop3A_561] {strides = array<i32>} : memref<16x1024xf32, #tpu.memory_space<vmem>>, vector<1x16xf32>,
        %parallel_loop3A_563 = vector.shape_cast %parallel_loop3A_562 : vector<1x16xf32> to vector<16xf32>
        %parallel_loop3A_564 = arith.constant 3.200000e+01 : f32
        %parallel_loop3A_565 = vector.broadcast %parallel_loop3A_564 : f32 to vector<16xf32>
        %parallel_loop3A_566 = arith.mulf %parallel_loop3A_563, %parallel_loop3A_565 : vector<16xf32>
        %parallel_loop3A_567 = arith.index_cast %parallel_loop3A_151 : i32 to index
        %parallel_loop3A_568 = arith.constant 544 : index
        %parallel_loop3A_569 = tpu.vector_load %arg7[%parallel_loop3A_567, %parallel_loop3A_568] {strides = array<i32>} : memref<16x1024xf32, #tpu.memory_space<vmem>>, vector<1x16xf32>,
        %parallel_loop3A_570 = vector.shape_cast %parallel_loop3A_569 : vector<1x16xf32> to vector<16xf32>
        %parallel_loop3A_571 = vector.shape_cast %parallel_loop3A_566 : vector<16xf32> to vector<1x16xf32>
        tpu.vector_store %arg7[%parallel_loop3A_567, %parallel_loop3A_568], %parallel_loop3A_571 {strides = array<i32>} : memref<16x1024xf32, #tpu.memory_space<vmem>>, vector<1x16xf32>,
        %parallel_loop3A_572 = arith.index_cast %parallel_loop3A_151 : i32 to index
        %parallel_loop3A_573 = arith.constant 560 : index
        %parallel_loop3A_574 = tpu.vector_load %arg7[%parallel_loop3A_572, %parallel_loop3A_573] {strides = array<i32>} : memref<16x1024xf32, #tpu.memory_space<vmem>>, vector<1x16xf32>,
        %parallel_loop3A_575 = vector.shape_cast %parallel_loop3A_574 : vector<1x16xf32> to vector<16xf32>
        %parallel_loop3A_576 = arith.constant 3.200000e+01 : f32
        %parallel_loop3A_577 = vector.broadcast %parallel_loop3A_576 : f32 to vector<16xf32>
        %parallel_loop3A_578 = arith.mulf %parallel_loop3A_575, %parallel_loop3A_577 : vector<16xf32>
        %parallel_loop3A_579 = arith.index_cast %parallel_loop3A_151 : i32 to index
        %parallel_loop3A_580 = arith.constant 560 : index
        %parallel_loop3A_581 = tpu.vector_load %arg7[%parallel_loop3A_579, %parallel_loop3A_580] {strides = array<i32>} : memref<16x1024xf32, #tpu.memory_space<vmem>>, vector<1x16xf32>,
        %parallel_loop3A_582 = vector.shape_cast %parallel_loop3A_581 : vector<1x16xf32> to vector<16xf32>
        %parallel_loop3A_583 = vector.shape_cast %parallel_loop3A_578 : vector<16xf32> to vector<1x16xf32>
        tpu.vector_store %arg7[%parallel_loop3A_579, %parallel_loop3A_580], %parallel_loop3A_583 {strides = array<i32>} : memref<16x1024xf32, #tpu.memory_space<vmem>>, vector<1x16xf32>,
        %parallel_loop3A_584 = arith.index_cast %parallel_loop3A_151 : i32 to index
        %parallel_loop3A_585 = arith.constant 576 : index
        %parallel_loop3A_586 = tpu.vector_load %arg7[%parallel_loop3A_584, %parallel_loop3A_585] {strides = array<i32>} : memref<16x1024xf32, #tpu.memory_space<vmem>>, vector<1x16xf32>,
        %parallel_loop3A_587 = vector.shape_cast %parallel_loop3A_586 : vector<1x16xf32> to vector<16xf32>
        %parallel_loop3A_588 = arith.constant 3.200000e+01 : f32
        %parallel_loop3A_589 = vector.broadcast %parallel_loop3A_588 : f32 to vector<16xf32>
        %parallel_loop3A_590 = arith.mulf %parallel_loop3A_587, %parallel_loop3A_589 : vector<16xf32>
        %parallel_loop3A_591 = arith.index_cast %parallel_loop3A_151 : i32 to index
        %parallel_loop3A_592 = arith.constant 576 : index
        %parallel_loop3A_593 = tpu.vector_load %arg7[%parallel_loop3A_591, %parallel_loop3A_592] {strides = array<i32>} : memref<16x1024xf32, #tpu.memory_space<vmem>>, vector<1x16xf32>,
        %parallel_loop3A_594 = vector.shape_cast %parallel_loop3A_593 : vector<1x16xf32> to vector<16xf32>
        %parallel_loop3A_595 = vector.shape_cast %parallel_loop3A_590 : vector<16xf32> to vector<1x16xf32>
        tpu.vector_store %arg7[%parallel_loop3A_591, %parallel_loop3A_592], %parallel_loop3A_595 {strides = array<i32>} : memref<16x1024xf32, #tpu.memory_space<vmem>>, vector<1x16xf32>,
        %parallel_loop3A_596 = arith.index_cast %parallel_loop3A_151 : i32 to index
        %parallel_loop3A_597 = arith.constant 592 : index
        %parallel_loop3A_598 = tpu.vector_load %arg7[%parallel_loop3A_596, %parallel_loop3A_597] {strides = array<i32>} : memref<16x1024xf32, #tpu.memory_space<vmem>>, vector<1x16xf32>,
        %parallel_loop3A_599 = vector.shape_cast %parallel_loop3A_598 : vector<1x16xf32> to vector<16xf32>
        %parallel_loop3A_600 = arith.constant 3.200000e+01 : f32
        %parallel_loop3A_601 = vector.broadcast %parallel_loop3A_600 : f32 to vector<16xf32>
        %parallel_loop3A_602 = arith.mulf %parallel_loop3A_599, %parallel_loop3A_601 : vector<16xf32>
        %parallel_loop3A_603 = arith.index_cast %parallel_loop3A_151 : i32 to index
        %parallel_loop3A_604 = arith.constant 592 : index
        %parallel_loop3A_605 = tpu.vector_load %arg7[%parallel_loop3A_603, %parallel_loop3A_604] {strides = array<i32>} : memref<16x1024xf32, #tpu.memory_space<vmem>>, vector<1x16xf32>,
        %parallel_loop3A_606 = vector.shape_cast %parallel_loop3A_605 : vector<1x16xf32> to vector<16xf32>
        %parallel_loop3A_607 = vector.shape_cast %parallel_loop3A_602 : vector<16xf32> to vector<1x16xf32>
        tpu.vector_store %arg7[%parallel_loop3A_603, %parallel_loop3A_604], %parallel_loop3A_607 {strides = array<i32>} : memref<16x1024xf32, #tpu.memory_space<vmem>>, vector<1x16xf32>,
        %parallel_loop3A_608 = arith.index_cast %parallel_loop3A_151 : i32 to index
        %parallel_loop3A_609 = arith.constant 608 : index
        %parallel_loop3A_610 = tpu.vector_load %arg7[%parallel_loop3A_608, %parallel_loop3A_609] {strides = array<i32>} : memref<16x1024xf32, #tpu.memory_space<vmem>>, vector<1x16xf32>,
        %parallel_loop3A_611 = vector.shape_cast %parallel_loop3A_610 : vector<1x16xf32> to vector<16xf32>
        %parallel_loop3A_612 = arith.constant 3.200000e+01 : f32
        %parallel_loop3A_613 = vector.broadcast %parallel_loop3A_612 : f32 to vector<16xf32>
        %parallel_loop3A_614 = arith.mulf %parallel_loop3A_611, %parallel_loop3A_613 : vector<16xf32>
        %parallel_loop3A_615 = arith.index_cast %parallel_loop3A_151 : i32 to index
        %parallel_loop3A_616 = arith.constant 608 : index
        %parallel_loop3A_617 = tpu.vector_load %arg7[%parallel_loop3A_615, %parallel_loop3A_616] {strides = array<i32>} : memref<16x1024xf32, #tpu.memory_space<vmem>>, vector<1x16xf32>,
        %parallel_loop3A_618 = vector.shape_cast %parallel_loop3A_617 : vector<1x16xf32> to vector<16xf32>
        %parallel_loop3A_619 = vector.shape_cast %parallel_loop3A_614 : vector<16xf32> to vector<1x16xf32>
        tpu.vector_store %arg7[%parallel_loop3A_615, %parallel_loop3A_616], %parallel_loop3A_619 {strides = array<i32>} : memref<16x1024xf32, #tpu.memory_space<vmem>>, vector<1x16xf32>,
        %parallel_loop3A_620 = arith.index_cast %parallel_loop3A_151 : i32 to index
        %parallel_loop3A_621 = arith.constant 624 : index
        %parallel_loop3A_622 = tpu.vector_load %arg7[%parallel_loop3A_620, %parallel_loop3A_621] {strides = array<i32>} : memref<16x1024xf32, #tpu.memory_space<vmem>>, vector<1x16xf32>,
        %parallel_loop3A_623 = vector.shape_cast %parallel_loop3A_622 : vector<1x16xf32> to vector<16xf32>
        %parallel_loop3A_624 = arith.constant 3.200000e+01 : f32
        %parallel_loop3A_625 = vector.broadcast %parallel_loop3A_624 : f32 to vector<16xf32>
        %parallel_loop3A_626 = arith.mulf %parallel_loop3A_623, %parallel_loop3A_625 : vector<16xf32>
        %parallel_loop3A_627 = arith.index_cast %parallel_loop3A_151 : i32 to index
        %parallel_loop3A_628 = arith.constant 624 : index
        %parallel_loop3A_629 = tpu.vector_load %arg7[%parallel_loop3A_627, %parallel_loop3A_628] {strides = array<i32>} : memref<16x1024xf32, #tpu.memory_space<vmem>>, vector<1x16xf32>,
        %parallel_loop3A_630 = vector.shape_cast %parallel_loop3A_629 : vector<1x16xf32> to vector<16xf32>
        %parallel_loop3A_631 = vector.shape_cast %parallel_loop3A_626 : vector<16xf32> to vector<1x16xf32>
        tpu.vector_store %arg7[%parallel_loop3A_627, %parallel_loop3A_628], %parallel_loop3A_631 {strides = array<i32>} : memref<16x1024xf32, #tpu.memory_space<vmem>>, vector<1x16xf32>,
        %parallel_loop3A_632 = arith.index_cast %parallel_loop3A_151 : i32 to index
        %parallel_loop3A_633 = arith.constant 640 : index
        %parallel_loop3A_634 = tpu.vector_load %arg7[%parallel_loop3A_632, %parallel_loop3A_633] {strides = array<i32>} : memref<16x1024xf32, #tpu.memory_space<vmem>>, vector<1x16xf32>,
        %parallel_loop3A_635 = vector.shape_cast %parallel_loop3A_634 : vector<1x16xf32> to vector<16xf32>
        %parallel_loop3A_636 = arith.constant 3.200000e+01 : f32
        %parallel_loop3A_637 = vector.broadcast %parallel_loop3A_636 : f32 to vector<16xf32>
        %parallel_loop3A_638 = arith.mulf %parallel_loop3A_635, %parallel_loop3A_637 : vector<16xf32>
        %parallel_loop3A_639 = arith.index_cast %parallel_loop3A_151 : i32 to index
        %parallel_loop3A_640 = arith.constant 640 : index
        %parallel_loop3A_641 = tpu.vector_load %arg7[%parallel_loop3A_639, %parallel_loop3A_640] {strides = array<i32>} : memref<16x1024xf32, #tpu.memory_space<vmem>>, vector<1x16xf32>,
        %parallel_loop3A_642 = vector.shape_cast %parallel_loop3A_641 : vector<1x16xf32> to vector<16xf32>
        %parallel_loop3A_643 = vector.shape_cast %parallel_loop3A_638 : vector<16xf32> to vector<1x16xf32>
        tpu.vector_store %arg7[%parallel_loop3A_639, %parallel_loop3A_640], %parallel_loop3A_643 {strides = array<i32>} : memref<16x1024xf32, #tpu.memory_space<vmem>>, vector<1x16xf32>,
        %parallel_loop3A_644 = arith.index_cast %parallel_loop3A_151 : i32 to index
        %parallel_loop3A_645 = arith.constant 656 : index
        %parallel_loop3A_646 = tpu.vector_load %arg7[%parallel_loop3A_644, %parallel_loop3A_645] {strides = array<i32>} : memref<16x1024xf32, #tpu.memory_space<vmem>>, vector<1x16xf32>,
        %parallel_loop3A_647 = vector.shape_cast %parallel_loop3A_646 : vector<1x16xf32> to vector<16xf32>
        %parallel_loop3A_648 = arith.constant 3.200000e+01 : f32
        %parallel_loop3A_649 = vector.broadcast %parallel_loop3A_648 : f32 to vector<16xf32>
        %parallel_loop3A_650 = arith.mulf %parallel_loop3A_647, %parallel_loop3A_649 : vector<16xf32>
        %parallel_loop3A_651 = arith.index_cast %parallel_loop3A_151 : i32 to index
        %parallel_loop3A_652 = arith.constant 656 : index
        %parallel_loop3A_653 = tpu.vector_load %arg7[%parallel_loop3A_651, %parallel_loop3A_652] {strides = array<i32>} : memref<16x1024xf32, #tpu.memory_space<vmem>>, vector<1x16xf32>,
        %parallel_loop3A_654 = vector.shape_cast %parallel_loop3A_653 : vector<1x16xf32> to vector<16xf32>
        %parallel_loop3A_655 = vector.shape_cast %parallel_loop3A_650 : vector<16xf32> to vector<1x16xf32>
        tpu.vector_store %arg7[%parallel_loop3A_651, %parallel_loop3A_652], %parallel_loop3A_655 {strides = array<i32>} : memref<16x1024xf32, #tpu.memory_space<vmem>>, vector<1x16xf32>,
        %parallel_loop3A_656 = arith.index_cast %parallel_loop3A_151 : i32 to index
        %parallel_loop3A_657 = arith.constant 672 : index
        %parallel_loop3A_658 = tpu.vector_load %arg7[%parallel_loop3A_656, %parallel_loop3A_657] {strides = array<i32>} : memref<16x1024xf32, #tpu.memory_space<vmem>>, vector<1x16xf32>,
        %parallel_loop3A_659 = vector.shape_cast %parallel_loop3A_658 : vector<1x16xf32> to vector<16xf32>
        %parallel_loop3A_660 = arith.constant 3.200000e+01 : f32
        %parallel_loop3A_661 = vector.broadcast %parallel_loop3A_660 : f32 to vector<16xf32>
        %parallel_loop3A_662 = arith.mulf %parallel_loop3A_659, %parallel_loop3A_661 : vector<16xf32>
        %parallel_loop3A_663 = arith.index_cast %parallel_loop3A_151 : i32 to index
        %parallel_loop3A_664 = arith.constant 672 : index
        %parallel_loop3A_665 = tpu.vector_load %arg7[%parallel_loop3A_663, %parallel_loop3A_664] {strides = array<i32>} : memref<16x1024xf32, #tpu.memory_space<vmem>>, vector<1x16xf32>,
        %parallel_loop3A_666 = vector.shape_cast %parallel_loop3A_665 : vector<1x16xf32> to vector<16xf32>
        %parallel_loop3A_667 = vector.shape_cast %parallel_loop3A_662 : vector<16xf32> to vector<1x16xf32>
        tpu.vector_store %arg7[%parallel_loop3A_663, %parallel_loop3A_664], %parallel_loop3A_667 {strides = array<i32>} : memref<16x1024xf32, #tpu.memory_space<vmem>>, vector<1x16xf32>,
        %parallel_loop3A_668 = arith.index_cast %parallel_loop3A_151 : i32 to index
        %parallel_loop3A_669 = arith.constant 688 : index
        %parallel_loop3A_670 = tpu.vector_load %arg7[%parallel_loop3A_668, %parallel_loop3A_669] {strides = array<i32>} : memref<16x1024xf32, #tpu.memory_space<vmem>>, vector<1x16xf32>,
        %parallel_loop3A_671 = vector.shape_cast %parallel_loop3A_670 : vector<1x16xf32> to vector<16xf32>
        %parallel_loop3A_672 = arith.constant 3.200000e+01 : f32
        %parallel_loop3A_673 = vector.broadcast %parallel_loop3A_672 : f32 to vector<16xf32>
        %parallel_loop3A_674 = arith.mulf %parallel_loop3A_671, %parallel_loop3A_673 : vector<16xf32>
        %parallel_loop3A_675 = arith.index_cast %parallel_loop3A_151 : i32 to index
        %parallel_loop3A_676 = arith.constant 688 : index
        %parallel_loop3A_677 = tpu.vector_load %arg7[%parallel_loop3A_675, %parallel_loop3A_676] {strides = array<i32>} : memref<16x1024xf32, #tpu.memory_space<vmem>>, vector<1x16xf32>,
        %parallel_loop3A_678 = vector.shape_cast %parallel_loop3A_677 : vector<1x16xf32> to vector<16xf32>
        %parallel_loop3A_679 = vector.shape_cast %parallel_loop3A_674 : vector<16xf32> to vector<1x16xf32>
        tpu.vector_store %arg7[%parallel_loop3A_675, %parallel_loop3A_676], %parallel_loop3A_679 {strides = array<i32>} : memref<16x1024xf32, #tpu.memory_space<vmem>>, vector<1x16xf32>,
        %parallel_loop3A_680 = arith.index_cast %parallel_loop3A_151 : i32 to index
        %parallel_loop3A_681 = arith.constant 704 : index
        %parallel_loop3A_682 = tpu.vector_load %arg7[%parallel_loop3A_680, %parallel_loop3A_681] {strides = array<i32>} : memref<16x1024xf32, #tpu.memory_space<vmem>>, vector<1x16xf32>,
        %parallel_loop3A_683 = vector.shape_cast %parallel_loop3A_682 : vector<1x16xf32> to vector<16xf32>
        %parallel_loop3A_684 = arith.constant 3.200000e+01 : f32
        %parallel_loop3A_685 = vector.broadcast %parallel_loop3A_684 : f32 to vector<16xf32>
        %parallel_loop3A_686 = arith.mulf %parallel_loop3A_683, %parallel_loop3A_685 : vector<16xf32>
        %parallel_loop3A_687 = arith.index_cast %parallel_loop3A_151 : i32 to index
        %parallel_loop3A_688 = arith.constant 704 : index
        %parallel_loop3A_689 = tpu.vector_load %arg7[%parallel_loop3A_687, %parallel_loop3A_688] {strides = array<i32>} : memref<16x1024xf32, #tpu.memory_space<vmem>>, vector<1x16xf32>,
        %parallel_loop3A_690 = vector.shape_cast %parallel_loop3A_689 : vector<1x16xf32> to vector<16xf32>
        %parallel_loop3A_691 = vector.shape_cast %parallel_loop3A_686 : vector<16xf32> to vector<1x16xf32>
        tpu.vector_store %arg7[%parallel_loop3A_687, %parallel_loop3A_688], %parallel_loop3A_691 {strides = array<i32>} : memref<16x1024xf32, #tpu.memory_space<vmem>>, vector<1x16xf32>,
        %parallel_loop3A_692 = arith.index_cast %parallel_loop3A_151 : i32 to index
        %parallel_loop3A_693 = arith.constant 720 : index
        %parallel_loop3A_694 = tpu.vector_load %arg7[%parallel_loop3A_692, %parallel_loop3A_693] {strides = array<i32>} : memref<16x1024xf32, #tpu.memory_space<vmem>>, vector<1x16xf32>,
        %parallel_loop3A_695 = vector.shape_cast %parallel_loop3A_694 : vector<1x16xf32> to vector<16xf32>
        %parallel_loop3A_696 = arith.constant 3.200000e+01 : f32
        %parallel_loop3A_697 = vector.broadcast %parallel_loop3A_696 : f32 to vector<16xf32>
        %parallel_loop3A_698 = arith.mulf %parallel_loop3A_695, %parallel_loop3A_697 : vector<16xf32>
        %parallel_loop3A_699 = arith.index_cast %parallel_loop3A_151 : i32 to index
        %parallel_loop3A_700 = arith.constant 720 : index
        %parallel_loop3A_701 = tpu.vector_load %arg7[%parallel_loop3A_699, %parallel_loop3A_700] {strides = array<i32>} : memref<16x1024xf32, #tpu.memory_space<vmem>>, vector<1x16xf32>,
        %parallel_loop3A_702 = vector.shape_cast %parallel_loop3A_701 : vector<1x16xf32> to vector<16xf32>
        %parallel_loop3A_703 = vector.shape_cast %parallel_loop3A_698 : vector<16xf32> to vector<1x16xf32>
        tpu.vector_store %arg7[%parallel_loop3A_699, %parallel_loop3A_700], %parallel_loop3A_703 {strides = array<i32>} : memref<16x1024xf32, #tpu.memory_space<vmem>>, vector<1x16xf32>,
        %parallel_loop3A_704 = arith.index_cast %parallel_loop3A_151 : i32 to index
        %parallel_loop3A_705 = arith.constant 736 : index
        %parallel_loop3A_706 = tpu.vector_load %arg7[%parallel_loop3A_704, %parallel_loop3A_705] {strides = array<i32>} : memref<16x1024xf32, #tpu.memory_space<vmem>>, vector<1x16xf32>,
        %parallel_loop3A_707 = vector.shape_cast %parallel_loop3A_706 : vector<1x16xf32> to vector<16xf32>
        %parallel_loop3A_708 = arith.constant 3.200000e+01 : f32
        %parallel_loop3A_709 = vector.broadcast %parallel_loop3A_708 : f32 to vector<16xf32>
        %parallel_loop3A_710 = arith.mulf %parallel_loop3A_707, %parallel_loop3A_709 : vector<16xf32>
        %parallel_loop3A_711 = arith.index_cast %parallel_loop3A_151 : i32 to index
        %parallel_loop3A_712 = arith.constant 736 : index
        %parallel_loop3A_713 = tpu.vector_load %arg7[%parallel_loop3A_711, %parallel_loop3A_712] {strides = array<i32>} : memref<16x1024xf32, #tpu.memory_space<vmem>>, vector<1x16xf32>,
        %parallel_loop3A_714 = vector.shape_cast %parallel_loop3A_713 : vector<1x16xf32> to vector<16xf32>
        %parallel_loop3A_715 = vector.shape_cast %parallel_loop3A_710 : vector<16xf32> to vector<1x16xf32>
        tpu.vector_store %arg7[%parallel_loop3A_711, %parallel_loop3A_712], %parallel_loop3A_715 {strides = array<i32>} : memref<16x1024xf32, #tpu.memory_space<vmem>>, vector<1x16xf32>,
        %parallel_loop3A_716 = arith.index_cast %parallel_loop3A_151 : i32 to index
        %parallel_loop3A_717 = arith.constant 752 : index
        %parallel_loop3A_718 = tpu.vector_load %arg7[%parallel_loop3A_716, %parallel_loop3A_717] {strides = array<i32>} : memref<16x1024xf32, #tpu.memory_space<vmem>>, vector<1x16xf32>,
        %parallel_loop3A_719 = vector.shape_cast %parallel_loop3A_718 : vector<1x16xf32> to vector<16xf32>
        %parallel_loop3A_720 = arith.constant 3.200000e+01 : f32
        %parallel_loop3A_721 = vector.broadcast %parallel_loop3A_720 : f32 to vector<16xf32>
        %parallel_loop3A_722 = arith.mulf %parallel_loop3A_719, %parallel_loop3A_721 : vector<16xf32>
        %parallel_loop3A_723 = arith.index_cast %parallel_loop3A_151 : i32 to index
        %parallel_loop3A_724 = arith.constant 752 : index
        %parallel_loop3A_725 = tpu.vector_load %arg7[%parallel_loop3A_723, %parallel_loop3A_724] {strides = array<i32>} : memref<16x1024xf32, #tpu.memory_space<vmem>>, vector<1x16xf32>,
        %parallel_loop3A_726 = vector.shape_cast %parallel_loop3A_725 : vector<1x16xf32> to vector<16xf32>
        %parallel_loop3A_727 = vector.shape_cast %parallel_loop3A_722 : vector<16xf32> to vector<1x16xf32>
        tpu.vector_store %arg7[%parallel_loop3A_723, %parallel_loop3A_724], %parallel_loop3A_727 {strides = array<i32>} : memref<16x1024xf32, #tpu.memory_space<vmem>>, vector<1x16xf32>,
        %parallel_loop3A_728 = arith.index_cast %parallel_loop3A_151 : i32 to index
        %parallel_loop3A_729 = arith.constant 768 : index
        %parallel_loop3A_730 = tpu.vector_load %arg7[%parallel_loop3A_728, %parallel_loop3A_729] {strides = array<i32>} : memref<16x1024xf32, #tpu.memory_space<vmem>>, vector<1x16xf32>,
        %parallel_loop3A_731 = vector.shape_cast %parallel_loop3A_730 : vector<1x16xf32> to vector<16xf32>
        %parallel_loop3A_732 = arith.constant 3.200000e+01 : f32
        %parallel_loop3A_733 = vector.broadcast %parallel_loop3A_732 : f32 to vector<16xf32>
        %parallel_loop3A_734 = arith.mulf %parallel_loop3A_731, %parallel_loop3A_733 : vector<16xf32>
        %parallel_loop3A_735 = arith.index_cast %parallel_loop3A_151 : i32 to index
        %parallel_loop3A_736 = arith.constant 768 : index
        %parallel_loop3A_737 = tpu.vector_load %arg7[%parallel_loop3A_735, %parallel_loop3A_736] {strides = array<i32>} : memref<16x1024xf32, #tpu.memory_space<vmem>>, vector<1x16xf32>,
        %parallel_loop3A_738 = vector.shape_cast %parallel_loop3A_737 : vector<1x16xf32> to vector<16xf32>
        %parallel_loop3A_739 = vector.shape_cast %parallel_loop3A_734 : vector<16xf32> to vector<1x16xf32>
        tpu.vector_store %arg7[%parallel_loop3A_735, %parallel_loop3A_736], %parallel_loop3A_739 {strides = array<i32>} : memref<16x1024xf32, #tpu.memory_space<vmem>>, vector<1x16xf32>,
        %parallel_loop3A_740 = arith.index_cast %parallel_loop3A_151 : i32 to index
        %parallel_loop3A_741 = arith.constant 784 : index
        %parallel_loop3A_742 = tpu.vector_load %arg7[%parallel_loop3A_740, %parallel_loop3A_741] {strides = array<i32>} : memref<16x1024xf32, #tpu.memory_space<vmem>>, vector<1x16xf32>,
        %parallel_loop3A_743 = vector.shape_cast %parallel_loop3A_742 : vector<1x16xf32> to vector<16xf32>
        %parallel_loop3A_744 = arith.constant 3.200000e+01 : f32
        %parallel_loop3A_745 = vector.broadcast %parallel_loop3A_744 : f32 to vector<16xf32>
        %parallel_loop3A_746 = arith.mulf %parallel_loop3A_743, %parallel_loop3A_745 : vector<16xf32>
        %parallel_loop3A_747 = arith.index_cast %parallel_loop3A_151 : i32 to index
        %parallel_loop3A_748 = arith.constant 784 : index
        %parallel_loop3A_749 = tpu.vector_load %arg7[%parallel_loop3A_747, %parallel_loop3A_748] {strides = array<i32>} : memref<16x1024xf32, #tpu.memory_space<vmem>>, vector<1x16xf32>,
        %parallel_loop3A_750 = vector.shape_cast %parallel_loop3A_749 : vector<1x16xf32> to vector<16xf32>
        %parallel_loop3A_751 = vector.shape_cast %parallel_loop3A_746 : vector<16xf32> to vector<1x16xf32>
        tpu.vector_store %arg7[%parallel_loop3A_747, %parallel_loop3A_748], %parallel_loop3A_751 {strides = array<i32>} : memref<16x1024xf32, #tpu.memory_space<vmem>>, vector<1x16xf32>,
        %parallel_loop3A_752 = arith.index_cast %parallel_loop3A_151 : i32 to index
        %parallel_loop3A_753 = arith.constant 800 : index
        %parallel_loop3A_754 = tpu.vector_load %arg7[%parallel_loop3A_752, %parallel_loop3A_753] {strides = array<i32>} : memref<16x1024xf32, #tpu.memory_space<vmem>>, vector<1x16xf32>,
        %parallel_loop3A_755 = vector.shape_cast %parallel_loop3A_754 : vector<1x16xf32> to vector<16xf32>
        %parallel_loop3A_756 = arith.constant 3.200000e+01 : f32
        %parallel_loop3A_757 = vector.broadcast %parallel_loop3A_756 : f32 to vector<16xf32>
        %parallel_loop3A_758 = arith.mulf %parallel_loop3A_755, %parallel_loop3A_757 : vector<16xf32>
        %parallel_loop3A_759 = arith.index_cast %parallel_loop3A_151 : i32 to index
        %parallel_loop3A_760 = arith.constant 800 : index
        %parallel_loop3A_761 = tpu.vector_load %arg7[%parallel_loop3A_759, %parallel_loop3A_760] {strides = array<i32>} : memref<16x1024xf32, #tpu.memory_space<vmem>>, vector<1x16xf32>,
        %parallel_loop3A_762 = vector.shape_cast %parallel_loop3A_761 : vector<1x16xf32> to vector<16xf32>
        %parallel_loop3A_763 = vector.shape_cast %parallel_loop3A_758 : vector<16xf32> to vector<1x16xf32>
        tpu.vector_store %arg7[%parallel_loop3A_759, %parallel_loop3A_760], %parallel_loop3A_763 {strides = array<i32>} : memref<16x1024xf32, #tpu.memory_space<vmem>>, vector<1x16xf32>,
        %parallel_loop3A_764 = arith.index_cast %parallel_loop3A_151 : i32 to index
        %parallel_loop3A_765 = arith.constant 816 : index
        %parallel_loop3A_766 = tpu.vector_load %arg7[%parallel_loop3A_764, %parallel_loop3A_765] {strides = array<i32>} : memref<16x1024xf32, #tpu.memory_space<vmem>>, vector<1x16xf32>,
        %parallel_loop3A_767 = vector.shape_cast %parallel_loop3A_766 : vector<1x16xf32> to vector<16xf32>
        %parallel_loop3A_768 = arith.constant 3.200000e+01 : f32
        %parallel_loop3A_769 = vector.broadcast %parallel_loop3A_768 : f32 to vector<16xf32>
        %parallel_loop3A_770 = arith.mulf %parallel_loop3A_767, %parallel_loop3A_769 : vector<16xf32>
        %parallel_loop3A_771 = arith.index_cast %parallel_loop3A_151 : i32 to index
        %parallel_loop3A_772 = arith.constant 816 : index
        %parallel_loop3A_773 = tpu.vector_load %arg7[%parallel_loop3A_771, %parallel_loop3A_772] {strides = array<i32>} : memref<16x1024xf32, #tpu.memory_space<vmem>>, vector<1x16xf32>,
        %parallel_loop3A_774 = vector.shape_cast %parallel_loop3A_773 : vector<1x16xf32> to vector<16xf32>
        %parallel_loop3A_775 = vector.shape_cast %parallel_loop3A_770 : vector<16xf32> to vector<1x16xf32>
        tpu.vector_store %arg7[%parallel_loop3A_771, %parallel_loop3A_772], %parallel_loop3A_775 {strides = array<i32>} : memref<16x1024xf32, #tpu.memory_space<vmem>>, vector<1x16xf32>,
        %parallel_loop3A_776 = arith.index_cast %parallel_loop3A_151 : i32 to index
        %parallel_loop3A_777 = arith.constant 832 : index
        %parallel_loop3A_778 = tpu.vector_load %arg7[%parallel_loop3A_776, %parallel_loop3A_777] {strides = array<i32>} : memref<16x1024xf32, #tpu.memory_space<vmem>>, vector<1x16xf32>,
        %parallel_loop3A_779 = vector.shape_cast %parallel_loop3A_778 : vector<1x16xf32> to vector<16xf32>
        %parallel_loop3A_780 = arith.constant 3.200000e+01 : f32
        %parallel_loop3A_781 = vector.broadcast %parallel_loop3A_780 : f32 to vector<16xf32>
        %parallel_loop3A_782 = arith.mulf %parallel_loop3A_779, %parallel_loop3A_781 : vector<16xf32>
        %parallel_loop3A_783 = arith.index_cast %parallel_loop3A_151 : i32 to index
        %parallel_loop3A_784 = arith.constant 832 : index
        %parallel_loop3A_785 = tpu.vector_load %arg7[%parallel_loop3A_783, %parallel_loop3A_784] {strides = array<i32>} : memref<16x1024xf32, #tpu.memory_space<vmem>>, vector<1x16xf32>,
        %parallel_loop3A_786 = vector.shape_cast %parallel_loop3A_785 : vector<1x16xf32> to vector<16xf32>
        %parallel_loop3A_787 = vector.shape_cast %parallel_loop3A_782 : vector<16xf32> to vector<1x16xf32>
        tpu.vector_store %arg7[%parallel_loop3A_783, %parallel_loop3A_784], %parallel_loop3A_787 {strides = array<i32>} : memref<16x1024xf32, #tpu.memory_space<vmem>>, vector<1x16xf32>,
        %parallel_loop3A_788 = arith.index_cast %parallel_loop3A_151 : i32 to index
        %parallel_loop3A_789 = arith.constant 848 : index
        %parallel_loop3A_790 = tpu.vector_load %arg7[%parallel_loop3A_788, %parallel_loop3A_789] {strides = array<i32>} : memref<16x1024xf32, #tpu.memory_space<vmem>>, vector<1x16xf32>,
        %parallel_loop3A_791 = vector.shape_cast %parallel_loop3A_790 : vector<1x16xf32> to vector<16xf32>
        %parallel_loop3A_792 = arith.constant 3.200000e+01 : f32
        %parallel_loop3A_793 = vector.broadcast %parallel_loop3A_792 : f32 to vector<16xf32>
        %parallel_loop3A_794 = arith.mulf %parallel_loop3A_791, %parallel_loop3A_793 : vector<16xf32>
        %parallel_loop3A_795 = arith.index_cast %parallel_loop3A_151 : i32 to index
        %parallel_loop3A_796 = arith.constant 848 : index
        %parallel_loop3A_797 = tpu.vector_load %arg7[%parallel_loop3A_795, %parallel_loop3A_796] {strides = array<i32>} : memref<16x1024xf32, #tpu.memory_space<vmem>>, vector<1x16xf32>,
        %parallel_loop3A_798 = vector.shape_cast %parallel_loop3A_797 : vector<1x16xf32> to vector<16xf32>
        %parallel_loop3A_799 = vector.shape_cast %parallel_loop3A_794 : vector<16xf32> to vector<1x16xf32>
        tpu.vector_store %arg7[%parallel_loop3A_795, %parallel_loop3A_796], %parallel_loop3A_799 {strides = array<i32>} : memref<16x1024xf32, #tpu.memory_space<vmem>>, vector<1x16xf32>,
        %parallel_loop3A_800 = arith.index_cast %parallel_loop3A_151 : i32 to index
        %parallel_loop3A_801 = arith.constant 864 : index
        %parallel_loop3A_802 = tpu.vector_load %arg7[%parallel_loop3A_800, %parallel_loop3A_801] {strides = array<i32>} : memref<16x1024xf32, #tpu.memory_space<vmem>>, vector<1x16xf32>,
        %parallel_loop3A_803 = vector.shape_cast %parallel_loop3A_802 : vector<1x16xf32> to vector<16xf32>
        %parallel_loop3A_804 = arith.constant 3.200000e+01 : f32
        %parallel_loop3A_805 = vector.broadcast %parallel_loop3A_804 : f32 to vector<16xf32>
        %parallel_loop3A_806 = arith.mulf %parallel_loop3A_803, %parallel_loop3A_805 : vector<16xf32>
        %parallel_loop3A_807 = arith.index_cast %parallel_loop3A_151 : i32 to index
        %parallel_loop3A_808 = arith.constant 864 : index
        %parallel_loop3A_809 = tpu.vector_load %arg7[%parallel_loop3A_807, %parallel_loop3A_808] {strides = array<i32>} : memref<16x1024xf32, #tpu.memory_space<vmem>>, vector<1x16xf32>,
        %parallel_loop3A_810 = vector.shape_cast %parallel_loop3A_809 : vector<1x16xf32> to vector<16xf32>
        %parallel_loop3A_811 = vector.shape_cast %parallel_loop3A_806 : vector<16xf32> to vector<1x16xf32>
        tpu.vector_store %arg7[%parallel_loop3A_807, %parallel_loop3A_808], %parallel_loop3A_811 {strides = array<i32>} : memref<16x1024xf32, #tpu.memory_space<vmem>>, vector<1x16xf32>,
        %parallel_loop3A_812 = arith.index_cast %parallel_loop3A_151 : i32 to index
        %parallel_loop3A_813 = arith.constant 880 : index
        %parallel_loop3A_814 = tpu.vector_load %arg7[%parallel_loop3A_812, %parallel_loop3A_813] {strides = array<i32>} : memref<16x1024xf32, #tpu.memory_space<vmem>>, vector<1x16xf32>,
        %parallel_loop3A_815 = vector.shape_cast %parallel_loop3A_814 : vector<1x16xf32> to vector<16xf32>
        %parallel_loop3A_816 = arith.constant 3.200000e+01 : f32
        %parallel_loop3A_817 = vector.broadcast %parallel_loop3A_816 : f32 to vector<16xf32>
        %parallel_loop3A_818 = arith.mulf %parallel_loop3A_815, %parallel_loop3A_817 : vector<16xf32>
        %parallel_loop3A_819 = arith.index_cast %parallel_loop3A_151 : i32 to index
        %parallel_loop3A_820 = arith.constant 880 : index
        %parallel_loop3A_821 = tpu.vector_load %arg7[%parallel_loop3A_819, %parallel_loop3A_820] {strides = array<i32>} : memref<16x1024xf32, #tpu.memory_space<vmem>>, vector<1x16xf32>,
        %parallel_loop3A_822 = vector.shape_cast %parallel_loop3A_821 : vector<1x16xf32> to vector<16xf32>
        %parallel_loop3A_823 = vector.shape_cast %parallel_loop3A_818 : vector<16xf32> to vector<1x16xf32>
        tpu.vector_store %arg7[%parallel_loop3A_819, %parallel_loop3A_820], %parallel_loop3A_823 {strides = array<i32>} : memref<16x1024xf32, #tpu.memory_space<vmem>>, vector<1x16xf32>,
        %parallel_loop3A_824 = arith.index_cast %parallel_loop3A_151 : i32 to index
        %parallel_loop3A_825 = arith.constant 896 : index
        %parallel_loop3A_826 = tpu.vector_load %arg7[%parallel_loop3A_824, %parallel_loop3A_825] {strides = array<i32>} : memref<16x1024xf32, #tpu.memory_space<vmem>>, vector<1x16xf32>,
        %parallel_loop3A_827 = vector.shape_cast %parallel_loop3A_826 : vector<1x16xf32> to vector<16xf32>
        %parallel_loop3A_828 = arith.constant 3.200000e+01 : f32
        %parallel_loop3A_829 = vector.broadcast %parallel_loop3A_828 : f32 to vector<16xf32>
        %parallel_loop3A_830 = arith.mulf %parallel_loop3A_827, %parallel_loop3A_829 : vector<16xf32>
        %parallel_loop3A_831 = arith.index_cast %parallel_loop3A_151 : i32 to index
        %parallel_loop3A_832 = arith.constant 896 : index
        %parallel_loop3A_833 = tpu.vector_load %arg7[%parallel_loop3A_831, %parallel_loop3A_832] {strides = array<i32>} : memref<16x1024xf32, #tpu.memory_space<vmem>>, vector<1x16xf32>,
        %parallel_loop3A_834 = vector.shape_cast %parallel_loop3A_833 : vector<1x16xf32> to vector<16xf32>
        %parallel_loop3A_835 = vector.shape_cast %parallel_loop3A_830 : vector<16xf32> to vector<1x16xf32>
        tpu.vector_store %arg7[%parallel_loop3A_831, %parallel_loop3A_832], %parallel_loop3A_835 {strides = array<i32>} : memref<16x1024xf32, #tpu.memory_space<vmem>>, vector<1x16xf32>,
        %parallel_loop3A_836 = arith.index_cast %parallel_loop3A_151 : i32 to index
        %parallel_loop3A_837 = arith.constant 912 : index
        %parallel_loop3A_838 = tpu.vector_load %arg7[%parallel_loop3A_836, %parallel_loop3A_837] {strides = array<i32>} : memref<16x1024xf32, #tpu.memory_space<vmem>>, vector<1x16xf32>,
        %parallel_loop3A_839 = vector.shape_cast %parallel_loop3A_838 : vector<1x16xf32> to vector<16xf32>
        %parallel_loop3A_840 = arith.constant 3.200000e+01 : f32
        %parallel_loop3A_841 = vector.broadcast %parallel_loop3A_840 : f32 to vector<16xf32>
        %parallel_loop3A_842 = arith.mulf %parallel_loop3A_839, %parallel_loop3A_841 : vector<16xf32>
        %parallel_loop3A_843 = arith.index_cast %parallel_loop3A_151 : i32 to index
        %parallel_loop3A_844 = arith.constant 912 : index
        %parallel_loop3A_845 = tpu.vector_load %arg7[%parallel_loop3A_843, %parallel_loop3A_844] {strides = array<i32>} : memref<16x1024xf32, #tpu.memory_space<vmem>>, vector<1x16xf32>,
        %parallel_loop3A_846 = vector.shape_cast %parallel_loop3A_845 : vector<1x16xf32> to vector<16xf32>
        %parallel_loop3A_847 = vector.shape_cast %parallel_loop3A_842 : vector<16xf32> to vector<1x16xf32>
        tpu.vector_store %arg7[%parallel_loop3A_843, %parallel_loop3A_844], %parallel_loop3A_847 {strides = array<i32>} : memref<16x1024xf32, #tpu.memory_space<vmem>>, vector<1x16xf32>,
        %parallel_loop3A_848 = arith.index_cast %parallel_loop3A_151 : i32 to index
        %parallel_loop3A_849 = arith.constant 928 : index
        %parallel_loop3A_850 = tpu.vector_load %arg7[%parallel_loop3A_848, %parallel_loop3A_849] {strides = array<i32>} : memref<16x1024xf32, #tpu.memory_space<vmem>>, vector<1x16xf32>,
        %parallel_loop3A_851 = vector.shape_cast %parallel_loop3A_850 : vector<1x16xf32> to vector<16xf32>
        %parallel_loop3A_852 = arith.constant 3.200000e+01 : f32
        %parallel_loop3A_853 = vector.broadcast %parallel_loop3A_852 : f32 to vector<16xf32>
        %parallel_loop3A_854 = arith.mulf %parallel_loop3A_851, %parallel_loop3A_853 : vector<16xf32>
        %parallel_loop3A_855 = arith.index_cast %parallel_loop3A_151 : i32 to index
        %parallel_loop3A_856 = arith.constant 928 : index
        %parallel_loop3A_857 = tpu.vector_load %arg7[%parallel_loop3A_855, %parallel_loop3A_856] {strides = array<i32>} : memref<16x1024xf32, #tpu.memory_space<vmem>>, vector<1x16xf32>,
        %parallel_loop3A_858 = vector.shape_cast %parallel_loop3A_857 : vector<1x16xf32> to vector<16xf32>
        %parallel_loop3A_859 = vector.shape_cast %parallel_loop3A_854 : vector<16xf32> to vector<1x16xf32>
        tpu.vector_store %arg7[%parallel_loop3A_855, %parallel_loop3A_856], %parallel_loop3A_859 {strides = array<i32>} : memref<16x1024xf32, #tpu.memory_space<vmem>>, vector<1x16xf32>,
        %parallel_loop3A_860 = arith.index_cast %parallel_loop3A_151 : i32 to index
        %parallel_loop3A_861 = arith.constant 944 : index
        %parallel_loop3A_862 = tpu.vector_load %arg7[%parallel_loop3A_860, %parallel_loop3A_861] {strides = array<i32>} : memref<16x1024xf32, #tpu.memory_space<vmem>>, vector<1x16xf32>,
        %parallel_loop3A_863 = vector.shape_cast %parallel_loop3A_862 : vector<1x16xf32> to vector<16xf32>
        %parallel_loop3A_864 = arith.constant 3.200000e+01 : f32
        %parallel_loop3A_865 = vector.broadcast %parallel_loop3A_864 : f32 to vector<16xf32>
        %parallel_loop3A_866 = arith.mulf %parallel_loop3A_863, %parallel_loop3A_865 : vector<16xf32>
        %parallel_loop3A_867 = arith.index_cast %parallel_loop3A_151 : i32 to index
        %parallel_loop3A_868 = arith.constant 944 : index
        %parallel_loop3A_869 = tpu.vector_load %arg7[%parallel_loop3A_867, %parallel_loop3A_868] {strides = array<i32>} : memref<16x1024xf32, #tpu.memory_space<vmem>>, vector<1x16xf32>,
        %parallel_loop3A_870 = vector.shape_cast %parallel_loop3A_869 : vector<1x16xf32> to vector<16xf32>
        %parallel_loop3A_871 = vector.shape_cast %parallel_loop3A_866 : vector<16xf32> to vector<1x16xf32>
        tpu.vector_store %arg7[%parallel_loop3A_867, %parallel_loop3A_868], %parallel_loop3A_871 {strides = array<i32>} : memref<16x1024xf32, #tpu.memory_space<vmem>>, vector<1x16xf32>,
        %parallel_loop3A_872 = arith.index_cast %parallel_loop3A_151 : i32 to index
        %parallel_loop3A_873 = arith.constant 960 : index
        %parallel_loop3A_874 = tpu.vector_load %arg7[%parallel_loop3A_872, %parallel_loop3A_873] {strides = array<i32>} : memref<16x1024xf32, #tpu.memory_space<vmem>>, vector<1x16xf32>,
        %parallel_loop3A_875 = vector.shape_cast %parallel_loop3A_874 : vector<1x16xf32> to vector<16xf32>
        %parallel_loop3A_876 = arith.constant 3.200000e+01 : f32
        %parallel_loop3A_877 = vector.broadcast %parallel_loop3A_876 : f32 to vector<16xf32>
        %parallel_loop3A_878 = arith.mulf %parallel_loop3A_875, %parallel_loop3A_877 : vector<16xf32>
        %parallel_loop3A_879 = arith.index_cast %parallel_loop3A_151 : i32 to index
        %parallel_loop3A_880 = arith.constant 960 : index
        %parallel_loop3A_881 = tpu.vector_load %arg7[%parallel_loop3A_879, %parallel_loop3A_880] {strides = array<i32>} : memref<16x1024xf32, #tpu.memory_space<vmem>>, vector<1x16xf32>,
        %parallel_loop3A_882 = vector.shape_cast %parallel_loop3A_881 : vector<1x16xf32> to vector<16xf32>
        %parallel_loop3A_883 = vector.shape_cast %parallel_loop3A_878 : vector<16xf32> to vector<1x16xf32>
        tpu.vector_store %arg7[%parallel_loop3A_879, %parallel_loop3A_880], %parallel_loop3A_883 {strides = array<i32>} : memref<16x1024xf32, #tpu.memory_space<vmem>>, vector<1x16xf32>,
        %parallel_loop3A_884 = arith.index_cast %parallel_loop3A_151 : i32 to index
        %parallel_loop3A_885 = arith.constant 976 : index
        %parallel_loop3A_886 = tpu.vector_load %arg7[%parallel_loop3A_884, %parallel_loop3A_885] {strides = array<i32>} : memref<16x1024xf32, #tpu.memory_space<vmem>>, vector<1x16xf32>,
        %parallel_loop3A_887 = vector.shape_cast %parallel_loop3A_886 : vector<1x16xf32> to vector<16xf32>
        %parallel_loop3A_888 = arith.constant 3.200000e+01 : f32
        %parallel_loop3A_889 = vector.broadcast %parallel_loop3A_888 : f32 to vector<16xf32>
        %parallel_loop3A_890 = arith.mulf %parallel_loop3A_887, %parallel_loop3A_889 : vector<16xf32>
        %parallel_loop3A_891 = arith.index_cast %parallel_loop3A_151 : i32 to index
        %parallel_loop3A_892 = arith.constant 976 : index
        %parallel_loop3A_893 = tpu.vector_load %arg7[%parallel_loop3A_891, %parallel_loop3A_892] {strides = array<i32>} : memref<16x1024xf32, #tpu.memory_space<vmem>>, vector<1x16xf32>,
        %parallel_loop3A_894 = vector.shape_cast %parallel_loop3A_893 : vector<1x16xf32> to vector<16xf32>
        %parallel_loop3A_895 = vector.shape_cast %parallel_loop3A_890 : vector<16xf32> to vector<1x16xf32>
        tpu.vector_store %arg7[%parallel_loop3A_891, %parallel_loop3A_892], %parallel_loop3A_895 {strides = array<i32>} : memref<16x1024xf32, #tpu.memory_space<vmem>>, vector<1x16xf32>,
        %parallel_loop3A_896 = arith.index_cast %parallel_loop3A_151 : i32 to index
        %parallel_loop3A_897 = arith.constant 992 : index
        %parallel_loop3A_898 = tpu.vector_load %arg7[%parallel_loop3A_896, %parallel_loop3A_897] {strides = array<i32>} : memref<16x1024xf32, #tpu.memory_space<vmem>>, vector<1x16xf32>,
        %parallel_loop3A_899 = vector.shape_cast %parallel_loop3A_898 : vector<1x16xf32> to vector<16xf32>
        %parallel_loop3A_900 = arith.constant 3.200000e+01 : f32
        %parallel_loop3A_901 = vector.broadcast %parallel_loop3A_900 : f32 to vector<16xf32>
        %parallel_loop3A_902 = arith.mulf %parallel_loop3A_899, %parallel_loop3A_901 : vector<16xf32>
        %parallel_loop3A_903 = arith.index_cast %parallel_loop3A_151 : i32 to index
        %parallel_loop3A_904 = arith.constant 992 : index
        %parallel_loop3A_905 = tpu.vector_load %arg7[%parallel_loop3A_903, %parallel_loop3A_904] {strides = array<i32>} : memref<16x1024xf32, #tpu.memory_space<vmem>>, vector<1x16xf32>,
        %parallel_loop3A_906 = vector.shape_cast %parallel_loop3A_905 : vector<1x16xf32> to vector<16xf32>
        %parallel_loop3A_907 = vector.shape_cast %parallel_loop3A_902 : vector<16xf32> to vector<1x16xf32>
        tpu.vector_store %arg7[%parallel_loop3A_903, %parallel_loop3A_904], %parallel_loop3A_907 {strides = array<i32>} : memref<16x1024xf32, #tpu.memory_space<vmem>>, vector<1x16xf32>,
        %parallel_loop3A_908 = arith.index_cast %parallel_loop3A_151 : i32 to index
        %parallel_loop3A_909 = arith.constant 1008 : index
        %parallel_loop3A_910 = tpu.vector_load %arg7[%parallel_loop3A_908, %parallel_loop3A_909] {strides = array<i32>} : memref<16x1024xf32, #tpu.memory_space<vmem>>, vector<1x16xf32>,
        %parallel_loop3A_911 = vector.shape_cast %parallel_loop3A_910 : vector<1x16xf32> to vector<16xf32>
        %parallel_loop3A_912 = arith.constant 3.200000e+01 : f32
        %parallel_loop3A_913 = vector.broadcast %parallel_loop3A_912 : f32 to vector<16xf32>
        %parallel_loop3A_914 = arith.mulf %parallel_loop3A_911, %parallel_loop3A_913 : vector<16xf32>
        %parallel_loop3A_915 = arith.index_cast %parallel_loop3A_151 : i32 to index
        %parallel_loop3A_916 = arith.constant 1008 : index
        %parallel_loop3A_917 = tpu.vector_load %arg7[%parallel_loop3A_915, %parallel_loop3A_916] {strides = array<i32>} : memref<16x1024xf32, #tpu.memory_space<vmem>>, vector<1x16xf32>,
        %parallel_loop3A_918 = vector.shape_cast %parallel_loop3A_917 : vector<1x16xf32> to vector<16xf32>
        %parallel_loop3A_919 = vector.shape_cast %parallel_loop3A_914 : vector<16xf32> to vector<1x16xf32>
        tpu.vector_store %arg7[%parallel_loop3A_915, %parallel_loop3A_916], %parallel_loop3A_919 {strides = array<i32>} : memref<16x1024xf32, #tpu.memory_space<vmem>>, vector<1x16xf32>,
      } {sc.loop_unroll_factor = 1 : i64, sc.parallel_access}
      %mul3A_87 = arith.constant 16 : i32
      %mul3A_88 = arith.muli %add3A_70, %mul3A_87 : i32
      %multiple_of3A_89 = tpu.assume_multiple %mul3A_88, 16 : i32
      %add3A_90 = arith.addi %multiple_of3A, %multiple_of3A_89 : i32
      %dma_start3A_91 = arith.constant 0 : i32
      %dma_start3A_92 = tpu.memref_slice %arg4[%add3A_90, %dma_start3A_91] : memref<32768x1024xf32, #tpu.memory_space<hbm>> -> memref<16x1024xf32, #tpu.memory_space<hbm>>
      %dma_start3A_93 = arith.constant 0 : i32
      %dma_start3A_94 = tpu.memref_slice %arg4[%add3A_90, %dma_start3A_93] : memref<32768x1024xf32, #tpu.memory_space<hbm>> -> memref<16x1024xf32, #tpu.memory_space<hbm>>
      tpu.enqueue_dma source(%arg7 : memref<16x1024xf32, #tpu.memory_space<vmem>>) target(%dma_start3A_94 : memref<16x1024xf32, #tpu.memory_space<hbm>>) target_semaphore(%arg15 : memref<!tpu.dma_semaphore, #tpu.memory_space<semaphore_mem>>)
      %mul3A_95 = arith.constant 4 : i32
      %mul3A_96 = arith.muli %scan3A_42, %mul3A_95 : i32
      %add3A_97 = arith.constant 2 : i32
      %add3A_98 = arith.addi %mul3A_96, %add3A_97 : i32
      %dma_wait3A_99 = arith.constant 0 : i32
      %dma_wait3A_100 = arith.constant 0 : i32
      %dma_wait3A_101 = tpu.memref_slice %arg4[%dma_wait3A_99, %dma_wait3A_100] : memref<32768x1024xf32, #tpu.memory_space<hbm>> -> memref<16x1024xf32, #tpu.memory_space<hbm>>
      %dma_wait3A_102 = arith.constant 0 : i32
      %dma_wait3A_103 = arith.constant 0 : i32
      %dma_wait3A_104 = tpu.memref_slice %arg4[%dma_wait3A_102, %dma_wait3A_103] : memref<32768x1024xf32, #tpu.memory_space<hbm>> -> memref<16x1024xf32, #tpu.memory_space<hbm>>
      tpu.wait_dma2 semaphore(%arg12 : memref<!tpu.dma_semaphore, #tpu.memory_space<semaphore_mem>>) src(%dma_wait3A_104 : memref<16x1024xf32, #tpu.memory_space<hbm>>) dst(%arg8 : memref<16x1024xf32, #tpu.memory_space<vmem>>)
      %add3A_105 = arith.constant 2 : i32
      %add3A_106 = arith.addi %add3A_98, %add3A_105 : i32
      %lt3A_107 = arith.constant 64 : i32
      %lt3A_108 = arith.cmpi slt, %add3A_106, %lt3A_107 : i32
      %convert_element_type3A_109 = arith.extui %lt3A_108 : i1 to i32
      %cond3A_110 = arith.constant 0 : i32
      %cond3A_111 = arith.cmpi ne, %convert_element_type3A_109, %cond3A_110 : i32
      scf.if %cond3A_111 {
        %ge3A = arith.constant 2 : i32
        %ge3A_151 = arith.cmpi sge, %add3A_98, %ge3A : i32
        %convert_element_type3A_152 = arith.extui %ge3A_151 : i1 to i32
        %cond3A_153 = arith.constant 0 : i32
        %cond3A_154 = arith.cmpi ne, %convert_element_type3A_152, %cond3A_153 : i32
        scf.if %cond3A_154 {
          %dma_wait3A_164 = arith.constant 0 : i32
          %dma_wait3A_165 = arith.constant 0 : i32
          %dma_wait3A_166 = tpu.memref_slice %arg4[%dma_wait3A_164, %dma_wait3A_165] : memref<32768x1024xf32, #tpu.memory_space<hbm>> -> memref<16x1024xf32, #tpu.memory_space<hbm>>
          %dma_wait3A_167 = arith.constant 0 : i32
          %dma_wait3A_168 = arith.constant 0 : i32
          %dma_wait3A_169 = tpu.memref_slice %arg4[%dma_wait3A_167, %dma_wait3A_168] : memref<32768x1024xf32, #tpu.memory_space<hbm>> -> memref<16x1024xf32, #tpu.memory_space<hbm>>
          tpu.wait_dma2 semaphore(%arg14 : memref<!tpu.dma_semaphore, #tpu.memory_space<semaphore_mem>>) src(%dma_wait3A_169 : memref<16x1024xf32, #tpu.memory_space<hbm>>) dst(%arg6 : memref<16x1024xf32, #tpu.memory_space<vmem>>)
        } else {
        }
        %add3A_155 = arith.constant 2 : i32
        %add3A_156 = arith.addi %add3A_98, %add3A_155 : i32
        %mul3A_157 = arith.constant 16 : i32
        %mul3A_158 = arith.muli %add3A_156, %mul3A_157 : i32
        %multiple_of3A_159 = tpu.assume_multiple %mul3A_158, 16 : i32
        %dma_start3A_160 = tpu.memref_slice %arg5[%multiple_of3A_159] : memref<1024xi32, #tpu.memory_space<vmem>> -> memref<16xi32, #tpu.memory_space<vmem>>
        %dma_start3A_161 = arith.constant 0 : i32
        %dma_start3A_162 = arith.constant 0 : i32
        %dma_start3A_163 = tpu.memref_slice %arg3[%dma_start3A_161, %dma_start3A_162] : memref<100000x1024xf32, #tpu.memory_space<hbm>> -> memref<100000x1024xf32, #tpu.memory_space<hbm>>
        tpu.enqueue_indirect_dma source(%dma_start3A_163 : memref<100000x1024xf32, #tpu.memory_space<hbm>>) target(%arg6 : memref<16x1024xf32, #tpu.memory_space<vmem>>) offsets(%dma_start3A_160 : memref<16xi32, #tpu.memory_space<vmem>>) semaphore(%arg10 : memref<!tpu.dma_semaphore, #tpu.memory_space<semaphore_mem>>)
      } else {
      }
      %parallel_loop3A_112 = arith.constant 0 : i32
      %parallel_loop3A_113 = arith.constant 16 : i32
      %parallel_loop3A_114 = arith.constant 1 : i32
      scf.for %parallel_loop3A_151 = %parallel_loop3A_112 to %parallel_loop3A_113 step %parallel_loop3A_114  : i32 {
        %parallel_loop3A_152 = arith.index_cast %parallel_loop3A_151 : i32 to index
        %parallel_loop3A_153 = arith.constant 0 : index
        %parallel_loop3A_154 = tpu.vector_load %arg8[%parallel_loop3A_152, %parallel_loop3A_153] {strides = array<i32>} : memref<16x1024xf32, #tpu.memory_space<vmem>>, vector<1x16xf32>,
        %parallel_loop3A_155 = vector.shape_cast %parallel_loop3A_154 : vector<1x16xf32> to vector<16xf32>
        %parallel_loop3A_156 = arith.constant 3.200000e+01 : f32
        %parallel_loop3A_157 = vector.broadcast %parallel_loop3A_156 : f32 to vector<16xf32>
        %parallel_loop3A_158 = arith.mulf %parallel_loop3A_155, %parallel_loop3A_157 : vector<16xf32>
        %parallel_loop3A_159 = arith.index_cast %parallel_loop3A_151 : i32 to index
        %parallel_loop3A_160 = arith.constant 0 : index
        %parallel_loop3A_161 = tpu.vector_load %arg8[%parallel_loop3A_159, %parallel_loop3A_160] {strides = array<i32>} : memref<16x1024xf32, #tpu.memory_space<vmem>>, vector<1x16xf32>,
        %parallel_loop3A_162 = vector.shape_cast %parallel_loop3A_161 : vector<1x16xf32> to vector<16xf32>
        %parallel_loop3A_163 = vector.shape_cast %parallel_loop3A_158 : vector<16xf32> to vector<1x16xf32>
        tpu.vector_store %arg8[%parallel_loop3A_159, %parallel_loop3A_160], %parallel_loop3A_163 {strides = array<i32>} : memref<16x1024xf32, #tpu.memory_space<vmem>>, vector<1x16xf32>,
        %parallel_loop3A_164 = arith.index_cast %parallel_loop3A_151 : i32 to index
        %parallel_loop3A_165 = arith.constant 16 : index
        %parallel_loop3A_166 = tpu.vector_load %arg8[%parallel_loop3A_164, %parallel_loop3A_165] {strides = array<i32>} : memref<16x1024xf32, #tpu.memory_space<vmem>>, vector<1x16xf32>,
        %parallel_loop3A_167 = vector.shape_cast %parallel_loop3A_166 : vector<1x16xf32> to vector<16xf32>
        %parallel_loop3A_168 = arith.constant 3.200000e+01 : f32
        %parallel_loop3A_169 = vector.broadcast %parallel_loop3A_168 : f32 to vector<16xf32>
        %parallel_loop3A_170 = arith.mulf %parallel_loop3A_167, %parallel_loop3A_169 : vector<16xf32>
        %parallel_loop3A_171 = arith.index_cast %parallel_loop3A_151 : i32 to index
        %parallel_loop3A_172 = arith.constant 16 : index
        %parallel_loop3A_173 = tpu.vector_load %arg8[%parallel_loop3A_171, %parallel_loop3A_172] {strides = array<i32>} : memref<16x1024xf32, #tpu.memory_space<vmem>>, vector<1x16xf32>,
        %parallel_loop3A_174 = vector.shape_cast %parallel_loop3A_173 : vector<1x16xf32> to vector<16xf32>
        %parallel_loop3A_175 = vector.shape_cast %parallel_loop3A_170 : vector<16xf32> to vector<1x16xf32>
        tpu.vector_store %arg8[%parallel_loop3A_171, %parallel_loop3A_172], %parallel_loop3A_175 {strides = array<i32>} : memref<16x1024xf32, #tpu.memory_space<vmem>>, vector<1x16xf32>,
        %parallel_loop3A_176 = arith.index_cast %parallel_loop3A_151 : i32 to index
        %parallel_loop3A_177 = arith.constant 32 : index
        %parallel_loop3A_178 = tpu.vector_load %arg8[%parallel_loop3A_176, %parallel_loop3A_177] {strides = array<i32>} : memref<16x1024xf32, #tpu.memory_space<vmem>>, vector<1x16xf32>,
        %parallel_loop3A_179 = vector.shape_cast %parallel_loop3A_178 : vector<1x16xf32> to vector<16xf32>
        %parallel_loop3A_180 = arith.constant 3.200000e+01 : f32
        %parallel_loop3A_181 = vector.broadcast %parallel_loop3A_180 : f32 to vector<16xf32>
        %parallel_loop3A_182 = arith.mulf %parallel_loop3A_179, %parallel_loop3A_181 : vector<16xf32>
        %parallel_loop3A_183 = arith.index_cast %parallel_loop3A_151 : i32 to index
        %parallel_loop3A_184 = arith.constant 32 : index
        %parallel_loop3A_185 = tpu.vector_load %arg8[%parallel_loop3A_183, %parallel_loop3A_184] {strides = array<i32>} : memref<16x1024xf32, #tpu.memory_space<vmem>>, vector<1x16xf32>,
        %parallel_loop3A_186 = vector.shape_cast %parallel_loop3A_185 : vector<1x16xf32> to vector<16xf32>
        %parallel_loop3A_187 = vector.shape_cast %parallel_loop3A_182 : vector<16xf32> to vector<1x16xf32>
        tpu.vector_store %arg8[%parallel_loop3A_183, %parallel_loop3A_184], %parallel_loop3A_187 {strides = array<i32>} : memref<16x1024xf32, #tpu.memory_space<vmem>>, vector<1x16xf32>,
        %parallel_loop3A_188 = arith.index_cast %parallel_loop3A_151 : i32 to index
        %parallel_loop3A_189 = arith.constant 48 : index
        %parallel_loop3A_190 = tpu.vector_load %arg8[%parallel_loop3A_188, %parallel_loop3A_189] {strides = array<i32>} : memref<16x1024xf32, #tpu.memory_space<vmem>>, vector<1x16xf32>,
        %parallel_loop3A_191 = vector.shape_cast %parallel_loop3A_190 : vector<1x16xf32> to vector<16xf32>
        %parallel_loop3A_192 = arith.constant 3.200000e+01 : f32
        %parallel_loop3A_193 = vector.broadcast %parallel_loop3A_192 : f32 to vector<16xf32>
        %parallel_loop3A_194 = arith.mulf %parallel_loop3A_191, %parallel_loop3A_193 : vector<16xf32>
        %parallel_loop3A_195 = arith.index_cast %parallel_loop3A_151 : i32 to index
        %parallel_loop3A_196 = arith.constant 48 : index
        %parallel_loop3A_197 = tpu.vector_load %arg8[%parallel_loop3A_195, %parallel_loop3A_196] {strides = array<i32>} : memref<16x1024xf32, #tpu.memory_space<vmem>>, vector<1x16xf32>,
        %parallel_loop3A_198 = vector.shape_cast %parallel_loop3A_197 : vector<1x16xf32> to vector<16xf32>
        %parallel_loop3A_199 = vector.shape_cast %parallel_loop3A_194 : vector<16xf32> to vector<1x16xf32>
        tpu.vector_store %arg8[%parallel_loop3A_195, %parallel_loop3A_196], %parallel_loop3A_199 {strides = array<i32>} : memref<16x1024xf32, #tpu.memory_space<vmem>>, vector<1x16xf32>,
        %parallel_loop3A_200 = arith.index_cast %parallel_loop3A_151 : i32 to index
        %parallel_loop3A_201 = arith.constant 64 : index
        %parallel_loop3A_202 = tpu.vector_load %arg8[%parallel_loop3A_200, %parallel_loop3A_201] {strides = array<i32>} : memref<16x1024xf32, #tpu.memory_space<vmem>>, vector<1x16xf32>,
        %parallel_loop3A_203 = vector.shape_cast %parallel_loop3A_202 : vector<1x16xf32> to vector<16xf32>
        %parallel_loop3A_204 = arith.constant 3.200000e+01 : f32
        %parallel_loop3A_205 = vector.broadcast %parallel_loop3A_204 : f32 to vector<16xf32>
        %parallel_loop3A_206 = arith.mulf %parallel_loop3A_203, %parallel_loop3A_205 : vector<16xf32>
        %parallel_loop3A_207 = arith.index_cast %parallel_loop3A_151 : i32 to index
        %parallel_loop3A_208 = arith.constant 64 : index
        %parallel_loop3A_209 = tpu.vector_load %arg8[%parallel_loop3A_207, %parallel_loop3A_208] {strides = array<i32>} : memref<16x1024xf32, #tpu.memory_space<vmem>>, vector<1x16xf32>,
        %parallel_loop3A_210 = vector.shape_cast %parallel_loop3A_209 : vector<1x16xf32> to vector<16xf32>
        %parallel_loop3A_211 = vector.shape_cast %parallel_loop3A_206 : vector<16xf32> to vector<1x16xf32>
        tpu.vector_store %arg8[%parallel_loop3A_207, %parallel_loop3A_208], %parallel_loop3A_211 {strides = array<i32>} : memref<16x1024xf32, #tpu.memory_space<vmem>>, vector<1x16xf32>,
        %parallel_loop3A_212 = arith.index_cast %parallel_loop3A_151 : i32 to index
        %parallel_loop3A_213 = arith.constant 80 : index
        %parallel_loop3A_214 = tpu.vector_load %arg8[%parallel_loop3A_212, %parallel_loop3A_213] {strides = array<i32>} : memref<16x1024xf32, #tpu.memory_space<vmem>>, vector<1x16xf32>,
        %parallel_loop3A_215 = vector.shape_cast %parallel_loop3A_214 : vector<1x16xf32> to vector<16xf32>
        %parallel_loop3A_216 = arith.constant 3.200000e+01 : f32
        %parallel_loop3A_217 = vector.broadcast %parallel_loop3A_216 : f32 to vector<16xf32>
        %parallel_loop3A_218 = arith.mulf %parallel_loop3A_215, %parallel_loop3A_217 : vector<16xf32>
        %parallel_loop3A_219 = arith.index_cast %parallel_loop3A_151 : i32 to index
        %parallel_loop3A_220 = arith.constant 80 : index
        %parallel_loop3A_221 = tpu.vector_load %arg8[%parallel_loop3A_219, %parallel_loop3A_220] {strides = array<i32>} : memref<16x1024xf32, #tpu.memory_space<vmem>>, vector<1x16xf32>,
        %parallel_loop3A_222 = vector.shape_cast %parallel_loop3A_221 : vector<1x16xf32> to vector<16xf32>
        %parallel_loop3A_223 = vector.shape_cast %parallel_loop3A_218 : vector<16xf32> to vector<1x16xf32>
        tpu.vector_store %arg8[%parallel_loop3A_219, %parallel_loop3A_220], %parallel_loop3A_223 {strides = array<i32>} : memref<16x1024xf32, #tpu.memory_space<vmem>>, vector<1x16xf32>,
        %parallel_loop3A_224 = arith.index_cast %parallel_loop3A_151 : i32 to index
        %parallel_loop3A_225 = arith.constant 96 : index
        %parallel_loop3A_226 = tpu.vector_load %arg8[%parallel_loop3A_224, %parallel_loop3A_225] {strides = array<i32>} : memref<16x1024xf32, #tpu.memory_space<vmem>>, vector<1x16xf32>,
        %parallel_loop3A_227 = vector.shape_cast %parallel_loop3A_226 : vector<1x16xf32> to vector<16xf32>
        %parallel_loop3A_228 = arith.constant 3.200000e+01 : f32
        %parallel_loop3A_229 = vector.broadcast %parallel_loop3A_228 : f32 to vector<16xf32>
        %parallel_loop3A_230 = arith.mulf %parallel_loop3A_227, %parallel_loop3A_229 : vector<16xf32>
        %parallel_loop3A_231 = arith.index_cast %parallel_loop3A_151 : i32 to index
        %parallel_loop3A_232 = arith.constant 96 : index
        %parallel_loop3A_233 = tpu.vector_load %arg8[%parallel_loop3A_231, %parallel_loop3A_232] {strides = array<i32>} : memref<16x1024xf32, #tpu.memory_space<vmem>>, vector<1x16xf32>,
        %parallel_loop3A_234 = vector.shape_cast %parallel_loop3A_233 : vector<1x16xf32> to vector<16xf32>
        %parallel_loop3A_235 = vector.shape_cast %parallel_loop3A_230 : vector<16xf32> to vector<1x16xf32>
        tpu.vector_store %arg8[%parallel_loop3A_231, %parallel_loop3A_232], %parallel_loop3A_235 {strides = array<i32>} : memref<16x1024xf32, #tpu.memory_space<vmem>>, vector<1x16xf32>,
        %parallel_loop3A_236 = arith.index_cast %parallel_loop3A_151 : i32 to index
        %parallel_loop3A_237 = arith.constant 112 : index
        %parallel_loop3A_238 = tpu.vector_load %arg8[%parallel_loop3A_236, %parallel_loop3A_237] {strides = array<i32>} : memref<16x1024xf32, #tpu.memory_space<vmem>>, vector<1x16xf32>,
        %parallel_loop3A_239 = vector.shape_cast %parallel_loop3A_238 : vector<1x16xf32> to vector<16xf32>
        %parallel_loop3A_240 = arith.constant 3.200000e+01 : f32
        %parallel_loop3A_241 = vector.broadcast %parallel_loop3A_240 : f32 to vector<16xf32>
        %parallel_loop3A_242 = arith.mulf %parallel_loop3A_239, %parallel_loop3A_241 : vector<16xf32>
        %parallel_loop3A_243 = arith.index_cast %parallel_loop3A_151 : i32 to index
        %parallel_loop3A_244 = arith.constant 112 : index
        %parallel_loop3A_245 = tpu.vector_load %arg8[%parallel_loop3A_243, %parallel_loop3A_244] {strides = array<i32>} : memref<16x1024xf32, #tpu.memory_space<vmem>>, vector<1x16xf32>,
        %parallel_loop3A_246 = vector.shape_cast %parallel_loop3A_245 : vector<1x16xf32> to vector<16xf32>
        %parallel_loop3A_247 = vector.shape_cast %parallel_loop3A_242 : vector<16xf32> to vector<1x16xf32>
        tpu.vector_store %arg8[%parallel_loop3A_243, %parallel_loop3A_244], %parallel_loop3A_247 {strides = array<i32>} : memref<16x1024xf32, #tpu.memory_space<vmem>>, vector<1x16xf32>,
        %parallel_loop3A_248 = arith.index_cast %parallel_loop3A_151 : i32 to index
        %parallel_loop3A_249 = arith.constant 128 : index
        %parallel_loop3A_250 = tpu.vector_load %arg8[%parallel_loop3A_248, %parallel_loop3A_249] {strides = array<i32>} : memref<16x1024xf32, #tpu.memory_space<vmem>>, vector<1x16xf32>,
        %parallel_loop3A_251 = vector.shape_cast %parallel_loop3A_250 : vector<1x16xf32> to vector<16xf32>
        %parallel_loop3A_252 = arith.constant 3.200000e+01 : f32
        %parallel_loop3A_253 = vector.broadcast %parallel_loop3A_252 : f32 to vector<16xf32>
        %parallel_loop3A_254 = arith.mulf %parallel_loop3A_251, %parallel_loop3A_253 : vector<16xf32>
        %parallel_loop3A_255 = arith.index_cast %parallel_loop3A_151 : i32 to index
        %parallel_loop3A_256 = arith.constant 128 : index
        %parallel_loop3A_257 = tpu.vector_load %arg8[%parallel_loop3A_255, %parallel_loop3A_256] {strides = array<i32>} : memref<16x1024xf32, #tpu.memory_space<vmem>>, vector<1x16xf32>,
        %parallel_loop3A_258 = vector.shape_cast %parallel_loop3A_257 : vector<1x16xf32> to vector<16xf32>
        %parallel_loop3A_259 = vector.shape_cast %parallel_loop3A_254 : vector<16xf32> to vector<1x16xf32>
        tpu.vector_store %arg8[%parallel_loop3A_255, %parallel_loop3A_256], %parallel_loop3A_259 {strides = array<i32>} : memref<16x1024xf32, #tpu.memory_space<vmem>>, vector<1x16xf32>,
        %parallel_loop3A_260 = arith.index_cast %parallel_loop3A_151 : i32 to index
        %parallel_loop3A_261 = arith.constant 144 : index
        %parallel_loop3A_262 = tpu.vector_load %arg8[%parallel_loop3A_260, %parallel_loop3A_261] {strides = array<i32>} : memref<16x1024xf32, #tpu.memory_space<vmem>>, vector<1x16xf32>,
        %parallel_loop3A_263 = vector.shape_cast %parallel_loop3A_262 : vector<1x16xf32> to vector<16xf32>
        %parallel_loop3A_264 = arith.constant 3.200000e+01 : f32
        %parallel_loop3A_265 = vector.broadcast %parallel_loop3A_264 : f32 to vector<16xf32>
        %parallel_loop3A_266 = arith.mulf %parallel_loop3A_263, %parallel_loop3A_265 : vector<16xf32>
        %parallel_loop3A_267 = arith.index_cast %parallel_loop3A_151 : i32 to index
        %parallel_loop3A_268 = arith.constant 144 : index
        %parallel_loop3A_269 = tpu.vector_load %arg8[%parallel_loop3A_267, %parallel_loop3A_268] {strides = array<i32>} : memref<16x1024xf32, #tpu.memory_space<vmem>>, vector<1x16xf32>,
        %parallel_loop3A_270 = vector.shape_cast %parallel_loop3A_269 : vector<1x16xf32> to vector<16xf32>
        %parallel_loop3A_271 = vector.shape_cast %parallel_loop3A_266 : vector<16xf32> to vector<1x16xf32>
        tpu.vector_store %arg8[%parallel_loop3A_267, %parallel_loop3A_268], %parallel_loop3A_271 {strides = array<i32>} : memref<16x1024xf32, #tpu.memory_space<vmem>>, vector<1x16xf32>,
        %parallel_loop3A_272 = arith.index_cast %parallel_loop3A_151 : i32 to index
        %parallel_loop3A_273 = arith.constant 160 : index
        %parallel_loop3A_274 = tpu.vector_load %arg8[%parallel_loop3A_272, %parallel_loop3A_273] {strides = array<i32>} : memref<16x1024xf32, #tpu.memory_space<vmem>>, vector<1x16xf32>,
        %parallel_loop3A_275 = vector.shape_cast %parallel_loop3A_274 : vector<1x16xf32> to vector<16xf32>
        %parallel_loop3A_276 = arith.constant 3.200000e+01 : f32
        %parallel_loop3A_277 = vector.broadcast %parallel_loop3A_276 : f32 to vector<16xf32>
        %parallel_loop3A_278 = arith.mulf %parallel_loop3A_275, %parallel_loop3A_277 : vector<16xf32>
        %parallel_loop3A_279 = arith.index_cast %parallel_loop3A_151 : i32 to index
        %parallel_loop3A_280 = arith.constant 160 : index
        %parallel_loop3A_281 = tpu.vector_load %arg8[%parallel_loop3A_279, %parallel_loop3A_280] {strides = array<i32>} : memref<16x1024xf32, #tpu.memory_space<vmem>>, vector<1x16xf32>,
        %parallel_loop3A_282 = vector.shape_cast %parallel_loop3A_281 : vector<1x16xf32> to vector<16xf32>
        %parallel_loop3A_283 = vector.shape_cast %parallel_loop3A_278 : vector<16xf32> to vector<1x16xf32>
        tpu.vector_store %arg8[%parallel_loop3A_279, %parallel_loop3A_280], %parallel_loop3A_283 {strides = array<i32>} : memref<16x1024xf32, #tpu.memory_space<vmem>>, vector<1x16xf32>,
        %parallel_loop3A_284 = arith.index_cast %parallel_loop3A_151 : i32 to index
        %parallel_loop3A_285 = arith.constant 176 : index
        %parallel_loop3A_286 = tpu.vector_load %arg8[%parallel_loop3A_284, %parallel_loop3A_285] {strides = array<i32>} : memref<16x1024xf32, #tpu.memory_space<vmem>>, vector<1x16xf32>,
        %parallel_loop3A_287 = vector.shape_cast %parallel_loop3A_286 : vector<1x16xf32> to vector<16xf32>
        %parallel_loop3A_288 = arith.constant 3.200000e+01 : f32
        %parallel_loop3A_289 = vector.broadcast %parallel_loop3A_288 : f32 to vector<16xf32>
        %parallel_loop3A_290 = arith.mulf %parallel_loop3A_287, %parallel_loop3A_289 : vector<16xf32>
        %parallel_loop3A_291 = arith.index_cast %parallel_loop3A_151 : i32 to index
        %parallel_loop3A_292 = arith.constant 176 : index
        %parallel_loop3A_293 = tpu.vector_load %arg8[%parallel_loop3A_291, %parallel_loop3A_292] {strides = array<i32>} : memref<16x1024xf32, #tpu.memory_space<vmem>>, vector<1x16xf32>,
        %parallel_loop3A_294 = vector.shape_cast %parallel_loop3A_293 : vector<1x16xf32> to vector<16xf32>
        %parallel_loop3A_295 = vector.shape_cast %parallel_loop3A_290 : vector<16xf32> to vector<1x16xf32>
        tpu.vector_store %arg8[%parallel_loop3A_291, %parallel_loop3A_292], %parallel_loop3A_295 {strides = array<i32>} : memref<16x1024xf32, #tpu.memory_space<vmem>>, vector<1x16xf32>,
        %parallel_loop3A_296 = arith.index_cast %parallel_loop3A_151 : i32 to index
        %parallel_loop3A_297 = arith.constant 192 : index
        %parallel_loop3A_298 = tpu.vector_load %arg8[%parallel_loop3A_296, %parallel_loop3A_297] {strides = array<i32>} : memref<16x1024xf32, #tpu.memory_space<vmem>>, vector<1x16xf32>,
        %parallel_loop3A_299 = vector.shape_cast %parallel_loop3A_298 : vector<1x16xf32> to vector<16xf32>
        %parallel_loop3A_300 = arith.constant 3.200000e+01 : f32
        %parallel_loop3A_301 = vector.broadcast %parallel_loop3A_300 : f32 to vector<16xf32>
        %parallel_loop3A_302 = arith.mulf %parallel_loop3A_299, %parallel_loop3A_301 : vector<16xf32>
        %parallel_loop3A_303 = arith.index_cast %parallel_loop3A_151 : i32 to index
        %parallel_loop3A_304 = arith.constant 192 : index
        %parallel_loop3A_305 = tpu.vector_load %arg8[%parallel_loop3A_303, %parallel_loop3A_304] {strides = array<i32>} : memref<16x1024xf32, #tpu.memory_space<vmem>>, vector<1x16xf32>,
        %parallel_loop3A_306 = vector.shape_cast %parallel_loop3A_305 : vector<1x16xf32> to vector<16xf32>
        %parallel_loop3A_307 = vector.shape_cast %parallel_loop3A_302 : vector<16xf32> to vector<1x16xf32>
        tpu.vector_store %arg8[%parallel_loop3A_303, %parallel_loop3A_304], %parallel_loop3A_307 {strides = array<i32>} : memref<16x1024xf32, #tpu.memory_space<vmem>>, vector<1x16xf32>,
        %parallel_loop3A_308 = arith.index_cast %parallel_loop3A_151 : i32 to index
        %parallel_loop3A_309 = arith.constant 208 : index
        %parallel_loop3A_310 = tpu.vector_load %arg8[%parallel_loop3A_308, %parallel_loop3A_309] {strides = array<i32>} : memref<16x1024xf32, #tpu.memory_space<vmem>>, vector<1x16xf32>,
        %parallel_loop3A_311 = vector.shape_cast %parallel_loop3A_310 : vector<1x16xf32> to vector<16xf32>
        %parallel_loop3A_312 = arith.constant 3.200000e+01 : f32
        %parallel_loop3A_313 = vector.broadcast %parallel_loop3A_312 : f32 to vector<16xf32>
        %parallel_loop3A_314 = arith.mulf %parallel_loop3A_311, %parallel_loop3A_313 : vector<16xf32>
        %parallel_loop3A_315 = arith.index_cast %parallel_loop3A_151 : i32 to index
        %parallel_loop3A_316 = arith.constant 208 : index
        %parallel_loop3A_317 = tpu.vector_load %arg8[%parallel_loop3A_315, %parallel_loop3A_316] {strides = array<i32>} : memref<16x1024xf32, #tpu.memory_space<vmem>>, vector<1x16xf32>,
        %parallel_loop3A_318 = vector.shape_cast %parallel_loop3A_317 : vector<1x16xf32> to vector<16xf32>
        %parallel_loop3A_319 = vector.shape_cast %parallel_loop3A_314 : vector<16xf32> to vector<1x16xf32>
        tpu.vector_store %arg8[%parallel_loop3A_315, %parallel_loop3A_316], %parallel_loop3A_319 {strides = array<i32>} : memref<16x1024xf32, #tpu.memory_space<vmem>>, vector<1x16xf32>,
        %parallel_loop3A_320 = arith.index_cast %parallel_loop3A_151 : i32 to index
        %parallel_loop3A_321 = arith.constant 224 : index
        %parallel_loop3A_322 = tpu.vector_load %arg8[%parallel_loop3A_320, %parallel_loop3A_321] {strides = array<i32>} : memref<16x1024xf32, #tpu.memory_space<vmem>>, vector<1x16xf32>,
        %parallel_loop3A_323 = vector.shape_cast %parallel_loop3A_322 : vector<1x16xf32> to vector<16xf32>
        %parallel_loop3A_324 = arith.constant 3.200000e+01 : f32
        %parallel_loop3A_325 = vector.broadcast %parallel_loop3A_324 : f32 to vector<16xf32>
        %parallel_loop3A_326 = arith.mulf %parallel_loop3A_323, %parallel_loop3A_325 : vector<16xf32>
        %parallel_loop3A_327 = arith.index_cast %parallel_loop3A_151 : i32 to index
        %parallel_loop3A_328 = arith.constant 224 : index
        %parallel_loop3A_329 = tpu.vector_load %arg8[%parallel_loop3A_327, %parallel_loop3A_328] {strides = array<i32>} : memref<16x1024xf32, #tpu.memory_space<vmem>>, vector<1x16xf32>,
        %parallel_loop3A_330 = vector.shape_cast %parallel_loop3A_329 : vector<1x16xf32> to vector<16xf32>
        %parallel_loop3A_331 = vector.shape_cast %parallel_loop3A_326 : vector<16xf32> to vector<1x16xf32>
        tpu.vector_store %arg8[%parallel_loop3A_327, %parallel_loop3A_328], %parallel_loop3A_331 {strides = array<i32>} : memref<16x1024xf32, #tpu.memory_space<vmem>>, vector<1x16xf32>,
        %parallel_loop3A_332 = arith.index_cast %parallel_loop3A_151 : i32 to index
        %parallel_loop3A_333 = arith.constant 240 : index
        %parallel_loop3A_334 = tpu.vector_load %arg8[%parallel_loop3A_332, %parallel_loop3A_333] {strides = array<i32>} : memref<16x1024xf32, #tpu.memory_space<vmem>>, vector<1x16xf32>,
        %parallel_loop3A_335 = vector.shape_cast %parallel_loop3A_334 : vector<1x16xf32> to vector<16xf32>
        %parallel_loop3A_336 = arith.constant 3.200000e+01 : f32
        %parallel_loop3A_337 = vector.broadcast %parallel_loop3A_336 : f32 to vector<16xf32>
        %parallel_loop3A_338 = arith.mulf %parallel_loop3A_335, %parallel_loop3A_337 : vector<16xf32>
        %parallel_loop3A_339 = arith.index_cast %parallel_loop3A_151 : i32 to index
        %parallel_loop3A_340 = arith.constant 240 : index
        %parallel_loop3A_341 = tpu.vector_load %arg8[%parallel_loop3A_339, %parallel_loop3A_340] {strides = array<i32>} : memref<16x1024xf32, #tpu.memory_space<vmem>>, vector<1x16xf32>,
        %parallel_loop3A_342 = vector.shape_cast %parallel_loop3A_341 : vector<1x16xf32> to vector<16xf32>
        %parallel_loop3A_343 = vector.shape_cast %parallel_loop3A_338 : vector<16xf32> to vector<1x16xf32>
        tpu.vector_store %arg8[%parallel_loop3A_339, %parallel_loop3A_340], %parallel_loop3A_343 {strides = array<i32>} : memref<16x1024xf32, #tpu.memory_space<vmem>>, vector<1x16xf32>,
        %parallel_loop3A_344 = arith.index_cast %parallel_loop3A_151 : i32 to index
        %parallel_loop3A_345 = arith.constant 256 : index
        %parallel_loop3A_346 = tpu.vector_load %arg8[%parallel_loop3A_344, %parallel_loop3A_345] {strides = array<i32>} : memref<16x1024xf32, #tpu.memory_space<vmem>>, vector<1x16xf32>,
        %parallel_loop3A_347 = vector.shape_cast %parallel_loop3A_346 : vector<1x16xf32> to vector<16xf32>
        %parallel_loop3A_348 = arith.constant 3.200000e+01 : f32
        %parallel_loop3A_349 = vector.broadcast %parallel_loop3A_348 : f32 to vector<16xf32>
        %parallel_loop3A_350 = arith.mulf %parallel_loop3A_347, %parallel_loop3A_349 : vector<16xf32>
        %parallel_loop3A_351 = arith.index_cast %parallel_loop3A_151 : i32 to index
        %parallel_loop3A_352 = arith.constant 256 : index
        %parallel_loop3A_353 = tpu.vector_load %arg8[%parallel_loop3A_351, %parallel_loop3A_352] {strides = array<i32>} : memref<16x1024xf32, #tpu.memory_space<vmem>>, vector<1x16xf32>,
        %parallel_loop3A_354 = vector.shape_cast %parallel_loop3A_353 : vector<1x16xf32> to vector<16xf32>
        %parallel_loop3A_355 = vector.shape_cast %parallel_loop3A_350 : vector<16xf32> to vector<1x16xf32>
        tpu.vector_store %arg8[%parallel_loop3A_351, %parallel_loop3A_352], %parallel_loop3A_355 {strides = array<i32>} : memref<16x1024xf32, #tpu.memory_space<vmem>>, vector<1x16xf32>,
        %parallel_loop3A_356 = arith.index_cast %parallel_loop3A_151 : i32 to index
        %parallel_loop3A_357 = arith.constant 272 : index
        %parallel_loop3A_358 = tpu.vector_load %arg8[%parallel_loop3A_356, %parallel_loop3A_357] {strides = array<i32>} : memref<16x1024xf32, #tpu.memory_space<vmem>>, vector<1x16xf32>,
        %parallel_loop3A_359 = vector.shape_cast %parallel_loop3A_358 : vector<1x16xf32> to vector<16xf32>
        %parallel_loop3A_360 = arith.constant 3.200000e+01 : f32
        %parallel_loop3A_361 = vector.broadcast %parallel_loop3A_360 : f32 to vector<16xf32>
        %parallel_loop3A_362 = arith.mulf %parallel_loop3A_359, %parallel_loop3A_361 : vector<16xf32>
        %parallel_loop3A_363 = arith.index_cast %parallel_loop3A_151 : i32 to index
        %parallel_loop3A_364 = arith.constant 272 : index
        %parallel_loop3A_365 = tpu.vector_load %arg8[%parallel_loop3A_363, %parallel_loop3A_364] {strides = array<i32>} : memref<16x1024xf32, #tpu.memory_space<vmem>>, vector<1x16xf32>,
        %parallel_loop3A_366 = vector.shape_cast %parallel_loop3A_365 : vector<1x16xf32> to vector<16xf32>
        %parallel_loop3A_367 = vector.shape_cast %parallel_loop3A_362 : vector<16xf32> to vector<1x16xf32>
        tpu.vector_store %arg8[%parallel_loop3A_363, %parallel_loop3A_364], %parallel_loop3A_367 {strides = array<i32>} : memref<16x1024xf32, #tpu.memory_space<vmem>>, vector<1x16xf32>,
        %parallel_loop3A_368 = arith.index_cast %parallel_loop3A_151 : i32 to index
        %parallel_loop3A_369 = arith.constant 288 : index
        %parallel_loop3A_370 = tpu.vector_load %arg8[%parallel_loop3A_368, %parallel_loop3A_369] {strides = array<i32>} : memref<16x1024xf32, #tpu.memory_space<vmem>>, vector<1x16xf32>,
        %parallel_loop3A_371 = vector.shape_cast %parallel_loop3A_370 : vector<1x16xf32> to vector<16xf32>
        %parallel_loop3A_372 = arith.constant 3.200000e+01 : f32
        %parallel_loop3A_373 = vector.broadcast %parallel_loop3A_372 : f32 to vector<16xf32>
        %parallel_loop3A_374 = arith.mulf %parallel_loop3A_371, %parallel_loop3A_373 : vector<16xf32>
        %parallel_loop3A_375 = arith.index_cast %parallel_loop3A_151 : i32 to index
        %parallel_loop3A_376 = arith.constant 288 : index
        %parallel_loop3A_377 = tpu.vector_load %arg8[%parallel_loop3A_375, %parallel_loop3A_376] {strides = array<i32>} : memref<16x1024xf32, #tpu.memory_space<vmem>>, vector<1x16xf32>,
        %parallel_loop3A_378 = vector.shape_cast %parallel_loop3A_377 : vector<1x16xf32> to vector<16xf32>
        %parallel_loop3A_379 = vector.shape_cast %parallel_loop3A_374 : vector<16xf32> to vector<1x16xf32>
        tpu.vector_store %arg8[%parallel_loop3A_375, %parallel_loop3A_376], %parallel_loop3A_379 {strides = array<i32>} : memref<16x1024xf32, #tpu.memory_space<vmem>>, vector<1x16xf32>,
        %parallel_loop3A_380 = arith.index_cast %parallel_loop3A_151 : i32 to index
        %parallel_loop3A_381 = arith.constant 304 : index
        %parallel_loop3A_382 = tpu.vector_load %arg8[%parallel_loop3A_380, %parallel_loop3A_381] {strides = array<i32>} : memref<16x1024xf32, #tpu.memory_space<vmem>>, vector<1x16xf32>,
        %parallel_loop3A_383 = vector.shape_cast %parallel_loop3A_382 : vector<1x16xf32> to vector<16xf32>
        %parallel_loop3A_384 = arith.constant 3.200000e+01 : f32
        %parallel_loop3A_385 = vector.broadcast %parallel_loop3A_384 : f32 to vector<16xf32>
        %parallel_loop3A_386 = arith.mulf %parallel_loop3A_383, %parallel_loop3A_385 : vector<16xf32>
        %parallel_loop3A_387 = arith.index_cast %parallel_loop3A_151 : i32 to index
        %parallel_loop3A_388 = arith.constant 304 : index
        %parallel_loop3A_389 = tpu.vector_load %arg8[%parallel_loop3A_387, %parallel_loop3A_388] {strides = array<i32>} : memref<16x1024xf32, #tpu.memory_space<vmem>>, vector<1x16xf32>,
        %parallel_loop3A_390 = vector.shape_cast %parallel_loop3A_389 : vector<1x16xf32> to vector<16xf32>
        %parallel_loop3A_391 = vector.shape_cast %parallel_loop3A_386 : vector<16xf32> to vector<1x16xf32>
        tpu.vector_store %arg8[%parallel_loop3A_387, %parallel_loop3A_388], %parallel_loop3A_391 {strides = array<i32>} : memref<16x1024xf32, #tpu.memory_space<vmem>>, vector<1x16xf32>,
        %parallel_loop3A_392 = arith.index_cast %parallel_loop3A_151 : i32 to index
        %parallel_loop3A_393 = arith.constant 320 : index
        %parallel_loop3A_394 = tpu.vector_load %arg8[%parallel_loop3A_392, %parallel_loop3A_393] {strides = array<i32>} : memref<16x1024xf32, #tpu.memory_space<vmem>>, vector<1x16xf32>,
        %parallel_loop3A_395 = vector.shape_cast %parallel_loop3A_394 : vector<1x16xf32> to vector<16xf32>
        %parallel_loop3A_396 = arith.constant 3.200000e+01 : f32
        %parallel_loop3A_397 = vector.broadcast %parallel_loop3A_396 : f32 to vector<16xf32>
        %parallel_loop3A_398 = arith.mulf %parallel_loop3A_395, %parallel_loop3A_397 : vector<16xf32>
        %parallel_loop3A_399 = arith.index_cast %parallel_loop3A_151 : i32 to index
        %parallel_loop3A_400 = arith.constant 320 : index
        %parallel_loop3A_401 = tpu.vector_load %arg8[%parallel_loop3A_399, %parallel_loop3A_400] {strides = array<i32>} : memref<16x1024xf32, #tpu.memory_space<vmem>>, vector<1x16xf32>,
        %parallel_loop3A_402 = vector.shape_cast %parallel_loop3A_401 : vector<1x16xf32> to vector<16xf32>
        %parallel_loop3A_403 = vector.shape_cast %parallel_loop3A_398 : vector<16xf32> to vector<1x16xf32>
        tpu.vector_store %arg8[%parallel_loop3A_399, %parallel_loop3A_400], %parallel_loop3A_403 {strides = array<i32>} : memref<16x1024xf32, #tpu.memory_space<vmem>>, vector<1x16xf32>,
        %parallel_loop3A_404 = arith.index_cast %parallel_loop3A_151 : i32 to index
        %parallel_loop3A_405 = arith.constant 336 : index
        %parallel_loop3A_406 = tpu.vector_load %arg8[%parallel_loop3A_404, %parallel_loop3A_405] {strides = array<i32>} : memref<16x1024xf32, #tpu.memory_space<vmem>>, vector<1x16xf32>,
        %parallel_loop3A_407 = vector.shape_cast %parallel_loop3A_406 : vector<1x16xf32> to vector<16xf32>
        %parallel_loop3A_408 = arith.constant 3.200000e+01 : f32
        %parallel_loop3A_409 = vector.broadcast %parallel_loop3A_408 : f32 to vector<16xf32>
        %parallel_loop3A_410 = arith.mulf %parallel_loop3A_407, %parallel_loop3A_409 : vector<16xf32>
        %parallel_loop3A_411 = arith.index_cast %parallel_loop3A_151 : i32 to index
        %parallel_loop3A_412 = arith.constant 336 : index
        %parallel_loop3A_413 = tpu.vector_load %arg8[%parallel_loop3A_411, %parallel_loop3A_412] {strides = array<i32>} : memref<16x1024xf32, #tpu.memory_space<vmem>>, vector<1x16xf32>,
        %parallel_loop3A_414 = vector.shape_cast %parallel_loop3A_413 : vector<1x16xf32> to vector<16xf32>
        %parallel_loop3A_415 = vector.shape_cast %parallel_loop3A_410 : vector<16xf32> to vector<1x16xf32>
        tpu.vector_store %arg8[%parallel_loop3A_411, %parallel_loop3A_412], %parallel_loop3A_415 {strides = array<i32>} : memref<16x1024xf32, #tpu.memory_space<vmem>>, vector<1x16xf32>,
        %parallel_loop3A_416 = arith.index_cast %parallel_loop3A_151 : i32 to index
        %parallel_loop3A_417 = arith.constant 352 : index
        %parallel_loop3A_418 = tpu.vector_load %arg8[%parallel_loop3A_416, %parallel_loop3A_417] {strides = array<i32>} : memref<16x1024xf32, #tpu.memory_space<vmem>>, vector<1x16xf32>,
        %parallel_loop3A_419 = vector.shape_cast %parallel_loop3A_418 : vector<1x16xf32> to vector<16xf32>
        %parallel_loop3A_420 = arith.constant 3.200000e+01 : f32
        %parallel_loop3A_421 = vector.broadcast %parallel_loop3A_420 : f32 to vector<16xf32>
        %parallel_loop3A_422 = arith.mulf %parallel_loop3A_419, %parallel_loop3A_421 : vector<16xf32>
        %parallel_loop3A_423 = arith.index_cast %parallel_loop3A_151 : i32 to index
        %parallel_loop3A_424 = arith.constant 352 : index
        %parallel_loop3A_425 = tpu.vector_load %arg8[%parallel_loop3A_423, %parallel_loop3A_424] {strides = array<i32>} : memref<16x1024xf32, #tpu.memory_space<vmem>>, vector<1x16xf32>,
        %parallel_loop3A_426 = vector.shape_cast %parallel_loop3A_425 : vector<1x16xf32> to vector<16xf32>
        %parallel_loop3A_427 = vector.shape_cast %parallel_loop3A_422 : vector<16xf32> to vector<1x16xf32>
        tpu.vector_store %arg8[%parallel_loop3A_423, %parallel_loop3A_424], %parallel_loop3A_427 {strides = array<i32>} : memref<16x1024xf32, #tpu.memory_space<vmem>>, vector<1x16xf32>,
        %parallel_loop3A_428 = arith.index_cast %parallel_loop3A_151 : i32 to index
        %parallel_loop3A_429 = arith.constant 368 : index
        %parallel_loop3A_430 = tpu.vector_load %arg8[%parallel_loop3A_428, %parallel_loop3A_429] {strides = array<i32>} : memref<16x1024xf32, #tpu.memory_space<vmem>>, vector<1x16xf32>,
        %parallel_loop3A_431 = vector.shape_cast %parallel_loop3A_430 : vector<1x16xf32> to vector<16xf32>
        %parallel_loop3A_432 = arith.constant 3.200000e+01 : f32
        %parallel_loop3A_433 = vector.broadcast %parallel_loop3A_432 : f32 to vector<16xf32>
        %parallel_loop3A_434 = arith.mulf %parallel_loop3A_431, %parallel_loop3A_433 : vector<16xf32>
        %parallel_loop3A_435 = arith.index_cast %parallel_loop3A_151 : i32 to index
        %parallel_loop3A_436 = arith.constant 368 : index
        %parallel_loop3A_437 = tpu.vector_load %arg8[%parallel_loop3A_435, %parallel_loop3A_436] {strides = array<i32>} : memref<16x1024xf32, #tpu.memory_space<vmem>>, vector<1x16xf32>,
        %parallel_loop3A_438 = vector.shape_cast %parallel_loop3A_437 : vector<1x16xf32> to vector<16xf32>
        %parallel_loop3A_439 = vector.shape_cast %parallel_loop3A_434 : vector<16xf32> to vector<1x16xf32>
        tpu.vector_store %arg8[%parallel_loop3A_435, %parallel_loop3A_436], %parallel_loop3A_439 {strides = array<i32>} : memref<16x1024xf32, #tpu.memory_space<vmem>>, vector<1x16xf32>,
        %parallel_loop3A_440 = arith.index_cast %parallel_loop3A_151 : i32 to index
        %parallel_loop3A_441 = arith.constant 384 : index
        %parallel_loop3A_442 = tpu.vector_load %arg8[%parallel_loop3A_440, %parallel_loop3A_441] {strides = array<i32>} : memref<16x1024xf32, #tpu.memory_space<vmem>>, vector<1x16xf32>,
        %parallel_loop3A_443 = vector.shape_cast %parallel_loop3A_442 : vector<1x16xf32> to vector<16xf32>
        %parallel_loop3A_444 = arith.constant 3.200000e+01 : f32
        %parallel_loop3A_445 = vector.broadcast %parallel_loop3A_444 : f32 to vector<16xf32>
        %parallel_loop3A_446 = arith.mulf %parallel_loop3A_443, %parallel_loop3A_445 : vector<16xf32>
        %parallel_loop3A_447 = arith.index_cast %parallel_loop3A_151 : i32 to index
        %parallel_loop3A_448 = arith.constant 384 : index
        %parallel_loop3A_449 = tpu.vector_load %arg8[%parallel_loop3A_447, %parallel_loop3A_448] {strides = array<i32>} : memref<16x1024xf32, #tpu.memory_space<vmem>>, vector<1x16xf32>,
        %parallel_loop3A_450 = vector.shape_cast %parallel_loop3A_449 : vector<1x16xf32> to vector<16xf32>
        %parallel_loop3A_451 = vector.shape_cast %parallel_loop3A_446 : vector<16xf32> to vector<1x16xf32>
        tpu.vector_store %arg8[%parallel_loop3A_447, %parallel_loop3A_448], %parallel_loop3A_451 {strides = array<i32>} : memref<16x1024xf32, #tpu.memory_space<vmem>>, vector<1x16xf32>,
        %parallel_loop3A_452 = arith.index_cast %parallel_loop3A_151 : i32 to index
        %parallel_loop3A_453 = arith.constant 400 : index
        %parallel_loop3A_454 = tpu.vector_load %arg8[%parallel_loop3A_452, %parallel_loop3A_453] {strides = array<i32>} : memref<16x1024xf32, #tpu.memory_space<vmem>>, vector<1x16xf32>,
        %parallel_loop3A_455 = vector.shape_cast %parallel_loop3A_454 : vector<1x16xf32> to vector<16xf32>
        %parallel_loop3A_456 = arith.constant 3.200000e+01 : f32
        %parallel_loop3A_457 = vector.broadcast %parallel_loop3A_456 : f32 to vector<16xf32>
        %parallel_loop3A_458 = arith.mulf %parallel_loop3A_455, %parallel_loop3A_457 : vector<16xf32>
        %parallel_loop3A_459 = arith.index_cast %parallel_loop3A_151 : i32 to index
        %parallel_loop3A_460 = arith.constant 400 : index
        %parallel_loop3A_461 = tpu.vector_load %arg8[%parallel_loop3A_459, %parallel_loop3A_460] {strides = array<i32>} : memref<16x1024xf32, #tpu.memory_space<vmem>>, vector<1x16xf32>,
        %parallel_loop3A_462 = vector.shape_cast %parallel_loop3A_461 : vector<1x16xf32> to vector<16xf32>
        %parallel_loop3A_463 = vector.shape_cast %parallel_loop3A_458 : vector<16xf32> to vector<1x16xf32>
        tpu.vector_store %arg8[%parallel_loop3A_459, %parallel_loop3A_460], %parallel_loop3A_463 {strides = array<i32>} : memref<16x1024xf32, #tpu.memory_space<vmem>>, vector<1x16xf32>,
        %parallel_loop3A_464 = arith.index_cast %parallel_loop3A_151 : i32 to index
        %parallel_loop3A_465 = arith.constant 416 : index
        %parallel_loop3A_466 = tpu.vector_load %arg8[%parallel_loop3A_464, %parallel_loop3A_465] {strides = array<i32>} : memref<16x1024xf32, #tpu.memory_space<vmem>>, vector<1x16xf32>,
        %parallel_loop3A_467 = vector.shape_cast %parallel_loop3A_466 : vector<1x16xf32> to vector<16xf32>
        %parallel_loop3A_468 = arith.constant 3.200000e+01 : f32
        %parallel_loop3A_469 = vector.broadcast %parallel_loop3A_468 : f32 to vector<16xf32>
        %parallel_loop3A_470 = arith.mulf %parallel_loop3A_467, %parallel_loop3A_469 : vector<16xf32>
        %parallel_loop3A_471 = arith.index_cast %parallel_loop3A_151 : i32 to index
        %parallel_loop3A_472 = arith.constant 416 : index
        %parallel_loop3A_473 = tpu.vector_load %arg8[%parallel_loop3A_471, %parallel_loop3A_472] {strides = array<i32>} : memref<16x1024xf32, #tpu.memory_space<vmem>>, vector<1x16xf32>,
        %parallel_loop3A_474 = vector.shape_cast %parallel_loop3A_473 : vector<1x16xf32> to vector<16xf32>
        %parallel_loop3A_475 = vector.shape_cast %parallel_loop3A_470 : vector<16xf32> to vector<1x16xf32>
        tpu.vector_store %arg8[%parallel_loop3A_471, %parallel_loop3A_472], %parallel_loop3A_475 {strides = array<i32>} : memref<16x1024xf32, #tpu.memory_space<vmem>>, vector<1x16xf32>,
        %parallel_loop3A_476 = arith.index_cast %parallel_loop3A_151 : i32 to index
        %parallel_loop3A_477 = arith.constant 432 : index
        %parallel_loop3A_478 = tpu.vector_load %arg8[%parallel_loop3A_476, %parallel_loop3A_477] {strides = array<i32>} : memref<16x1024xf32, #tpu.memory_space<vmem>>, vector<1x16xf32>,
        %parallel_loop3A_479 = vector.shape_cast %parallel_loop3A_478 : vector<1x16xf32> to vector<16xf32>
        %parallel_loop3A_480 = arith.constant 3.200000e+01 : f32
        %parallel_loop3A_481 = vector.broadcast %parallel_loop3A_480 : f32 to vector<16xf32>
        %parallel_loop3A_482 = arith.mulf %parallel_loop3A_479, %parallel_loop3A_481 : vector<16xf32>
        %parallel_loop3A_483 = arith.index_cast %parallel_loop3A_151 : i32 to index
        %parallel_loop3A_484 = arith.constant 432 : index
        %parallel_loop3A_485 = tpu.vector_load %arg8[%parallel_loop3A_483, %parallel_loop3A_484] {strides = array<i32>} : memref<16x1024xf32, #tpu.memory_space<vmem>>, vector<1x16xf32>,
        %parallel_loop3A_486 = vector.shape_cast %parallel_loop3A_485 : vector<1x16xf32> to vector<16xf32>
        %parallel_loop3A_487 = vector.shape_cast %parallel_loop3A_482 : vector<16xf32> to vector<1x16xf32>
        tpu.vector_store %arg8[%parallel_loop3A_483, %parallel_loop3A_484], %parallel_loop3A_487 {strides = array<i32>} : memref<16x1024xf32, #tpu.memory_space<vmem>>, vector<1x16xf32>,
        %parallel_loop3A_488 = arith.index_cast %parallel_loop3A_151 : i32 to index
        %parallel_loop3A_489 = arith.constant 448 : index
        %parallel_loop3A_490 = tpu.vector_load %arg8[%parallel_loop3A_488, %parallel_loop3A_489] {strides = array<i32>} : memref<16x1024xf32, #tpu.memory_space<vmem>>, vector<1x16xf32>,
        %parallel_loop3A_491 = vector.shape_cast %parallel_loop3A_490 : vector<1x16xf32> to vector<16xf32>
        %parallel_loop3A_492 = arith.constant 3.200000e+01 : f32
        %parallel_loop3A_493 = vector.broadcast %parallel_loop3A_492 : f32 to vector<16xf32>
        %parallel_loop3A_494 = arith.mulf %parallel_loop3A_491, %parallel_loop3A_493 : vector<16xf32>
        %parallel_loop3A_495 = arith.index_cast %parallel_loop3A_151 : i32 to index
        %parallel_loop3A_496 = arith.constant 448 : index
        %parallel_loop3A_497 = tpu.vector_load %arg8[%parallel_loop3A_495, %parallel_loop3A_496] {strides = array<i32>} : memref<16x1024xf32, #tpu.memory_space<vmem>>, vector<1x16xf32>,
        %parallel_loop3A_498 = vector.shape_cast %parallel_loop3A_497 : vector<1x16xf32> to vector<16xf32>
        %parallel_loop3A_499 = vector.shape_cast %parallel_loop3A_494 : vector<16xf32> to vector<1x16xf32>
        tpu.vector_store %arg8[%parallel_loop3A_495, %parallel_loop3A_496], %parallel_loop3A_499 {strides = array<i32>} : memref<16x1024xf32, #tpu.memory_space<vmem>>, vector<1x16xf32>,
        %parallel_loop3A_500 = arith.index_cast %parallel_loop3A_151 : i32 to index
        %parallel_loop3A_501 = arith.constant 464 : index
        %parallel_loop3A_502 = tpu.vector_load %arg8[%parallel_loop3A_500, %parallel_loop3A_501] {strides = array<i32>} : memref<16x1024xf32, #tpu.memory_space<vmem>>, vector<1x16xf32>,
        %parallel_loop3A_503 = vector.shape_cast %parallel_loop3A_502 : vector<1x16xf32> to vector<16xf32>
        %parallel_loop3A_504 = arith.constant 3.200000e+01 : f32
        %parallel_loop3A_505 = vector.broadcast %parallel_loop3A_504 : f32 to vector<16xf32>
        %parallel_loop3A_506 = arith.mulf %parallel_loop3A_503, %parallel_loop3A_505 : vector<16xf32>
        %parallel_loop3A_507 = arith.index_cast %parallel_loop3A_151 : i32 to index
        %parallel_loop3A_508 = arith.constant 464 : index
        %parallel_loop3A_509 = tpu.vector_load %arg8[%parallel_loop3A_507, %parallel_loop3A_508] {strides = array<i32>} : memref<16x1024xf32, #tpu.memory_space<vmem>>, vector<1x16xf32>,
        %parallel_loop3A_510 = vector.shape_cast %parallel_loop3A_509 : vector<1x16xf32> to vector<16xf32>
        %parallel_loop3A_511 = vector.shape_cast %parallel_loop3A_506 : vector<16xf32> to vector<1x16xf32>
        tpu.vector_store %arg8[%parallel_loop3A_507, %parallel_loop3A_508], %parallel_loop3A_511 {strides = array<i32>} : memref<16x1024xf32, #tpu.memory_space<vmem>>, vector<1x16xf32>,
        %parallel_loop3A_512 = arith.index_cast %parallel_loop3A_151 : i32 to index
        %parallel_loop3A_513 = arith.constant 480 : index
        %parallel_loop3A_514 = tpu.vector_load %arg8[%parallel_loop3A_512, %parallel_loop3A_513] {strides = array<i32>} : memref<16x1024xf32, #tpu.memory_space<vmem>>, vector<1x16xf32>,
        %parallel_loop3A_515 = vector.shape_cast %parallel_loop3A_514 : vector<1x16xf32> to vector<16xf32>
        %parallel_loop3A_516 = arith.constant 3.200000e+01 : f32
        %parallel_loop3A_517 = vector.broadcast %parallel_loop3A_516 : f32 to vector<16xf32>
        %parallel_loop3A_518 = arith.mulf %parallel_loop3A_515, %parallel_loop3A_517 : vector<16xf32>
        %parallel_loop3A_519 = arith.index_cast %parallel_loop3A_151 : i32 to index
        %parallel_loop3A_520 = arith.constant 480 : index
        %parallel_loop3A_521 = tpu.vector_load %arg8[%parallel_loop3A_519, %parallel_loop3A_520] {strides = array<i32>} : memref<16x1024xf32, #tpu.memory_space<vmem>>, vector<1x16xf32>,
        %parallel_loop3A_522 = vector.shape_cast %parallel_loop3A_521 : vector<1x16xf32> to vector<16xf32>
        %parallel_loop3A_523 = vector.shape_cast %parallel_loop3A_518 : vector<16xf32> to vector<1x16xf32>
        tpu.vector_store %arg8[%parallel_loop3A_519, %parallel_loop3A_520], %parallel_loop3A_523 {strides = array<i32>} : memref<16x1024xf32, #tpu.memory_space<vmem>>, vector<1x16xf32>,
        %parallel_loop3A_524 = arith.index_cast %parallel_loop3A_151 : i32 to index
        %parallel_loop3A_525 = arith.constant 496 : index
        %parallel_loop3A_526 = tpu.vector_load %arg8[%parallel_loop3A_524, %parallel_loop3A_525] {strides = array<i32>} : memref<16x1024xf32, #tpu.memory_space<vmem>>, vector<1x16xf32>,
        %parallel_loop3A_527 = vector.shape_cast %parallel_loop3A_526 : vector<1x16xf32> to vector<16xf32>
        %parallel_loop3A_528 = arith.constant 3.200000e+01 : f32
        %parallel_loop3A_529 = vector.broadcast %parallel_loop3A_528 : f32 to vector<16xf32>
        %parallel_loop3A_530 = arith.mulf %parallel_loop3A_527, %parallel_loop3A_529 : vector<16xf32>
        %parallel_loop3A_531 = arith.index_cast %parallel_loop3A_151 : i32 to index
        %parallel_loop3A_532 = arith.constant 496 : index
        %parallel_loop3A_533 = tpu.vector_load %arg8[%parallel_loop3A_531, %parallel_loop3A_532] {strides = array<i32>} : memref<16x1024xf32, #tpu.memory_space<vmem>>, vector<1x16xf32>,
        %parallel_loop3A_534 = vector.shape_cast %parallel_loop3A_533 : vector<1x16xf32> to vector<16xf32>
        %parallel_loop3A_535 = vector.shape_cast %parallel_loop3A_530 : vector<16xf32> to vector<1x16xf32>
        tpu.vector_store %arg8[%parallel_loop3A_531, %parallel_loop3A_532], %parallel_loop3A_535 {strides = array<i32>} : memref<16x1024xf32, #tpu.memory_space<vmem>>, vector<1x16xf32>,
        %parallel_loop3A_536 = arith.index_cast %parallel_loop3A_151 : i32 to index
        %parallel_loop3A_537 = arith.constant 512 : index
        %parallel_loop3A_538 = tpu.vector_load %arg8[%parallel_loop3A_536, %parallel_loop3A_537] {strides = array<i32>} : memref<16x1024xf32, #tpu.memory_space<vmem>>, vector<1x16xf32>,
        %parallel_loop3A_539 = vector.shape_cast %parallel_loop3A_538 : vector<1x16xf32> to vector<16xf32>
        %parallel_loop3A_540 = arith.constant 3.200000e+01 : f32
        %parallel_loop3A_541 = vector.broadcast %parallel_loop3A_540 : f32 to vector<16xf32>
        %parallel_loop3A_542 = arith.mulf %parallel_loop3A_539, %parallel_loop3A_541 : vector<16xf32>
        %parallel_loop3A_543 = arith.index_cast %parallel_loop3A_151 : i32 to index
        %parallel_loop3A_544 = arith.constant 512 : index
        %parallel_loop3A_545 = tpu.vector_load %arg8[%parallel_loop3A_543, %parallel_loop3A_544] {strides = array<i32>} : memref<16x1024xf32, #tpu.memory_space<vmem>>, vector<1x16xf32>,
        %parallel_loop3A_546 = vector.shape_cast %parallel_loop3A_545 : vector<1x16xf32> to vector<16xf32>
        %parallel_loop3A_547 = vector.shape_cast %parallel_loop3A_542 : vector<16xf32> to vector<1x16xf32>
        tpu.vector_store %arg8[%parallel_loop3A_543, %parallel_loop3A_544], %parallel_loop3A_547 {strides = array<i32>} : memref<16x1024xf32, #tpu.memory_space<vmem>>, vector<1x16xf32>,
        %parallel_loop3A_548 = arith.index_cast %parallel_loop3A_151 : i32 to index
        %parallel_loop3A_549 = arith.constant 528 : index
        %parallel_loop3A_550 = tpu.vector_load %arg8[%parallel_loop3A_548, %parallel_loop3A_549] {strides = array<i32>} : memref<16x1024xf32, #tpu.memory_space<vmem>>, vector<1x16xf32>,
        %parallel_loop3A_551 = vector.shape_cast %parallel_loop3A_550 : vector<1x16xf32> to vector<16xf32>
        %parallel_loop3A_552 = arith.constant 3.200000e+01 : f32
        %parallel_loop3A_553 = vector.broadcast %parallel_loop3A_552 : f32 to vector<16xf32>
        %parallel_loop3A_554 = arith.mulf %parallel_loop3A_551, %parallel_loop3A_553 : vector<16xf32>
        %parallel_loop3A_555 = arith.index_cast %parallel_loop3A_151 : i32 to index
        %parallel_loop3A_556 = arith.constant 528 : index
        %parallel_loop3A_557 = tpu.vector_load %arg8[%parallel_loop3A_555, %parallel_loop3A_556] {strides = array<i32>} : memref<16x1024xf32, #tpu.memory_space<vmem>>, vector<1x16xf32>,
        %parallel_loop3A_558 = vector.shape_cast %parallel_loop3A_557 : vector<1x16xf32> to vector<16xf32>
        %parallel_loop3A_559 = vector.shape_cast %parallel_loop3A_554 : vector<16xf32> to vector<1x16xf32>
        tpu.vector_store %arg8[%parallel_loop3A_555, %parallel_loop3A_556], %parallel_loop3A_559 {strides = array<i32>} : memref<16x1024xf32, #tpu.memory_space<vmem>>, vector<1x16xf32>,
        %parallel_loop3A_560 = arith.index_cast %parallel_loop3A_151 : i32 to index
        %parallel_loop3A_561 = arith.constant 544 : index
        %parallel_loop3A_562 = tpu.vector_load %arg8[%parallel_loop3A_560, %parallel_loop3A_561] {strides = array<i32>} : memref<16x1024xf32, #tpu.memory_space<vmem>>, vector<1x16xf32>,
        %parallel_loop3A_563 = vector.shape_cast %parallel_loop3A_562 : vector<1x16xf32> to vector<16xf32>
        %parallel_loop3A_564 = arith.constant 3.200000e+01 : f32
        %parallel_loop3A_565 = vector.broadcast %parallel_loop3A_564 : f32 to vector<16xf32>
        %parallel_loop3A_566 = arith.mulf %parallel_loop3A_563, %parallel_loop3A_565 : vector<16xf32>
        %parallel_loop3A_567 = arith.index_cast %parallel_loop3A_151 : i32 to index
        %parallel_loop3A_568 = arith.constant 544 : index
        %parallel_loop3A_569 = tpu.vector_load %arg8[%parallel_loop3A_567, %parallel_loop3A_568] {strides = array<i32>} : memref<16x1024xf32, #tpu.memory_space<vmem>>, vector<1x16xf32>,
        %parallel_loop3A_570 = vector.shape_cast %parallel_loop3A_569 : vector<1x16xf32> to vector<16xf32>
        %parallel_loop3A_571 = vector.shape_cast %parallel_loop3A_566 : vector<16xf32> to vector<1x16xf32>
        tpu.vector_store %arg8[%parallel_loop3A_567, %parallel_loop3A_568], %parallel_loop3A_571 {strides = array<i32>} : memref<16x1024xf32, #tpu.memory_space<vmem>>, vector<1x16xf32>,
        %parallel_loop3A_572 = arith.index_cast %parallel_loop3A_151 : i32 to index
        %parallel_loop3A_573 = arith.constant 560 : index
        %parallel_loop3A_574 = tpu.vector_load %arg8[%parallel_loop3A_572, %parallel_loop3A_573] {strides = array<i32>} : memref<16x1024xf32, #tpu.memory_space<vmem>>, vector<1x16xf32>,
        %parallel_loop3A_575 = vector.shape_cast %parallel_loop3A_574 : vector<1x16xf32> to vector<16xf32>
        %parallel_loop3A_576 = arith.constant 3.200000e+01 : f32
        %parallel_loop3A_577 = vector.broadcast %parallel_loop3A_576 : f32 to vector<16xf32>
        %parallel_loop3A_578 = arith.mulf %parallel_loop3A_575, %parallel_loop3A_577 : vector<16xf32>
        %parallel_loop3A_579 = arith.index_cast %parallel_loop3A_151 : i32 to index
        %parallel_loop3A_580 = arith.constant 560 : index
        %parallel_loop3A_581 = tpu.vector_load %arg8[%parallel_loop3A_579, %parallel_loop3A_580] {strides = array<i32>} : memref<16x1024xf32, #tpu.memory_space<vmem>>, vector<1x16xf32>,
        %parallel_loop3A_582 = vector.shape_cast %parallel_loop3A_581 : vector<1x16xf32> to vector<16xf32>
        %parallel_loop3A_583 = vector.shape_cast %parallel_loop3A_578 : vector<16xf32> to vector<1x16xf32>
        tpu.vector_store %arg8[%parallel_loop3A_579, %parallel_loop3A_580], %parallel_loop3A_583 {strides = array<i32>} : memref<16x1024xf32, #tpu.memory_space<vmem>>, vector<1x16xf32>,
        %parallel_loop3A_584 = arith.index_cast %parallel_loop3A_151 : i32 to index
        %parallel_loop3A_585 = arith.constant 576 : index
        %parallel_loop3A_586 = tpu.vector_load %arg8[%parallel_loop3A_584, %parallel_loop3A_585] {strides = array<i32>} : memref<16x1024xf32, #tpu.memory_space<vmem>>, vector<1x16xf32>,
        %parallel_loop3A_587 = vector.shape_cast %parallel_loop3A_586 : vector<1x16xf32> to vector<16xf32>
        %parallel_loop3A_588 = arith.constant 3.200000e+01 : f32
        %parallel_loop3A_589 = vector.broadcast %parallel_loop3A_588 : f32 to vector<16xf32>
        %parallel_loop3A_590 = arith.mulf %parallel_loop3A_587, %parallel_loop3A_589 : vector<16xf32>
        %parallel_loop3A_591 = arith.index_cast %parallel_loop3A_151 : i32 to index
        %parallel_loop3A_592 = arith.constant 576 : index
        %parallel_loop3A_593 = tpu.vector_load %arg8[%parallel_loop3A_591, %parallel_loop3A_592] {strides = array<i32>} : memref<16x1024xf32, #tpu.memory_space<vmem>>, vector<1x16xf32>,
        %parallel_loop3A_594 = vector.shape_cast %parallel_loop3A_593 : vector<1x16xf32> to vector<16xf32>
        %parallel_loop3A_595 = vector.shape_cast %parallel_loop3A_590 : vector<16xf32> to vector<1x16xf32>
        tpu.vector_store %arg8[%parallel_loop3A_591, %parallel_loop3A_592], %parallel_loop3A_595 {strides = array<i32>} : memref<16x1024xf32, #tpu.memory_space<vmem>>, vector<1x16xf32>,
        %parallel_loop3A_596 = arith.index_cast %parallel_loop3A_151 : i32 to index
        %parallel_loop3A_597 = arith.constant 592 : index
        %parallel_loop3A_598 = tpu.vector_load %arg8[%parallel_loop3A_596, %parallel_loop3A_597] {strides = array<i32>} : memref<16x1024xf32, #tpu.memory_space<vmem>>, vector<1x16xf32>,
        %parallel_loop3A_599 = vector.shape_cast %parallel_loop3A_598 : vector<1x16xf32> to vector<16xf32>
        %parallel_loop3A_600 = arith.constant 3.200000e+01 : f32
        %parallel_loop3A_601 = vector.broadcast %parallel_loop3A_600 : f32 to vector<16xf32>
        %parallel_loop3A_602 = arith.mulf %parallel_loop3A_599, %parallel_loop3A_601 : vector<16xf32>
        %parallel_loop3A_603 = arith.index_cast %parallel_loop3A_151 : i32 to index
        %parallel_loop3A_604 = arith.constant 592 : index
        %parallel_loop3A_605 = tpu.vector_load %arg8[%parallel_loop3A_603, %parallel_loop3A_604] {strides = array<i32>} : memref<16x1024xf32, #tpu.memory_space<vmem>>, vector<1x16xf32>,
        %parallel_loop3A_606 = vector.shape_cast %parallel_loop3A_605 : vector<1x16xf32> to vector<16xf32>
        %parallel_loop3A_607 = vector.shape_cast %parallel_loop3A_602 : vector<16xf32> to vector<1x16xf32>
        tpu.vector_store %arg8[%parallel_loop3A_603, %parallel_loop3A_604], %parallel_loop3A_607 {strides = array<i32>} : memref<16x1024xf32, #tpu.memory_space<vmem>>, vector<1x16xf32>,
        %parallel_loop3A_608 = arith.index_cast %parallel_loop3A_151 : i32 to index
        %parallel_loop3A_609 = arith.constant 608 : index
        %parallel_loop3A_610 = tpu.vector_load %arg8[%parallel_loop3A_608, %parallel_loop3A_609] {strides = array<i32>} : memref<16x1024xf32, #tpu.memory_space<vmem>>, vector<1x16xf32>,
        %parallel_loop3A_611 = vector.shape_cast %parallel_loop3A_610 : vector<1x16xf32> to vector<16xf32>
        %parallel_loop3A_612 = arith.constant 3.200000e+01 : f32
        %parallel_loop3A_613 = vector.broadcast %parallel_loop3A_612 : f32 to vector<16xf32>
        %parallel_loop3A_614 = arith.mulf %parallel_loop3A_611, %parallel_loop3A_613 : vector<16xf32>
        %parallel_loop3A_615 = arith.index_cast %parallel_loop3A_151 : i32 to index
        %parallel_loop3A_616 = arith.constant 608 : index
        %parallel_loop3A_617 = tpu.vector_load %arg8[%parallel_loop3A_615, %parallel_loop3A_616] {strides = array<i32>} : memref<16x1024xf32, #tpu.memory_space<vmem>>, vector<1x16xf32>,
        %parallel_loop3A_618 = vector.shape_cast %parallel_loop3A_617 : vector<1x16xf32> to vector<16xf32>
        %parallel_loop3A_619 = vector.shape_cast %parallel_loop3A_614 : vector<16xf32> to vector<1x16xf32>
        tpu.vector_store %arg8[%parallel_loop3A_615, %parallel_loop3A_616], %parallel_loop3A_619 {strides = array<i32>} : memref<16x1024xf32, #tpu.memory_space<vmem>>, vector<1x16xf32>,
        %parallel_loop3A_620 = arith.index_cast %parallel_loop3A_151 : i32 to index
        %parallel_loop3A_621 = arith.constant 624 : index
        %parallel_loop3A_622 = tpu.vector_load %arg8[%parallel_loop3A_620, %parallel_loop3A_621] {strides = array<i32>} : memref<16x1024xf32, #tpu.memory_space<vmem>>, vector<1x16xf32>,
        %parallel_loop3A_623 = vector.shape_cast %parallel_loop3A_622 : vector<1x16xf32> to vector<16xf32>
        %parallel_loop3A_624 = arith.constant 3.200000e+01 : f32
        %parallel_loop3A_625 = vector.broadcast %parallel_loop3A_624 : f32 to vector<16xf32>
        %parallel_loop3A_626 = arith.mulf %parallel_loop3A_623, %parallel_loop3A_625 : vector<16xf32>
        %parallel_loop3A_627 = arith.index_cast %parallel_loop3A_151 : i32 to index
        %parallel_loop3A_628 = arith.constant 624 : index
        %parallel_loop3A_629 = tpu.vector_load %arg8[%parallel_loop3A_627, %parallel_loop3A_628] {strides = array<i32>} : memref<16x1024xf32, #tpu.memory_space<vmem>>, vector<1x16xf32>,
        %parallel_loop3A_630 = vector.shape_cast %parallel_loop3A_629 : vector<1x16xf32> to vector<16xf32>
        %parallel_loop3A_631 = vector.shape_cast %parallel_loop3A_626 : vector<16xf32> to vector<1x16xf32>
        tpu.vector_store %arg8[%parallel_loop3A_627, %parallel_loop3A_628], %parallel_loop3A_631 {strides = array<i32>} : memref<16x1024xf32, #tpu.memory_space<vmem>>, vector<1x16xf32>,
        %parallel_loop3A_632 = arith.index_cast %parallel_loop3A_151 : i32 to index
        %parallel_loop3A_633 = arith.constant 640 : index
        %parallel_loop3A_634 = tpu.vector_load %arg8[%parallel_loop3A_632, %parallel_loop3A_633] {strides = array<i32>} : memref<16x1024xf32, #tpu.memory_space<vmem>>, vector<1x16xf32>,
        %parallel_loop3A_635 = vector.shape_cast %parallel_loop3A_634 : vector<1x16xf32> to vector<16xf32>
        %parallel_loop3A_636 = arith.constant 3.200000e+01 : f32
        %parallel_loop3A_637 = vector.broadcast %parallel_loop3A_636 : f32 to vector<16xf32>
        %parallel_loop3A_638 = arith.mulf %parallel_loop3A_635, %parallel_loop3A_637 : vector<16xf32>
        %parallel_loop3A_639 = arith.index_cast %parallel_loop3A_151 : i32 to index
        %parallel_loop3A_640 = arith.constant 640 : index
        %parallel_loop3A_641 = tpu.vector_load %arg8[%parallel_loop3A_639, %parallel_loop3A_640] {strides = array<i32>} : memref<16x1024xf32, #tpu.memory_space<vmem>>, vector<1x16xf32>,
        %parallel_loop3A_642 = vector.shape_cast %parallel_loop3A_641 : vector<1x16xf32> to vector<16xf32>
        %parallel_loop3A_643 = vector.shape_cast %parallel_loop3A_638 : vector<16xf32> to vector<1x16xf32>
        tpu.vector_store %arg8[%parallel_loop3A_639, %parallel_loop3A_640], %parallel_loop3A_643 {strides = array<i32>} : memref<16x1024xf32, #tpu.memory_space<vmem>>, vector<1x16xf32>,
        %parallel_loop3A_644 = arith.index_cast %parallel_loop3A_151 : i32 to index
        %parallel_loop3A_645 = arith.constant 656 : index
        %parallel_loop3A_646 = tpu.vector_load %arg8[%parallel_loop3A_644, %parallel_loop3A_645] {strides = array<i32>} : memref<16x1024xf32, #tpu.memory_space<vmem>>, vector<1x16xf32>,
        %parallel_loop3A_647 = vector.shape_cast %parallel_loop3A_646 : vector<1x16xf32> to vector<16xf32>
        %parallel_loop3A_648 = arith.constant 3.200000e+01 : f32
        %parallel_loop3A_649 = vector.broadcast %parallel_loop3A_648 : f32 to vector<16xf32>
        %parallel_loop3A_650 = arith.mulf %parallel_loop3A_647, %parallel_loop3A_649 : vector<16xf32>
        %parallel_loop3A_651 = arith.index_cast %parallel_loop3A_151 : i32 to index
        %parallel_loop3A_652 = arith.constant 656 : index
        %parallel_loop3A_653 = tpu.vector_load %arg8[%parallel_loop3A_651, %parallel_loop3A_652] {strides = array<i32>} : memref<16x1024xf32, #tpu.memory_space<vmem>>, vector<1x16xf32>,
        %parallel_loop3A_654 = vector.shape_cast %parallel_loop3A_653 : vector<1x16xf32> to vector<16xf32>
        %parallel_loop3A_655 = vector.shape_cast %parallel_loop3A_650 : vector<16xf32> to vector<1x16xf32>
        tpu.vector_store %arg8[%parallel_loop3A_651, %parallel_loop3A_652], %parallel_loop3A_655 {strides = array<i32>} : memref<16x1024xf32, #tpu.memory_space<vmem>>, vector<1x16xf32>,
        %parallel_loop3A_656 = arith.index_cast %parallel_loop3A_151 : i32 to index
        %parallel_loop3A_657 = arith.constant 672 : index
        %parallel_loop3A_658 = tpu.vector_load %arg8[%parallel_loop3A_656, %parallel_loop3A_657] {strides = array<i32>} : memref<16x1024xf32, #tpu.memory_space<vmem>>, vector<1x16xf32>,
        %parallel_loop3A_659 = vector.shape_cast %parallel_loop3A_658 : vector<1x16xf32> to vector<16xf32>
        %parallel_loop3A_660 = arith.constant 3.200000e+01 : f32
        %parallel_loop3A_661 = vector.broadcast %parallel_loop3A_660 : f32 to vector<16xf32>
        %parallel_loop3A_662 = arith.mulf %parallel_loop3A_659, %parallel_loop3A_661 : vector<16xf32>
        %parallel_loop3A_663 = arith.index_cast %parallel_loop3A_151 : i32 to index
        %parallel_loop3A_664 = arith.constant 672 : index
        %parallel_loop3A_665 = tpu.vector_load %arg8[%parallel_loop3A_663, %parallel_loop3A_664] {strides = array<i32>} : memref<16x1024xf32, #tpu.memory_space<vmem>>, vector<1x16xf32>,
        %parallel_loop3A_666 = vector.shape_cast %parallel_loop3A_665 : vector<1x16xf32> to vector<16xf32>
        %parallel_loop3A_667 = vector.shape_cast %parallel_loop3A_662 : vector<16xf32> to vector<1x16xf32>
        tpu.vector_store %arg8[%parallel_loop3A_663, %parallel_loop3A_664], %parallel_loop3A_667 {strides = array<i32>} : memref<16x1024xf32, #tpu.memory_space<vmem>>, vector<1x16xf32>,
        %parallel_loop3A_668 = arith.index_cast %parallel_loop3A_151 : i32 to index
        %parallel_loop3A_669 = arith.constant 688 : index
        %parallel_loop3A_670 = tpu.vector_load %arg8[%parallel_loop3A_668, %parallel_loop3A_669] {strides = array<i32>} : memref<16x1024xf32, #tpu.memory_space<vmem>>, vector<1x16xf32>,
        %parallel_loop3A_671 = vector.shape_cast %parallel_loop3A_670 : vector<1x16xf32> to vector<16xf32>
        %parallel_loop3A_672 = arith.constant 3.200000e+01 : f32
        %parallel_loop3A_673 = vector.broadcast %parallel_loop3A_672 : f32 to vector<16xf32>
        %parallel_loop3A_674 = arith.mulf %parallel_loop3A_671, %parallel_loop3A_673 : vector<16xf32>
        %parallel_loop3A_675 = arith.index_cast %parallel_loop3A_151 : i32 to index
        %parallel_loop3A_676 = arith.constant 688 : index
        %parallel_loop3A_677 = tpu.vector_load %arg8[%parallel_loop3A_675, %parallel_loop3A_676] {strides = array<i32>} : memref<16x1024xf32, #tpu.memory_space<vmem>>, vector<1x16xf32>,
        %parallel_loop3A_678 = vector.shape_cast %parallel_loop3A_677 : vector<1x16xf32> to vector<16xf32>
        %parallel_loop3A_679 = vector.shape_cast %parallel_loop3A_674 : vector<16xf32> to vector<1x16xf32>
        tpu.vector_store %arg8[%parallel_loop3A_675, %parallel_loop3A_676], %parallel_loop3A_679 {strides = array<i32>} : memref<16x1024xf32, #tpu.memory_space<vmem>>, vector<1x16xf32>,
        %parallel_loop3A_680 = arith.index_cast %parallel_loop3A_151 : i32 to index
        %parallel_loop3A_681 = arith.constant 704 : index
        %parallel_loop3A_682 = tpu.vector_load %arg8[%parallel_loop3A_680, %parallel_loop3A_681] {strides = array<i32>} : memref<16x1024xf32, #tpu.memory_space<vmem>>, vector<1x16xf32>,
        %parallel_loop3A_683 = vector.shape_cast %parallel_loop3A_682 : vector<1x16xf32> to vector<16xf32>
        %parallel_loop3A_684 = arith.constant 3.200000e+01 : f32
        %parallel_loop3A_685 = vector.broadcast %parallel_loop3A_684 : f32 to vector<16xf32>
        %parallel_loop3A_686 = arith.mulf %parallel_loop3A_683, %parallel_loop3A_685 : vector<16xf32>
        %parallel_loop3A_687 = arith.index_cast %parallel_loop3A_151 : i32 to index
        %parallel_loop3A_688 = arith.constant 704 : index
        %parallel_loop3A_689 = tpu.vector_load %arg8[%parallel_loop3A_687, %parallel_loop3A_688] {strides = array<i32>} : memref<16x1024xf32, #tpu.memory_space<vmem>>, vector<1x16xf32>,
        %parallel_loop3A_690 = vector.shape_cast %parallel_loop3A_689 : vector<1x16xf32> to vector<16xf32>
        %parallel_loop3A_691 = vector.shape_cast %parallel_loop3A_686 : vector<16xf32> to vector<1x16xf32>
        tpu.vector_store %arg8[%parallel_loop3A_687, %parallel_loop3A_688], %parallel_loop3A_691 {strides = array<i32>} : memref<16x1024xf32, #tpu.memory_space<vmem>>, vector<1x16xf32>,
        %parallel_loop3A_692 = arith.index_cast %parallel_loop3A_151 : i32 to index
        %parallel_loop3A_693 = arith.constant 720 : index
        %parallel_loop3A_694 = tpu.vector_load %arg8[%parallel_loop3A_692, %parallel_loop3A_693] {strides = array<i32>} : memref<16x1024xf32, #tpu.memory_space<vmem>>, vector<1x16xf32>,
        %parallel_loop3A_695 = vector.shape_cast %parallel_loop3A_694 : vector<1x16xf32> to vector<16xf32>
        %parallel_loop3A_696 = arith.constant 3.200000e+01 : f32
        %parallel_loop3A_697 = vector.broadcast %parallel_loop3A_696 : f32 to vector<16xf32>
        %parallel_loop3A_698 = arith.mulf %parallel_loop3A_695, %parallel_loop3A_697 : vector<16xf32>
        %parallel_loop3A_699 = arith.index_cast %parallel_loop3A_151 : i32 to index
        %parallel_loop3A_700 = arith.constant 720 : index
        %parallel_loop3A_701 = tpu.vector_load %arg8[%parallel_loop3A_699, %parallel_loop3A_700] {strides = array<i32>} : memref<16x1024xf32, #tpu.memory_space<vmem>>, vector<1x16xf32>,
        %parallel_loop3A_702 = vector.shape_cast %parallel_loop3A_701 : vector<1x16xf32> to vector<16xf32>
        %parallel_loop3A_703 = vector.shape_cast %parallel_loop3A_698 : vector<16xf32> to vector<1x16xf32>
        tpu.vector_store %arg8[%parallel_loop3A_699, %parallel_loop3A_700], %parallel_loop3A_703 {strides = array<i32>} : memref<16x1024xf32, #tpu.memory_space<vmem>>, vector<1x16xf32>,
        %parallel_loop3A_704 = arith.index_cast %parallel_loop3A_151 : i32 to index
        %parallel_loop3A_705 = arith.constant 736 : index
        %parallel_loop3A_706 = tpu.vector_load %arg8[%parallel_loop3A_704, %parallel_loop3A_705] {strides = array<i32>} : memref<16x1024xf32, #tpu.memory_space<vmem>>, vector<1x16xf32>,
        %parallel_loop3A_707 = vector.shape_cast %parallel_loop3A_706 : vector<1x16xf32> to vector<16xf32>
        %parallel_loop3A_708 = arith.constant 3.200000e+01 : f32
        %parallel_loop3A_709 = vector.broadcast %parallel_loop3A_708 : f32 to vector<16xf32>
        %parallel_loop3A_710 = arith.mulf %parallel_loop3A_707, %parallel_loop3A_709 : vector<16xf32>
        %parallel_loop3A_711 = arith.index_cast %parallel_loop3A_151 : i32 to index
        %parallel_loop3A_712 = arith.constant 736 : index
        %parallel_loop3A_713 = tpu.vector_load %arg8[%parallel_loop3A_711, %parallel_loop3A_712] {strides = array<i32>} : memref<16x1024xf32, #tpu.memory_space<vmem>>, vector<1x16xf32>,
        %parallel_loop3A_714 = vector.shape_cast %parallel_loop3A_713 : vector<1x16xf32> to vector<16xf32>
        %parallel_loop3A_715 = vector.shape_cast %parallel_loop3A_710 : vector<16xf32> to vector<1x16xf32>
        tpu.vector_store %arg8[%parallel_loop3A_711, %parallel_loop3A_712], %parallel_loop3A_715 {strides = array<i32>} : memref<16x1024xf32, #tpu.memory_space<vmem>>, vector<1x16xf32>,
        %parallel_loop3A_716 = arith.index_cast %parallel_loop3A_151 : i32 to index
        %parallel_loop3A_717 = arith.constant 752 : index
        %parallel_loop3A_718 = tpu.vector_load %arg8[%parallel_loop3A_716, %parallel_loop3A_717] {strides = array<i32>} : memref<16x1024xf32, #tpu.memory_space<vmem>>, vector<1x16xf32>,
        %parallel_loop3A_719 = vector.shape_cast %parallel_loop3A_718 : vector<1x16xf32> to vector<16xf32>
        %parallel_loop3A_720 = arith.constant 3.200000e+01 : f32
        %parallel_loop3A_721 = vector.broadcast %parallel_loop3A_720 : f32 to vector<16xf32>
        %parallel_loop3A_722 = arith.mulf %parallel_loop3A_719, %parallel_loop3A_721 : vector<16xf32>
        %parallel_loop3A_723 = arith.index_cast %parallel_loop3A_151 : i32 to index
        %parallel_loop3A_724 = arith.constant 752 : index
        %parallel_loop3A_725 = tpu.vector_load %arg8[%parallel_loop3A_723, %parallel_loop3A_724] {strides = array<i32>} : memref<16x1024xf32, #tpu.memory_space<vmem>>, vector<1x16xf32>,
        %parallel_loop3A_726 = vector.shape_cast %parallel_loop3A_725 : vector<1x16xf32> to vector<16xf32>
        %parallel_loop3A_727 = vector.shape_cast %parallel_loop3A_722 : vector<16xf32> to vector<1x16xf32>
        tpu.vector_store %arg8[%parallel_loop3A_723, %parallel_loop3A_724], %parallel_loop3A_727 {strides = array<i32>} : memref<16x1024xf32, #tpu.memory_space<vmem>>, vector<1x16xf32>,
        %parallel_loop3A_728 = arith.index_cast %parallel_loop3A_151 : i32 to index
        %parallel_loop3A_729 = arith.constant 768 : index
        %parallel_loop3A_730 = tpu.vector_load %arg8[%parallel_loop3A_728, %parallel_loop3A_729] {strides = array<i32>} : memref<16x1024xf32, #tpu.memory_space<vmem>>, vector<1x16xf32>,
        %parallel_loop3A_731 = vector.shape_cast %parallel_loop3A_730 : vector<1x16xf32> to vector<16xf32>
        %parallel_loop3A_732 = arith.constant 3.200000e+01 : f32
        %parallel_loop3A_733 = vector.broadcast %parallel_loop3A_732 : f32 to vector<16xf32>
        %parallel_loop3A_734 = arith.mulf %parallel_loop3A_731, %parallel_loop3A_733 : vector<16xf32>
        %parallel_loop3A_735 = arith.index_cast %parallel_loop3A_151 : i32 to index
        %parallel_loop3A_736 = arith.constant 768 : index
        %parallel_loop3A_737 = tpu.vector_load %arg8[%parallel_loop3A_735, %parallel_loop3A_736] {strides = array<i32>} : memref<16x1024xf32, #tpu.memory_space<vmem>>, vector<1x16xf32>,
        %parallel_loop3A_738 = vector.shape_cast %parallel_loop3A_737 : vector<1x16xf32> to vector<16xf32>
        %parallel_loop3A_739 = vector.shape_cast %parallel_loop3A_734 : vector<16xf32> to vector<1x16xf32>
        tpu.vector_store %arg8[%parallel_loop3A_735, %parallel_loop3A_736], %parallel_loop3A_739 {strides = array<i32>} : memref<16x1024xf32, #tpu.memory_space<vmem>>, vector<1x16xf32>,
        %parallel_loop3A_740 = arith.index_cast %parallel_loop3A_151 : i32 to index
        %parallel_loop3A_741 = arith.constant 784 : index
        %parallel_loop3A_742 = tpu.vector_load %arg8[%parallel_loop3A_740, %parallel_loop3A_741] {strides = array<i32>} : memref<16x1024xf32, #tpu.memory_space<vmem>>, vector<1x16xf32>,
        %parallel_loop3A_743 = vector.shape_cast %parallel_loop3A_742 : vector<1x16xf32> to vector<16xf32>
        %parallel_loop3A_744 = arith.constant 3.200000e+01 : f32
        %parallel_loop3A_745 = vector.broadcast %parallel_loop3A_744 : f32 to vector<16xf32>
        %parallel_loop3A_746 = arith.mulf %parallel_loop3A_743, %parallel_loop3A_745 : vector<16xf32>
        %parallel_loop3A_747 = arith.index_cast %parallel_loop3A_151 : i32 to index
        %parallel_loop3A_748 = arith.constant 784 : index
        %parallel_loop3A_749 = tpu.vector_load %arg8[%parallel_loop3A_747, %parallel_loop3A_748] {strides = array<i32>} : memref<16x1024xf32, #tpu.memory_space<vmem>>, vector<1x16xf32>,
        %parallel_loop3A_750 = vector.shape_cast %parallel_loop3A_749 : vector<1x16xf32> to vector<16xf32>
        %parallel_loop3A_751 = vector.shape_cast %parallel_loop3A_746 : vector<16xf32> to vector<1x16xf32>
        tpu.vector_store %arg8[%parallel_loop3A_747, %parallel_loop3A_748], %parallel_loop3A_751 {strides = array<i32>} : memref<16x1024xf32, #tpu.memory_space<vmem>>, vector<1x16xf32>,
        %parallel_loop3A_752 = arith.index_cast %parallel_loop3A_151 : i32 to index
        %parallel_loop3A_753 = arith.constant 800 : index
        %parallel_loop3A_754 = tpu.vector_load %arg8[%parallel_loop3A_752, %parallel_loop3A_753] {strides = array<i32>} : memref<16x1024xf32, #tpu.memory_space<vmem>>, vector<1x16xf32>,
        %parallel_loop3A_755 = vector.shape_cast %parallel_loop3A_754 : vector<1x16xf32> to vector<16xf32>
        %parallel_loop3A_756 = arith.constant 3.200000e+01 : f32
        %parallel_loop3A_757 = vector.broadcast %parallel_loop3A_756 : f32 to vector<16xf32>
        %parallel_loop3A_758 = arith.mulf %parallel_loop3A_755, %parallel_loop3A_757 : vector<16xf32>
        %parallel_loop3A_759 = arith.index_cast %parallel_loop3A_151 : i32 to index
        %parallel_loop3A_760 = arith.constant 800 : index
        %parallel_loop3A_761 = tpu.vector_load %arg8[%parallel_loop3A_759, %parallel_loop3A_760] {strides = array<i32>} : memref<16x1024xf32, #tpu.memory_space<vmem>>, vector<1x16xf32>,
        %parallel_loop3A_762 = vector.shape_cast %parallel_loop3A_761 : vector<1x16xf32> to vector<16xf32>
        %parallel_loop3A_763 = vector.shape_cast %parallel_loop3A_758 : vector<16xf32> to vector<1x16xf32>
        tpu.vector_store %arg8[%parallel_loop3A_759, %parallel_loop3A_760], %parallel_loop3A_763 {strides = array<i32>} : memref<16x1024xf32, #tpu.memory_space<vmem>>, vector<1x16xf32>,
        %parallel_loop3A_764 = arith.index_cast %parallel_loop3A_151 : i32 to index
        %parallel_loop3A_765 = arith.constant 816 : index
        %parallel_loop3A_766 = tpu.vector_load %arg8[%parallel_loop3A_764, %parallel_loop3A_765] {strides = array<i32>} : memref<16x1024xf32, #tpu.memory_space<vmem>>, vector<1x16xf32>,
        %parallel_loop3A_767 = vector.shape_cast %parallel_loop3A_766 : vector<1x16xf32> to vector<16xf32>
        %parallel_loop3A_768 = arith.constant 3.200000e+01 : f32
        %parallel_loop3A_769 = vector.broadcast %parallel_loop3A_768 : f32 to vector<16xf32>
        %parallel_loop3A_770 = arith.mulf %parallel_loop3A_767, %parallel_loop3A_769 : vector<16xf32>
        %parallel_loop3A_771 = arith.index_cast %parallel_loop3A_151 : i32 to index
        %parallel_loop3A_772 = arith.constant 816 : index
        %parallel_loop3A_773 = tpu.vector_load %arg8[%parallel_loop3A_771, %parallel_loop3A_772] {strides = array<i32>} : memref<16x1024xf32, #tpu.memory_space<vmem>>, vector<1x16xf32>,
        %parallel_loop3A_774 = vector.shape_cast %parallel_loop3A_773 : vector<1x16xf32> to vector<16xf32>
        %parallel_loop3A_775 = vector.shape_cast %parallel_loop3A_770 : vector<16xf32> to vector<1x16xf32>
        tpu.vector_store %arg8[%parallel_loop3A_771, %parallel_loop3A_772], %parallel_loop3A_775 {strides = array<i32>} : memref<16x1024xf32, #tpu.memory_space<vmem>>, vector<1x16xf32>,
        %parallel_loop3A_776 = arith.index_cast %parallel_loop3A_151 : i32 to index
        %parallel_loop3A_777 = arith.constant 832 : index
        %parallel_loop3A_778 = tpu.vector_load %arg8[%parallel_loop3A_776, %parallel_loop3A_777] {strides = array<i32>} : memref<16x1024xf32, #tpu.memory_space<vmem>>, vector<1x16xf32>,
        %parallel_loop3A_779 = vector.shape_cast %parallel_loop3A_778 : vector<1x16xf32> to vector<16xf32>
        %parallel_loop3A_780 = arith.constant 3.200000e+01 : f32
        %parallel_loop3A_781 = vector.broadcast %parallel_loop3A_780 : f32 to vector<16xf32>
        %parallel_loop3A_782 = arith.mulf %parallel_loop3A_779, %parallel_loop3A_781 : vector<16xf32>
        %parallel_loop3A_783 = arith.index_cast %parallel_loop3A_151 : i32 to index
        %parallel_loop3A_784 = arith.constant 832 : index
        %parallel_loop3A_785 = tpu.vector_load %arg8[%parallel_loop3A_783, %parallel_loop3A_784] {strides = array<i32>} : memref<16x1024xf32, #tpu.memory_space<vmem>>, vector<1x16xf32>,
        %parallel_loop3A_786 = vector.shape_cast %parallel_loop3A_785 : vector<1x16xf32> to vector<16xf32>
        %parallel_loop3A_787 = vector.shape_cast %parallel_loop3A_782 : vector<16xf32> to vector<1x16xf32>
        tpu.vector_store %arg8[%parallel_loop3A_783, %parallel_loop3A_784], %parallel_loop3A_787 {strides = array<i32>} : memref<16x1024xf32, #tpu.memory_space<vmem>>, vector<1x16xf32>,
        %parallel_loop3A_788 = arith.index_cast %parallel_loop3A_151 : i32 to index
        %parallel_loop3A_789 = arith.constant 848 : index
        %parallel_loop3A_790 = tpu.vector_load %arg8[%parallel_loop3A_788, %parallel_loop3A_789] {strides = array<i32>} : memref<16x1024xf32, #tpu.memory_space<vmem>>, vector<1x16xf32>,
        %parallel_loop3A_791 = vector.shape_cast %parallel_loop3A_790 : vector<1x16xf32> to vector<16xf32>
        %parallel_loop3A_792 = arith.constant 3.200000e+01 : f32
        %parallel_loop3A_793 = vector.broadcast %parallel_loop3A_792 : f32 to vector<16xf32>
        %parallel_loop3A_794 = arith.mulf %parallel_loop3A_791, %parallel_loop3A_793 : vector<16xf32>
        %parallel_loop3A_795 = arith.index_cast %parallel_loop3A_151 : i32 to index
        %parallel_loop3A_796 = arith.constant 848 : index
        %parallel_loop3A_797 = tpu.vector_load %arg8[%parallel_loop3A_795, %parallel_loop3A_796] {strides = array<i32>} : memref<16x1024xf32, #tpu.memory_space<vmem>>, vector<1x16xf32>,
        %parallel_loop3A_798 = vector.shape_cast %parallel_loop3A_797 : vector<1x16xf32> to vector<16xf32>
        %parallel_loop3A_799 = vector.shape_cast %parallel_loop3A_794 : vector<16xf32> to vector<1x16xf32>
        tpu.vector_store %arg8[%parallel_loop3A_795, %parallel_loop3A_796], %parallel_loop3A_799 {strides = array<i32>} : memref<16x1024xf32, #tpu.memory_space<vmem>>, vector<1x16xf32>,
        %parallel_loop3A_800 = arith.index_cast %parallel_loop3A_151 : i32 to index
        %parallel_loop3A_801 = arith.constant 864 : index
        %parallel_loop3A_802 = tpu.vector_load %arg8[%parallel_loop3A_800, %parallel_loop3A_801] {strides = array<i32>} : memref<16x1024xf32, #tpu.memory_space<vmem>>, vector<1x16xf32>,
        %parallel_loop3A_803 = vector.shape_cast %parallel_loop3A_802 : vector<1x16xf32> to vector<16xf32>
        %parallel_loop3A_804 = arith.constant 3.200000e+01 : f32
        %parallel_loop3A_805 = vector.broadcast %parallel_loop3A_804 : f32 to vector<16xf32>
        %parallel_loop3A_806 = arith.mulf %parallel_loop3A_803, %parallel_loop3A_805 : vector<16xf32>
        %parallel_loop3A_807 = arith.index_cast %parallel_loop3A_151 : i32 to index
        %parallel_loop3A_808 = arith.constant 864 : index
        %parallel_loop3A_809 = tpu.vector_load %arg8[%parallel_loop3A_807, %parallel_loop3A_808] {strides = array<i32>} : memref<16x1024xf32, #tpu.memory_space<vmem>>, vector<1x16xf32>,
        %parallel_loop3A_810 = vector.shape_cast %parallel_loop3A_809 : vector<1x16xf32> to vector<16xf32>
        %parallel_loop3A_811 = vector.shape_cast %parallel_loop3A_806 : vector<16xf32> to vector<1x16xf32>
        tpu.vector_store %arg8[%parallel_loop3A_807, %parallel_loop3A_808], %parallel_loop3A_811 {strides = array<i32>} : memref<16x1024xf32, #tpu.memory_space<vmem>>, vector<1x16xf32>,
        %parallel_loop3A_812 = arith.index_cast %parallel_loop3A_151 : i32 to index
        %parallel_loop3A_813 = arith.constant 880 : index
        %parallel_loop3A_814 = tpu.vector_load %arg8[%parallel_loop3A_812, %parallel_loop3A_813] {strides = array<i32>} : memref<16x1024xf32, #tpu.memory_space<vmem>>, vector<1x16xf32>,
        %parallel_loop3A_815 = vector.shape_cast %parallel_loop3A_814 : vector<1x16xf32> to vector<16xf32>
        %parallel_loop3A_816 = arith.constant 3.200000e+01 : f32
        %parallel_loop3A_817 = vector.broadcast %parallel_loop3A_816 : f32 to vector<16xf32>
        %parallel_loop3A_818 = arith.mulf %parallel_loop3A_815, %parallel_loop3A_817 : vector<16xf32>
        %parallel_loop3A_819 = arith.index_cast %parallel_loop3A_151 : i32 to index
        %parallel_loop3A_820 = arith.constant 880 : index
        %parallel_loop3A_821 = tpu.vector_load %arg8[%parallel_loop3A_819, %parallel_loop3A_820] {strides = array<i32>} : memref<16x1024xf32, #tpu.memory_space<vmem>>, vector<1x16xf32>,
        %parallel_loop3A_822 = vector.shape_cast %parallel_loop3A_821 : vector<1x16xf32> to vector<16xf32>
        %parallel_loop3A_823 = vector.shape_cast %parallel_loop3A_818 : vector<16xf32> to vector<1x16xf32>
        tpu.vector_store %arg8[%parallel_loop3A_819, %parallel_loop3A_820], %parallel_loop3A_823 {strides = array<i32>} : memref<16x1024xf32, #tpu.memory_space<vmem>>, vector<1x16xf32>,
        %parallel_loop3A_824 = arith.index_cast %parallel_loop3A_151 : i32 to index
        %parallel_loop3A_825 = arith.constant 896 : index
        %parallel_loop3A_826 = tpu.vector_load %arg8[%parallel_loop3A_824, %parallel_loop3A_825] {strides = array<i32>} : memref<16x1024xf32, #tpu.memory_space<vmem>>, vector<1x16xf32>,
        %parallel_loop3A_827 = vector.shape_cast %parallel_loop3A_826 : vector<1x16xf32> to vector<16xf32>
        %parallel_loop3A_828 = arith.constant 3.200000e+01 : f32
        %parallel_loop3A_829 = vector.broadcast %parallel_loop3A_828 : f32 to vector<16xf32>
        %parallel_loop3A_830 = arith.mulf %parallel_loop3A_827, %parallel_loop3A_829 : vector<16xf32>
        %parallel_loop3A_831 = arith.index_cast %parallel_loop3A_151 : i32 to index
        %parallel_loop3A_832 = arith.constant 896 : index
        %parallel_loop3A_833 = tpu.vector_load %arg8[%parallel_loop3A_831, %parallel_loop3A_832] {strides = array<i32>} : memref<16x1024xf32, #tpu.memory_space<vmem>>, vector<1x16xf32>,
        %parallel_loop3A_834 = vector.shape_cast %parallel_loop3A_833 : vector<1x16xf32> to vector<16xf32>
        %parallel_loop3A_835 = vector.shape_cast %parallel_loop3A_830 : vector<16xf32> to vector<1x16xf32>
        tpu.vector_store %arg8[%parallel_loop3A_831, %parallel_loop3A_832], %parallel_loop3A_835 {strides = array<i32>} : memref<16x1024xf32, #tpu.memory_space<vmem>>, vector<1x16xf32>,
        %parallel_loop3A_836 = arith.index_cast %parallel_loop3A_151 : i32 to index
        %parallel_loop3A_837 = arith.constant 912 : index
        %parallel_loop3A_838 = tpu.vector_load %arg8[%parallel_loop3A_836, %parallel_loop3A_837] {strides = array<i32>} : memref<16x1024xf32, #tpu.memory_space<vmem>>, vector<1x16xf32>,
        %parallel_loop3A_839 = vector.shape_cast %parallel_loop3A_838 : vector<1x16xf32> to vector<16xf32>
        %parallel_loop3A_840 = arith.constant 3.200000e+01 : f32
        %parallel_loop3A_841 = vector.broadcast %parallel_loop3A_840 : f32 to vector<16xf32>
        %parallel_loop3A_842 = arith.mulf %parallel_loop3A_839, %parallel_loop3A_841 : vector<16xf32>
        %parallel_loop3A_843 = arith.index_cast %parallel_loop3A_151 : i32 to index
        %parallel_loop3A_844 = arith.constant 912 : index
        %parallel_loop3A_845 = tpu.vector_load %arg8[%parallel_loop3A_843, %parallel_loop3A_844] {strides = array<i32>} : memref<16x1024xf32, #tpu.memory_space<vmem>>, vector<1x16xf32>,
        %parallel_loop3A_846 = vector.shape_cast %parallel_loop3A_845 : vector<1x16xf32> to vector<16xf32>
        %parallel_loop3A_847 = vector.shape_cast %parallel_loop3A_842 : vector<16xf32> to vector<1x16xf32>
        tpu.vector_store %arg8[%parallel_loop3A_843, %parallel_loop3A_844], %parallel_loop3A_847 {strides = array<i32>} : memref<16x1024xf32, #tpu.memory_space<vmem>>, vector<1x16xf32>,
        %parallel_loop3A_848 = arith.index_cast %parallel_loop3A_151 : i32 to index
        %parallel_loop3A_849 = arith.constant 928 : index
        %parallel_loop3A_850 = tpu.vector_load %arg8[%parallel_loop3A_848, %parallel_loop3A_849] {strides = array<i32>} : memref<16x1024xf32, #tpu.memory_space<vmem>>, vector<1x16xf32>,
        %parallel_loop3A_851 = vector.shape_cast %parallel_loop3A_850 : vector<1x16xf32> to vector<16xf32>
        %parallel_loop3A_852 = arith.constant 3.200000e+01 : f32
        %parallel_loop3A_853 = vector.broadcast %parallel_loop3A_852 : f32 to vector<16xf32>
        %parallel_loop3A_854 = arith.mulf %parallel_loop3A_851, %parallel_loop3A_853 : vector<16xf32>
        %parallel_loop3A_855 = arith.index_cast %parallel_loop3A_151 : i32 to index
        %parallel_loop3A_856 = arith.constant 928 : index
        %parallel_loop3A_857 = tpu.vector_load %arg8[%parallel_loop3A_855, %parallel_loop3A_856] {strides = array<i32>} : memref<16x1024xf32, #tpu.memory_space<vmem>>, vector<1x16xf32>,
        %parallel_loop3A_858 = vector.shape_cast %parallel_loop3A_857 : vector<1x16xf32> to vector<16xf32>
        %parallel_loop3A_859 = vector.shape_cast %parallel_loop3A_854 : vector<16xf32> to vector<1x16xf32>
        tpu.vector_store %arg8[%parallel_loop3A_855, %parallel_loop3A_856], %parallel_loop3A_859 {strides = array<i32>} : memref<16x1024xf32, #tpu.memory_space<vmem>>, vector<1x16xf32>,
        %parallel_loop3A_860 = arith.index_cast %parallel_loop3A_151 : i32 to index
        %parallel_loop3A_861 = arith.constant 944 : index
        %parallel_loop3A_862 = tpu.vector_load %arg8[%parallel_loop3A_860, %parallel_loop3A_861] {strides = array<i32>} : memref<16x1024xf32, #tpu.memory_space<vmem>>, vector<1x16xf32>,
        %parallel_loop3A_863 = vector.shape_cast %parallel_loop3A_862 : vector<1x16xf32> to vector<16xf32>
        %parallel_loop3A_864 = arith.constant 3.200000e+01 : f32
        %parallel_loop3A_865 = vector.broadcast %parallel_loop3A_864 : f32 to vector<16xf32>
        %parallel_loop3A_866 = arith.mulf %parallel_loop3A_863, %parallel_loop3A_865 : vector<16xf32>
        %parallel_loop3A_867 = arith.index_cast %parallel_loop3A_151 : i32 to index
        %parallel_loop3A_868 = arith.constant 944 : index
        %parallel_loop3A_869 = tpu.vector_load %arg8[%parallel_loop3A_867, %parallel_loop3A_868] {strides = array<i32>} : memref<16x1024xf32, #tpu.memory_space<vmem>>, vector<1x16xf32>,
        %parallel_loop3A_870 = vector.shape_cast %parallel_loop3A_869 : vector<1x16xf32> to vector<16xf32>
        %parallel_loop3A_871 = vector.shape_cast %parallel_loop3A_866 : vector<16xf32> to vector<1x16xf32>
        tpu.vector_store %arg8[%parallel_loop3A_867, %parallel_loop3A_868], %parallel_loop3A_871 {strides = array<i32>} : memref<16x1024xf32, #tpu.memory_space<vmem>>, vector<1x16xf32>,
        %parallel_loop3A_872 = arith.index_cast %parallel_loop3A_151 : i32 to index
        %parallel_loop3A_873 = arith.constant 960 : index
        %parallel_loop3A_874 = tpu.vector_load %arg8[%parallel_loop3A_872, %parallel_loop3A_873] {strides = array<i32>} : memref<16x1024xf32, #tpu.memory_space<vmem>>, vector<1x16xf32>,
        %parallel_loop3A_875 = vector.shape_cast %parallel_loop3A_874 : vector<1x16xf32> to vector<16xf32>
        %parallel_loop3A_876 = arith.constant 3.200000e+01 : f32
        %parallel_loop3A_877 = vector.broadcast %parallel_loop3A_876 : f32 to vector<16xf32>
        %parallel_loop3A_878 = arith.mulf %parallel_loop3A_875, %parallel_loop3A_877 : vector<16xf32>
        %parallel_loop3A_879 = arith.index_cast %parallel_loop3A_151 : i32 to index
        %parallel_loop3A_880 = arith.constant 960 : index
        %parallel_loop3A_881 = tpu.vector_load %arg8[%parallel_loop3A_879, %parallel_loop3A_880] {strides = array<i32>} : memref<16x1024xf32, #tpu.memory_space<vmem>>, vector<1x16xf32>,
        %parallel_loop3A_882 = vector.shape_cast %parallel_loop3A_881 : vector<1x16xf32> to vector<16xf32>
        %parallel_loop3A_883 = vector.shape_cast %parallel_loop3A_878 : vector<16xf32> to vector<1x16xf32>
        tpu.vector_store %arg8[%parallel_loop3A_879, %parallel_loop3A_880], %parallel_loop3A_883 {strides = array<i32>} : memref<16x1024xf32, #tpu.memory_space<vmem>>, vector<1x16xf32>,
        %parallel_loop3A_884 = arith.index_cast %parallel_loop3A_151 : i32 to index
        %parallel_loop3A_885 = arith.constant 976 : index
        %parallel_loop3A_886 = tpu.vector_load %arg8[%parallel_loop3A_884, %parallel_loop3A_885] {strides = array<i32>} : memref<16x1024xf32, #tpu.memory_space<vmem>>, vector<1x16xf32>,
        %parallel_loop3A_887 = vector.shape_cast %parallel_loop3A_886 : vector<1x16xf32> to vector<16xf32>
        %parallel_loop3A_888 = arith.constant 3.200000e+01 : f32
        %parallel_loop3A_889 = vector.broadcast %parallel_loop3A_888 : f32 to vector<16xf32>
        %parallel_loop3A_890 = arith.mulf %parallel_loop3A_887, %parallel_loop3A_889 : vector<16xf32>
        %parallel_loop3A_891 = arith.index_cast %parallel_loop3A_151 : i32 to index
        %parallel_loop3A_892 = arith.constant 976 : index
        %parallel_loop3A_893 = tpu.vector_load %arg8[%parallel_loop3A_891, %parallel_loop3A_892] {strides = array<i32>} : memref<16x1024xf32, #tpu.memory_space<vmem>>, vector<1x16xf32>,
        %parallel_loop3A_894 = vector.shape_cast %parallel_loop3A_893 : vector<1x16xf32> to vector<16xf32>
        %parallel_loop3A_895 = vector.shape_cast %parallel_loop3A_890 : vector<16xf32> to vector<1x16xf32>
        tpu.vector_store %arg8[%parallel_loop3A_891, %parallel_loop3A_892], %parallel_loop3A_895 {strides = array<i32>} : memref<16x1024xf32, #tpu.memory_space<vmem>>, vector<1x16xf32>,
        %parallel_loop3A_896 = arith.index_cast %parallel_loop3A_151 : i32 to index
        %parallel_loop3A_897 = arith.constant 992 : index
        %parallel_loop3A_898 = tpu.vector_load %arg8[%parallel_loop3A_896, %parallel_loop3A_897] {strides = array<i32>} : memref<16x1024xf32, #tpu.memory_space<vmem>>, vector<1x16xf32>,
        %parallel_loop3A_899 = vector.shape_cast %parallel_loop3A_898 : vector<1x16xf32> to vector<16xf32>
        %parallel_loop3A_900 = arith.constant 3.200000e+01 : f32
        %parallel_loop3A_901 = vector.broadcast %parallel_loop3A_900 : f32 to vector<16xf32>
        %parallel_loop3A_902 = arith.mulf %parallel_loop3A_899, %parallel_loop3A_901 : vector<16xf32>
        %parallel_loop3A_903 = arith.index_cast %parallel_loop3A_151 : i32 to index
        %parallel_loop3A_904 = arith.constant 992 : index
        %parallel_loop3A_905 = tpu.vector_load %arg8[%parallel_loop3A_903, %parallel_loop3A_904] {strides = array<i32>} : memref<16x1024xf32, #tpu.memory_space<vmem>>, vector<1x16xf32>,
        %parallel_loop3A_906 = vector.shape_cast %parallel_loop3A_905 : vector<1x16xf32> to vector<16xf32>
        %parallel_loop3A_907 = vector.shape_cast %parallel_loop3A_902 : vector<16xf32> to vector<1x16xf32>
        tpu.vector_store %arg8[%parallel_loop3A_903, %parallel_loop3A_904], %parallel_loop3A_907 {strides = array<i32>} : memref<16x1024xf32, #tpu.memory_space<vmem>>, vector<1x16xf32>,
        %parallel_loop3A_908 = arith.index_cast %parallel_loop3A_151 : i32 to index
        %parallel_loop3A_909 = arith.constant 1008 : index
        %parallel_loop3A_910 = tpu.vector_load %arg8[%parallel_loop3A_908, %parallel_loop3A_909] {strides = array<i32>} : memref<16x1024xf32, #tpu.memory_space<vmem>>, vector<1x16xf32>,
        %parallel_loop3A_911 = vector.shape_cast %parallel_loop3A_910 : vector<1x16xf32> to vector<16xf32>
        %parallel_loop3A_912 = arith.constant 3.200000e+01 : f32
        %parallel_loop3A_913 = vector.broadcast %parallel_loop3A_912 : f32 to vector<16xf32>
        %parallel_loop3A_914 = arith.mulf %parallel_loop3A_911, %parallel_loop3A_913 : vector<16xf32>
        %parallel_loop3A_915 = arith.index_cast %parallel_loop3A_151 : i32 to index
        %parallel_loop3A_916 = arith.constant 1008 : index
        %parallel_loop3A_917 = tpu.vector_load %arg8[%parallel_loop3A_915, %parallel_loop3A_916] {strides = array<i32>} : memref<16x1024xf32, #tpu.memory_space<vmem>>, vector<1x16xf32>,
        %parallel_loop3A_918 = vector.shape_cast %parallel_loop3A_917 : vector<1x16xf32> to vector<16xf32>
        %parallel_loop3A_919 = vector.shape_cast %parallel_loop3A_914 : vector<16xf32> to vector<1x16xf32>
        tpu.vector_store %arg8[%parallel_loop3A_915, %parallel_loop3A_916], %parallel_loop3A_919 {strides = array<i32>} : memref<16x1024xf32, #tpu.memory_space<vmem>>, vector<1x16xf32>,
      } {sc.loop_unroll_factor = 1 : i64, sc.parallel_access}
      %mul3A_115 = arith.constant 16 : i32
      %mul3A_116 = arith.muli %add3A_98, %mul3A_115 : i32
      %multiple_of3A_117 = tpu.assume_multiple %mul3A_116, 16 : i32
      %add3A_118 = arith.addi %multiple_of3A, %multiple_of3A_117 : i32
      %dma_start3A_119 = arith.constant 0 : i32
      %dma_start3A_120 = tpu.memref_slice %arg4[%add3A_118, %dma_start3A_119] : memref<32768x1024xf32, #tpu.memory_space<hbm>> -> memref<16x1024xf32, #tpu.memory_space<hbm>>
      %dma_start3A_121 = arith.constant 0 : i32
      %dma_start3A_122 = tpu.memref_slice %arg4[%add3A_118, %dma_start3A_121] : memref<32768x1024xf32, #tpu.memory_space<hbm>> -> memref<16x1024xf32, #tpu.memory_space<hbm>>
      tpu.enqueue_dma source(%arg8 : memref<16x1024xf32, #tpu.memory_space<vmem>>) target(%dma_start3A_122 : memref<16x1024xf32, #tpu.memory_space<hbm>>) target_semaphore(%arg16 : memref<!tpu.dma_semaphore, #tpu.memory_space<semaphore_mem>>)
      %mul3A_123 = arith.constant 4 : i32
      %mul3A_124 = arith.muli %scan3A_42, %mul3A_123 : i32
      %add3A_125 = arith.constant 3 : i32
      %add3A_126 = arith.addi %mul3A_124, %add3A_125 : i32
      %dma_wait3A_127 = arith.constant 0 : i32
      %dma_wait3A_128 = arith.constant 0 : i32
      %dma_wait3A_129 = tpu.memref_slice %arg4[%dma_wait3A_127, %dma_wait3A_128] : memref<32768x1024xf32, #tpu.memory_space<hbm>> -> memref<16x1024xf32, #tpu.memory_space<hbm>>
      %dma_wait3A_130 = arith.constant 0 : i32
      %dma_wait3A_131 = arith.constant 0 : i32
      %dma_wait3A_132 = tpu.memref_slice %arg4[%dma_wait3A_130, %dma_wait3A_131] : memref<32768x1024xf32, #tpu.memory_space<hbm>> -> memref<16x1024xf32, #tpu.memory_space<hbm>>
      tpu.wait_dma2 semaphore(%arg13 : memref<!tpu.dma_semaphore, #tpu.memory_space<semaphore_mem>>) src(%dma_wait3A_132 : memref<16x1024xf32, #tpu.memory_space<hbm>>) dst(%arg9 : memref<16x1024xf32, #tpu.memory_space<vmem>>)
      %add3A_133 = arith.constant 2 : i32
      %add3A_134 = arith.addi %add3A_126, %add3A_133 : i32
      %lt3A_135 = arith.constant 64 : i32
      %lt3A_136 = arith.cmpi slt, %add3A_134, %lt3A_135 : i32
      %convert_element_type3A_137 = arith.extui %lt3A_136 : i1 to i32
      %cond3A_138 = arith.constant 0 : i32
      %cond3A_139 = arith.cmpi ne, %convert_element_type3A_137, %cond3A_138 : i32
      scf.if %cond3A_139 {
        %ge3A = arith.constant 2 : i32
        %ge3A_151 = arith.cmpi sge, %add3A_126, %ge3A : i32
        %convert_element_type3A_152 = arith.extui %ge3A_151 : i1 to i32
        %cond3A_153 = arith.constant 0 : i32
        %cond3A_154 = arith.cmpi ne, %convert_element_type3A_152, %cond3A_153 : i32
        scf.if %cond3A_154 {
          %dma_wait3A_164 = arith.constant 0 : i32
          %dma_wait3A_165 = arith.constant 0 : i32
          %dma_wait3A_166 = tpu.memref_slice %arg4[%dma_wait3A_164, %dma_wait3A_165] : memref<32768x1024xf32, #tpu.memory_space<hbm>> -> memref<16x1024xf32, #tpu.memory_space<hbm>>
          %dma_wait3A_167 = arith.constant 0 : i32
          %dma_wait3A_168 = arith.constant 0 : i32
          %dma_wait3A_169 = tpu.memref_slice %arg4[%dma_wait3A_167, %dma_wait3A_168] : memref<32768x1024xf32, #tpu.memory_space<hbm>> -> memref<16x1024xf32, #tpu.memory_space<hbm>>
          tpu.wait_dma2 semaphore(%arg15 : memref<!tpu.dma_semaphore, #tpu.memory_space<semaphore_mem>>) src(%dma_wait3A_169 : memref<16x1024xf32, #tpu.memory_space<hbm>>) dst(%arg7 : memref<16x1024xf32, #tpu.memory_space<vmem>>)
        } else {
        }
        %add3A_155 = arith.constant 2 : i32
        %add3A_156 = arith.addi %add3A_126, %add3A_155 : i32
        %mul3A_157 = arith.constant 16 : i32
        %mul3A_158 = arith.muli %add3A_156, %mul3A_157 : i32
        %multiple_of3A_159 = tpu.assume_multiple %mul3A_158, 16 : i32
        %dma_start3A_160 = tpu.memref_slice %arg5[%multiple_of3A_159] : memref<1024xi32, #tpu.memory_space<vmem>> -> memref<16xi32, #tpu.memory_space<vmem>>
        %dma_start3A_161 = arith.constant 0 : i32
        %dma_start3A_162 = arith.constant 0 : i32
        %dma_start3A_163 = tpu.memref_slice %arg3[%dma_start3A_161, %dma_start3A_162] : memref<100000x1024xf32, #tpu.memory_space<hbm>> -> memref<100000x1024xf32, #tpu.memory_space<hbm>>
        tpu.enqueue_indirect_dma source(%dma_start3A_163 : memref<100000x1024xf32, #tpu.memory_space<hbm>>) target(%arg7 : memref<16x1024xf32, #tpu.memory_space<vmem>>) offsets(%dma_start3A_160 : memref<16xi32, #tpu.memory_space<vmem>>) semaphore(%arg11 : memref<!tpu.dma_semaphore, #tpu.memory_space<semaphore_mem>>)
      } else {
      }
      %parallel_loop3A_140 = arith.constant 0 : i32
      %parallel_loop3A_141 = arith.constant 16 : i32
      %parallel_loop3A_142 = arith.constant 1 : i32
      scf.for %parallel_loop3A_151 = %parallel_loop3A_140 to %parallel_loop3A_141 step %parallel_loop3A_142  : i32 {
        %parallel_loop3A_152 = arith.index_cast %parallel_loop3A_151 : i32 to index
        %parallel_loop3A_153 = arith.constant 0 : index
        %parallel_loop3A_154 = tpu.vector_load %arg9[%parallel_loop3A_152, %parallel_loop3A_153] {strides = array<i32>} : memref<16x1024xf32, #tpu.memory_space<vmem>>, vector<1x16xf32>,
        %parallel_loop3A_155 = vector.shape_cast %parallel_loop3A_154 : vector<1x16xf32> to vector<16xf32>
        %parallel_loop3A_156 = arith.constant 3.200000e+01 : f32
        %parallel_loop3A_157 = vector.broadcast %parallel_loop3A_156 : f32 to vector<16xf32>
        %parallel_loop3A_158 = arith.mulf %parallel_loop3A_155, %parallel_loop3A_157 : vector<16xf32>
        %parallel_loop3A_159 = arith.index_cast %parallel_loop3A_151 : i32 to index
        %parallel_loop3A_160 = arith.constant 0 : index
        %parallel_loop3A_161 = tpu.vector_load %arg9[%parallel_loop3A_159, %parallel_loop3A_160] {strides = array<i32>} : memref<16x1024xf32, #tpu.memory_space<vmem>>, vector<1x16xf32>,
        %parallel_loop3A_162 = vector.shape_cast %parallel_loop3A_161 : vector<1x16xf32> to vector<16xf32>
        %parallel_loop3A_163 = vector.shape_cast %parallel_loop3A_158 : vector<16xf32> to vector<1x16xf32>
        tpu.vector_store %arg9[%parallel_loop3A_159, %parallel_loop3A_160], %parallel_loop3A_163 {strides = array<i32>} : memref<16x1024xf32, #tpu.memory_space<vmem>>, vector<1x16xf32>,
        %parallel_loop3A_164 = arith.index_cast %parallel_loop3A_151 : i32 to index
        %parallel_loop3A_165 = arith.constant 16 : index
        %parallel_loop3A_166 = tpu.vector_load %arg9[%parallel_loop3A_164, %parallel_loop3A_165] {strides = array<i32>} : memref<16x1024xf32, #tpu.memory_space<vmem>>, vector<1x16xf32>,
        %parallel_loop3A_167 = vector.shape_cast %parallel_loop3A_166 : vector<1x16xf32> to vector<16xf32>
        %parallel_loop3A_168 = arith.constant 3.200000e+01 : f32
        %parallel_loop3A_169 = vector.broadcast %parallel_loop3A_168 : f32 to vector<16xf32>
        %parallel_loop3A_170 = arith.mulf %parallel_loop3A_167, %parallel_loop3A_169 : vector<16xf32>
        %parallel_loop3A_171 = arith.index_cast %parallel_loop3A_151 : i32 to index
        %parallel_loop3A_172 = arith.constant 16 : index
        %parallel_loop3A_173 = tpu.vector_load %arg9[%parallel_loop3A_171, %parallel_loop3A_172] {strides = array<i32>} : memref<16x1024xf32, #tpu.memory_space<vmem>>, vector<1x16xf32>,
        %parallel_loop3A_174 = vector.shape_cast %parallel_loop3A_173 : vector<1x16xf32> to vector<16xf32>
        %parallel_loop3A_175 = vector.shape_cast %parallel_loop3A_170 : vector<16xf32> to vector<1x16xf32>
        tpu.vector_store %arg9[%parallel_loop3A_171, %parallel_loop3A_172], %parallel_loop3A_175 {strides = array<i32>} : memref<16x1024xf32, #tpu.memory_space<vmem>>, vector<1x16xf32>,
        %parallel_loop3A_176 = arith.index_cast %parallel_loop3A_151 : i32 to index
        %parallel_loop3A_177 = arith.constant 32 : index
        %parallel_loop3A_178 = tpu.vector_load %arg9[%parallel_loop3A_176, %parallel_loop3A_177] {strides = array<i32>} : memref<16x1024xf32, #tpu.memory_space<vmem>>, vector<1x16xf32>,
        %parallel_loop3A_179 = vector.shape_cast %parallel_loop3A_178 : vector<1x16xf32> to vector<16xf32>
        %parallel_loop3A_180 = arith.constant 3.200000e+01 : f32
        %parallel_loop3A_181 = vector.broadcast %parallel_loop3A_180 : f32 to vector<16xf32>
        %parallel_loop3A_182 = arith.mulf %parallel_loop3A_179, %parallel_loop3A_181 : vector<16xf32>
        %parallel_loop3A_183 = arith.index_cast %parallel_loop3A_151 : i32 to index
        %parallel_loop3A_184 = arith.constant 32 : index
        %parallel_loop3A_185 = tpu.vector_load %arg9[%parallel_loop3A_183, %parallel_loop3A_184] {strides = array<i32>} : memref<16x1024xf32, #tpu.memory_space<vmem>>, vector<1x16xf32>,
        %parallel_loop3A_186 = vector.shape_cast %parallel_loop3A_185 : vector<1x16xf32> to vector<16xf32>
        %parallel_loop3A_187 = vector.shape_cast %parallel_loop3A_182 : vector<16xf32> to vector<1x16xf32>
        tpu.vector_store %arg9[%parallel_loop3A_183, %parallel_loop3A_184], %parallel_loop3A_187 {strides = array<i32>} : memref<16x1024xf32, #tpu.memory_space<vmem>>, vector<1x16xf32>,
        %parallel_loop3A_188 = arith.index_cast %parallel_loop3A_151 : i32 to index
        %parallel_loop3A_189 = arith.constant 48 : index
        %parallel_loop3A_190 = tpu.vector_load %arg9[%parallel_loop3A_188, %parallel_loop3A_189] {strides = array<i32>} : memref<16x1024xf32, #tpu.memory_space<vmem>>, vector<1x16xf32>,
        %parallel_loop3A_191 = vector.shape_cast %parallel_loop3A_190 : vector<1x16xf32> to vector<16xf32>
        %parallel_loop3A_192 = arith.constant 3.200000e+01 : f32
        %parallel_loop3A_193 = vector.broadcast %parallel_loop3A_192 : f32 to vector<16xf32>
        %parallel_loop3A_194 = arith.mulf %parallel_loop3A_191, %parallel_loop3A_193 : vector<16xf32>
        %parallel_loop3A_195 = arith.index_cast %parallel_loop3A_151 : i32 to index
        %parallel_loop3A_196 = arith.constant 48 : index
        %parallel_loop3A_197 = tpu.vector_load %arg9[%parallel_loop3A_195, %parallel_loop3A_196] {strides = array<i32>} : memref<16x1024xf32, #tpu.memory_space<vmem>>, vector<1x16xf32>,
        %parallel_loop3A_198 = vector.shape_cast %parallel_loop3A_197 : vector<1x16xf32> to vector<16xf32>
        %parallel_loop3A_199 = vector.shape_cast %parallel_loop3A_194 : vector<16xf32> to vector<1x16xf32>
        tpu.vector_store %arg9[%parallel_loop3A_195, %parallel_loop3A_196], %parallel_loop3A_199 {strides = array<i32>} : memref<16x1024xf32, #tpu.memory_space<vmem>>, vector<1x16xf32>,
        %parallel_loop3A_200 = arith.index_cast %parallel_loop3A_151 : i32 to index
        %parallel_loop3A_201 = arith.constant 64 : index
        %parallel_loop3A_202 = tpu.vector_load %arg9[%parallel_loop3A_200, %parallel_loop3A_201] {strides = array<i32>} : memref<16x1024xf32, #tpu.memory_space<vmem>>, vector<1x16xf32>,
        %parallel_loop3A_203 = vector.shape_cast %parallel_loop3A_202 : vector<1x16xf32> to vector<16xf32>
        %parallel_loop3A_204 = arith.constant 3.200000e+01 : f32
        %parallel_loop3A_205 = vector.broadcast %parallel_loop3A_204 : f32 to vector<16xf32>
        %parallel_loop3A_206 = arith.mulf %parallel_loop3A_203, %parallel_loop3A_205 : vector<16xf32>
        %parallel_loop3A_207 = arith.index_cast %parallel_loop3A_151 : i32 to index
        %parallel_loop3A_208 = arith.constant 64 : index
        %parallel_loop3A_209 = tpu.vector_load %arg9[%parallel_loop3A_207, %parallel_loop3A_208] {strides = array<i32>} : memref<16x1024xf32, #tpu.memory_space<vmem>>, vector<1x16xf32>,
        %parallel_loop3A_210 = vector.shape_cast %parallel_loop3A_209 : vector<1x16xf32> to vector<16xf32>
        %parallel_loop3A_211 = vector.shape_cast %parallel_loop3A_206 : vector<16xf32> to vector<1x16xf32>
        tpu.vector_store %arg9[%parallel_loop3A_207, %parallel_loop3A_208], %parallel_loop3A_211 {strides = array<i32>} : memref<16x1024xf32, #tpu.memory_space<vmem>>, vector<1x16xf32>,
        %parallel_loop3A_212 = arith.index_cast %parallel_loop3A_151 : i32 to index
        %parallel_loop3A_213 = arith.constant 80 : index
        %parallel_loop3A_214 = tpu.vector_load %arg9[%parallel_loop3A_212, %parallel_loop3A_213] {strides = array<i32>} : memref<16x1024xf32, #tpu.memory_space<vmem>>, vector<1x16xf32>,
        %parallel_loop3A_215 = vector.shape_cast %parallel_loop3A_214 : vector<1x16xf32> to vector<16xf32>
        %parallel_loop3A_216 = arith.constant 3.200000e+01 : f32
        %parallel_loop3A_217 = vector.broadcast %parallel_loop3A_216 : f32 to vector<16xf32>
        %parallel_loop3A_218 = arith.mulf %parallel_loop3A_215, %parallel_loop3A_217 : vector<16xf32>
        %parallel_loop3A_219 = arith.index_cast %parallel_loop3A_151 : i32 to index
        %parallel_loop3A_220 = arith.constant 80 : index
        %parallel_loop3A_221 = tpu.vector_load %arg9[%parallel_loop3A_219, %parallel_loop3A_220] {strides = array<i32>} : memref<16x1024xf32, #tpu.memory_space<vmem>>, vector<1x16xf32>,
        %parallel_loop3A_222 = vector.shape_cast %parallel_loop3A_221 : vector<1x16xf32> to vector<16xf32>
        %parallel_loop3A_223 = vector.shape_cast %parallel_loop3A_218 : vector<16xf32> to vector<1x16xf32>
        tpu.vector_store %arg9[%parallel_loop3A_219, %parallel_loop3A_220], %parallel_loop3A_223 {strides = array<i32>} : memref<16x1024xf32, #tpu.memory_space<vmem>>, vector<1x16xf32>,
        %parallel_loop3A_224 = arith.index_cast %parallel_loop3A_151 : i32 to index
        %parallel_loop3A_225 = arith.constant 96 : index
        %parallel_loop3A_226 = tpu.vector_load %arg9[%parallel_loop3A_224, %parallel_loop3A_225] {strides = array<i32>} : memref<16x1024xf32, #tpu.memory_space<vmem>>, vector<1x16xf32>,
        %parallel_loop3A_227 = vector.shape_cast %parallel_loop3A_226 : vector<1x16xf32> to vector<16xf32>
        %parallel_loop3A_228 = arith.constant 3.200000e+01 : f32
        %parallel_loop3A_229 = vector.broadcast %parallel_loop3A_228 : f32 to vector<16xf32>
        %parallel_loop3A_230 = arith.mulf %parallel_loop3A_227, %parallel_loop3A_229 : vector<16xf32>
        %parallel_loop3A_231 = arith.index_cast %parallel_loop3A_151 : i32 to index
        %parallel_loop3A_232 = arith.constant 96 : index
        %parallel_loop3A_233 = tpu.vector_load %arg9[%parallel_loop3A_231, %parallel_loop3A_232] {strides = array<i32>} : memref<16x1024xf32, #tpu.memory_space<vmem>>, vector<1x16xf32>,
        %parallel_loop3A_234 = vector.shape_cast %parallel_loop3A_233 : vector<1x16xf32> to vector<16xf32>
        %parallel_loop3A_235 = vector.shape_cast %parallel_loop3A_230 : vector<16xf32> to vector<1x16xf32>
        tpu.vector_store %arg9[%parallel_loop3A_231, %parallel_loop3A_232], %parallel_loop3A_235 {strides = array<i32>} : memref<16x1024xf32, #tpu.memory_space<vmem>>, vector<1x16xf32>,
        %parallel_loop3A_236 = arith.index_cast %parallel_loop3A_151 : i32 to index
        %parallel_loop3A_237 = arith.constant 112 : index
        %parallel_loop3A_238 = tpu.vector_load %arg9[%parallel_loop3A_236, %parallel_loop3A_237] {strides = array<i32>} : memref<16x1024xf32, #tpu.memory_space<vmem>>, vector<1x16xf32>,
        %parallel_loop3A_239 = vector.shape_cast %parallel_loop3A_238 : vector<1x16xf32> to vector<16xf32>
        %parallel_loop3A_240 = arith.constant 3.200000e+01 : f32
        %parallel_loop3A_241 = vector.broadcast %parallel_loop3A_240 : f32 to vector<16xf32>
        %parallel_loop3A_242 = arith.mulf %parallel_loop3A_239, %parallel_loop3A_241 : vector<16xf32>
        %parallel_loop3A_243 = arith.index_cast %parallel_loop3A_151 : i32 to index
        %parallel_loop3A_244 = arith.constant 112 : index
        %parallel_loop3A_245 = tpu.vector_load %arg9[%parallel_loop3A_243, %parallel_loop3A_244] {strides = array<i32>} : memref<16x1024xf32, #tpu.memory_space<vmem>>, vector<1x16xf32>,
        %parallel_loop3A_246 = vector.shape_cast %parallel_loop3A_245 : vector<1x16xf32> to vector<16xf32>
        %parallel_loop3A_247 = vector.shape_cast %parallel_loop3A_242 : vector<16xf32> to vector<1x16xf32>
        tpu.vector_store %arg9[%parallel_loop3A_243, %parallel_loop3A_244], %parallel_loop3A_247 {strides = array<i32>} : memref<16x1024xf32, #tpu.memory_space<vmem>>, vector<1x16xf32>,
        %parallel_loop3A_248 = arith.index_cast %parallel_loop3A_151 : i32 to index
        %parallel_loop3A_249 = arith.constant 128 : index
        %parallel_loop3A_250 = tpu.vector_load %arg9[%parallel_loop3A_248, %parallel_loop3A_249] {strides = array<i32>} : memref<16x1024xf32, #tpu.memory_space<vmem>>, vector<1x16xf32>,
        %parallel_loop3A_251 = vector.shape_cast %parallel_loop3A_250 : vector<1x16xf32> to vector<16xf32>
        %parallel_loop3A_252 = arith.constant 3.200000e+01 : f32
        %parallel_loop3A_253 = vector.broadcast %parallel_loop3A_252 : f32 to vector<16xf32>
        %parallel_loop3A_254 = arith.mulf %parallel_loop3A_251, %parallel_loop3A_253 : vector<16xf32>
        %parallel_loop3A_255 = arith.index_cast %parallel_loop3A_151 : i32 to index
        %parallel_loop3A_256 = arith.constant 128 : index
        %parallel_loop3A_257 = tpu.vector_load %arg9[%parallel_loop3A_255, %parallel_loop3A_256] {strides = array<i32>} : memref<16x1024xf32, #tpu.memory_space<vmem>>, vector<1x16xf32>,
        %parallel_loop3A_258 = vector.shape_cast %parallel_loop3A_257 : vector<1x16xf32> to vector<16xf32>
        %parallel_loop3A_259 = vector.shape_cast %parallel_loop3A_254 : vector<16xf32> to vector<1x16xf32>
        tpu.vector_store %arg9[%parallel_loop3A_255, %parallel_loop3A_256], %parallel_loop3A_259 {strides = array<i32>} : memref<16x1024xf32, #tpu.memory_space<vmem>>, vector<1x16xf32>,
        %parallel_loop3A_260 = arith.index_cast %parallel_loop3A_151 : i32 to index
        %parallel_loop3A_261 = arith.constant 144 : index
        %parallel_loop3A_262 = tpu.vector_load %arg9[%parallel_loop3A_260, %parallel_loop3A_261] {strides = array<i32>} : memref<16x1024xf32, #tpu.memory_space<vmem>>, vector<1x16xf32>,
        %parallel_loop3A_263 = vector.shape_cast %parallel_loop3A_262 : vector<1x16xf32> to vector<16xf32>
        %parallel_loop3A_264 = arith.constant 3.200000e+01 : f32
        %parallel_loop3A_265 = vector.broadcast %parallel_loop3A_264 : f32 to vector<16xf32>
        %parallel_loop3A_266 = arith.mulf %parallel_loop3A_263, %parallel_loop3A_265 : vector<16xf32>
        %parallel_loop3A_267 = arith.index_cast %parallel_loop3A_151 : i32 to index
        %parallel_loop3A_268 = arith.constant 144 : index
        %parallel_loop3A_269 = tpu.vector_load %arg9[%parallel_loop3A_267, %parallel_loop3A_268] {strides = array<i32>} : memref<16x1024xf32, #tpu.memory_space<vmem>>, vector<1x16xf32>,
        %parallel_loop3A_270 = vector.shape_cast %parallel_loop3A_269 : vector<1x16xf32> to vector<16xf32>
        %parallel_loop3A_271 = vector.shape_cast %parallel_loop3A_266 : vector<16xf32> to vector<1x16xf32>
        tpu.vector_store %arg9[%parallel_loop3A_267, %parallel_loop3A_268], %parallel_loop3A_271 {strides = array<i32>} : memref<16x1024xf32, #tpu.memory_space<vmem>>, vector<1x16xf32>,
        %parallel_loop3A_272 = arith.index_cast %parallel_loop3A_151 : i32 to index
        %parallel_loop3A_273 = arith.constant 160 : index
        %parallel_loop3A_274 = tpu.vector_load %arg9[%parallel_loop3A_272, %parallel_loop3A_273] {strides = array<i32>} : memref<16x1024xf32, #tpu.memory_space<vmem>>, vector<1x16xf32>,
        %parallel_loop3A_275 = vector.shape_cast %parallel_loop3A_274 : vector<1x16xf32> to vector<16xf32>
        %parallel_loop3A_276 = arith.constant 3.200000e+01 : f32
        %parallel_loop3A_277 = vector.broadcast %parallel_loop3A_276 : f32 to vector<16xf32>
        %parallel_loop3A_278 = arith.mulf %parallel_loop3A_275, %parallel_loop3A_277 : vector<16xf32>
        %parallel_loop3A_279 = arith.index_cast %parallel_loop3A_151 : i32 to index
        %parallel_loop3A_280 = arith.constant 160 : index
        %parallel_loop3A_281 = tpu.vector_load %arg9[%parallel_loop3A_279, %parallel_loop3A_280] {strides = array<i32>} : memref<16x1024xf32, #tpu.memory_space<vmem>>, vector<1x16xf32>,
        %parallel_loop3A_282 = vector.shape_cast %parallel_loop3A_281 : vector<1x16xf32> to vector<16xf32>
        %parallel_loop3A_283 = vector.shape_cast %parallel_loop3A_278 : vector<16xf32> to vector<1x16xf32>
        tpu.vector_store %arg9[%parallel_loop3A_279, %parallel_loop3A_280], %parallel_loop3A_283 {strides = array<i32>} : memref<16x1024xf32, #tpu.memory_space<vmem>>, vector<1x16xf32>,
        %parallel_loop3A_284 = arith.index_cast %parallel_loop3A_151 : i32 to index
        %parallel_loop3A_285 = arith.constant 176 : index
        %parallel_loop3A_286 = tpu.vector_load %arg9[%parallel_loop3A_284, %parallel_loop3A_285] {strides = array<i32>} : memref<16x1024xf32, #tpu.memory_space<vmem>>, vector<1x16xf32>,
        %parallel_loop3A_287 = vector.shape_cast %parallel_loop3A_286 : vector<1x16xf32> to vector<16xf32>
        %parallel_loop3A_288 = arith.constant 3.200000e+01 : f32
        %parallel_loop3A_289 = vector.broadcast %parallel_loop3A_288 : f32 to vector<16xf32>
        %parallel_loop3A_290 = arith.mulf %parallel_loop3A_287, %parallel_loop3A_289 : vector<16xf32>
        %parallel_loop3A_291 = arith.index_cast %parallel_loop3A_151 : i32 to index
        %parallel_loop3A_292 = arith.constant 176 : index
        %parallel_loop3A_293 = tpu.vector_load %arg9[%parallel_loop3A_291, %parallel_loop3A_292] {strides = array<i32>} : memref<16x1024xf32, #tpu.memory_space<vmem>>, vector<1x16xf32>,
        %parallel_loop3A_294 = vector.shape_cast %parallel_loop3A_293 : vector<1x16xf32> to vector<16xf32>
        %parallel_loop3A_295 = vector.shape_cast %parallel_loop3A_290 : vector<16xf32> to vector<1x16xf32>
        tpu.vector_store %arg9[%parallel_loop3A_291, %parallel_loop3A_292], %parallel_loop3A_295 {strides = array<i32>} : memref<16x1024xf32, #tpu.memory_space<vmem>>, vector<1x16xf32>,
        %parallel_loop3A_296 = arith.index_cast %parallel_loop3A_151 : i32 to index
        %parallel_loop3A_297 = arith.constant 192 : index
        %parallel_loop3A_298 = tpu.vector_load %arg9[%parallel_loop3A_296, %parallel_loop3A_297] {strides = array<i32>} : memref<16x1024xf32, #tpu.memory_space<vmem>>, vector<1x16xf32>,
        %parallel_loop3A_299 = vector.shape_cast %parallel_loop3A_298 : vector<1x16xf32> to vector<16xf32>
        %parallel_loop3A_300 = arith.constant 3.200000e+01 : f32
        %parallel_loop3A_301 = vector.broadcast %parallel_loop3A_300 : f32 to vector<16xf32>
        %parallel_loop3A_302 = arith.mulf %parallel_loop3A_299, %parallel_loop3A_301 : vector<16xf32>
        %parallel_loop3A_303 = arith.index_cast %parallel_loop3A_151 : i32 to index
        %parallel_loop3A_304 = arith.constant 192 : index
        %parallel_loop3A_305 = tpu.vector_load %arg9[%parallel_loop3A_303, %parallel_loop3A_304] {strides = array<i32>} : memref<16x1024xf32, #tpu.memory_space<vmem>>, vector<1x16xf32>,
        %parallel_loop3A_306 = vector.shape_cast %parallel_loop3A_305 : vector<1x16xf32> to vector<16xf32>
        %parallel_loop3A_307 = vector.shape_cast %parallel_loop3A_302 : vector<16xf32> to vector<1x16xf32>
        tpu.vector_store %arg9[%parallel_loop3A_303, %parallel_loop3A_304], %parallel_loop3A_307 {strides = array<i32>} : memref<16x1024xf32, #tpu.memory_space<vmem>>, vector<1x16xf32>,
        %parallel_loop3A_308 = arith.index_cast %parallel_loop3A_151 : i32 to index
        %parallel_loop3A_309 = arith.constant 208 : index
        %parallel_loop3A_310 = tpu.vector_load %arg9[%parallel_loop3A_308, %parallel_loop3A_309] {strides = array<i32>} : memref<16x1024xf32, #tpu.memory_space<vmem>>, vector<1x16xf32>,
        %parallel_loop3A_311 = vector.shape_cast %parallel_loop3A_310 : vector<1x16xf32> to vector<16xf32>
        %parallel_loop3A_312 = arith.constant 3.200000e+01 : f32
        %parallel_loop3A_313 = vector.broadcast %parallel_loop3A_312 : f32 to vector<16xf32>
        %parallel_loop3A_314 = arith.mulf %parallel_loop3A_311, %parallel_loop3A_313 : vector<16xf32>
        %parallel_loop3A_315 = arith.index_cast %parallel_loop3A_151 : i32 to index
        %parallel_loop3A_316 = arith.constant 208 : index
        %parallel_loop3A_317 = tpu.vector_load %arg9[%parallel_loop3A_315, %parallel_loop3A_316] {strides = array<i32>} : memref<16x1024xf32, #tpu.memory_space<vmem>>, vector<1x16xf32>,
        %parallel_loop3A_318 = vector.shape_cast %parallel_loop3A_317 : vector<1x16xf32> to vector<16xf32>
        %parallel_loop3A_319 = vector.shape_cast %parallel_loop3A_314 : vector<16xf32> to vector<1x16xf32>
        tpu.vector_store %arg9[%parallel_loop3A_315, %parallel_loop3A_316], %parallel_loop3A_319 {strides = array<i32>} : memref<16x1024xf32, #tpu.memory_space<vmem>>, vector<1x16xf32>,
        %parallel_loop3A_320 = arith.index_cast %parallel_loop3A_151 : i32 to index
        %parallel_loop3A_321 = arith.constant 224 : index
        %parallel_loop3A_322 = tpu.vector_load %arg9[%parallel_loop3A_320, %parallel_loop3A_321] {strides = array<i32>} : memref<16x1024xf32, #tpu.memory_space<vmem>>, vector<1x16xf32>,
        %parallel_loop3A_323 = vector.shape_cast %parallel_loop3A_322 : vector<1x16xf32> to vector<16xf32>
        %parallel_loop3A_324 = arith.constant 3.200000e+01 : f32
        %parallel_loop3A_325 = vector.broadcast %parallel_loop3A_324 : f32 to vector<16xf32>
        %parallel_loop3A_326 = arith.mulf %parallel_loop3A_323, %parallel_loop3A_325 : vector<16xf32>
        %parallel_loop3A_327 = arith.index_cast %parallel_loop3A_151 : i32 to index
        %parallel_loop3A_328 = arith.constant 224 : index
        %parallel_loop3A_329 = tpu.vector_load %arg9[%parallel_loop3A_327, %parallel_loop3A_328] {strides = array<i32>} : memref<16x1024xf32, #tpu.memory_space<vmem>>, vector<1x16xf32>,
        %parallel_loop3A_330 = vector.shape_cast %parallel_loop3A_329 : vector<1x16xf32> to vector<16xf32>
        %parallel_loop3A_331 = vector.shape_cast %parallel_loop3A_326 : vector<16xf32> to vector<1x16xf32>
        tpu.vector_store %arg9[%parallel_loop3A_327, %parallel_loop3A_328], %parallel_loop3A_331 {strides = array<i32>} : memref<16x1024xf32, #tpu.memory_space<vmem>>, vector<1x16xf32>,
        %parallel_loop3A_332 = arith.index_cast %parallel_loop3A_151 : i32 to index
        %parallel_loop3A_333 = arith.constant 240 : index
        %parallel_loop3A_334 = tpu.vector_load %arg9[%parallel_loop3A_332, %parallel_loop3A_333] {strides = array<i32>} : memref<16x1024xf32, #tpu.memory_space<vmem>>, vector<1x16xf32>,
        %parallel_loop3A_335 = vector.shape_cast %parallel_loop3A_334 : vector<1x16xf32> to vector<16xf32>
        %parallel_loop3A_336 = arith.constant 3.200000e+01 : f32
        %parallel_loop3A_337 = vector.broadcast %parallel_loop3A_336 : f32 to vector<16xf32>
        %parallel_loop3A_338 = arith.mulf %parallel_loop3A_335, %parallel_loop3A_337 : vector<16xf32>
        %parallel_loop3A_339 = arith.index_cast %parallel_loop3A_151 : i32 to index
        %parallel_loop3A_340 = arith.constant 240 : index
        %parallel_loop3A_341 = tpu.vector_load %arg9[%parallel_loop3A_339, %parallel_loop3A_340] {strides = array<i32>} : memref<16x1024xf32, #tpu.memory_space<vmem>>, vector<1x16xf32>,
        %parallel_loop3A_342 = vector.shape_cast %parallel_loop3A_341 : vector<1x16xf32> to vector<16xf32>
        %parallel_loop3A_343 = vector.shape_cast %parallel_loop3A_338 : vector<16xf32> to vector<1x16xf32>
        tpu.vector_store %arg9[%parallel_loop3A_339, %parallel_loop3A_340], %parallel_loop3A_343 {strides = array<i32>} : memref<16x1024xf32, #tpu.memory_space<vmem>>, vector<1x16xf32>,
        %parallel_loop3A_344 = arith.index_cast %parallel_loop3A_151 : i32 to index
        %parallel_loop3A_345 = arith.constant 256 : index
        %parallel_loop3A_346 = tpu.vector_load %arg9[%parallel_loop3A_344, %parallel_loop3A_345] {strides = array<i32>} : memref<16x1024xf32, #tpu.memory_space<vmem>>, vector<1x16xf32>,
        %parallel_loop3A_347 = vector.shape_cast %parallel_loop3A_346 : vector<1x16xf32> to vector<16xf32>
        %parallel_loop3A_348 = arith.constant 3.200000e+01 : f32
        %parallel_loop3A_349 = vector.broadcast %parallel_loop3A_348 : f32 to vector<16xf32>
        %parallel_loop3A_350 = arith.mulf %parallel_loop3A_347, %parallel_loop3A_349 : vector<16xf32>
        %parallel_loop3A_351 = arith.index_cast %parallel_loop3A_151 : i32 to index
        %parallel_loop3A_352 = arith.constant 256 : index
        %parallel_loop3A_353 = tpu.vector_load %arg9[%parallel_loop3A_351, %parallel_loop3A_352] {strides = array<i32>} : memref<16x1024xf32, #tpu.memory_space<vmem>>, vector<1x16xf32>,
        %parallel_loop3A_354 = vector.shape_cast %parallel_loop3A_353 : vector<1x16xf32> to vector<16xf32>
        %parallel_loop3A_355 = vector.shape_cast %parallel_loop3A_350 : vector<16xf32> to vector<1x16xf32>
        tpu.vector_store %arg9[%parallel_loop3A_351, %parallel_loop3A_352], %parallel_loop3A_355 {strides = array<i32>} : memref<16x1024xf32, #tpu.memory_space<vmem>>, vector<1x16xf32>,
        %parallel_loop3A_356 = arith.index_cast %parallel_loop3A_151 : i32 to index
        %parallel_loop3A_357 = arith.constant 272 : index
        %parallel_loop3A_358 = tpu.vector_load %arg9[%parallel_loop3A_356, %parallel_loop3A_357] {strides = array<i32>} : memref<16x1024xf32, #tpu.memory_space<vmem>>, vector<1x16xf32>,
        %parallel_loop3A_359 = vector.shape_cast %parallel_loop3A_358 : vector<1x16xf32> to vector<16xf32>
        %parallel_loop3A_360 = arith.constant 3.200000e+01 : f32
        %parallel_loop3A_361 = vector.broadcast %parallel_loop3A_360 : f32 to vector<16xf32>
        %parallel_loop3A_362 = arith.mulf %parallel_loop3A_359, %parallel_loop3A_361 : vector<16xf32>
        %parallel_loop3A_363 = arith.index_cast %parallel_loop3A_151 : i32 to index
        %parallel_loop3A_364 = arith.constant 272 : index
        %parallel_loop3A_365 = tpu.vector_load %arg9[%parallel_loop3A_363, %parallel_loop3A_364] {strides = array<i32>} : memref<16x1024xf32, #tpu.memory_space<vmem>>, vector<1x16xf32>,
        %parallel_loop3A_366 = vector.shape_cast %parallel_loop3A_365 : vector<1x16xf32> to vector<16xf32>
        %parallel_loop3A_367 = vector.shape_cast %parallel_loop3A_362 : vector<16xf32> to vector<1x16xf32>
        tpu.vector_store %arg9[%parallel_loop3A_363, %parallel_loop3A_364], %parallel_loop3A_367 {strides = array<i32>} : memref<16x1024xf32, #tpu.memory_space<vmem>>, vector<1x16xf32>,
        %parallel_loop3A_368 = arith.index_cast %parallel_loop3A_151 : i32 to index
        %parallel_loop3A_369 = arith.constant 288 : index
        %parallel_loop3A_370 = tpu.vector_load %arg9[%parallel_loop3A_368, %parallel_loop3A_369] {strides = array<i32>} : memref<16x1024xf32, #tpu.memory_space<vmem>>, vector<1x16xf32>,
        %parallel_loop3A_371 = vector.shape_cast %parallel_loop3A_370 : vector<1x16xf32> to vector<16xf32>
        %parallel_loop3A_372 = arith.constant 3.200000e+01 : f32
        %parallel_loop3A_373 = vector.broadcast %parallel_loop3A_372 : f32 to vector<16xf32>
        %parallel_loop3A_374 = arith.mulf %parallel_loop3A_371, %parallel_loop3A_373 : vector<16xf32>
        %parallel_loop3A_375 = arith.index_cast %parallel_loop3A_151 : i32 to index
        %parallel_loop3A_376 = arith.constant 288 : index
        %parallel_loop3A_377 = tpu.vector_load %arg9[%parallel_loop3A_375, %parallel_loop3A_376] {strides = array<i32>} : memref<16x1024xf32, #tpu.memory_space<vmem>>, vector<1x16xf32>,
        %parallel_loop3A_378 = vector.shape_cast %parallel_loop3A_377 : vector<1x16xf32> to vector<16xf32>
        %parallel_loop3A_379 = vector.shape_cast %parallel_loop3A_374 : vector<16xf32> to vector<1x16xf32>
        tpu.vector_store %arg9[%parallel_loop3A_375, %parallel_loop3A_376], %parallel_loop3A_379 {strides = array<i32>} : memref<16x1024xf32, #tpu.memory_space<vmem>>, vector<1x16xf32>,
        %parallel_loop3A_380 = arith.index_cast %parallel_loop3A_151 : i32 to index
        %parallel_loop3A_381 = arith.constant 304 : index
        %parallel_loop3A_382 = tpu.vector_load %arg9[%parallel_loop3A_380, %parallel_loop3A_381] {strides = array<i32>} : memref<16x1024xf32, #tpu.memory_space<vmem>>, vector<1x16xf32>,
        %parallel_loop3A_383 = vector.shape_cast %parallel_loop3A_382 : vector<1x16xf32> to vector<16xf32>
        %parallel_loop3A_384 = arith.constant 3.200000e+01 : f32
        %parallel_loop3A_385 = vector.broadcast %parallel_loop3A_384 : f32 to vector<16xf32>
        %parallel_loop3A_386 = arith.mulf %parallel_loop3A_383, %parallel_loop3A_385 : vector<16xf32>
        %parallel_loop3A_387 = arith.index_cast %parallel_loop3A_151 : i32 to index
        %parallel_loop3A_388 = arith.constant 304 : index
        %parallel_loop3A_389 = tpu.vector_load %arg9[%parallel_loop3A_387, %parallel_loop3A_388] {strides = array<i32>} : memref<16x1024xf32, #tpu.memory_space<vmem>>, vector<1x16xf32>,
        %parallel_loop3A_390 = vector.shape_cast %parallel_loop3A_389 : vector<1x16xf32> to vector<16xf32>
        %parallel_loop3A_391 = vector.shape_cast %parallel_loop3A_386 : vector<16xf32> to vector<1x16xf32>
        tpu.vector_store %arg9[%parallel_loop3A_387, %parallel_loop3A_388], %parallel_loop3A_391 {strides = array<i32>} : memref<16x1024xf32, #tpu.memory_space<vmem>>, vector<1x16xf32>,
        %parallel_loop3A_392 = arith.index_cast %parallel_loop3A_151 : i32 to index
        %parallel_loop3A_393 = arith.constant 320 : index
        %parallel_loop3A_394 = tpu.vector_load %arg9[%parallel_loop3A_392, %parallel_loop3A_393] {strides = array<i32>} : memref<16x1024xf32, #tpu.memory_space<vmem>>, vector<1x16xf32>,
        %parallel_loop3A_395 = vector.shape_cast %parallel_loop3A_394 : vector<1x16xf32> to vector<16xf32>
        %parallel_loop3A_396 = arith.constant 3.200000e+01 : f32
        %parallel_loop3A_397 = vector.broadcast %parallel_loop3A_396 : f32 to vector<16xf32>
        %parallel_loop3A_398 = arith.mulf %parallel_loop3A_395, %parallel_loop3A_397 : vector<16xf32>
        %parallel_loop3A_399 = arith.index_cast %parallel_loop3A_151 : i32 to index
        %parallel_loop3A_400 = arith.constant 320 : index
        %parallel_loop3A_401 = tpu.vector_load %arg9[%parallel_loop3A_399, %parallel_loop3A_400] {strides = array<i32>} : memref<16x1024xf32, #tpu.memory_space<vmem>>, vector<1x16xf32>,
        %parallel_loop3A_402 = vector.shape_cast %parallel_loop3A_401 : vector<1x16xf32> to vector<16xf32>
        %parallel_loop3A_403 = vector.shape_cast %parallel_loop3A_398 : vector<16xf32> to vector<1x16xf32>
        tpu.vector_store %arg9[%parallel_loop3A_399, %parallel_loop3A_400], %parallel_loop3A_403 {strides = array<i32>} : memref<16x1024xf32, #tpu.memory_space<vmem>>, vector<1x16xf32>,
        %parallel_loop3A_404 = arith.index_cast %parallel_loop3A_151 : i32 to index
        %parallel_loop3A_405 = arith.constant 336 : index
        %parallel_loop3A_406 = tpu.vector_load %arg9[%parallel_loop3A_404, %parallel_loop3A_405] {strides = array<i32>} : memref<16x1024xf32, #tpu.memory_space<vmem>>, vector<1x16xf32>,
        %parallel_loop3A_407 = vector.shape_cast %parallel_loop3A_406 : vector<1x16xf32> to vector<16xf32>
        %parallel_loop3A_408 = arith.constant 3.200000e+01 : f32
        %parallel_loop3A_409 = vector.broadcast %parallel_loop3A_408 : f32 to vector<16xf32>
        %parallel_loop3A_410 = arith.mulf %parallel_loop3A_407, %parallel_loop3A_409 : vector<16xf32>
        %parallel_loop3A_411 = arith.index_cast %parallel_loop3A_151 : i32 to index
        %parallel_loop3A_412 = arith.constant 336 : index
        %parallel_loop3A_413 = tpu.vector_load %arg9[%parallel_loop3A_411, %parallel_loop3A_412] {strides = array<i32>} : memref<16x1024xf32, #tpu.memory_space<vmem>>, vector<1x16xf32>,
        %parallel_loop3A_414 = vector.shape_cast %parallel_loop3A_413 : vector<1x16xf32> to vector<16xf32>
        %parallel_loop3A_415 = vector.shape_cast %parallel_loop3A_410 : vector<16xf32> to vector<1x16xf32>
        tpu.vector_store %arg9[%parallel_loop3A_411, %parallel_loop3A_412], %parallel_loop3A_415 {strides = array<i32>} : memref<16x1024xf32, #tpu.memory_space<vmem>>, vector<1x16xf32>,
        %parallel_loop3A_416 = arith.index_cast %parallel_loop3A_151 : i32 to index
        %parallel_loop3A_417 = arith.constant 352 : index
        %parallel_loop3A_418 = tpu.vector_load %arg9[%parallel_loop3A_416, %parallel_loop3A_417] {strides = array<i32>} : memref<16x1024xf32, #tpu.memory_space<vmem>>, vector<1x16xf32>,
        %parallel_loop3A_419 = vector.shape_cast %parallel_loop3A_418 : vector<1x16xf32> to vector<16xf32>
        %parallel_loop3A_420 = arith.constant 3.200000e+01 : f32
        %parallel_loop3A_421 = vector.broadcast %parallel_loop3A_420 : f32 to vector<16xf32>
        %parallel_loop3A_422 = arith.mulf %parallel_loop3A_419, %parallel_loop3A_421 : vector<16xf32>
        %parallel_loop3A_423 = arith.index_cast %parallel_loop3A_151 : i32 to index
        %parallel_loop3A_424 = arith.constant 352 : index
        %parallel_loop3A_425 = tpu.vector_load %arg9[%parallel_loop3A_423, %parallel_loop3A_424] {strides = array<i32>} : memref<16x1024xf32, #tpu.memory_space<vmem>>, vector<1x16xf32>,
        %parallel_loop3A_426 = vector.shape_cast %parallel_loop3A_425 : vector<1x16xf32> to vector<16xf32>
        %parallel_loop3A_427 = vector.shape_cast %parallel_loop3A_422 : vector<16xf32> to vector<1x16xf32>
        tpu.vector_store %arg9[%parallel_loop3A_423, %parallel_loop3A_424], %parallel_loop3A_427 {strides = array<i32>} : memref<16x1024xf32, #tpu.memory_space<vmem>>, vector<1x16xf32>,
        %parallel_loop3A_428 = arith.index_cast %parallel_loop3A_151 : i32 to index
        %parallel_loop3A_429 = arith.constant 368 : index
        %parallel_loop3A_430 = tpu.vector_load %arg9[%parallel_loop3A_428, %parallel_loop3A_429] {strides = array<i32>} : memref<16x1024xf32, #tpu.memory_space<vmem>>, vector<1x16xf32>,
        %parallel_loop3A_431 = vector.shape_cast %parallel_loop3A_430 : vector<1x16xf32> to vector<16xf32>
        %parallel_loop3A_432 = arith.constant 3.200000e+01 : f32
        %parallel_loop3A_433 = vector.broadcast %parallel_loop3A_432 : f32 to vector<16xf32>
        %parallel_loop3A_434 = arith.mulf %parallel_loop3A_431, %parallel_loop3A_433 : vector<16xf32>
        %parallel_loop3A_435 = arith.index_cast %parallel_loop3A_151 : i32 to index
        %parallel_loop3A_436 = arith.constant 368 : index
        %parallel_loop3A_437 = tpu.vector_load %arg9[%parallel_loop3A_435, %parallel_loop3A_436] {strides = array<i32>} : memref<16x1024xf32, #tpu.memory_space<vmem>>, vector<1x16xf32>,
        %parallel_loop3A_438 = vector.shape_cast %parallel_loop3A_437 : vector<1x16xf32> to vector<16xf32>
        %parallel_loop3A_439 = vector.shape_cast %parallel_loop3A_434 : vector<16xf32> to vector<1x16xf32>
        tpu.vector_store %arg9[%parallel_loop3A_435, %parallel_loop3A_436], %parallel_loop3A_439 {strides = array<i32>} : memref<16x1024xf32, #tpu.memory_space<vmem>>, vector<1x16xf32>,
        %parallel_loop3A_440 = arith.index_cast %parallel_loop3A_151 : i32 to index
        %parallel_loop3A_441 = arith.constant 384 : index
        %parallel_loop3A_442 = tpu.vector_load %arg9[%parallel_loop3A_440, %parallel_loop3A_441] {strides = array<i32>} : memref<16x1024xf32, #tpu.memory_space<vmem>>, vector<1x16xf32>,
        %parallel_loop3A_443 = vector.shape_cast %parallel_loop3A_442 : vector<1x16xf32> to vector<16xf32>
        %parallel_loop3A_444 = arith.constant 3.200000e+01 : f32
        %parallel_loop3A_445 = vector.broadcast %parallel_loop3A_444 : f32 to vector<16xf32>
        %parallel_loop3A_446 = arith.mulf %parallel_loop3A_443, %parallel_loop3A_445 : vector<16xf32>
        %parallel_loop3A_447 = arith.index_cast %parallel_loop3A_151 : i32 to index
        %parallel_loop3A_448 = arith.constant 384 : index
        %parallel_loop3A_449 = tpu.vector_load %arg9[%parallel_loop3A_447, %parallel_loop3A_448] {strides = array<i32>} : memref<16x1024xf32, #tpu.memory_space<vmem>>, vector<1x16xf32>,
        %parallel_loop3A_450 = vector.shape_cast %parallel_loop3A_449 : vector<1x16xf32> to vector<16xf32>
        %parallel_loop3A_451 = vector.shape_cast %parallel_loop3A_446 : vector<16xf32> to vector<1x16xf32>
        tpu.vector_store %arg9[%parallel_loop3A_447, %parallel_loop3A_448], %parallel_loop3A_451 {strides = array<i32>} : memref<16x1024xf32, #tpu.memory_space<vmem>>, vector<1x16xf32>,
        %parallel_loop3A_452 = arith.index_cast %parallel_loop3A_151 : i32 to index
        %parallel_loop3A_453 = arith.constant 400 : index
        %parallel_loop3A_454 = tpu.vector_load %arg9[%parallel_loop3A_452, %parallel_loop3A_453] {strides = array<i32>} : memref<16x1024xf32, #tpu.memory_space<vmem>>, vector<1x16xf32>,
        %parallel_loop3A_455 = vector.shape_cast %parallel_loop3A_454 : vector<1x16xf32> to vector<16xf32>
        %parallel_loop3A_456 = arith.constant 3.200000e+01 : f32
        %parallel_loop3A_457 = vector.broadcast %parallel_loop3A_456 : f32 to vector<16xf32>
        %parallel_loop3A_458 = arith.mulf %parallel_loop3A_455, %parallel_loop3A_457 : vector<16xf32>
        %parallel_loop3A_459 = arith.index_cast %parallel_loop3A_151 : i32 to index
        %parallel_loop3A_460 = arith.constant 400 : index
        %parallel_loop3A_461 = tpu.vector_load %arg9[%parallel_loop3A_459, %parallel_loop3A_460] {strides = array<i32>} : memref<16x1024xf32, #tpu.memory_space<vmem>>, vector<1x16xf32>,
        %parallel_loop3A_462 = vector.shape_cast %parallel_loop3A_461 : vector<1x16xf32> to vector<16xf32>
        %parallel_loop3A_463 = vector.shape_cast %parallel_loop3A_458 : vector<16xf32> to vector<1x16xf32>
        tpu.vector_store %arg9[%parallel_loop3A_459, %parallel_loop3A_460], %parallel_loop3A_463 {strides = array<i32>} : memref<16x1024xf32, #tpu.memory_space<vmem>>, vector<1x16xf32>,
        %parallel_loop3A_464 = arith.index_cast %parallel_loop3A_151 : i32 to index
        %parallel_loop3A_465 = arith.constant 416 : index
        %parallel_loop3A_466 = tpu.vector_load %arg9[%parallel_loop3A_464, %parallel_loop3A_465] {strides = array<i32>} : memref<16x1024xf32, #tpu.memory_space<vmem>>, vector<1x16xf32>,
        %parallel_loop3A_467 = vector.shape_cast %parallel_loop3A_466 : vector<1x16xf32> to vector<16xf32>
        %parallel_loop3A_468 = arith.constant 3.200000e+01 : f32
        %parallel_loop3A_469 = vector.broadcast %parallel_loop3A_468 : f32 to vector<16xf32>
        %parallel_loop3A_470 = arith.mulf %parallel_loop3A_467, %parallel_loop3A_469 : vector<16xf32>
        %parallel_loop3A_471 = arith.index_cast %parallel_loop3A_151 : i32 to index
        %parallel_loop3A_472 = arith.constant 416 : index
        %parallel_loop3A_473 = tpu.vector_load %arg9[%parallel_loop3A_471, %parallel_loop3A_472] {strides = array<i32>} : memref<16x1024xf32, #tpu.memory_space<vmem>>, vector<1x16xf32>,
        %parallel_loop3A_474 = vector.shape_cast %parallel_loop3A_473 : vector<1x16xf32> to vector<16xf32>
        %parallel_loop3A_475 = vector.shape_cast %parallel_loop3A_470 : vector<16xf32> to vector<1x16xf32>
        tpu.vector_store %arg9[%parallel_loop3A_471, %parallel_loop3A_472], %parallel_loop3A_475 {strides = array<i32>} : memref<16x1024xf32, #tpu.memory_space<vmem>>, vector<1x16xf32>,
        %parallel_loop3A_476 = arith.index_cast %parallel_loop3A_151 : i32 to index
        %parallel_loop3A_477 = arith.constant 432 : index
        %parallel_loop3A_478 = tpu.vector_load %arg9[%parallel_loop3A_476, %parallel_loop3A_477] {strides = array<i32>} : memref<16x1024xf32, #tpu.memory_space<vmem>>, vector<1x16xf32>,
        %parallel_loop3A_479 = vector.shape_cast %parallel_loop3A_478 : vector<1x16xf32> to vector<16xf32>
        %parallel_loop3A_480 = arith.constant 3.200000e+01 : f32
        %parallel_loop3A_481 = vector.broadcast %parallel_loop3A_480 : f32 to vector<16xf32>
        %parallel_loop3A_482 = arith.mulf %parallel_loop3A_479, %parallel_loop3A_481 : vector<16xf32>
        %parallel_loop3A_483 = arith.index_cast %parallel_loop3A_151 : i32 to index
        %parallel_loop3A_484 = arith.constant 432 : index
        %parallel_loop3A_485 = tpu.vector_load %arg9[%parallel_loop3A_483, %parallel_loop3A_484] {strides = array<i32>} : memref<16x1024xf32, #tpu.memory_space<vmem>>, vector<1x16xf32>,
        %parallel_loop3A_486 = vector.shape_cast %parallel_loop3A_485 : vector<1x16xf32> to vector<16xf32>
        %parallel_loop3A_487 = vector.shape_cast %parallel_loop3A_482 : vector<16xf32> to vector<1x16xf32>
        tpu.vector_store %arg9[%parallel_loop3A_483, %parallel_loop3A_484], %parallel_loop3A_487 {strides = array<i32>} : memref<16x1024xf32, #tpu.memory_space<vmem>>, vector<1x16xf32>,
        %parallel_loop3A_488 = arith.index_cast %parallel_loop3A_151 : i32 to index
        %parallel_loop3A_489 = arith.constant 448 : index
        %parallel_loop3A_490 = tpu.vector_load %arg9[%parallel_loop3A_488, %parallel_loop3A_489] {strides = array<i32>} : memref<16x1024xf32, #tpu.memory_space<vmem>>, vector<1x16xf32>,
        %parallel_loop3A_491 = vector.shape_cast %parallel_loop3A_490 : vector<1x16xf32> to vector<16xf32>
        %parallel_loop3A_492 = arith.constant 3.200000e+01 : f32
        %parallel_loop3A_493 = vector.broadcast %parallel_loop3A_492 : f32 to vector<16xf32>
        %parallel_loop3A_494 = arith.mulf %parallel_loop3A_491, %parallel_loop3A_493 : vector<16xf32>
        %parallel_loop3A_495 = arith.index_cast %parallel_loop3A_151 : i32 to index
        %parallel_loop3A_496 = arith.constant 448 : index
        %parallel_loop3A_497 = tpu.vector_load %arg9[%parallel_loop3A_495, %parallel_loop3A_496] {strides = array<i32>} : memref<16x1024xf32, #tpu.memory_space<vmem>>, vector<1x16xf32>,
        %parallel_loop3A_498 = vector.shape_cast %parallel_loop3A_497 : vector<1x16xf32> to vector<16xf32>
        %parallel_loop3A_499 = vector.shape_cast %parallel_loop3A_494 : vector<16xf32> to vector<1x16xf32>
        tpu.vector_store %arg9[%parallel_loop3A_495, %parallel_loop3A_496], %parallel_loop3A_499 {strides = array<i32>} : memref<16x1024xf32, #tpu.memory_space<vmem>>, vector<1x16xf32>,
        %parallel_loop3A_500 = arith.index_cast %parallel_loop3A_151 : i32 to index
        %parallel_loop3A_501 = arith.constant 464 : index
        %parallel_loop3A_502 = tpu.vector_load %arg9[%parallel_loop3A_500, %parallel_loop3A_501] {strides = array<i32>} : memref<16x1024xf32, #tpu.memory_space<vmem>>, vector<1x16xf32>,
        %parallel_loop3A_503 = vector.shape_cast %parallel_loop3A_502 : vector<1x16xf32> to vector<16xf32>
        %parallel_loop3A_504 = arith.constant 3.200000e+01 : f32
        %parallel_loop3A_505 = vector.broadcast %parallel_loop3A_504 : f32 to vector<16xf32>
        %parallel_loop3A_506 = arith.mulf %parallel_loop3A_503, %parallel_loop3A_505 : vector<16xf32>
        %parallel_loop3A_507 = arith.index_cast %parallel_loop3A_151 : i32 to index
        %parallel_loop3A_508 = arith.constant 464 : index
        %parallel_loop3A_509 = tpu.vector_load %arg9[%parallel_loop3A_507, %parallel_loop3A_508] {strides = array<i32>} : memref<16x1024xf32, #tpu.memory_space<vmem>>, vector<1x16xf32>,
        %parallel_loop3A_510 = vector.shape_cast %parallel_loop3A_509 : vector<1x16xf32> to vector<16xf32>
        %parallel_loop3A_511 = vector.shape_cast %parallel_loop3A_506 : vector<16xf32> to vector<1x16xf32>
        tpu.vector_store %arg9[%parallel_loop3A_507, %parallel_loop3A_508], %parallel_loop3A_511 {strides = array<i32>} : memref<16x1024xf32, #tpu.memory_space<vmem>>, vector<1x16xf32>,
        %parallel_loop3A_512 = arith.index_cast %parallel_loop3A_151 : i32 to index
        %parallel_loop3A_513 = arith.constant 480 : index
        %parallel_loop3A_514 = tpu.vector_load %arg9[%parallel_loop3A_512, %parallel_loop3A_513] {strides = array<i32>} : memref<16x1024xf32, #tpu.memory_space<vmem>>, vector<1x16xf32>,
        %parallel_loop3A_515 = vector.shape_cast %parallel_loop3A_514 : vector<1x16xf32> to vector<16xf32>
        %parallel_loop3A_516 = arith.constant 3.200000e+01 : f32
        %parallel_loop3A_517 = vector.broadcast %parallel_loop3A_516 : f32 to vector<16xf32>
        %parallel_loop3A_518 = arith.mulf %parallel_loop3A_515, %parallel_loop3A_517 : vector<16xf32>
        %parallel_loop3A_519 = arith.index_cast %parallel_loop3A_151 : i32 to index
        %parallel_loop3A_520 = arith.constant 480 : index
        %parallel_loop3A_521 = tpu.vector_load %arg9[%parallel_loop3A_519, %parallel_loop3A_520] {strides = array<i32>} : memref<16x1024xf32, #tpu.memory_space<vmem>>, vector<1x16xf32>,
        %parallel_loop3A_522 = vector.shape_cast %parallel_loop3A_521 : vector<1x16xf32> to vector<16xf32>
        %parallel_loop3A_523 = vector.shape_cast %parallel_loop3A_518 : vector<16xf32> to vector<1x16xf32>
        tpu.vector_store %arg9[%parallel_loop3A_519, %parallel_loop3A_520], %parallel_loop3A_523 {strides = array<i32>} : memref<16x1024xf32, #tpu.memory_space<vmem>>, vector<1x16xf32>,
        %parallel_loop3A_524 = arith.index_cast %parallel_loop3A_151 : i32 to index
        %parallel_loop3A_525 = arith.constant 496 : index
        %parallel_loop3A_526 = tpu.vector_load %arg9[%parallel_loop3A_524, %parallel_loop3A_525] {strides = array<i32>} : memref<16x1024xf32, #tpu.memory_space<vmem>>, vector<1x16xf32>,
        %parallel_loop3A_527 = vector.shape_cast %parallel_loop3A_526 : vector<1x16xf32> to vector<16xf32>
        %parallel_loop3A_528 = arith.constant 3.200000e+01 : f32
        %parallel_loop3A_529 = vector.broadcast %parallel_loop3A_528 : f32 to vector<16xf32>
        %parallel_loop3A_530 = arith.mulf %parallel_loop3A_527, %parallel_loop3A_529 : vector<16xf32>
        %parallel_loop3A_531 = arith.index_cast %parallel_loop3A_151 : i32 to index
        %parallel_loop3A_532 = arith.constant 496 : index
        %parallel_loop3A_533 = tpu.vector_load %arg9[%parallel_loop3A_531, %parallel_loop3A_532] {strides = array<i32>} : memref<16x1024xf32, #tpu.memory_space<vmem>>, vector<1x16xf32>,
        %parallel_loop3A_534 = vector.shape_cast %parallel_loop3A_533 : vector<1x16xf32> to vector<16xf32>
        %parallel_loop3A_535 = vector.shape_cast %parallel_loop3A_530 : vector<16xf32> to vector<1x16xf32>
        tpu.vector_store %arg9[%parallel_loop3A_531, %parallel_loop3A_532], %parallel_loop3A_535 {strides = array<i32>} : memref<16x1024xf32, #tpu.memory_space<vmem>>, vector<1x16xf32>,
        %parallel_loop3A_536 = arith.index_cast %parallel_loop3A_151 : i32 to index
        %parallel_loop3A_537 = arith.constant 512 : index
        %parallel_loop3A_538 = tpu.vector_load %arg9[%parallel_loop3A_536, %parallel_loop3A_537] {strides = array<i32>} : memref<16x1024xf32, #tpu.memory_space<vmem>>, vector<1x16xf32>,
        %parallel_loop3A_539 = vector.shape_cast %parallel_loop3A_538 : vector<1x16xf32> to vector<16xf32>
        %parallel_loop3A_540 = arith.constant 3.200000e+01 : f32
        %parallel_loop3A_541 = vector.broadcast %parallel_loop3A_540 : f32 to vector<16xf32>
        %parallel_loop3A_542 = arith.mulf %parallel_loop3A_539, %parallel_loop3A_541 : vector<16xf32>
        %parallel_loop3A_543 = arith.index_cast %parallel_loop3A_151 : i32 to index
        %parallel_loop3A_544 = arith.constant 512 : index
        %parallel_loop3A_545 = tpu.vector_load %arg9[%parallel_loop3A_543, %parallel_loop3A_544] {strides = array<i32>} : memref<16x1024xf32, #tpu.memory_space<vmem>>, vector<1x16xf32>,
        %parallel_loop3A_546 = vector.shape_cast %parallel_loop3A_545 : vector<1x16xf32> to vector<16xf32>
        %parallel_loop3A_547 = vector.shape_cast %parallel_loop3A_542 : vector<16xf32> to vector<1x16xf32>
        tpu.vector_store %arg9[%parallel_loop3A_543, %parallel_loop3A_544], %parallel_loop3A_547 {strides = array<i32>} : memref<16x1024xf32, #tpu.memory_space<vmem>>, vector<1x16xf32>,
        %parallel_loop3A_548 = arith.index_cast %parallel_loop3A_151 : i32 to index
        %parallel_loop3A_549 = arith.constant 528 : index
        %parallel_loop3A_550 = tpu.vector_load %arg9[%parallel_loop3A_548, %parallel_loop3A_549] {strides = array<i32>} : memref<16x1024xf32, #tpu.memory_space<vmem>>, vector<1x16xf32>,
        %parallel_loop3A_551 = vector.shape_cast %parallel_loop3A_550 : vector<1x16xf32> to vector<16xf32>
        %parallel_loop3A_552 = arith.constant 3.200000e+01 : f32
        %parallel_loop3A_553 = vector.broadcast %parallel_loop3A_552 : f32 to vector<16xf32>
        %parallel_loop3A_554 = arith.mulf %parallel_loop3A_551, %parallel_loop3A_553 : vector<16xf32>
        %parallel_loop3A_555 = arith.index_cast %parallel_loop3A_151 : i32 to index
        %parallel_loop3A_556 = arith.constant 528 : index
        %parallel_loop3A_557 = tpu.vector_load %arg9[%parallel_loop3A_555, %parallel_loop3A_556] {strides = array<i32>} : memref<16x1024xf32, #tpu.memory_space<vmem>>, vector<1x16xf32>,
        %parallel_loop3A_558 = vector.shape_cast %parallel_loop3A_557 : vector<1x16xf32> to vector<16xf32>
        %parallel_loop3A_559 = vector.shape_cast %parallel_loop3A_554 : vector<16xf32> to vector<1x16xf32>
        tpu.vector_store %arg9[%parallel_loop3A_555, %parallel_loop3A_556], %parallel_loop3A_559 {strides = array<i32>} : memref<16x1024xf32, #tpu.memory_space<vmem>>, vector<1x16xf32>,
        %parallel_loop3A_560 = arith.index_cast %parallel_loop3A_151 : i32 to index
        %parallel_loop3A_561 = arith.constant 544 : index
        %parallel_loop3A_562 = tpu.vector_load %arg9[%parallel_loop3A_560, %parallel_loop3A_561] {strides = array<i32>} : memref<16x1024xf32, #tpu.memory_space<vmem>>, vector<1x16xf32>,
        %parallel_loop3A_563 = vector.shape_cast %parallel_loop3A_562 : vector<1x16xf32> to vector<16xf32>
        %parallel_loop3A_564 = arith.constant 3.200000e+01 : f32
        %parallel_loop3A_565 = vector.broadcast %parallel_loop3A_564 : f32 to vector<16xf32>
        %parallel_loop3A_566 = arith.mulf %parallel_loop3A_563, %parallel_loop3A_565 : vector<16xf32>
        %parallel_loop3A_567 = arith.index_cast %parallel_loop3A_151 : i32 to index
        %parallel_loop3A_568 = arith.constant 544 : index
        %parallel_loop3A_569 = tpu.vector_load %arg9[%parallel_loop3A_567, %parallel_loop3A_568] {strides = array<i32>} : memref<16x1024xf32, #tpu.memory_space<vmem>>, vector<1x16xf32>,
        %parallel_loop3A_570 = vector.shape_cast %parallel_loop3A_569 : vector<1x16xf32> to vector<16xf32>
        %parallel_loop3A_571 = vector.shape_cast %parallel_loop3A_566 : vector<16xf32> to vector<1x16xf32>
        tpu.vector_store %arg9[%parallel_loop3A_567, %parallel_loop3A_568], %parallel_loop3A_571 {strides = array<i32>} : memref<16x1024xf32, #tpu.memory_space<vmem>>, vector<1x16xf32>,
        %parallel_loop3A_572 = arith.index_cast %parallel_loop3A_151 : i32 to index
        %parallel_loop3A_573 = arith.constant 560 : index
        %parallel_loop3A_574 = tpu.vector_load %arg9[%parallel_loop3A_572, %parallel_loop3A_573] {strides = array<i32>} : memref<16x1024xf32, #tpu.memory_space<vmem>>, vector<1x16xf32>,
        %parallel_loop3A_575 = vector.shape_cast %parallel_loop3A_574 : vector<1x16xf32> to vector<16xf32>
        %parallel_loop3A_576 = arith.constant 3.200000e+01 : f32
        %parallel_loop3A_577 = vector.broadcast %parallel_loop3A_576 : f32 to vector<16xf32>
        %parallel_loop3A_578 = arith.mulf %parallel_loop3A_575, %parallel_loop3A_577 : vector<16xf32>
        %parallel_loop3A_579 = arith.index_cast %parallel_loop3A_151 : i32 to index
        %parallel_loop3A_580 = arith.constant 560 : index
        %parallel_loop3A_581 = tpu.vector_load %arg9[%parallel_loop3A_579, %parallel_loop3A_580] {strides = array<i32>} : memref<16x1024xf32, #tpu.memory_space<vmem>>, vector<1x16xf32>,
        %parallel_loop3A_582 = vector.shape_cast %parallel_loop3A_581 : vector<1x16xf32> to vector<16xf32>
        %parallel_loop3A_583 = vector.shape_cast %parallel_loop3A_578 : vector<16xf32> to vector<1x16xf32>
        tpu.vector_store %arg9[%parallel_loop3A_579, %parallel_loop3A_580], %parallel_loop3A_583 {strides = array<i32>} : memref<16x1024xf32, #tpu.memory_space<vmem>>, vector<1x16xf32>,
        %parallel_loop3A_584 = arith.index_cast %parallel_loop3A_151 : i32 to index
        %parallel_loop3A_585 = arith.constant 576 : index
        %parallel_loop3A_586 = tpu.vector_load %arg9[%parallel_loop3A_584, %parallel_loop3A_585] {strides = array<i32>} : memref<16x1024xf32, #tpu.memory_space<vmem>>, vector<1x16xf32>,
        %parallel_loop3A_587 = vector.shape_cast %parallel_loop3A_586 : vector<1x16xf32> to vector<16xf32>
        %parallel_loop3A_588 = arith.constant 3.200000e+01 : f32
        %parallel_loop3A_589 = vector.broadcast %parallel_loop3A_588 : f32 to vector<16xf32>
        %parallel_loop3A_590 = arith.mulf %parallel_loop3A_587, %parallel_loop3A_589 : vector<16xf32>
        %parallel_loop3A_591 = arith.index_cast %parallel_loop3A_151 : i32 to index
        %parallel_loop3A_592 = arith.constant 576 : index
        %parallel_loop3A_593 = tpu.vector_load %arg9[%parallel_loop3A_591, %parallel_loop3A_592] {strides = array<i32>} : memref<16x1024xf32, #tpu.memory_space<vmem>>, vector<1x16xf32>,
        %parallel_loop3A_594 = vector.shape_cast %parallel_loop3A_593 : vector<1x16xf32> to vector<16xf32>
        %parallel_loop3A_595 = vector.shape_cast %parallel_loop3A_590 : vector<16xf32> to vector<1x16xf32>
        tpu.vector_store %arg9[%parallel_loop3A_591, %parallel_loop3A_592], %parallel_loop3A_595 {strides = array<i32>} : memref<16x1024xf32, #tpu.memory_space<vmem>>, vector<1x16xf32>,
        %parallel_loop3A_596 = arith.index_cast %parallel_loop3A_151 : i32 to index
        %parallel_loop3A_597 = arith.constant 592 : index
        %parallel_loop3A_598 = tpu.vector_load %arg9[%parallel_loop3A_596, %parallel_loop3A_597] {strides = array<i32>} : memref<16x1024xf32, #tpu.memory_space<vmem>>, vector<1x16xf32>,
        %parallel_loop3A_599 = vector.shape_cast %parallel_loop3A_598 : vector<1x16xf32> to vector<16xf32>
        %parallel_loop3A_600 = arith.constant 3.200000e+01 : f32
        %parallel_loop3A_601 = vector.broadcast %parallel_loop3A_600 : f32 to vector<16xf32>
        %parallel_loop3A_602 = arith.mulf %parallel_loop3A_599, %parallel_loop3A_601 : vector<16xf32>
        %parallel_loop3A_603 = arith.index_cast %parallel_loop3A_151 : i32 to index
        %parallel_loop3A_604 = arith.constant 592 : index
        %parallel_loop3A_605 = tpu.vector_load %arg9[%parallel_loop3A_603, %parallel_loop3A_604] {strides = array<i32>} : memref<16x1024xf32, #tpu.memory_space<vmem>>, vector<1x16xf32>,
        %parallel_loop3A_606 = vector.shape_cast %parallel_loop3A_605 : vector<1x16xf32> to vector<16xf32>
        %parallel_loop3A_607 = vector.shape_cast %parallel_loop3A_602 : vector<16xf32> to vector<1x16xf32>
        tpu.vector_store %arg9[%parallel_loop3A_603, %parallel_loop3A_604], %parallel_loop3A_607 {strides = array<i32>} : memref<16x1024xf32, #tpu.memory_space<vmem>>, vector<1x16xf32>,
        %parallel_loop3A_608 = arith.index_cast %parallel_loop3A_151 : i32 to index
        %parallel_loop3A_609 = arith.constant 608 : index
        %parallel_loop3A_610 = tpu.vector_load %arg9[%parallel_loop3A_608, %parallel_loop3A_609] {strides = array<i32>} : memref<16x1024xf32, #tpu.memory_space<vmem>>, vector<1x16xf32>,
        %parallel_loop3A_611 = vector.shape_cast %parallel_loop3A_610 : vector<1x16xf32> to vector<16xf32>
        %parallel_loop3A_612 = arith.constant 3.200000e+01 : f32
        %parallel_loop3A_613 = vector.broadcast %parallel_loop3A_612 : f32 to vector<16xf32>
        %parallel_loop3A_614 = arith.mulf %parallel_loop3A_611, %parallel_loop3A_613 : vector<16xf32>
        %parallel_loop3A_615 = arith.index_cast %parallel_loop3A_151 : i32 to index
        %parallel_loop3A_616 = arith.constant 608 : index
        %parallel_loop3A_617 = tpu.vector_load %arg9[%parallel_loop3A_615, %parallel_loop3A_616] {strides = array<i32>} : memref<16x1024xf32, #tpu.memory_space<vmem>>, vector<1x16xf32>,
        %parallel_loop3A_618 = vector.shape_cast %parallel_loop3A_617 : vector<1x16xf32> to vector<16xf32>
        %parallel_loop3A_619 = vector.shape_cast %parallel_loop3A_614 : vector<16xf32> to vector<1x16xf32>
        tpu.vector_store %arg9[%parallel_loop3A_615, %parallel_loop3A_616], %parallel_loop3A_619 {strides = array<i32>} : memref<16x1024xf32, #tpu.memory_space<vmem>>, vector<1x16xf32>,
        %parallel_loop3A_620 = arith.index_cast %parallel_loop3A_151 : i32 to index
        %parallel_loop3A_621 = arith.constant 624 : index
        %parallel_loop3A_622 = tpu.vector_load %arg9[%parallel_loop3A_620, %parallel_loop3A_621] {strides = array<i32>} : memref<16x1024xf32, #tpu.memory_space<vmem>>, vector<1x16xf32>,
        %parallel_loop3A_623 = vector.shape_cast %parallel_loop3A_622 : vector<1x16xf32> to vector<16xf32>
        %parallel_loop3A_624 = arith.constant 3.200000e+01 : f32
        %parallel_loop3A_625 = vector.broadcast %parallel_loop3A_624 : f32 to vector<16xf32>
        %parallel_loop3A_626 = arith.mulf %parallel_loop3A_623, %parallel_loop3A_625 : vector<16xf32>
        %parallel_loop3A_627 = arith.index_cast %parallel_loop3A_151 : i32 to index
        %parallel_loop3A_628 = arith.constant 624 : index
        %parallel_loop3A_629 = tpu.vector_load %arg9[%parallel_loop3A_627, %parallel_loop3A_628] {strides = array<i32>} : memref<16x1024xf32, #tpu.memory_space<vmem>>, vector<1x16xf32>,
        %parallel_loop3A_630 = vector.shape_cast %parallel_loop3A_629 : vector<1x16xf32> to vector<16xf32>
        %parallel_loop3A_631 = vector.shape_cast %parallel_loop3A_626 : vector<16xf32> to vector<1x16xf32>
        tpu.vector_store %arg9[%parallel_loop3A_627, %parallel_loop3A_628], %parallel_loop3A_631 {strides = array<i32>} : memref<16x1024xf32, #tpu.memory_space<vmem>>, vector<1x16xf32>,
        %parallel_loop3A_632 = arith.index_cast %parallel_loop3A_151 : i32 to index
        %parallel_loop3A_633 = arith.constant 640 : index
        %parallel_loop3A_634 = tpu.vector_load %arg9[%parallel_loop3A_632, %parallel_loop3A_633] {strides = array<i32>} : memref<16x1024xf32, #tpu.memory_space<vmem>>, vector<1x16xf32>,
        %parallel_loop3A_635 = vector.shape_cast %parallel_loop3A_634 : vector<1x16xf32> to vector<16xf32>
        %parallel_loop3A_636 = arith.constant 3.200000e+01 : f32
        %parallel_loop3A_637 = vector.broadcast %parallel_loop3A_636 : f32 to vector<16xf32>
        %parallel_loop3A_638 = arith.mulf %parallel_loop3A_635, %parallel_loop3A_637 : vector<16xf32>
        %parallel_loop3A_639 = arith.index_cast %parallel_loop3A_151 : i32 to index
        %parallel_loop3A_640 = arith.constant 640 : index
        %parallel_loop3A_641 = tpu.vector_load %arg9[%parallel_loop3A_639, %parallel_loop3A_640] {strides = array<i32>} : memref<16x1024xf32, #tpu.memory_space<vmem>>, vector<1x16xf32>,
        %parallel_loop3A_642 = vector.shape_cast %parallel_loop3A_641 : vector<1x16xf32> to vector<16xf32>
        %parallel_loop3A_643 = vector.shape_cast %parallel_loop3A_638 : vector<16xf32> to vector<1x16xf32>
        tpu.vector_store %arg9[%parallel_loop3A_639, %parallel_loop3A_640], %parallel_loop3A_643 {strides = array<i32>} : memref<16x1024xf32, #tpu.memory_space<vmem>>, vector<1x16xf32>,
        %parallel_loop3A_644 = arith.index_cast %parallel_loop3A_151 : i32 to index
        %parallel_loop3A_645 = arith.constant 656 : index
        %parallel_loop3A_646 = tpu.vector_load %arg9[%parallel_loop3A_644, %parallel_loop3A_645] {strides = array<i32>} : memref<16x1024xf32, #tpu.memory_space<vmem>>, vector<1x16xf32>,
        %parallel_loop3A_647 = vector.shape_cast %parallel_loop3A_646 : vector<1x16xf32> to vector<16xf32>
        %parallel_loop3A_648 = arith.constant 3.200000e+01 : f32
        %parallel_loop3A_649 = vector.broadcast %parallel_loop3A_648 : f32 to vector<16xf32>
        %parallel_loop3A_650 = arith.mulf %parallel_loop3A_647, %parallel_loop3A_649 : vector<16xf32>
        %parallel_loop3A_651 = arith.index_cast %parallel_loop3A_151 : i32 to index
        %parallel_loop3A_652 = arith.constant 656 : index
        %parallel_loop3A_653 = tpu.vector_load %arg9[%parallel_loop3A_651, %parallel_loop3A_652] {strides = array<i32>} : memref<16x1024xf32, #tpu.memory_space<vmem>>, vector<1x16xf32>,
        %parallel_loop3A_654 = vector.shape_cast %parallel_loop3A_653 : vector<1x16xf32> to vector<16xf32>
        %parallel_loop3A_655 = vector.shape_cast %parallel_loop3A_650 : vector<16xf32> to vector<1x16xf32>
        tpu.vector_store %arg9[%parallel_loop3A_651, %parallel_loop3A_652], %parallel_loop3A_655 {strides = array<i32>} : memref<16x1024xf32, #tpu.memory_space<vmem>>, vector<1x16xf32>,
        %parallel_loop3A_656 = arith.index_cast %parallel_loop3A_151 : i32 to index
        %parallel_loop3A_657 = arith.constant 672 : index
        %parallel_loop3A_658 = tpu.vector_load %arg9[%parallel_loop3A_656, %parallel_loop3A_657] {strides = array<i32>} : memref<16x1024xf32, #tpu.memory_space<vmem>>, vector<1x16xf32>,
        %parallel_loop3A_659 = vector.shape_cast %parallel_loop3A_658 : vector<1x16xf32> to vector<16xf32>
        %parallel_loop3A_660 = arith.constant 3.200000e+01 : f32
        %parallel_loop3A_661 = vector.broadcast %parallel_loop3A_660 : f32 to vector<16xf32>
        %parallel_loop3A_662 = arith.mulf %parallel_loop3A_659, %parallel_loop3A_661 : vector<16xf32>
        %parallel_loop3A_663 = arith.index_cast %parallel_loop3A_151 : i32 to index
        %parallel_loop3A_664 = arith.constant 672 : index
        %parallel_loop3A_665 = tpu.vector_load %arg9[%parallel_loop3A_663, %parallel_loop3A_664] {strides = array<i32>} : memref<16x1024xf32, #tpu.memory_space<vmem>>, vector<1x16xf32>,
        %parallel_loop3A_666 = vector.shape_cast %parallel_loop3A_665 : vector<1x16xf32> to vector<16xf32>
        %parallel_loop3A_667 = vector.shape_cast %parallel_loop3A_662 : vector<16xf32> to vector<1x16xf32>
        tpu.vector_store %arg9[%parallel_loop3A_663, %parallel_loop3A_664], %parallel_loop3A_667 {strides = array<i32>} : memref<16x1024xf32, #tpu.memory_space<vmem>>, vector<1x16xf32>,
        %parallel_loop3A_668 = arith.index_cast %parallel_loop3A_151 : i32 to index
        %parallel_loop3A_669 = arith.constant 688 : index
        %parallel_loop3A_670 = tpu.vector_load %arg9[%parallel_loop3A_668, %parallel_loop3A_669] {strides = array<i32>} : memref<16x1024xf32, #tpu.memory_space<vmem>>, vector<1x16xf32>,
        %parallel_loop3A_671 = vector.shape_cast %parallel_loop3A_670 : vector<1x16xf32> to vector<16xf32>
        %parallel_loop3A_672 = arith.constant 3.200000e+01 : f32
        %parallel_loop3A_673 = vector.broadcast %parallel_loop3A_672 : f32 to vector<16xf32>
        %parallel_loop3A_674 = arith.mulf %parallel_loop3A_671, %parallel_loop3A_673 : vector<16xf32>
        %parallel_loop3A_675 = arith.index_cast %parallel_loop3A_151 : i32 to index
        %parallel_loop3A_676 = arith.constant 688 : index
        %parallel_loop3A_677 = tpu.vector_load %arg9[%parallel_loop3A_675, %parallel_loop3A_676] {strides = array<i32>} : memref<16x1024xf32, #tpu.memory_space<vmem>>, vector<1x16xf32>,
        %parallel_loop3A_678 = vector.shape_cast %parallel_loop3A_677 : vector<1x16xf32> to vector<16xf32>
        %parallel_loop3A_679 = vector.shape_cast %parallel_loop3A_674 : vector<16xf32> to vector<1x16xf32>
        tpu.vector_store %arg9[%parallel_loop3A_675, %parallel_loop3A_676], %parallel_loop3A_679 {strides = array<i32>} : memref<16x1024xf32, #tpu.memory_space<vmem>>, vector<1x16xf32>,
        %parallel_loop3A_680 = arith.index_cast %parallel_loop3A_151 : i32 to index
        %parallel_loop3A_681 = arith.constant 704 : index
        %parallel_loop3A_682 = tpu.vector_load %arg9[%parallel_loop3A_680, %parallel_loop3A_681] {strides = array<i32>} : memref<16x1024xf32, #tpu.memory_space<vmem>>, vector<1x16xf32>,
        %parallel_loop3A_683 = vector.shape_cast %parallel_loop3A_682 : vector<1x16xf32> to vector<16xf32>
        %parallel_loop3A_684 = arith.constant 3.200000e+01 : f32
        %parallel_loop3A_685 = vector.broadcast %parallel_loop3A_684 : f32 to vector<16xf32>
        %parallel_loop3A_686 = arith.mulf %parallel_loop3A_683, %parallel_loop3A_685 : vector<16xf32>
        %parallel_loop3A_687 = arith.index_cast %parallel_loop3A_151 : i32 to index
        %parallel_loop3A_688 = arith.constant 704 : index
        %parallel_loop3A_689 = tpu.vector_load %arg9[%parallel_loop3A_687, %parallel_loop3A_688] {strides = array<i32>} : memref<16x1024xf32, #tpu.memory_space<vmem>>, vector<1x16xf32>,
        %parallel_loop3A_690 = vector.shape_cast %parallel_loop3A_689 : vector<1x16xf32> to vector<16xf32>
        %parallel_loop3A_691 = vector.shape_cast %parallel_loop3A_686 : vector<16xf32> to vector<1x16xf32>
        tpu.vector_store %arg9[%parallel_loop3A_687, %parallel_loop3A_688], %parallel_loop3A_691 {strides = array<i32>} : memref<16x1024xf32, #tpu.memory_space<vmem>>, vector<1x16xf32>,
        %parallel_loop3A_692 = arith.index_cast %parallel_loop3A_151 : i32 to index
        %parallel_loop3A_693 = arith.constant 720 : index
        %parallel_loop3A_694 = tpu.vector_load %arg9[%parallel_loop3A_692, %parallel_loop3A_693] {strides = array<i32>} : memref<16x1024xf32, #tpu.memory_space<vmem>>, vector<1x16xf32>,
        %parallel_loop3A_695 = vector.shape_cast %parallel_loop3A_694 : vector<1x16xf32> to vector<16xf32>
        %parallel_loop3A_696 = arith.constant 3.200000e+01 : f32
        %parallel_loop3A_697 = vector.broadcast %parallel_loop3A_696 : f32 to vector<16xf32>
        %parallel_loop3A_698 = arith.mulf %parallel_loop3A_695, %parallel_loop3A_697 : vector<16xf32>
        %parallel_loop3A_699 = arith.index_cast %parallel_loop3A_151 : i32 to index
        %parallel_loop3A_700 = arith.constant 720 : index
        %parallel_loop3A_701 = tpu.vector_load %arg9[%parallel_loop3A_699, %parallel_loop3A_700] {strides = array<i32>} : memref<16x1024xf32, #tpu.memory_space<vmem>>, vector<1x16xf32>,
        %parallel_loop3A_702 = vector.shape_cast %parallel_loop3A_701 : vector<1x16xf32> to vector<16xf32>
        %parallel_loop3A_703 = vector.shape_cast %parallel_loop3A_698 : vector<16xf32> to vector<1x16xf32>
        tpu.vector_store %arg9[%parallel_loop3A_699, %parallel_loop3A_700], %parallel_loop3A_703 {strides = array<i32>} : memref<16x1024xf32, #tpu.memory_space<vmem>>, vector<1x16xf32>,
        %parallel_loop3A_704 = arith.index_cast %parallel_loop3A_151 : i32 to index
        %parallel_loop3A_705 = arith.constant 736 : index
        %parallel_loop3A_706 = tpu.vector_load %arg9[%parallel_loop3A_704, %parallel_loop3A_705] {strides = array<i32>} : memref<16x1024xf32, #tpu.memory_space<vmem>>, vector<1x16xf32>,
        %parallel_loop3A_707 = vector.shape_cast %parallel_loop3A_706 : vector<1x16xf32> to vector<16xf32>
        %parallel_loop3A_708 = arith.constant 3.200000e+01 : f32
        %parallel_loop3A_709 = vector.broadcast %parallel_loop3A_708 : f32 to vector<16xf32>
        %parallel_loop3A_710 = arith.mulf %parallel_loop3A_707, %parallel_loop3A_709 : vector<16xf32>
        %parallel_loop3A_711 = arith.index_cast %parallel_loop3A_151 : i32 to index
        %parallel_loop3A_712 = arith.constant 736 : index
        %parallel_loop3A_713 = tpu.vector_load %arg9[%parallel_loop3A_711, %parallel_loop3A_712] {strides = array<i32>} : memref<16x1024xf32, #tpu.memory_space<vmem>>, vector<1x16xf32>,
        %parallel_loop3A_714 = vector.shape_cast %parallel_loop3A_713 : vector<1x16xf32> to vector<16xf32>
        %parallel_loop3A_715 = vector.shape_cast %parallel_loop3A_710 : vector<16xf32> to vector<1x16xf32>
        tpu.vector_store %arg9[%parallel_loop3A_711, %parallel_loop3A_712], %parallel_loop3A_715 {strides = array<i32>} : memref<16x1024xf32, #tpu.memory_space<vmem>>, vector<1x16xf32>,
        %parallel_loop3A_716 = arith.index_cast %parallel_loop3A_151 : i32 to index
        %parallel_loop3A_717 = arith.constant 752 : index
        %parallel_loop3A_718 = tpu.vector_load %arg9[%parallel_loop3A_716, %parallel_loop3A_717] {strides = array<i32>} : memref<16x1024xf32, #tpu.memory_space<vmem>>, vector<1x16xf32>,
        %parallel_loop3A_719 = vector.shape_cast %parallel_loop3A_718 : vector<1x16xf32> to vector<16xf32>
        %parallel_loop3A_720 = arith.constant 3.200000e+01 : f32
        %parallel_loop3A_721 = vector.broadcast %parallel_loop3A_720 : f32 to vector<16xf32>
        %parallel_loop3A_722 = arith.mulf %parallel_loop3A_719, %parallel_loop3A_721 : vector<16xf32>
        %parallel_loop3A_723 = arith.index_cast %parallel_loop3A_151 : i32 to index
        %parallel_loop3A_724 = arith.constant 752 : index
        %parallel_loop3A_725 = tpu.vector_load %arg9[%parallel_loop3A_723, %parallel_loop3A_724] {strides = array<i32>} : memref<16x1024xf32, #tpu.memory_space<vmem>>, vector<1x16xf32>,
        %parallel_loop3A_726 = vector.shape_cast %parallel_loop3A_725 : vector<1x16xf32> to vector<16xf32>
        %parallel_loop3A_727 = vector.shape_cast %parallel_loop3A_722 : vector<16xf32> to vector<1x16xf32>
        tpu.vector_store %arg9[%parallel_loop3A_723, %parallel_loop3A_724], %parallel_loop3A_727 {strides = array<i32>} : memref<16x1024xf32, #tpu.memory_space<vmem>>, vector<1x16xf32>,
        %parallel_loop3A_728 = arith.index_cast %parallel_loop3A_151 : i32 to index
        %parallel_loop3A_729 = arith.constant 768 : index
        %parallel_loop3A_730 = tpu.vector_load %arg9[%parallel_loop3A_728, %parallel_loop3A_729] {strides = array<i32>} : memref<16x1024xf32, #tpu.memory_space<vmem>>, vector<1x16xf32>,
        %parallel_loop3A_731 = vector.shape_cast %parallel_loop3A_730 : vector<1x16xf32> to vector<16xf32>
        %parallel_loop3A_732 = arith.constant 3.200000e+01 : f32
        %parallel_loop3A_733 = vector.broadcast %parallel_loop3A_732 : f32 to vector<16xf32>
        %parallel_loop3A_734 = arith.mulf %parallel_loop3A_731, %parallel_loop3A_733 : vector<16xf32>
        %parallel_loop3A_735 = arith.index_cast %parallel_loop3A_151 : i32 to index
        %parallel_loop3A_736 = arith.constant 768 : index
        %parallel_loop3A_737 = tpu.vector_load %arg9[%parallel_loop3A_735, %parallel_loop3A_736] {strides = array<i32>} : memref<16x1024xf32, #tpu.memory_space<vmem>>, vector<1x16xf32>,
        %parallel_loop3A_738 = vector.shape_cast %parallel_loop3A_737 : vector<1x16xf32> to vector<16xf32>
        %parallel_loop3A_739 = vector.shape_cast %parallel_loop3A_734 : vector<16xf32> to vector<1x16xf32>
        tpu.vector_store %arg9[%parallel_loop3A_735, %parallel_loop3A_736], %parallel_loop3A_739 {strides = array<i32>} : memref<16x1024xf32, #tpu.memory_space<vmem>>, vector<1x16xf32>,
        %parallel_loop3A_740 = arith.index_cast %parallel_loop3A_151 : i32 to index
        %parallel_loop3A_741 = arith.constant 784 : index
        %parallel_loop3A_742 = tpu.vector_load %arg9[%parallel_loop3A_740, %parallel_loop3A_741] {strides = array<i32>} : memref<16x1024xf32, #tpu.memory_space<vmem>>, vector<1x16xf32>,
        %parallel_loop3A_743 = vector.shape_cast %parallel_loop3A_742 : vector<1x16xf32> to vector<16xf32>
        %parallel_loop3A_744 = arith.constant 3.200000e+01 : f32
        %parallel_loop3A_745 = vector.broadcast %parallel_loop3A_744 : f32 to vector<16xf32>
        %parallel_loop3A_746 = arith.mulf %parallel_loop3A_743, %parallel_loop3A_745 : vector<16xf32>
        %parallel_loop3A_747 = arith.index_cast %parallel_loop3A_151 : i32 to index
        %parallel_loop3A_748 = arith.constant 784 : index
        %parallel_loop3A_749 = tpu.vector_load %arg9[%parallel_loop3A_747, %parallel_loop3A_748] {strides = array<i32>} : memref<16x1024xf32, #tpu.memory_space<vmem>>, vector<1x16xf32>,
        %parallel_loop3A_750 = vector.shape_cast %parallel_loop3A_749 : vector<1x16xf32> to vector<16xf32>
        %parallel_loop3A_751 = vector.shape_cast %parallel_loop3A_746 : vector<16xf32> to vector<1x16xf32>
        tpu.vector_store %arg9[%parallel_loop3A_747, %parallel_loop3A_748], %parallel_loop3A_751 {strides = array<i32>} : memref<16x1024xf32, #tpu.memory_space<vmem>>, vector<1x16xf32>,
        %parallel_loop3A_752 = arith.index_cast %parallel_loop3A_151 : i32 to index
        %parallel_loop3A_753 = arith.constant 800 : index
        %parallel_loop3A_754 = tpu.vector_load %arg9[%parallel_loop3A_752, %parallel_loop3A_753] {strides = array<i32>} : memref<16x1024xf32, #tpu.memory_space<vmem>>, vector<1x16xf32>,
        %parallel_loop3A_755 = vector.shape_cast %parallel_loop3A_754 : vector<1x16xf32> to vector<16xf32>
        %parallel_loop3A_756 = arith.constant 3.200000e+01 : f32
        %parallel_loop3A_757 = vector.broadcast %parallel_loop3A_756 : f32 to vector<16xf32>
        %parallel_loop3A_758 = arith.mulf %parallel_loop3A_755, %parallel_loop3A_757 : vector<16xf32>
        %parallel_loop3A_759 = arith.index_cast %parallel_loop3A_151 : i32 to index
        %parallel_loop3A_760 = arith.constant 800 : index
        %parallel_loop3A_761 = tpu.vector_load %arg9[%parallel_loop3A_759, %parallel_loop3A_760] {strides = array<i32>} : memref<16x1024xf32, #tpu.memory_space<vmem>>, vector<1x16xf32>,
        %parallel_loop3A_762 = vector.shape_cast %parallel_loop3A_761 : vector<1x16xf32> to vector<16xf32>
        %parallel_loop3A_763 = vector.shape_cast %parallel_loop3A_758 : vector<16xf32> to vector<1x16xf32>
        tpu.vector_store %arg9[%parallel_loop3A_759, %parallel_loop3A_760], %parallel_loop3A_763 {strides = array<i32>} : memref<16x1024xf32, #tpu.memory_space<vmem>>, vector<1x16xf32>,
        %parallel_loop3A_764 = arith.index_cast %parallel_loop3A_151 : i32 to index
        %parallel_loop3A_765 = arith.constant 816 : index
        %parallel_loop3A_766 = tpu.vector_load %arg9[%parallel_loop3A_764, %parallel_loop3A_765] {strides = array<i32>} : memref<16x1024xf32, #tpu.memory_space<vmem>>, vector<1x16xf32>,
        %parallel_loop3A_767 = vector.shape_cast %parallel_loop3A_766 : vector<1x16xf32> to vector<16xf32>
        %parallel_loop3A_768 = arith.constant 3.200000e+01 : f32
        %parallel_loop3A_769 = vector.broadcast %parallel_loop3A_768 : f32 to vector<16xf32>
        %parallel_loop3A_770 = arith.mulf %parallel_loop3A_767, %parallel_loop3A_769 : vector<16xf32>
        %parallel_loop3A_771 = arith.index_cast %parallel_loop3A_151 : i32 to index
        %parallel_loop3A_772 = arith.constant 816 : index
        %parallel_loop3A_773 = tpu.vector_load %arg9[%parallel_loop3A_771, %parallel_loop3A_772] {strides = array<i32>} : memref<16x1024xf32, #tpu.memory_space<vmem>>, vector<1x16xf32>,
        %parallel_loop3A_774 = vector.shape_cast %parallel_loop3A_773 : vector<1x16xf32> to vector<16xf32>
        %parallel_loop3A_775 = vector.shape_cast %parallel_loop3A_770 : vector<16xf32> to vector<1x16xf32>
        tpu.vector_store %arg9[%parallel_loop3A_771, %parallel_loop3A_772], %parallel_loop3A_775 {strides = array<i32>} : memref<16x1024xf32, #tpu.memory_space<vmem>>, vector<1x16xf32>,
        %parallel_loop3A_776 = arith.index_cast %parallel_loop3A_151 : i32 to index
        %parallel_loop3A_777 = arith.constant 832 : index
        %parallel_loop3A_778 = tpu.vector_load %arg9[%parallel_loop3A_776, %parallel_loop3A_777] {strides = array<i32>} : memref<16x1024xf32, #tpu.memory_space<vmem>>, vector<1x16xf32>,
        %parallel_loop3A_779 = vector.shape_cast %parallel_loop3A_778 : vector<1x16xf32> to vector<16xf32>
        %parallel_loop3A_780 = arith.constant 3.200000e+01 : f32
        %parallel_loop3A_781 = vector.broadcast %parallel_loop3A_780 : f32 to vector<16xf32>
        %parallel_loop3A_782 = arith.mulf %parallel_loop3A_779, %parallel_loop3A_781 : vector<16xf32>
        %parallel_loop3A_783 = arith.index_cast %parallel_loop3A_151 : i32 to index
        %parallel_loop3A_784 = arith.constant 832 : index
        %parallel_loop3A_785 = tpu.vector_load %arg9[%parallel_loop3A_783, %parallel_loop3A_784] {strides = array<i32>} : memref<16x1024xf32, #tpu.memory_space<vmem>>, vector<1x16xf32>,
        %parallel_loop3A_786 = vector.shape_cast %parallel_loop3A_785 : vector<1x16xf32> to vector<16xf32>
        %parallel_loop3A_787 = vector.shape_cast %parallel_loop3A_782 : vector<16xf32> to vector<1x16xf32>
        tpu.vector_store %arg9[%parallel_loop3A_783, %parallel_loop3A_784], %parallel_loop3A_787 {strides = array<i32>} : memref<16x1024xf32, #tpu.memory_space<vmem>>, vector<1x16xf32>,
        %parallel_loop3A_788 = arith.index_cast %parallel_loop3A_151 : i32 to index
        %parallel_loop3A_789 = arith.constant 848 : index
        %parallel_loop3A_790 = tpu.vector_load %arg9[%parallel_loop3A_788, %parallel_loop3A_789] {strides = array<i32>} : memref<16x1024xf32, #tpu.memory_space<vmem>>, vector<1x16xf32>,
        %parallel_loop3A_791 = vector.shape_cast %parallel_loop3A_790 : vector<1x16xf32> to vector<16xf32>
        %parallel_loop3A_792 = arith.constant 3.200000e+01 : f32
        %parallel_loop3A_793 = vector.broadcast %parallel_loop3A_792 : f32 to vector<16xf32>
        %parallel_loop3A_794 = arith.mulf %parallel_loop3A_791, %parallel_loop3A_793 : vector<16xf32>
        %parallel_loop3A_795 = arith.index_cast %parallel_loop3A_151 : i32 to index
        %parallel_loop3A_796 = arith.constant 848 : index
        %parallel_loop3A_797 = tpu.vector_load %arg9[%parallel_loop3A_795, %parallel_loop3A_796] {strides = array<i32>} : memref<16x1024xf32, #tpu.memory_space<vmem>>, vector<1x16xf32>,
        %parallel_loop3A_798 = vector.shape_cast %parallel_loop3A_797 : vector<1x16xf32> to vector<16xf32>
        %parallel_loop3A_799 = vector.shape_cast %parallel_loop3A_794 : vector<16xf32> to vector<1x16xf32>
        tpu.vector_store %arg9[%parallel_loop3A_795, %parallel_loop3A_796], %parallel_loop3A_799 {strides = array<i32>} : memref<16x1024xf32, #tpu.memory_space<vmem>>, vector<1x16xf32>,
        %parallel_loop3A_800 = arith.index_cast %parallel_loop3A_151 : i32 to index
        %parallel_loop3A_801 = arith.constant 864 : index
        %parallel_loop3A_802 = tpu.vector_load %arg9[%parallel_loop3A_800, %parallel_loop3A_801] {strides = array<i32>} : memref<16x1024xf32, #tpu.memory_space<vmem>>, vector<1x16xf32>,
        %parallel_loop3A_803 = vector.shape_cast %parallel_loop3A_802 : vector<1x16xf32> to vector<16xf32>
        %parallel_loop3A_804 = arith.constant 3.200000e+01 : f32
        %parallel_loop3A_805 = vector.broadcast %parallel_loop3A_804 : f32 to vector<16xf32>
        %parallel_loop3A_806 = arith.mulf %parallel_loop3A_803, %parallel_loop3A_805 : vector<16xf32>
        %parallel_loop3A_807 = arith.index_cast %parallel_loop3A_151 : i32 to index
        %parallel_loop3A_808 = arith.constant 864 : index
        %parallel_loop3A_809 = tpu.vector_load %arg9[%parallel_loop3A_807, %parallel_loop3A_808] {strides = array<i32>} : memref<16x1024xf32, #tpu.memory_space<vmem>>, vector<1x16xf32>,
        %parallel_loop3A_810 = vector.shape_cast %parallel_loop3A_809 : vector<1x16xf32> to vector<16xf32>
        %parallel_loop3A_811 = vector.shape_cast %parallel_loop3A_806 : vector<16xf32> to vector<1x16xf32>
        tpu.vector_store %arg9[%parallel_loop3A_807, %parallel_loop3A_808], %parallel_loop3A_811 {strides = array<i32>} : memref<16x1024xf32, #tpu.memory_space<vmem>>, vector<1x16xf32>,
        %parallel_loop3A_812 = arith.index_cast %parallel_loop3A_151 : i32 to index
        %parallel_loop3A_813 = arith.constant 880 : index
        %parallel_loop3A_814 = tpu.vector_load %arg9[%parallel_loop3A_812, %parallel_loop3A_813] {strides = array<i32>} : memref<16x1024xf32, #tpu.memory_space<vmem>>, vector<1x16xf32>,
        %parallel_loop3A_815 = vector.shape_cast %parallel_loop3A_814 : vector<1x16xf32> to vector<16xf32>
        %parallel_loop3A_816 = arith.constant 3.200000e+01 : f32
        %parallel_loop3A_817 = vector.broadcast %parallel_loop3A_816 : f32 to vector<16xf32>
        %parallel_loop3A_818 = arith.mulf %parallel_loop3A_815, %parallel_loop3A_817 : vector<16xf32>
        %parallel_loop3A_819 = arith.index_cast %parallel_loop3A_151 : i32 to index
        %parallel_loop3A_820 = arith.constant 880 : index
        %parallel_loop3A_821 = tpu.vector_load %arg9[%parallel_loop3A_819, %parallel_loop3A_820] {strides = array<i32>} : memref<16x1024xf32, #tpu.memory_space<vmem>>, vector<1x16xf32>,
        %parallel_loop3A_822 = vector.shape_cast %parallel_loop3A_821 : vector<1x16xf32> to vector<16xf32>
        %parallel_loop3A_823 = vector.shape_cast %parallel_loop3A_818 : vector<16xf32> to vector<1x16xf32>
        tpu.vector_store %arg9[%parallel_loop3A_819, %parallel_loop3A_820], %parallel_loop3A_823 {strides = array<i32>} : memref<16x1024xf32, #tpu.memory_space<vmem>>, vector<1x16xf32>,
        %parallel_loop3A_824 = arith.index_cast %parallel_loop3A_151 : i32 to index
        %parallel_loop3A_825 = arith.constant 896 : index
        %parallel_loop3A_826 = tpu.vector_load %arg9[%parallel_loop3A_824, %parallel_loop3A_825] {strides = array<i32>} : memref<16x1024xf32, #tpu.memory_space<vmem>>, vector<1x16xf32>,
        %parallel_loop3A_827 = vector.shape_cast %parallel_loop3A_826 : vector<1x16xf32> to vector<16xf32>
        %parallel_loop3A_828 = arith.constant 3.200000e+01 : f32
        %parallel_loop3A_829 = vector.broadcast %parallel_loop3A_828 : f32 to vector<16xf32>
        %parallel_loop3A_830 = arith.mulf %parallel_loop3A_827, %parallel_loop3A_829 : vector<16xf32>
        %parallel_loop3A_831 = arith.index_cast %parallel_loop3A_151 : i32 to index
        %parallel_loop3A_832 = arith.constant 896 : index
        %parallel_loop3A_833 = tpu.vector_load %arg9[%parallel_loop3A_831, %parallel_loop3A_832] {strides = array<i32>} : memref<16x1024xf32, #tpu.memory_space<vmem>>, vector<1x16xf32>,
        %parallel_loop3A_834 = vector.shape_cast %parallel_loop3A_833 : vector<1x16xf32> to vector<16xf32>
        %parallel_loop3A_835 = vector.shape_cast %parallel_loop3A_830 : vector<16xf32> to vector<1x16xf32>
        tpu.vector_store %arg9[%parallel_loop3A_831, %parallel_loop3A_832], %parallel_loop3A_835 {strides = array<i32>} : memref<16x1024xf32, #tpu.memory_space<vmem>>, vector<1x16xf32>,
        %parallel_loop3A_836 = arith.index_cast %parallel_loop3A_151 : i32 to index
        %parallel_loop3A_837 = arith.constant 912 : index
        %parallel_loop3A_838 = tpu.vector_load %arg9[%parallel_loop3A_836, %parallel_loop3A_837] {strides = array<i32>} : memref<16x1024xf32, #tpu.memory_space<vmem>>, vector<1x16xf32>,
        %parallel_loop3A_839 = vector.shape_cast %parallel_loop3A_838 : vector<1x16xf32> to vector<16xf32>
        %parallel_loop3A_840 = arith.constant 3.200000e+01 : f32
        %parallel_loop3A_841 = vector.broadcast %parallel_loop3A_840 : f32 to vector<16xf32>
        %parallel_loop3A_842 = arith.mulf %parallel_loop3A_839, %parallel_loop3A_841 : vector<16xf32>
        %parallel_loop3A_843 = arith.index_cast %parallel_loop3A_151 : i32 to index
        %parallel_loop3A_844 = arith.constant 912 : index
        %parallel_loop3A_845 = tpu.vector_load %arg9[%parallel_loop3A_843, %parallel_loop3A_844] {strides = array<i32>} : memref<16x1024xf32, #tpu.memory_space<vmem>>, vector<1x16xf32>,
        %parallel_loop3A_846 = vector.shape_cast %parallel_loop3A_845 : vector<1x16xf32> to vector<16xf32>
        %parallel_loop3A_847 = vector.shape_cast %parallel_loop3A_842 : vector<16xf32> to vector<1x16xf32>
        tpu.vector_store %arg9[%parallel_loop3A_843, %parallel_loop3A_844], %parallel_loop3A_847 {strides = array<i32>} : memref<16x1024xf32, #tpu.memory_space<vmem>>, vector<1x16xf32>,
        %parallel_loop3A_848 = arith.index_cast %parallel_loop3A_151 : i32 to index
        %parallel_loop3A_849 = arith.constant 928 : index
        %parallel_loop3A_850 = tpu.vector_load %arg9[%parallel_loop3A_848, %parallel_loop3A_849] {strides = array<i32>} : memref<16x1024xf32, #tpu.memory_space<vmem>>, vector<1x16xf32>,
        %parallel_loop3A_851 = vector.shape_cast %parallel_loop3A_850 : vector<1x16xf32> to vector<16xf32>
        %parallel_loop3A_852 = arith.constant 3.200000e+01 : f32
        %parallel_loop3A_853 = vector.broadcast %parallel_loop3A_852 : f32 to vector<16xf32>
        %parallel_loop3A_854 = arith.mulf %parallel_loop3A_851, %parallel_loop3A_853 : vector<16xf32>
        %parallel_loop3A_855 = arith.index_cast %parallel_loop3A_151 : i32 to index
        %parallel_loop3A_856 = arith.constant 928 : index
        %parallel_loop3A_857 = tpu.vector_load %arg9[%parallel_loop3A_855, %parallel_loop3A_856] {strides = array<i32>} : memref<16x1024xf32, #tpu.memory_space<vmem>>, vector<1x16xf32>,
        %parallel_loop3A_858 = vector.shape_cast %parallel_loop3A_857 : vector<1x16xf32> to vector<16xf32>
        %parallel_loop3A_859 = vector.shape_cast %parallel_loop3A_854 : vector<16xf32> to vector<1x16xf32>
        tpu.vector_store %arg9[%parallel_loop3A_855, %parallel_loop3A_856], %parallel_loop3A_859 {strides = array<i32>} : memref<16x1024xf32, #tpu.memory_space<vmem>>, vector<1x16xf32>,
        %parallel_loop3A_860 = arith.index_cast %parallel_loop3A_151 : i32 to index
        %parallel_loop3A_861 = arith.constant 944 : index
        %parallel_loop3A_862 = tpu.vector_load %arg9[%parallel_loop3A_860, %parallel_loop3A_861] {strides = array<i32>} : memref<16x1024xf32, #tpu.memory_space<vmem>>, vector<1x16xf32>,
        %parallel_loop3A_863 = vector.shape_cast %parallel_loop3A_862 : vector<1x16xf32> to vector<16xf32>
        %parallel_loop3A_864 = arith.constant 3.200000e+01 : f32
        %parallel_loop3A_865 = vector.broadcast %parallel_loop3A_864 : f32 to vector<16xf32>
        %parallel_loop3A_866 = arith.mulf %parallel_loop3A_863, %parallel_loop3A_865 : vector<16xf32>
        %parallel_loop3A_867 = arith.index_cast %parallel_loop3A_151 : i32 to index
        %parallel_loop3A_868 = arith.constant 944 : index
        %parallel_loop3A_869 = tpu.vector_load %arg9[%parallel_loop3A_867, %parallel_loop3A_868] {strides = array<i32>} : memref<16x1024xf32, #tpu.memory_space<vmem>>, vector<1x16xf32>,
        %parallel_loop3A_870 = vector.shape_cast %parallel_loop3A_869 : vector<1x16xf32> to vector<16xf32>
        %parallel_loop3A_871 = vector.shape_cast %parallel_loop3A_866 : vector<16xf32> to vector<1x16xf32>
        tpu.vector_store %arg9[%parallel_loop3A_867, %parallel_loop3A_868], %parallel_loop3A_871 {strides = array<i32>} : memref<16x1024xf32, #tpu.memory_space<vmem>>, vector<1x16xf32>,
        %parallel_loop3A_872 = arith.index_cast %parallel_loop3A_151 : i32 to index
        %parallel_loop3A_873 = arith.constant 960 : index
        %parallel_loop3A_874 = tpu.vector_load %arg9[%parallel_loop3A_872, %parallel_loop3A_873] {strides = array<i32>} : memref<16x1024xf32, #tpu.memory_space<vmem>>, vector<1x16xf32>,
        %parallel_loop3A_875 = vector.shape_cast %parallel_loop3A_874 : vector<1x16xf32> to vector<16xf32>
        %parallel_loop3A_876 = arith.constant 3.200000e+01 : f32
        %parallel_loop3A_877 = vector.broadcast %parallel_loop3A_876 : f32 to vector<16xf32>
        %parallel_loop3A_878 = arith.mulf %parallel_loop3A_875, %parallel_loop3A_877 : vector<16xf32>
        %parallel_loop3A_879 = arith.index_cast %parallel_loop3A_151 : i32 to index
        %parallel_loop3A_880 = arith.constant 960 : index
        %parallel_loop3A_881 = tpu.vector_load %arg9[%parallel_loop3A_879, %parallel_loop3A_880] {strides = array<i32>} : memref<16x1024xf32, #tpu.memory_space<vmem>>, vector<1x16xf32>,
        %parallel_loop3A_882 = vector.shape_cast %parallel_loop3A_881 : vector<1x16xf32> to vector<16xf32>
        %parallel_loop3A_883 = vector.shape_cast %parallel_loop3A_878 : vector<16xf32> to vector<1x16xf32>
        tpu.vector_store %arg9[%parallel_loop3A_879, %parallel_loop3A_880], %parallel_loop3A_883 {strides = array<i32>} : memref<16x1024xf32, #tpu.memory_space<vmem>>, vector<1x16xf32>,
        %parallel_loop3A_884 = arith.index_cast %parallel_loop3A_151 : i32 to index
        %parallel_loop3A_885 = arith.constant 976 : index
        %parallel_loop3A_886 = tpu.vector_load %arg9[%parallel_loop3A_884, %parallel_loop3A_885] {strides = array<i32>} : memref<16x1024xf32, #tpu.memory_space<vmem>>, vector<1x16xf32>,
        %parallel_loop3A_887 = vector.shape_cast %parallel_loop3A_886 : vector<1x16xf32> to vector<16xf32>
        %parallel_loop3A_888 = arith.constant 3.200000e+01 : f32
        %parallel_loop3A_889 = vector.broadcast %parallel_loop3A_888 : f32 to vector<16xf32>
        %parallel_loop3A_890 = arith.mulf %parallel_loop3A_887, %parallel_loop3A_889 : vector<16xf32>
        %parallel_loop3A_891 = arith.index_cast %parallel_loop3A_151 : i32 to index
        %parallel_loop3A_892 = arith.constant 976 : index
        %parallel_loop3A_893 = tpu.vector_load %arg9[%parallel_loop3A_891, %parallel_loop3A_892] {strides = array<i32>} : memref<16x1024xf32, #tpu.memory_space<vmem>>, vector<1x16xf32>,
        %parallel_loop3A_894 = vector.shape_cast %parallel_loop3A_893 : vector<1x16xf32> to vector<16xf32>
        %parallel_loop3A_895 = vector.shape_cast %parallel_loop3A_890 : vector<16xf32> to vector<1x16xf32>
        tpu.vector_store %arg9[%parallel_loop3A_891, %parallel_loop3A_892], %parallel_loop3A_895 {strides = array<i32>} : memref<16x1024xf32, #tpu.memory_space<vmem>>, vector<1x16xf32>,
        %parallel_loop3A_896 = arith.index_cast %parallel_loop3A_151 : i32 to index
        %parallel_loop3A_897 = arith.constant 992 : index
        %parallel_loop3A_898 = tpu.vector_load %arg9[%parallel_loop3A_896, %parallel_loop3A_897] {strides = array<i32>} : memref<16x1024xf32, #tpu.memory_space<vmem>>, vector<1x16xf32>,
        %parallel_loop3A_899 = vector.shape_cast %parallel_loop3A_898 : vector<1x16xf32> to vector<16xf32>
        %parallel_loop3A_900 = arith.constant 3.200000e+01 : f32
        %parallel_loop3A_901 = vector.broadcast %parallel_loop3A_900 : f32 to vector<16xf32>
        %parallel_loop3A_902 = arith.mulf %parallel_loop3A_899, %parallel_loop3A_901 : vector<16xf32>
        %parallel_loop3A_903 = arith.index_cast %parallel_loop3A_151 : i32 to index
        %parallel_loop3A_904 = arith.constant 992 : index
        %parallel_loop3A_905 = tpu.vector_load %arg9[%parallel_loop3A_903, %parallel_loop3A_904] {strides = array<i32>} : memref<16x1024xf32, #tpu.memory_space<vmem>>, vector<1x16xf32>,
        %parallel_loop3A_906 = vector.shape_cast %parallel_loop3A_905 : vector<1x16xf32> to vector<16xf32>
        %parallel_loop3A_907 = vector.shape_cast %parallel_loop3A_902 : vector<16xf32> to vector<1x16xf32>
        tpu.vector_store %arg9[%parallel_loop3A_903, %parallel_loop3A_904], %parallel_loop3A_907 {strides = array<i32>} : memref<16x1024xf32, #tpu.memory_space<vmem>>, vector<1x16xf32>,
        %parallel_loop3A_908 = arith.index_cast %parallel_loop3A_151 : i32 to index
        %parallel_loop3A_909 = arith.constant 1008 : index
        %parallel_loop3A_910 = tpu.vector_load %arg9[%parallel_loop3A_908, %parallel_loop3A_909] {strides = array<i32>} : memref<16x1024xf32, #tpu.memory_space<vmem>>, vector<1x16xf32>,
        %parallel_loop3A_911 = vector.shape_cast %parallel_loop3A_910 : vector<1x16xf32> to vector<16xf32>
        %parallel_loop3A_912 = arith.constant 3.200000e+01 : f32
        %parallel_loop3A_913 = vector.broadcast %parallel_loop3A_912 : f32 to vector<16xf32>
        %parallel_loop3A_914 = arith.mulf %parallel_loop3A_911, %parallel_loop3A_913 : vector<16xf32>
        %parallel_loop3A_915 = arith.index_cast %parallel_loop3A_151 : i32 to index
        %parallel_loop3A_916 = arith.constant 1008 : index
        %parallel_loop3A_917 = tpu.vector_load %arg9[%parallel_loop3A_915, %parallel_loop3A_916] {strides = array<i32>} : memref<16x1024xf32, #tpu.memory_space<vmem>>, vector<1x16xf32>,
        %parallel_loop3A_918 = vector.shape_cast %parallel_loop3A_917 : vector<1x16xf32> to vector<16xf32>
        %parallel_loop3A_919 = vector.shape_cast %parallel_loop3A_914 : vector<16xf32> to vector<1x16xf32>
        tpu.vector_store %arg9[%parallel_loop3A_915, %parallel_loop3A_916], %parallel_loop3A_919 {strides = array<i32>} : memref<16x1024xf32, #tpu.memory_space<vmem>>, vector<1x16xf32>,
      } {sc.loop_unroll_factor = 1 : i64, sc.parallel_access}
      %mul3A_143 = arith.constant 16 : i32
      %mul3A_144 = arith.muli %add3A_126, %mul3A_143 : i32
      %multiple_of3A_145 = tpu.assume_multiple %mul3A_144, 16 : i32
      %add3A_146 = arith.addi %multiple_of3A, %multiple_of3A_145 : i32
      %dma_start3A_147 = arith.constant 0 : i32
      %dma_start3A_148 = tpu.memref_slice %arg4[%add3A_146, %dma_start3A_147] : memref<32768x1024xf32, #tpu.memory_space<hbm>> -> memref<16x1024xf32, #tpu.memory_space<hbm>>
      %dma_start3A_149 = arith.constant 0 : i32
      %dma_start3A_150 = tpu.memref_slice %arg4[%add3A_146, %dma_start3A_149] : memref<32768x1024xf32, #tpu.memory_space<hbm>> -> memref<16x1024xf32, #tpu.memory_space<hbm>>
      tpu.enqueue_dma source(%arg9 : memref<16x1024xf32, #tpu.memory_space<vmem>>) target(%dma_start3A_150 : memref<16x1024xf32, #tpu.memory_space<hbm>>) target_semaphore(%arg17 : memref<!tpu.dma_semaphore, #tpu.memory_space<semaphore_mem>>)
    }
    %scan3A_18 = arith.constant 16 : i32
    %dma_wait3A = arith.constant 0 : i32
    %dma_wait3A_19 = arith.constant 0 : i32
    %dma_wait3A_20 = tpu.memref_slice %arg4[%dma_wait3A, %dma_wait3A_19] : memref<32768x1024xf32, #tpu.memory_space<hbm>> -> memref<16x1024xf32, #tpu.memory_space<hbm>>
    %dma_wait3A_21 = arith.constant 0 : i32
    %dma_wait3A_22 = arith.constant 0 : i32
    %dma_wait3A_23 = tpu.memref_slice %arg4[%dma_wait3A_21, %dma_wait3A_22] : memref<32768x1024xf32, #tpu.memory_space<hbm>> -> memref<16x1024xf32, #tpu.memory_space<hbm>>
    tpu.wait_dma2 semaphore(%arg14 : memref<!tpu.dma_semaphore, #tpu.memory_space<semaphore_mem>>) src(%dma_wait3A_23 : memref<16x1024xf32, #tpu.memory_space<hbm>>) dst(%arg6 : memref<16x1024xf32, #tpu.memory_space<vmem>>)
    %dma_wait3A_24 = arith.constant 0 : i32
    %dma_wait3A_25 = arith.constant 0 : i32
    %dma_wait3A_26 = tpu.memref_slice %arg4[%dma_wait3A_24, %dma_wait3A_25] : memref<32768x1024xf32, #tpu.memory_space<hbm>> -> memref<16x1024xf32, #tpu.memory_space<hbm>>
    %dma_wait3A_27 = arith.constant 0 : i32
    %dma_wait3A_28 = arith.constant 0 : i32
    %dma_wait3A_29 = tpu.memref_slice %arg4[%dma_wait3A_27, %dma_wait3A_28] : memref<32768x1024xf32, #tpu.memory_space<hbm>> -> memref<16x1024xf32, #tpu.memory_space<hbm>>
    tpu.wait_dma2 semaphore(%arg15 : memref<!tpu.dma_semaphore, #tpu.memory_space<semaphore_mem>>) src(%dma_wait3A_29 : memref<16x1024xf32, #tpu.memory_space<hbm>>) dst(%arg7 : memref<16x1024xf32, #tpu.memory_space<vmem>>)
    %dma_wait3A_30 = arith.constant 0 : i32
    %dma_wait3A_31 = arith.constant 0 : i32
    %dma_wait3A_32 = tpu.memref_slice %arg4[%dma_wait3A_30, %dma_wait3A_31] : memref<32768x1024xf32, #tpu.memory_space<hbm>> -> memref<16x1024xf32, #tpu.memory_space<hbm>>
    %dma_wait3A_33 = arith.constant 0 : i32
    %dma_wait3A_34 = arith.constant 0 : i32
    %dma_wait3A_35 = tpu.memref_slice %arg4[%dma_wait3A_33, %dma_wait3A_34] : memref<32768x1024xf32, #tpu.memory_space<hbm>> -> memref<16x1024xf32, #tpu.memory_space<hbm>>
    tpu.wait_dma2 semaphore(%arg16 : memref<!tpu.dma_semaphore, #tpu.memory_space<semaphore_mem>>) src(%dma_wait3A_35 : memref<16x1024xf32, #tpu.memory_space<hbm>>) dst(%arg8 : memref<16x1024xf32, #tpu.memory_space<vmem>>)
    %dma_wait3A_36 = arith.constant 0 : i32
    %dma_wait3A_37 = arith.constant 0 : i32
    %dma_wait3A_38 = tpu.memref_slice %arg4[%dma_wait3A_36, %dma_wait3A_37] : memref<32768x1024xf32, #tpu.memory_space<hbm>> -> memref<16x1024xf32, #tpu.memory_space<hbm>>
    %dma_wait3A_39 = arith.constant 0 : i32
    %dma_wait3A_40 = arith.constant 0 : i32
    %dma_wait3A_41 = tpu.memref_slice %arg4[%dma_wait3A_39, %dma_wait3A_40] : memref<32768x1024xf32, #tpu.memory_space<hbm>> -> memref<16x1024xf32, #tpu.memory_space<hbm>>
    tpu.wait_dma2 semaphore(%arg17 : memref<!tpu.dma_semaphore, #tpu.memory_space<semaphore_mem>>) src(%dma_wait3A_41 : memref<16x1024xf32, #tpu.memory_space<hbm>>) dst(%arg9 : memref<16x1024xf32, #tpu.memory_space<vmem>>)
    return
  }
}

</mosaic_0001>

<sc_bundles>
// kernel: kernel.3.cloned.1.call-start
scs
__scs_entry_jumppad:
0x0: {  	(pc) =	sbr.rel $0x88, $3  }
0x1: {  	(tag) =	ssettag $0x0;
	lr =	simm.s32 $0x1  }
0x2: {  	[smem:$0x3F9F] =	sst lr;
	_ =	strace $0xD0000000  }
0x3: {  	_ = 	snop  }
0x4: {  	_ = 	snop  }
0x5: {  	_ = 	snop  }
0x6: {  	_ = 	snop  }
0x7: {  	_ = 	snop  }
__scs_overlays_trampoline_lowered:
0x8: {  	[smem:$0x3FAE] =	sst s0  }
0x9: {  	[smem:$0x3FAF] =	sst s1  }
0xa: {  	[smem:$0x3FB0] =	sst s2  }
0xb: {  	[smem:$0x3FB1] =	sst s3  }
0xc: {  	[smem:$0x3FB2] =	sst s4  }
0xd: {  	[smem:$0x3FB3] =	sst s5  }
0xe: {  	[smem:$0x3FB4] =	sst s6  }
0xf: {  	[smem:$0x3FB5] =	sst s7  }
0x10: {  	[smem:$0x3FB6] =	sst s8  }
0x11: {  	[smem:$0x3FB7] =	sst s9;
	s0 =	simm.s32 @!p0 $0x0  }
0x12: {  	s1 =	sld [smem:$0x3F9D];
	s0 =	simm.s32 @p0 $0x1  }
0x13: {  	[smem:$0x3FB8] =	sst s0;
	s0 =	simm.s32 @!p1 $0x0  }
0x14: {  	s2 =	sld [smem:$0x3F9C];
	s0 =	simm.s32 @p1 $0x1  }
0x15: {  	[smem:$0x3FB9] =	sst s0;
	s0 =	simm.s32 @!p2 $0x0  }
0x16: {  	s3 =	sld [smem:$0x3FDB];
	s0 =	simm.s32 @p2 $0x1  }
0x17: {  	s4 =	simm.s32 $0x1BF5;
	[smem:$0x3FBB] =	sst s0  }
0x18: {  	s0 =	sld [smem:$0x3F9E];
	_ =	swait.ge [sflag:s4], $0x0  }
0x19: {  	s7 =	sld [smem:$0x3F9F]  }
0x1a: {  	s8 =	sadd.s32 $0xFFFFE003, lr  }
0x1b: {  	s9 =	sadd.s32 $0xFFFFFEF7, lr;
	s5 =	simm.s32 $0xFFFFFFFF;
	p2 =	slt.u32 s8, $0xFFFFF086  }
0x1c: {  	p1 =	slt.u32 s9, $0xF7A;
	s5 =	simm.s32 @!p2 $0x0  }
0x1d: {  	s5 =	simm.s32 @p1 $0x1;
	p0 =	seq.s32 s7, s2  }
0x1e: {  	s7 =	smul.u32 @!p0 $0xF7A, s2;
	p2 =	seq.s32 @!p0 s5, $0x0  }
0x1f: {  	s9 =	smul.u32 $0xF7A, s1;
	s8 =	simm.s32 @!p0 $0x1BF5;
	p2 =	por !p2, p0  }
0x20: {  	[sflag:s8] =	ssyncset.s32 @!p0 $0xFFFFF086;
	s6 =	sadd.s32 @!p0 s3, s7;
	s7 =	simm.s32 @!p0 $0x108  }
0x21: {  	s3 =	sadd.s32 s3, s9;
	s6 =	sadd.s32 @!p0 $0x88, s6;
	s7 =	simm.s32 @p2 $0x1082  }
0x22: {  	[simem:s7], [sflag:s8] =	dma.local @!p0 [hbm:s6], $0xF7A  }
0x23: {  	s9 =	sor.u32 $0xD0000000, s2;
	s6 =	simm.s32 $0x108;
	_ =	swait.ge @!p0 [sflag:s8], $0x0  }
0x24: {  	s3 =	sadd.s32 $0x88, s3;
	s6 =	simm.s32 @!p1 $0x1082;
	[sflag:s4] =	ssyncset.s32 $0xFFFFF086  }
0x25: {  	[simem:s6], [sflag:s4] =	dma.local [hbm:s3], $0xF7A  }
0x26: {  	[smem:$0x3F9F] =	sst s1;
	(tag) =	ssettag s2;
	_ =	strace s9  }
0x27: {  	s1 =	sld [smem:$0x3FAF]  }
0x28: {  	s2 =	sld [smem:$0x3FB0]  }
0x29: {  	s4 =	sld [smem:$0x3FB2]  }
0x2a: {  	p0 =	seq.s32 s5, $0x0;
	s5 =	sld [smem:$0x3FB3]  }
0x2b: {  	s6 =	sld [smem:$0x3FB4]  }
0x2c: {  	s7 =	sld [smem:$0x3FB5]  }
0x2d: {  	s3 =	simm.s32 $0x108;
	s8 =	sld [smem:$0x3FB6]  }
0x2e: {  	s3 =	simm.s32 @!p0 $0x1082;
	s9 =	sld [smem:$0x3FB7]  }
0x2f: {  	lr =	sadd.s32 s0, s3;
	s0 =	sld [smem:$0x3FAE]  }
0x30: {  	s3 =	sld [smem:$0x3FB1]  }
0x31: {  	[smem:$0x3FBA] =	sst s10  }
0x32: {  	s10 =	sld [smem:$0x3FB8];
	_ =	sdelay $0x3  }
0x33: {  	p0 =	seq.s32 s10, $0x1;
	s10 =	sld [smem:$0x3FBA];
	_ =	sdelay $0x3  }
0x34: {  	[smem:$0x3FBA] =	sst s10  }
0x35: {  	s10 =	sld [smem:$0x3FB9];
	_ =	sdelay $0x3  }
0x36: {  	p1 =	seq.s32 s10, $0x1;
	s10 =	sld [smem:$0x3FBA];
	_ =	sdelay $0x3  }
0x37: {  	[smem:$0x3FBA] =	sst s10  }
0x38: {  	s10 =	sld [smem:$0x3FBB]  }
0x39: {  	_ = 	snop;
	(pc) =	sbr.ind lr, $3  }
0x3a: {  	_ = 	snop  }
0x3b: {  	_ = 	snop  }
0x3c: {  	p2 =	seq.s32 s10, $0x1;
	s10 =	sld [smem:$0x3FBA]  }
0x3d: {  	_ =	shalt  }
0x3e: {  	_ =	shalt  }
0x3f: {  	_ =	shalt  }
0x40: {  	_ =	shalt  }
0x41: {  	_ =	shalt  }
0x42: {  	_ =	shalt  }
0x43: {  	_ =	shalt  }
0x44: {  	_ =	shalt  }
0x45: {  	_ =	shalt  }
0x46: {  	_ =	shalt  }
0x47: {  	_ =	shalt  }
0x48: {  	_ =	shalt  }
0x49: {  	_ =	shalt  }
0x4a: {  	_ =	shalt  }
0x4b: {  	_ =	shalt  }
0x4c: {  	_ =	shalt  }
0x4d: {  	_ =	shalt  }
0x4e: {  	_ =	shalt  }
0x4f: {  	_ =	shalt  }
0x50: {  	_ =	shalt  }
0x51: {  	_ =	shalt  }
0x52: {  	_ =	shalt  }
0x53: {  	_ =	shalt  }
0x54: {  	_ =	shalt  }
0x55: {  	_ =	shalt  }
0x56: {  	_ =	shalt  }
0x57: {  	_ =	shalt  }
0x58: {  	_ =	shalt  }
0x59: {  	_ =	shalt  }
0x5a: {  	_ =	shalt  }
0x5b: {  	_ =	shalt  }
0x5c: {  	_ =	shalt  }
0x5d: {  	_ =	shalt  }
0x5e: {  	_ =	shalt  }
0x5f: {  	_ =	shalt  }
0x60: {  	_ =	shalt  }
0x61: {  	_ =	shalt  }
0x62: {  	_ =	shalt  }
0x63: {  	_ =	shalt  }
0x64: {  	_ =	shalt  }
0x65: {  	_ =	shalt  }
0x66: {  	_ =	shalt  }
0x67: {  	_ =	shalt  }
0x68: {  	_ =	shalt  }
0x69: {  	_ =	shalt  }
0x6a: {  	_ =	shalt  }
0x6b: {  	_ =	shalt  }
0x6c: {  	_ =	shalt  }
0x6d: {  	_ =	shalt  }
0x6e: {  	_ =	shalt  }
0x6f: {  	_ =	shalt  }
0x70: {  	_ =	shalt  }
0x71: {  	_ =	shalt  }
0x72: {  	_ =	shalt  }
0x73: {  	_ =	shalt  }
0x74: {  	_ =	shalt  }
0x75: {  	_ =	shalt  }
0x76: {  	_ =	shalt  }
0x77: {  	_ =	shalt  }
0x78: {  	_ =	shalt  }
0x79: {  	_ =	shalt  }
0x7a: {  	_ =	shalt  }
0x7b: {  	_ =	shalt  }
0x7c: {  	_ =	shalt  }
0x7d: {  	_ =	shalt  }
0x7e: {  	_ =	shalt  }
0x7f: {  	_ =	shalt  }
0x80: {  	_ =	shalt  }
0x81: {  	_ =	shalt  }
0x82: {  	_ =	shalt  }
0x83: {  	_ =	shalt  }
0x84: {  	_ =	shalt  }
0x85: {  	_ =	shalt  }
0x86: {  	_ =	shalt  }
0x87: {  	_ =	shalt  }
.Lfunc_end0:
.L_simem_size_0:
called_computation_lowered:
.L_overlay_start_0:
0x88: {  	s2 =	sld [smem:$0x3FD9]  }
0x89: {  	s3 =	sld [smem:$0x3FFE];
	_ =	sdelay $0x1  }
0x8a: {  	s1 =	srdreg.scid  }
0x8b: {  	s0 =	sand.u32 $0x1, s1  }
0x8c: {  	s17 =	sshll.u32 s0, $0xA;
	s2 =	sadd.s32 s3, s2  }
0x8d: {  	s2 =	sadd.s32 s2, s17  }
0x8e: {  	[smem:$0x3FC6] =	sst s2  }
0x8f: {  	_ = 	snop  }
0x90: {  	s2 =	sld [smem:$0x3FC8]  }
0x91: {  	s18 =	sld [smem:$0x3FD0];
	(tm) =	ssettm $0x1  }
0x92: {  	s4 =	sld [smem:$0x3FFB];
	_ =	sdelay $0x3  }
0x93: {  	_ =	strace s4  }
0x94: {  	s4 =	sld [smem:$0x3FFC];
	_ =	sdelay $0x3  }
0x95: {  	_ =	strace s4  }
0x96: {  	s4 =	sld [smem:$0x3FFD];
	_ =	sdelay $0x3  }
0x97: {  	_ =	strace s4  }
0x98: {  	_ =	strace $0x8FFFFFFF  }
0x99: {  	s19 =	sld [smem:$0x3FDB];
	_ =	sdelay $0x1  }
0x9a: {  	s5 =	simm.s32 $_scs_section_size  }
0x9b: {  	s6 =	simm.s32 $_size__tile_overlayer_lowered;
	s7 =	simm.s32 $_tile_overlayer_lowered  }
0x9c: {  	s22 =	simm.s32 $0x1BFF;
	s21 =	sshll.u32 s7, $0x1;
	s4 =	sadd.s32 s5, s19  }
0x9d: {  	s8 =	simm.s32 $0x0;
	s20 =	sshll.u32 s6, $0x1;
	s6 =	sadd.s32 s21, s4  }
0x9e: {  	[timem:s8], [sflag:s22] =	dma.local [hbm:s6], s20  }
0x9f: {  	_ =	swait.ge [sflag:s22], s20  }
0xa0: {  	s5 =	ssub.s32 $0x0, s20;
	[sflag:s22] =	ssyncset.done $0x0  }
0xa1: {  	[sflag:s22] =	ssyncadd.s32 s5;
	_ =	sdelay $0x1  }
0xa2: {  	s23 =	simm.s32 $0x1B8B  }
0xa3: {  	_ =	swait.ge [sflag:s23], $0x1  }
0xa4: {  	[sflag:s23] =	ssyncset.done $0x0  }
0xa5: {  	s25 =	simm.s32 $0x1B8E;
	s24 =	sld [smem:$0x3FFE];
	[sflag:s23] =	ssyncadd.s32 $0xFFFFFFFF  }
0xa6: {  	s26 =	simm.s32 $execute0_lowered;
	[smem:$0x3FD2] =	sst s25  }
0xa7: {  	s6 =	sshll.u32 s26, $0x1;
	_ =	strace $0x80000046;
	[dreg:$0x1] =	wrdreg $0xFFFFFFFF  }
0xa8: {  	s28 =	simm.s32 $_size_execute0_lowered;
	s4 =	sadd.s32 s4, s6;
	[dreg:$0x0] =	wrdreg $0x0  }
0xa9: {  	s6 =	sshll.u32 s28, $0x1;
	[dreg:$0x2] =	wrdreg s4  }
0xaa: {  	[dreg:$0x3] =	wrdreg s6  }
0xab: {  	[dreg:$0x4] =	wrdreg $0xC0  }
0xac: {  	_ =	task [dreg:s8], $0x5FFFF  }
0xad: {  	[dreg:$0x1] =	wrdreg $0xFFFFFFFF  }
0xae: {  	[dreg:$0x0] =	wrdreg $0x60  }
0xaf: {  	[dreg:$0x2] =	wrdreg s24  }
0xb0: {  	[dreg:$0x3] =	wrdreg s2  }
0xb1: {  	[dreg:$0x4] =	wrdreg s18  }
0xb2: {  	[dreg:$0x5] =	wrdreg $0x9  }
0xb3: {  	_ =	task.clear_ibuf [dreg:s8], $0x6FFFF;
	_ =	strace $0x90000046  }
0xb4: {  	s29 =	simm.s32 $0x9;
	_ =	strace $0x80000048  }
0xb5: {  	_ =	swait.ge [sflag:s29], $0x1  }
0xb6: {  	[sflag:s29] =	ssyncadd.s32 $0xFFFFFFFF  }
0xb7: {  	_ =	strace $0x90000048  }
0xb8: {  	_ =	sfence  }
0xb9: {  	s30 =	sld [smem:$0x0];
	_ =	sdelay $0x2  }
0xba: {  	s31 =	sshll.u32 s1, $0xD;
	s1 =	sshrl.u32 s1, $0x2  }
0xbb: {  	s3 =	sand.u32 $0x4000, s31;
	s1 =	sadd.s32 s1, s30  }
0xbc: {  	s0 =	sor.u32 s3, s0;
	s1 =	sshll.u32 s1, $0x11  }
0xbd: {  	s0 =	sor.u32 s1, s0  }
0xbe: {  	s0 =	sadd.s32 $0x8F2B, s0  }
0xbf: {  	[sflag:s0] =	ssyncadd.remote.s32 $0x1  }
0xc0: {  	_ =	sfence.sel $0xFFFF  }
0xc1: {  	[dreg:$0x0] =	wrdreg $0xFFFFFFFF;
	(pc) =	sbr.abs _section_cstart, $3  }
0xc2: {  	[dreg:$0x1] =	wrdreg $0xFFFFFFFF  }
0xc3: {  	_ =	task.clear_ibuf [dreg:s8], $0x2FFFF;
	_ =	strace $0x9FFFFFFF  }
0xc4: {  	(tm) =	ssettm $0x7FFFFFFF  }
0xc5: {  	_ =	shalt  }
tec
execute0_lowered:
.L_overlay_start_1:
0x0: {  	(tag) =	ssettag $0x1  }
0x1: {  	s0 =	rddreg [dreg:$0x0]  }
0x2: {  	s1 =	srdreg.scid;
	s2 =	rddreg [dreg:$0x1]  }
0x3: {  	s3 =	stileid.u32;
	s4 =	rddreg [dreg:$0x2]  }
0x4: {  	s12 =	simm.s32 $0x400;
	s20 =	simm.s32 $0x4400;
	s29 =	simm.s32 $0x1  }
0x5: {  	s30 =	simm.s32 $0x8400;
	s17 =	simm.s32 $0x2;
	s18 =	simm.s32 $0xC400  }
0x6: {  	s28 =	simm.s32 $0x3;
	s9 =	simm.s32 $0x0;
	s1 =	sand.u32 $0x1, s1  }
0x7: {  	s5 =	sshll.u32 s3, $0xB;
	s3 =	simm.s32 $0x0;
	s8 =	sadd.s32 $0x300, s2  }
0x8: {  	s6 =	sshll.u32 s1, $0xA;
	[smem:$0x7FF] =	sst s3;
	s1 =	ssub.s32 $0x2, s1  }
0x9: {  	s5 =	sor.u32 s6, s5;
	_ =	strace $0x80000047;
	s25 =	sshrl.u32 s1, $0x1  }
0xa: {  	s6 =	sshrl.u32 s5, $0x3;
	s1 =	ssub.s32 s1, s25;
	s26 =	sshll.u32 s5, $0x7  }
0xb: {  	s5 =	sadd.s32 $0x100, s2;
	s25 =	simm.s32 $0xF400;
	s0 =	sadd.s32 s6, s0  }
0xc: {  	v2 =	vlaneseq.u32;
	s6 =	sadd.s32 $0x200, s2;
	s7 =	sadd.s32 s4, s26;
	s31 =	smax.u32 s1, $0x1  }
0xd: {  	vm0 =	vmmov $0xffff;
	v1 =	vshrl.u32 v2, $0x3;
	s26 =	simm.s32 $0xFC00;
	s0 =	sadd.s32 $0x400, s0;
	[dreg:$0x5] =	wrdreg s31  }
0xe: {  	v0 =	vand.u32 $0x7, v2;
	v2 =	vor.u32 $0x8, v2;
	v1 =	vmul.u32 $0x8, v1;
	s4 =	simm.s32 $0x4;
	s10 =	sadd.s32 $0x800, s7;
	[dreg:$0x4] =	wrdreg s0  }
.LBB2_1:
0xf: {  	[dreg:$0x6] =	wrdreg s9  }
0x10: {  	s0 =	rddreg [dreg:$0x4];
	s24 =	simm.s32 $0x9  }
0x11: {  	[tilespmem:s3], [sflag:$0x9] =	stream.linear.gather [hbm4b:s0+s3], $0x400, $0x38;
	[tilespmem:$0x10400] =	vst v63  }
0x12: {  	_ =	swait.ge [sflag:s24], $0x400  }
0x13: {  	[sflag:s24] =	ssyncset.done $0x0  }
0x14: {  	[sflag:s24] =	ssyncadd.s32 $0xFFFFFC00  }
0x15: {  	v3 =	vld [tilespmem:$0x0];
	_ =	sdelay $0x4  }
0x16: {  	v4 =	vshll.u32 v3, $0x3  }
0x17: {  	v3 =	vand.u32 $0x7, v3;
	v4 =	vand.u32 $0xFFFFFFC0, v4  }
0x18: {  	v3 =	vor.u32 v3, v4  }
0x19: {  	v4 =	vperm.xlane v3, v0;
	_ =	sdelay $0x1  }
0x1a: {  	v4 =	vadd.s32 v1, v4;
	_ =	sdelay $0x4  }
0x1b: {  	[tilespmem:s12], [sflag:$0x1] =	stream.indirect_vreg.gather [hbm4b:s2+s3], $0x80, v4, vm0, $0xb8;
	[tilespmem:$0x10400] =	vst v63  }
0x1c: {  	s31 =	simm.s32 $0xC00;
	v3 =	vperm.xlane v3, v2  }
0x1d: {  	[tilespmem:s31], [sflag:$0x1] =	stream.indirect_vreg.gather [hbm4b:s5+s3], $0x80, v4, vm0, $0xb8;
	[tilespmem:$0x10400] =	vst v63  }
0x1e: {  	s1 =	simm.s32 $0x1400;
	v3 =	vadd.s32 v1, v3  }
0x1f: {  	[tilespmem:s1], [sflag:$0x1] =	stream.indirect_vreg.gather [hbm4b:s6+s3], $0x80, v4, vm0, $0xb8;
	[tilespmem:$0x10400] =	vst v63  }
0x20: {  	s9 =	simm.s32 $0x1C00  }
0x21: {  	[tilespmem:s9], [sflag:$0x1] =	stream.indirect_vreg.gather [hbm4b:s8+s3], $0x80, v4, vm0, $0xb8;
	[tilespmem:$0x10400] =	vst v63  }
0x22: {  	s11 =	simm.s32 $0x2400  }
0x23: {  	[tilespmem:s11], [sflag:$0x1] =	stream.indirect_vreg.gather [hbm4b:s2+s3], $0x80, v3, vm0, $0xb8;
	[tilespmem:$0x10400] =	vst v63  }
0x24: {  	s13 =	simm.s32 $0x2C00  }
0x25: {  	[tilespmem:s13], [sflag:$0x1] =	stream.indirect_vreg.gather [hbm4b:s5+s3], $0x80, v3, vm0, $0xb8;
	[tilespmem:$0x10400] =	vst v63  }
0x26: {  	s14 =	simm.s32 $0x3400  }
0x27: {  	[tilespmem:s14], [sflag:$0x1] =	stream.indirect_vreg.gather [hbm4b:s6+s3], $0x80, v3, vm0, $0xb8;
	[tilespmem:$0x10400] =	vst v63  }
0x28: {  	s15 =	simm.s32 $0x3C00  }
0x29: {  	[tilespmem:s15], [sflag:$0x1] =	stream.indirect_vreg.gather [hbm4b:s8+s3], $0x80, v3, vm0, $0xb8;
	[tilespmem:$0x10400] =	vst v63  }
0x2a: {  	v3 =	vld [tilespmem:$0x10];
	_ =	sdelay $0x4  }
0x2b: {  	v63 =	vshll.u32 v3, $0x3  }
0x2c: {  	v3 =	vand.u32 $0x7, v3;
	v4 =	vand.u32 $0xFFFFFFC0, v63  }
0x2d: {  	v3 =	vor.u32 v3, v4  }
0x2e: {  	v4 =	vperm.xlane v3, v0;
	_ =	sdelay $0x1  }
0x2f: {  	v4 =	vadd.s32 v1, v4;
	_ =	sdelay $0x4  }
0x30: {  	[tilespmem:s20], [sflag:$0x2] =	stream.indirect_vreg.gather [hbm4b:s2+s3], $0x80, v4, vm0, $0xb8;
	[tilespmem:$0x10400] =	vst v63  }
0x31: {  	s16 =	simm.s32 $0x4C00;
	v3 =	vperm.xlane v3, v2  }
0x32: {  	[tilespmem:s16], [sflag:$0x2] =	stream.indirect_vreg.gather [hbm4b:s5+s3], $0x80, v4, vm0, $0xb8;
	[tilespmem:$0x10400] =	vst v63  }
0x33: {  	s19 =	simm.s32 $0x5400;
	v3 =	vadd.s32 v1, v3  }
0x34: {  	[tilespmem:s19], [sflag:$0x2] =	stream.indirect_vreg.gather [hbm4b:s6+s3], $0x80, v4, vm0, $0xb8;
	[tilespmem:$0x10400] =	vst v63  }
0x35: {  	s21 =	simm.s32 $0x5C00  }
0x36: {  	[tilespmem:s21], [sflag:$0x2] =	stream.indirect_vreg.gather [hbm4b:s8+s3], $0x80, v4, vm0, $0xb8;
	[tilespmem:$0x10400] =	vst v63  }
0x37: {  	s22 =	simm.s32 $0x6400  }
0x38: {  	[tilespmem:s22], [sflag:$0x2] =	stream.indirect_vreg.gather [hbm4b:s2+s3], $0x80, v3, vm0, $0xb8;
	[tilespmem:$0x10400] =	vst v63  }
0x39: {  	s23 =	simm.s32 $0x6C00  }
0x3a: {  	[tilespmem:s23], [sflag:$0x2] =	stream.indirect_vreg.gather [hbm4b:s5+s3], $0x80, v3, vm0, $0xb8;
	[tilespmem:$0x10400] =	vst v63  }
0x3b: {  	s24 =	simm.s32 $0x7400  }
0x3c: {  	[tilespmem:s24], [sflag:$0x2] =	stream.indirect_vreg.gather [hbm4b:s6+s3], $0x80, v3, vm0, $0xb8;
	[tilespmem:$0x10400] =	vst v63  }
0x3d: {  	s31 =	simm.s32 $0x7C00;
	s11 =	simm.s32 $0x0  }
0x3e: {  	[tilespmem:s31], [sflag:$0x2] =	stream.indirect_vreg.gather [hbm4b:s8+s3], $0x80, v3, vm0, $0xb8;
	[tilespmem:$0x10400] =	vst v63  }
.LBB2_2:
0x3f: {  	_ =	swait.ge [sflag:s29], $0x4000  }
0x40: {  	p0 =	seq.s32 s11, $0x0;
	[sflag:s29] =	ssyncset.done $0x0  }
0x41: {  	s1 =	sshll.u32 s11, $0x2;
	s0 =	simm.s32 @!p0 $0x7;
	[sflag:s29] =	ssyncadd.s32 $0xFFFFC000  }
0x42: {  	s31 =	sor.u32 $0x2, s1;
	_ =	swait.ge @!p0 [sflag:s0], $0x4000  }
0x43: {  	s9 =	sshll.u32 s31, $0x4;
	[sflag:s0] =	ssyncset.done @!p0 $0x0  }
0x44: {  	s9 =	sand.u32 $0x3FFFFFF0, s9;
	[sflag:s0] =	ssyncadd.s32 @!p0 $0xFFFFC000  }
0x45: {  	v3 =	vld [tilespmem:s9+$0x0];
	_ =	sdelay $0x4  }
0x46: {  	v4 =	vshll.u32 v3, $0x3  }
0x47: {  	v3 =	vand.u32 $0x7, v3;
	v4 =	vand.u32 $0xFFFFFFC0, v4  }
0x48: {  	v3 =	vor.u32 v3, v4  }
0x49: {  	v4 =	vperm.xlane v3, v0;
	_ =	sdelay $0x1  }
0x4a: {  	v4 =	vadd.s32 v1, v4;
	_ =	sdelay $0x3  }
0x4b: {  	s0 =	simm.s32 $0x0  }
0x4c: {  	[tilespmem:s30], [sflag:$0x3] =	stream.indirect_vreg.gather [hbm4b:s2+s0], $0x80, v4, vm0, $0xb8;
	[tilespmem:$0x10400] =	vst v63  }
0x4d: {  	s13 =	simm.s32 $0x8C00;
	v3 =	vperm.xlane v3, v2  }
0x4e: {  	[tilespmem:s13], [sflag:$0x3] =	stream.indirect_vreg.gather [hbm4b:s5+s0], $0x80, v4, vm0, $0xb8;
	[tilespmem:$0x10400] =	vst v63  }
0x4f: {  	s14 =	simm.s32 $0x9400;
	v3 =	vadd.s32 v1, v3  }
0x50: {  	[tilespmem:s14], [sflag:$0x3] =	stream.indirect_vreg.gather [hbm4b:s6+s0], $0x80, v4, vm0, $0xb8;
	[tilespmem:$0x10400] =	vst v63  }
0x51: {  	s15 =	simm.s32 $0x9C00  }
0x52: {  	[tilespmem:s15], [sflag:$0x3] =	stream.indirect_vreg.gather [hbm4b:s8+s0], $0x80, v4, vm0, $0xb8;
	[tilespmem:$0x10400] =	vst v63  }
0x53: {  	s16 =	simm.s32 $0xA400  }
0x54: {  	[tilespmem:s16], [sflag:$0x3] =	stream.indirect_vreg.gather [hbm4b:s2+s0], $0x80, v3, vm0, $0xb8;
	[tilespmem:$0x10400] =	vst v63  }
0x55: {  	s19 =	simm.s32 $0xAC00;
	s23 =	simm.s32 $0x0  }
0x56: {  	[tilespmem:s19], [sflag:$0x3] =	stream.indirect_vreg.gather [hbm4b:s5+s0], $0x80, v3, vm0, $0xb8;
	[tilespmem:$0x10400] =	vst v63  }
0x57: {  	s21 =	simm.s32 $0xB400;
	s9 =	sand.u32 $0x2000, s23;
	s13 =	sand.u32 $0x380, s0  }
0x58: {  	[tilespmem:s21], [sflag:$0x3] =	stream.indirect_vreg.gather [hbm4b:s6+s0], $0x80, v3, vm0, $0xb8;
	[tilespmem:$0x10400] =	vst v63  }
0x59: {  	s22 =	simm.s32 $0xBC00;
	s14 =	sor.u32 s13, s9  }
0x5a: {  	[tilespmem:s22], [sflag:$0x3] =	stream.indirect_vreg.gather [hbm4b:s8+s0], $0x80, v3, vm0, $0xb8;
	[tilespmem:$0x10400] =	vst v63  }
0x5b: {  	v3 =	vld [tilespmem:s14+$0x400]  }
0x5c: {  	v4 =	vld [tilespmem:s14+$0x410]  }
0x5d: {  	v5 =	vld [tilespmem:s14+$0x420]  }
0x5e: {  	v6 =	vld [tilespmem:s14+$0x430]  }
0x5f: {  	v7 =	vld [tilespmem:s14+$0x450]  }
0x60: {  	v8 =	vld [tilespmem:s14+$0x460]  }
0x61: {  	v9 =	vld [tilespmem:s14+$0x470];
	v3 =	vmul.f32 $3.200000000e+01, v3  }
0x62: {  	v10 =	vld [tilespmem:s14+$0x800];
	v4 =	vmul.f32 $3.200000000e+01, v4  }
0x63: {  	s24 =	simm.s32 $0x80;
	s15 =	simm.s32 $0x400;
	v11 =	vld [tilespmem:s14+$0x810];
	[tilespmem:s14+$0x400] =	vst v3;
	v3 =	vmul.f32 $3.200000000e+01, v5  }
0x64: {  	s9 =	sand.u32 $0x380, s24;
	s13 =	sand.u32 $0x2000, s15;
	v12 =	vld [tilespmem:s14+$0x820];
	[tilespmem:s14+$0x410] =	vst v4;
	v4 =	vmul.f32 $3.200000000e+01, v6  }
0x65: {  	s9 =	sor.u32 s9, s13;
	v13 =	vld [tilespmem:s14+$0x830];
	[tilespmem:s14+$0x420] =	vst v3;
	v3 =	vmul.f32 $3.200000000e+01, v7  }
0x66: {  	v59 =	vld [tilespmem:s9+$0x460];
	[tilespmem:s14+$0x430] =	vst v4;
	v4 =	vmul.f32 $3.200000000e+01, v8  }
0x67: {  	v51 =	vld [tilespmem:s14+$0xC50];
	[tilespmem:s14+$0x450] =	vst v3;
	v3 =	vmul.f32 $3.200000000e+01, v9  }
0x68: {  	v5 =	vld [tilespmem:s14+$0x850];
	[tilespmem:s14+$0x460] =	vst v4;
	v4 =	vmul.f32 $3.200000000e+01, v10  }
0x69: {  	v60 =	vld [tilespmem:s9+$0x470];
	[tilespmem:s14+$0x470] =	vst v3;
	v3 =	vmul.f32 $3.200000000e+01, v11  }
0x6a: {  	v6 =	vld [tilespmem:s14+$0x860];
	[tilespmem:s14+$0x800] =	vst v4;
	v4 =	vmul.f32 $3.200000000e+01, v12  }
0x6b: {  	v7 =	vld [tilespmem:s14+$0x870];
	v12 =	vmul.f32 $3.200000000e+01, v59;
	[tilespmem:s14+$0x810] =	vst v3  }
0x6c: {  	v8 =	vld [tilespmem:s14+$0xC00];
	v3 =	vmul.f32 $3.200000000e+01, v13;
	[tilespmem:s14+$0x820] =	vst v4  }
0x6d: {  	v9 =	vld [tilespmem:s14+$0xC10];
	v4 =	vmul.f32 $3.200000000e+01, v5;
	[tilespmem:s9+$0x460] =	vst v12  }
0x6e: {  	v10 =	vld [tilespmem:s14+$0xC20];
	v13 =	vmul.f32 $3.200000000e+01, v60;
	[tilespmem:s14+$0x830] =	vst v3  }
0x6f: {  	v11 =	vld [tilespmem:s14+$0xC30];
	v3 =	vmul.f32 $3.200000000e+01, v6;
	[tilespmem:s14+$0x850] =	vst v4  }
0x70: {  	v52 =	vld [tilespmem:s14+$0xC60];
	v4 =	vmul.f32 $3.200000000e+01, v7;
	[tilespmem:s9+$0x470] =	vst v13  }
0x71: {  	v53 =	vld [tilespmem:s14+$0x1070];
	[tilespmem:s14+$0x860] =	vst v3;
	v3 =	vmul.f32 $3.200000000e+01, v8  }
0x72: {  	v5 =	vld [tilespmem:s14+$0xC70];
	[tilespmem:s14+$0x870] =	vst v4;
	v4 =	vmul.f32 $3.200000000e+01, v9  }
0x73: {  	v6 =	vld [tilespmem:s14+$0x1000];
	[tilespmem:s14+$0xC00] =	vst v3;
	v3 =	vmul.f32 $3.200000000e+01, v10  }
0x74: {  	v7 =	vld [tilespmem:s14+$0x1010];
	[tilespmem:s14+$0xC10] =	vst v4;
	v4 =	vmul.f32 $3.200000000e+01, v11  }
0x75: {  	v8 =	vld [tilespmem:s14+$0x1020];
	[tilespmem:s14+$0xC20] =	vst v3;
	v3 =	vmul.f32 $3.200000000e+01, v51  }
0x76: {  	v9 =	vld [tilespmem:s14+$0x1030];
	[tilespmem:s14+$0xC30] =	vst v4;
	v4 =	vmul.f32 $3.200000000e+01, v52  }
0x77: {  	v10 =	vld [tilespmem:s14+$0x1050];
	[tilespmem:s14+$0xC50] =	vst v3;
	v3 =	vmul.f32 $3.200000000e+01, v5  }
0x78: {  	v11 =	vld [tilespmem:s14+$0x1060];
	[tilespmem:s14+$0xC60] =	vst v4;
	v4 =	vmul.f32 $3.200000000e+01, v6  }
0x79: {  	v54 =	vld [tilespmem:s14+$0x1400];
	[tilespmem:s14+$0xC70] =	vst v3;
	v3 =	vmul.f32 $3.200000000e+01, v7  }
0x7a: {  	v55 =	vld [tilespmem:s14+$0x1810];
	[tilespmem:s14+$0x1000] =	vst v4;
	v4 =	vmul.f32 $3.200000000e+01, v8  }
0x7b: {  	v5 =	vld [tilespmem:s14+$0x1410];
	[tilespmem:s14+$0x1010] =	vst v3;
	v3 =	vmul.f32 $3.200000000e+01, v9  }
0x7c: {  	v6 =	vld [tilespmem:s14+$0x1420];
	[tilespmem:s14+$0x1020] =	vst v4;
	v4 =	vmul.f32 $3.200000000e+01, v10  }
0x7d: {  	v7 =	vld [tilespmem:s14+$0x1430];
	[tilespmem:s14+$0x1030] =	vst v3;
	v3 =	vmul.f32 $3.200000000e+01, v11  }
0x7e: {  	v8 =	vld [tilespmem:s14+$0x1450];
	[tilespmem:s14+$0x1050] =	vst v4;
	v4 =	vmul.f32 $3.200000000e+01, v53  }
0x7f: {  	v9 =	vld [tilespmem:s14+$0x1460];
	[tilespmem:s14+$0x1060] =	vst v3;
	v3 =	vmul.f32 $3.200000000e+01, v54  }
0x80: {  	v10 =	vld [tilespmem:s14+$0x1470];
	[tilespmem:s14+$0x1070] =	vst v4;
	v4 =	vmul.f32 $3.200000000e+01, v5  }
0x81: {  	v11 =	vld [tilespmem:s14+$0x1800];
	[tilespmem:s14+$0x1400] =	vst v3;
	v3 =	vmul.f32 $3.200000000e+01, v6  }
0x82: {  	v56 =	vld [tilespmem:s14+$0x1820];
	[tilespmem:s14+$0x1410] =	vst v4;
	v4 =	vmul.f32 $3.200000000e+01, v7  }
0x83: {  	v57 =	vld [tilespmem:s9+$0x400];
	[tilespmem:s14+$0x1420] =	vst v3;
	v3 =	vmul.f32 $3.200000000e+01, v8  }
0x84: {  	v8 =	vld [tilespmem:s14+$0x1870];
	[tilespmem:s14+$0x1430] =	vst v4;
	v4 =	vmul.f32 $3.200000000e+01, v9  }
0x85: {  	v5 =	vld [tilespmem:s14+$0x1830];
	[tilespmem:s14+$0x1450] =	vst v3;
	v3 =	vmul.f32 $3.200000000e+01, v10  }
0x86: {  	v6 =	vld [tilespmem:s14+$0x1850];
	[tilespmem:s14+$0x1460] =	vst v4;
	v4 =	vmul.f32 $3.200000000e+01, v11  }
0x87: {  	v9 =	vld [tilespmem:s14+$0x1C00];
	[tilespmem:s14+$0x1470] =	vst v3;
	v3 =	vmul.f32 $3.200000000e+01, v55  }
0x88: {  	v10 =	vld [tilespmem:s14+$0x1C10];
	[tilespmem:s14+$0x1800] =	vst v4;
	v4 =	vmul.f32 $3.200000000e+01, v56  }
0x89: {  	v11 =	vld [tilespmem:s14+$0x1C20];
	v8 =	vmul.f32 $3.200000000e+01, v8;
	[tilespmem:s14+$0x1810] =	vst v3  }
0x8a: {  	v7 =	vld [tilespmem:s14+$0x1860];
	v3 =	vmul.f32 $3.200000000e+01, v5;
	[tilespmem:s14+$0x1820] =	vst v4  }
0x8b: {  	v58 =	vld [tilespmem:s9+$0x410];
	v4 =	vmul.f32 $3.200000000e+01, v6;
	[tilespmem:s14+$0x1870] =	vst v8  }
0x8c: {  	v61 =	vld [tilespmem:s14+$0x840];
	v8 =	vmul.f32 $3.200000000e+01, v9;
	[tilespmem:s14+$0x1830] =	vst v3  }
0x8d: {  	v5 =	vld [tilespmem:s9+$0x420];
	v10 =	vmul.f32 $3.200000000e+01, v10;
	[tilespmem:s14+$0x1850] =	vst v4  }
0x8e: {  	v6 =	vld [tilespmem:s9+$0x430];
	v11 =	vmul.f32 $3.200000000e+01, v11;
	[tilespmem:s14+$0x1C00] =	vst v8  }
0x8f: {  	v3 =	vmul.f32 $3.200000000e+01, v7;
	v7 =	vld [tilespmem:s9+$0x450];
	[tilespmem:s14+$0x1C10] =	vst v10  }
0x90: {  	v4 =	vmul.f32 $3.200000000e+01, v57;
	v10 =	vld [tilespmem:s9+$0x820];
	[tilespmem:s14+$0x1C20] =	vst v11  }
0x91: {  	v11 =	vld [tilespmem:s9+$0x830];
	[tilespmem:s14+$0x1860] =	vst v3;
	v3 =	vmul.f32 $3.200000000e+01, v58  }
0x92: {  	[tilespmem:s9+$0x400] =	vst v4;
	v4 =	vld [tilespmem:s14+$0x1C30];
	v5 =	vmul.f32 $3.200000000e+01, v5  }
0x93: {  	v6 =	vmul.f32 $3.200000000e+01, v6;
	[tilespmem:s9+$0x410] =	vst v3;
	v3 =	vld [tilespmem:s14+$0x1C50]  }
0x94: {  	[tilespmem:s9+$0x420] =	vst v5;
	v5 =	vld [tilespmem:s14+$0x1C60];
	v7 =	vmul.f32 $3.200000000e+01, v7  }
0x95: {  	[tilespmem:s9+$0x430] =	vst v6;
	v6 =	vld [tilespmem:s14+$0x1C70];
	v10 =	vmul.f32 $3.200000000e+01, v10  }
0x96: {  	v9 =	vld [tilespmem:s9+$0x800];
	v11 =	vmul.f32 $3.200000000e+01, v11;
	[tilespmem:s9+$0x450] =	vst v7  }
0x97: {  	v8 =	vld [tilespmem:s9+$0x810];
	v4 =	vmul.f32 $3.200000000e+01, v4;
	[tilespmem:s9+$0x820] =	vst v10  }
0x98: {  	v7 =	vld [tilespmem:s14+$0x440];
	[tilespmem:s9+$0x830] =	vst v11;
	v3 =	vmul.f32 $3.200000000e+01, v3  }
0x99: {  	[tilespmem:s14+$0x1C30] =	vst v4;
	v4 =	vld [tilespmem:s9+$0x850];
	v5 =	vmul.f32 $3.200000000e+01, v5  }
0x9a: {  	v62 =	vld [tilespmem:s14+$0xC40];
	v6 =	vmul.f32 $3.200000000e+01, v6;
	[tilespmem:s14+$0x1C50] =	vst v3  }
0x9b: {  	v3 =	vmul.f32 $3.200000000e+01, v9;
	v9 =	vld [tilespmem:s9+$0x860];
	[tilespmem:s14+$0x1C60] =	vst v5  }
0x9c: {  	v10 =	vld [tilespmem:s14+$0x1840];
	v5 =	vmul.f32 $3.200000000e+01, v8;
	[tilespmem:s14+$0x1C70] =	vst v6  }
0x9d: {  	s16 =	sand.u32 $0x7, s0;
	v8 =	vld [tilespmem:s9+$0x870];
	v7 =	vmul.f32 $3.200000000e+01, v7;
	[tilespmem:s9+$0x800] =	vst v3  }
0x9e: {  	s13 =	sshll.u32 s16, $0x7;
	v3 =	vld [tilespmem:s14+$0x1040];
	[tilespmem:s9+$0x810] =	vst v5;
	v4 =	vmul.f32 $3.200000000e+01, v4  }
0x9f: {  	s13 =	sadd.s32 $0x0, s13;
	v12 =	vmul.f32 $3.200000000e+01, v61;
	v5 =	vld [tilespmem:s14+$0x1440];
	[tilespmem:s14+$0x440] =	vst v7  }
0xa0: {  	s15 =	sor.u32 $0x1C00, s13;
	v7 =	vld [tilespmem:s9+$0xC10];
	[tilespmem:s9+$0x850] =	vst v4;
	v4 =	vmul.f32 $3.200000000e+01, v9  }
0xa1: {  	v13 =	vmul.f32 $3.200000000e+01, v62;
	v11 =	vld [tilespmem:s15+$0x400];
	[tilespmem:s14+$0x840] =	vst v12  }
0xa2: {  	v8 =	vmul.f32 $3.200000000e+01, v8;
	[tilespmem:s9+$0x860] =	vst v4;
	v4 =	vld [tilespmem:s14+$0x1C40]  }
0xa3: {  	[tilespmem:s14+$0xC40] =	vst v13;
	v3 =	vmul.f32 $3.200000000e+01, v3  }
0xa4: {  	v5 =	vmul.f32 $3.200000000e+01, v5;
	[tilespmem:s9+$0x870] =	vst v8  }
0xa5: {  	v8 =	vmul.f32 $3.200000000e+01, v10;
	[tilespmem:s14+$0x1040] =	vst v3  }
0xa6: {  	v7 =	vmul.f32 $3.200000000e+01, v7;
	[tilespmem:s14+$0x1440] =	vst v5  }
0xa7: {  	[tilespmem:s14+$0x1840] =	vst v8;
	v4 =	vmul.f32 $3.200000000e+01, v4  }
0xa8: {  	v6 =	vld [tilespmem:s9+$0xC00];
	[tilespmem:s9+$0xC10] =	vst v7;
	v7 =	vmul.f32 $3.200000000e+01, v11  }
0xa9: {  	[tilespmem:s14+$0x1C40] =	vst v4  }
0xaa: {  	s19 =	sor.u32 $0x1C10, s13;
	v3 =	vld [tilespmem:s9+$0xC50];
	[tilespmem:s15+$0x400] =	vst v7  }
0xab: {  	v7 =	vld [tilespmem:s19+$0x400]  }
0xac: {  	v4 =	vld [tilespmem:s9+$0x1000]  }
0xad: {  	v5 =	vmul.f32 $3.200000000e+01, v6;
	v6 =	vld [tilespmem:s9+$0xC60];
	_ =	sdelay $0x1  }
0xae: {  	v3 =	vmul.f32 $3.200000000e+01, v3  }
0xaf: {  	v7 =	vmul.f32 $3.200000000e+01, v7  }
0xb0: {  	[tilespmem:s9+$0xC50] =	vst v3;
	v3 =	vld [tilespmem:s9+$0x1030];
	v4 =	vmul.f32 $3.200000000e+01, v4  }
0xb1: {  	s21 =	sor.u32 $0x1C20, s13;
	v63 =	vld [tilespmem:s9+$0xC20];
	v6 =	vmul.f32 $3.200000000e+01, v6;
	[tilespmem:s19+$0x400] =	vst v7  }
0xb2: {  	[tilespmem:s9+$0x1000] =	vst v4;
	v4 =	vld [tilespmem:s21+$0x400]  }
0xb3: {  	[tilespmem:s9+$0xC60] =	vst v6;
	v6 =	vld [tilespmem:s9+$0x1050];
	_ =	sdelay $0x1  }
0xb4: {  	v3 =	vmul.f32 $3.200000000e+01, v3  }
0xb5: {  	[tilespmem:s9+$0xC00] =	vst v5;
	v5 =	vmul.f32 $3.200000000e+01, v63  }
0xb6: {  	v9 =	vld [tilespmem:s9+$0xC30];
	[tilespmem:s9+$0x1030] =	vst v3;
	v3 =	vmul.f32 $3.200000000e+01, v4  }
0xb7: {  	v8 =	vld [tilespmem:s9+$0xC70];
	[tilespmem:s9+$0xC20] =	vst v5;
	v6 =	vmul.f32 $3.200000000e+01, v6  }
0xb8: {  	s22 =	sor.u32 $0x1C30, s13;
	v5 =	vld [tilespmem:s9+$0x1010];
	[tilespmem:s21+$0x400] =	vst v3  }
0xb9: {  	[tilespmem:s9+$0x1050] =	vst v6;
	v6 =	vld [tilespmem:s22+$0x400];
	_ =	sdelay $0x1  }
0xba: {  	v9 =	vmul.f32 $3.200000000e+01, v9;
	v7 =	vld [tilespmem:s9+$0x1070]  }
0xbb: {  	v8 =	vmul.f32 $3.200000000e+01, v8  }
0xbc: {  	[tilespmem:s9+$0xC30] =	vst v9;
	v5 =	vmul.f32 $3.200000000e+01, v5  }
0xbd: {  	v9 =	vld [tilespmem:s9+$0x1020];
	[tilespmem:s9+$0xC70] =	vst v8;
	v6 =	vmul.f32 $3.200000000e+01, v6  }
0xbe: {  	v8 =	vld [tilespmem:s9+$0x1060];
	[tilespmem:s9+$0x1010] =	vst v5  }
0xbf: {  	s23 =	sor.u32 $0x1C40, s13;
	v5 =	vld [tilespmem:s9+$0x1400];
	v7 =	vmul.f32 $3.200000000e+01, v7;
	[tilespmem:s22+$0x400] =	vst v6  }
0xc0: {  	v6 =	vld [tilespmem:s23+$0x400]  }
0xc1: {  	[tilespmem:s9+$0x1070] =	vst v7;
	v7 =	vld [tilespmem:s9+$0x1460]  }
0xc2: {  	v9 =	vmul.f32 $3.200000000e+01, v9;
	v3 =	vld [tilespmem:s9+$0x1430]  }
0xc3: {  	v8 =	vmul.f32 $3.200000000e+01, v8;
	v4 =	vld [tilespmem:s9+$0x1420]  }
0xc4: {  	[tilespmem:s9+$0x1020] =	vst v9;
	v9 =	vld [tilespmem:s9+$0x1410];
	v5 =	vmul.f32 $3.200000000e+01, v5  }
0xc5: {  	[tilespmem:s9+$0x1060] =	vst v8;
	v8 =	vld [tilespmem:s9+$0x1450];
	v6 =	vmul.f32 $3.200000000e+01, v6  }
0xc6: {  	[tilespmem:s9+$0x1400] =	vst v5;
	v5 =	vld [tilespmem:s9+$0x1800];
	v7 =	vmul.f32 $3.200000000e+01, v7  }
0xc7: {  	s24 =	sor.u32 $0x1C50, s13;
	v10 =	vld [tilespmem:s9+$0x1470];
	v3 =	vmul.f32 $3.200000000e+01, v3;
	[tilespmem:s23+$0x400] =	vst v6  }
0xc8: {  	v4 =	vmul.f32 $3.200000000e+01, v4;
	[tilespmem:s9+$0x1460] =	vst v7;
	v7 =	vld [tilespmem:s24+$0x400]  }
0xc9: {  	v9 =	vmul.f32 $3.200000000e+01, v9;
	[tilespmem:s9+$0x1430] =	vst v3;
	v3 =	vld [tilespmem:s9+$0x1820]  }
0xca: {  	v8 =	vmul.f32 $3.200000000e+01, v8;
	[tilespmem:s9+$0x1420] =	vst v4;
	v4 =	vld [tilespmem:s9+$0x1810]  }
0xcb: {  	[tilespmem:s9+$0x1410] =	vst v9;
	v5 =	vmul.f32 $3.200000000e+01, v5  }
0xcc: {  	v9 =	vmul.f32 $3.200000000e+01, v10;
	[tilespmem:s9+$0x1450] =	vst v8;
	v8 =	vld [tilespmem:s9+$0x1830]  }
0xcd: {  	[tilespmem:s9+$0x1800] =	vst v5;
	v6 =	vld [tilespmem:s9+$0x1850];
	v5 =	vmul.f32 $3.200000000e+01, v7  }
0xce: {  	[tilespmem:s9+$0x1470] =	vst v9;
	v9 =	vld [tilespmem:s9+$0x1860];
	v3 =	vmul.f32 $3.200000000e+01, v3  }
0xcf: {  	s19 =	sor.u32 $0x1C60, s13;
	v10 =	vld [tilespmem:s9+$0x1870];
	v4 =	vmul.f32 $3.200000000e+01, v4;
	[tilespmem:s24+$0x400] =	vst v5  }
0xd0: {  	[tilespmem:s9+$0x1820] =	vst v3;
	v3 =	vld [tilespmem:s19+$0x400]  }
0xd1: {  	[tilespmem:s9+$0x1810] =	vst v4;
	v4 =	vld [tilespmem:s9+$0x1C00];
	v7 =	vmul.f32 $3.200000000e+01, v8  }
0xd2: {  	v8 =	vld [tilespmem:s9+$0x1C10];
	v5 =	vmul.f32 $3.200000000e+01, v6  }
0xd3: {  	[tilespmem:s9+$0x1830] =	vst v7;
	v7 =	vld [tilespmem:s9+$0x1C20];
	v6 =	vmul.f32 $3.200000000e+01, v9  }
0xd4: {  	v9 =	vmul.f32 $3.200000000e+01, v10;
	[tilespmem:s9+$0x1850] =	vst v5;
	v5 =	vld [tilespmem:s9+$0x1C30]  }
0xd5: {  	s16 =	simm.s32 $0x100;
	s14 =	simm.s32 $0x0;
	s15 =	simm.s32 $0xFFFFC400;
	[tilespmem:s9+$0x1860] =	vst v6;
	v6 =	vld [tilespmem:s9+$0x1C50];
	v3 =	vmul.f32 $3.200000000e+01, v3  }
.LBB2_3:
0xd6: {  	p1 =	sne.s32 s16, $0x780;
	[tilespmem:s9+$0x1870] =	vst v9;
	v4 =	vmul.f32 $3.200000000e+01, v4;
	v9 =	vld [tilespmem:s9+$0x1C60]  }
0xd7: {  	v8 =	vmul.f32 $3.200000000e+01, v8;
	v10 =	vld [tilespmem:s9+$0x1C70];
	[tilespmem:s19+$0x400] =	vst v3;
	s19 =	sor.u32 $0x1C70, s13  }
0xd8: {  	[tilespmem:s9+$0x1C00] =	vst v4;
	v3 =	vmul.f32 $3.200000000e+01, v7;
	v4 =	vld [tilespmem:s19+$0x400]  }
0xd9: {  	v7 =	vld [tilespmem:s9+$0x440];
	[tilespmem:s9+$0x1C10] =	vst v8;
	v5 =	vmul.f32 $3.200000000e+01, v5  }
0xda: {  	v8 =	vld [tilespmem:s9+$0x840];
	[tilespmem:s9+$0x1C20] =	vst v3;
	v3 =	vmul.f32 $3.200000000e+01, v6  }
0xdb: {  	s0 =	sadd.s32 $0x1, s0;
	v6 =	vld [tilespmem:s9+$0xC40];
	[tilespmem:s9+$0x1C30] =	vst v5;
	v5 =	vmul.f32 $3.200000000e+01, v9  }
0xdc: {  	s13 =	sand.u32 $0x7, s0;
	v9 =	vld [tilespmem:s9+$0x1040];
	[tilespmem:s9+$0x1C50] =	vst v3;
	v3 =	vmul.f32 $3.200000000e+01, v10  }
0xdd: {  	s15 =	sadd.s32 $0x400, s15;
	s14 =	sadd.s32 $0x400, s14;
	s13 =	sshll.u32 s13, $0x7;
	v10 =	vld [tilespmem:s9+$0x1440];
	[tilespmem:s9+$0x1C60] =	vst v5;
	v4 =	vmul.f32 $3.200000000e+01, v4  }
0xde: {  	s21 =	sadd.s32 $0x4000, s15;
	s13 =	sadd.s32 s13, s14;
	v5 =	vmul.f32 $3.200000000e+01, v7;
	v7 =	vld [tilespmem:s9+$0x1840];
	[tilespmem:s9+$0x1C70] =	vst v3  }
0xdf: {  	s22 =	sand.u32 $0x380, s16;
	s21 =	sand.u32 $0x2000, s21;
	s23 =	sor.u32 $0x1C00, s13;
	v3 =	vmul.f32 $3.200000000e+01, v8;
	v8 =	vld [tilespmem:s9+$0x1C40];
	[tilespmem:s19+$0x400] =	vst v4  }
0xe0: {  	s19 =	sor.u32 s22, s21;
	[tilespmem:s9+$0x440] =	vst v5;
	v4 =	vmul.f32 $3.200000000e+01, v6;
	v5 =	vld [tilespmem:s23+$0x400]  }
0xe1: {  	v6 =	vld [tilespmem:s19+$0x400];
	[tilespmem:s9+$0x840] =	vst v3;
	v3 =	vmul.f32 $3.200000000e+01, v9  }
0xe2: {  	v9 =	vld [tilespmem:s19+$0x410];
	[tilespmem:s9+$0xC40] =	vst v4;
	v4 =	vmul.f32 $3.200000000e+01, v10  }
0xe3: {  	v10 =	vld [tilespmem:s19+$0x420];
	[tilespmem:s9+$0x1040] =	vst v3;
	v3 =	vmul.f32 $3.200000000e+01, v7  }
0xe4: {  	v7 =	vld [tilespmem:s19+$0x430];
	[tilespmem:s9+$0x1440] =	vst v4;
	v4 =	vmul.f32 $3.200000000e+01, v8  }
0xe5: {  	v8 =	vld [tilespmem:s19+$0x450];
	[tilespmem:s9+$0x1840] =	vst v3;
	v3 =	vmul.f32 $3.200000000e+01, v5  }
0xe6: {  	v5 =	vmul.f32 $3.200000000e+01, v6;
	v6 =	vld [tilespmem:s19+$0x460];
	[tilespmem:s9+$0x1C40] =	vst v4;
	s9 =	smov.u32 s19  }
0xe7: {  	s19 =	sor.u32 $0x1C10, s13;
	v4 =	vmul.f32 $3.200000000e+01, v9;
	v9 =	vld [tilespmem:s9+$0x470];
	[tilespmem:s23+$0x400] =	vst v3  }
0xe8: {  	[tilespmem:s9+$0x400] =	vst v5;
	v3 =	vmul.f32 $3.200000000e+01, v10;
	v5 =	vld [tilespmem:s19+$0x400]  }
0xe9: {  	[tilespmem:s9+$0x410] =	vst v4;
	v4 =	vmul.f32 $3.200000000e+01, v7;
	v7 =	vld [tilespmem:s9+$0x800]  }
0xea: {  	[tilespmem:s9+$0x420] =	vst v3;
	v3 =	vmul.f32 $3.200000000e+01, v8;
	v8 =	vld [tilespmem:s9+$0x810]  }
0xeb: {  	[tilespmem:s9+$0x430] =	vst v4;
	v4 =	vmul.f32 $3.200000000e+01, v6;
	v6 =	vld [tilespmem:s9+$0x820]  }
0xec: {  	[tilespmem:s9+$0x450] =	vst v3;
	v3 =	vmul.f32 $3.200000000e+01, v9;
	v9 =	vld [tilespmem:s9+$0x830]  }
0xed: {  	[tilespmem:s9+$0x460] =	vst v4;
	v4 =	vld [tilespmem:s9+$0x850];
	v5 =	vmul.f32 $3.200000000e+01, v5  }
0xee: {  	[tilespmem:s9+$0x470] =	vst v3;
	v3 =	vmul.f32 $3.200000000e+01, v7;
	v7 =	vld [tilespmem:s9+$0x860]  }
0xef: {  	v8 =	vmul.f32 $3.200000000e+01, v8;
	v10 =	vld [tilespmem:s9+$0x870];
	[tilespmem:s19+$0x400] =	vst v5;
	s19 =	sor.u32 $0x1C20, s13  }
0xf0: {  	[tilespmem:s9+$0x800] =	vst v3;
	v3 =	vmul.f32 $3.200000000e+01, v6;
	v5 =	vld [tilespmem:s19+$0x400]  }
0xf1: {  	[tilespmem:s9+$0x810] =	vst v8;
	v6 =	vmul.f32 $3.200000000e+01, v9;
	v8 =	vld [tilespmem:s9+$0xC00]  }
0xf2: {  	[tilespmem:s9+$0x820] =	vst v3;
	v3 =	vmul.f32 $3.200000000e+01, v4;
	v4 =	vld [tilespmem:s9+$0xC10]  }
0xf3: {  	[tilespmem:s9+$0x830] =	vst v6;
	v6 =	vmul.f32 $3.200000000e+01, v7;
	v7 =	vld [tilespmem:s9+$0xC20]  }
0xf4: {  	[tilespmem:s9+$0x850] =	vst v3;
	v3 =	vmul.f32 $3.200000000e+01, v10;
	v9 =	vld [tilespmem:s9+$0xC30]  }
0xf5: {  	[tilespmem:s9+$0x860] =	vst v6;
	v6 =	vld [tilespmem:s9+$0xC50];
	v5 =	vmul.f32 $3.200000000e+01, v5  }
0xf6: {  	[tilespmem:s9+$0x870] =	vst v3;
	v3 =	vmul.f32 $3.200000000e+01, v8;
	v8 =	vld [tilespmem:s9+$0xC60]  }
0xf7: {  	v4 =	vmul.f32 $3.200000000e+01, v4;
	v10 =	vld [tilespmem:s9+$0xC70];
	[tilespmem:s19+$0x400] =	vst v5;
	s19 =	sor.u32 $0x1C30, s13  }
0xf8: {  	[tilespmem:s9+$0xC00] =	vst v3;
	v3 =	vmul.f32 $3.200000000e+01, v7;
	v5 =	vld [tilespmem:s19+$0x400]  }
0xf9: {  	[tilespmem:s9+$0xC10] =	vst v4;
	v4 =	vmul.f32 $3.200000000e+01, v9;
	v7 =	vld [tilespmem:s9+$0x1000]  }
0xfa: {  	[tilespmem:s9+$0xC20] =	vst v3;
	v3 =	vmul.f32 $3.200000000e+01, v6;
	v6 =	vld [tilespmem:s9+$0x1010]  }
0xfb: {  	[tilespmem:s9+$0xC30] =	vst v4;
	v4 =	vmul.f32 $3.200000000e+01, v8;
	v8 =	vld [tilespmem:s9+$0x1020]  }
0xfc: {  	[tilespmem:s9+$0xC50] =	vst v3;
	v3 =	vmul.f32 $3.200000000e+01, v10;
	v9 =	vld [tilespmem:s9+$0x1030]  }
0xfd: {  	[tilespmem:s9+$0xC60] =	vst v4;
	v4 =	vld [tilespmem:s9+$0x1050];
	v5 =	vmul.f32 $3.200000000e+01, v5  }
0xfe: {  	[tilespmem:s9+$0xC70] =	vst v3;
	v3 =	vmul.f32 $3.200000000e+01, v7;
	v7 =	vld [tilespmem:s9+$0x1060]  }
0xff: {  	v6 =	vmul.f32 $3.200000000e+01, v6;
	v10 =	vld [tilespmem:s9+$0x1070];
	[tilespmem:s19+$0x400] =	vst v5;
	s19 =	sor.u32 $0x1C40, s13  }
0x100: {  	[tilespmem:s9+$0x1000] =	vst v3;
	v3 =	vmul.f32 $3.200000000e+01, v8;
	v5 =	vld [tilespmem:s19+$0x400]  }
0x101: {  	[tilespmem:s9+$0x1010] =	vst v6;
	v6 =	vmul.f32 $3.200000000e+01, v9;
	v8 =	vld [tilespmem:s9+$0x1400]  }
0x102: {  	[tilespmem:s9+$0x1020] =	vst v3;
	v3 =	vmul.f32 $3.200000000e+01, v4;
	v4 =	vld [tilespmem:s9+$0x1410]  }
0x103: {  	[tilespmem:s9+$0x1030] =	vst v6;
	v6 =	vmul.f32 $3.200000000e+01, v7;
	v7 =	vld [tilespmem:s9+$0x1420]  }
0x104: {  	[tilespmem:s9+$0x1050] =	vst v3;
	v3 =	vmul.f32 $3.200000000e+01, v10;
	v9 =	vld [tilespmem:s9+$0x1430]  }
0x105: {  	[tilespmem:s9+$0x1060] =	vst v6;
	v6 =	vld [tilespmem:s9+$0x1450];
	v5 =	vmul.f32 $3.200000000e+01, v5  }
0x106: {  	[tilespmem:s9+$0x1070] =	vst v3;
	v3 =	vmul.f32 $3.200000000e+01, v8;
	v8 =	vld [tilespmem:s9+$0x1460]  }
0x107: {  	v4 =	vmul.f32 $3.200000000e+01, v4;
	v10 =	vld [tilespmem:s9+$0x1470];
	[tilespmem:s19+$0x400] =	vst v5;
	s19 =	sor.u32 $0x1C50, s13  }
0x108: {  	[tilespmem:s9+$0x1400] =	vst v3;
	v3 =	vmul.f32 $3.200000000e+01, v7;
	v5 =	vld [tilespmem:s19+$0x400]  }
0x109: {  	[tilespmem:s9+$0x1410] =	vst v4;
	v4 =	vmul.f32 $3.200000000e+01, v9;
	v7 =	vld [tilespmem:s9+$0x1800]  }
0x10a: {  	[tilespmem:s9+$0x1420] =	vst v3;
	v3 =	vmul.f32 $3.200000000e+01, v6;
	v6 =	vld [tilespmem:s9+$0x1810]  }
0x10b: {  	[tilespmem:s9+$0x1430] =	vst v4;
	v4 =	vmul.f32 $3.200000000e+01, v8;
	v8 =	vld [tilespmem:s9+$0x1820]  }
0x10c: {  	[tilespmem:s9+$0x1450] =	vst v3;
	v3 =	vmul.f32 $3.200000000e+01, v10;
	v9 =	vld [tilespmem:s9+$0x1830]  }
0x10d: {  	[tilespmem:s9+$0x1460] =	vst v4;
	v10 =	vld [tilespmem:s9+$0x1850];
	v4 =	vmul.f32 $3.200000000e+01, v5  }
0x10e: {  	[tilespmem:s9+$0x1470] =	vst v3;
	v3 =	vmul.f32 $3.200000000e+01, v7;
	v5 =	vld [tilespmem:s9+$0x1860]  }
0x10f: {  	v6 =	vmul.f32 $3.200000000e+01, v6;
	v11 =	vld [tilespmem:s9+$0x1870];
	[tilespmem:s19+$0x400] =	vst v4;
	s19 =	sor.u32 $0x1C60, s13  }
0x110: {  	[tilespmem:s9+$0x1800] =	vst v3;
	v3 =	vmul.f32 $3.200000000e+01, v8;
	v12 =	vld [tilespmem:s19+$0x400]  }
.Ltmp0:
0x111: {  	[tilespmem:s9+$0x1810] =	vst v6;
	v6 =	vmul.f32 $3.200000000e+01, v9;
	v4 =	vld [tilespmem:s9+$0x1C00];
	(pc) =	sbr.rel @p1 .LBB2_3-.Ltmp0, $4  }
0x112: {  	[tilespmem:s9+$0x1820] =	vst v3;
	v3 =	vmul.f32 $3.200000000e+01, v10;
	v8 =	vld [tilespmem:s9+$0x1C10]  }
0x113: {  	[tilespmem:s9+$0x1830] =	vst v6;
	v6 =	vmul.f32 $3.200000000e+01, v5;
	v7 =	vld [tilespmem:s9+$0x1C20]  }
0x114: {  	[tilespmem:s9+$0x1850] =	vst v3;
	v9 =	vmul.f32 $3.200000000e+01, v11;
	v5 =	vld [tilespmem:s9+$0x1C30]  }
0x115: {  	s16 =	sadd.s32 $0x80, s16;
	[tilespmem:s9+$0x1860] =	vst v6;
	v6 =	vld [tilespmem:s9+$0x1C50];
	v3 =	vmul.f32 $3.200000000e+01, v12  }
0x116: {  	[tilespmem:s9+$0x1870] =	vst v9;
	v4 =	vmul.f32 $3.200000000e+01, v4;
	v9 =	vld [tilespmem:s9+$0x1C60]  }
0x117: {  	v10 =	vld [tilespmem:s9+$0x1C70];
	v8 =	vmul.f32 $3.200000000e+01, v8  }
0x118: {  	[tilespmem:s9+$0x1C00] =	vst v4;
	v4 =	vld [tilespmem:s9+$0x440];
	v7 =	vmul.f32 $3.200000000e+01, v7  }
0x119: {  	[tilespmem:s9+$0x1C10] =	vst v8;
	v5 =	vmul.f32 $3.200000000e+01, v5  }
0x11a: {  	v8 =	vld [tilespmem:s9+$0x840];
	[tilespmem:s9+$0x1C20] =	vst v7;
	v6 =	vmul.f32 $3.200000000e+01, v6  }
0x11b: {  	s0 =	sadd.s32 $0x1, s0;
	v7 =	vld [tilespmem:s9+$0xC40];
	[tilespmem:s9+$0x1C30] =	vst v5;
	v9 =	vmul.f32 $3.200000000e+01, v9  }
0x11c: {  	s0 =	sand.u32 $0x7, s0;
	v5 =	vld [tilespmem:s9+$0x1040];
	v10 =	vmul.f32 $3.200000000e+01, v10;
	[tilespmem:s9+$0x1C50] =	vst v6  }
0x11d: {  	s14 =	sadd.s32 $0x400, s14;
	s0 =	sshll.u32 s0, $0x7;
	v6 =	vld [tilespmem:s9+$0x1440];
	[tilespmem:s9+$0x1C60] =	vst v9;
	v4 =	vmul.f32 $3.200000000e+01, v4  }
0x11e: {  	s0 =	sadd.s32 s0, s14;
	v9 =	vld [tilespmem:s9+$0x1840];
	[tilespmem:s9+$0x1C70] =	vst v10  }
0x11f: {  	s14 =	sor.u32 $0x1C00, s0;
	v10 =	vld [tilespmem:s9+$0x1C40];
	v8 =	vmul.f32 $3.200000000e+01, v8;
	[tilespmem:s9+$0x440] =	vst v4  }
0x120: {  	v4 =	vmul.f32 $3.200000000e+01, v7;
	v7 =	vld [tilespmem:s14+$0x400]  }
0x121: {  	[tilespmem:s9+$0x840] =	vst v8;
	v5 =	vmul.f32 $3.200000000e+01, v5  }
0x122: {  	[tilespmem:s9+$0xC40] =	vst v4;
	v4 =	vmul.f32 $3.200000000e+01, v6  }
0x123: {  	[tilespmem:s9+$0x1040] =	vst v5;
	v5 =	vmul.f32 $3.200000000e+01, v9  }
0x124: {  	[tilespmem:s9+$0x1440] =	vst v4;
	v4 =	vmul.f32 $3.200000000e+01, v10  }
0x125: {  	[tilespmem:s9+$0x1840] =	vst v5;
	v5 =	vmul.f32 $3.200000000e+01, v7  }
0x126: {  	[tilespmem:s9+$0x1C40] =	vst v4  }
0x127: {  	s23 =	sor.u32 $0x1C10, s0;
	[tilespmem:s14+$0x400] =	vst v5  }
0x128: {  	v4 =	vld [tilespmem:s23+$0x400];
	_ =	sdelay $0x4  }
0x129: {  	v4 =	vmul.f32 $3.200000000e+01, v4;
	_ =	sdelay $0x1  }
0x12a: {  	s24 =	sor.u32 $0x1C20, s0;
	[tilespmem:s23+$0x400] =	vst v4  }
0x12b: {  	v4 =	vld [tilespmem:s24+$0x400];
	_ =	sdelay $0x4  }
0x12c: {  	v4 =	vmul.f32 $3.200000000e+01, v4;
	_ =	sdelay $0x1  }
0x12d: {  	s14 =	sor.u32 $0x1C30, s0;
	[tilespmem:s24+$0x400] =	vst v4  }
0x12e: {  	v4 =	vld [tilespmem:s14+$0x400];
	_ =	sdelay $0x4  }
0x12f: {  	v4 =	vmul.f32 $3.200000000e+01, v4;
	_ =	sdelay $0x1  }
0x130: {  	s15 =	sor.u32 $0x1C40, s0;
	[tilespmem:s14+$0x400] =	vst v4  }
0x131: {  	v4 =	vld [tilespmem:s15+$0x400];
	_ =	sdelay $0x4  }
0x132: {  	v4 =	vmul.f32 $3.200000000e+01, v4;
	_ =	sdelay $0x1  }
0x133: {  	s16 =	sor.u32 $0x1C50, s0;
	[tilespmem:s15+$0x400] =	vst v4  }
0x134: {  	v4 =	vld [tilespmem:s16+$0x400];
	_ =	sdelay $0x4  }
0x135: {  	v4 =	vmul.f32 $3.200000000e+01, v4;
	_ =	sdelay $0x1  }
0x136: {  	s21 =	sor.u32 $0x1C60, s0;
	[tilespmem:s16+$0x400] =	vst v4  }
0x137: {  	v4 =	vld [tilespmem:s21+$0x400];
	_ =	sdelay $0x4  }
0x138: {  	v4 =	vmul.f32 $3.200000000e+01, v4  }
0x139: {  	s13 =	sor.u32 $0x1C70, s13;
	[tilespmem:s19+$0x400] =	vst v3  }
0x13a: {  	v3 =	vld [tilespmem:s13+$0x400];
	s22 =	sor.u32 $0x1C70, s0;
	[tilespmem:s21+$0x400] =	vst v4  }
0x13b: {  	v4 =	vld [tilespmem:s22+$0x400];
	_ =	sdelay $0x3  }
0x13c: {  	v3 =	vmul.f32 $3.200000000e+01, v3  }
0x13d: {  	v4 =	vmul.f32 $3.200000000e+01, v4  }
0x13e: {  	[tilespmem:s13+$0x400] =	vst v3;
	s0 =	sshll.u32 s11, $0xD  }
0x13f: {  	s23 =	sadd.s32 s0, s7;
	[tilespmem:s22+$0x400] =	vst v4  }
0x140: {  	[hbm4b:s23+s3] =	stream.linear.scatter [tilespmem:s12], [sflag:$0x5], $0x4000, $0x38;
	[tilespmem:$0x10400] =	vst v63  }
0x141: {  	_ =	swait.ge [sflag:s17], $0x4000  }
0x142: {  	[sflag:s17] =	ssyncset.done $0x0  }
0x143: {  	s13 =	simm.s32 @!p0 $0x8;
	[sflag:s17] =	ssyncadd.s32 $0xFFFFC000  }
0x144: {  	s9 =	sor.u32 $0x3, s1;
	_ =	swait.ge @!p0 [sflag:s13], $0x4000  }
0x145: {  	s1 =	sshll.u32 s9, $0x4;
	[sflag:s13] =	ssyncset.done @!p0 $0x0  }
0x146: {  	s1 =	sand.u32 $0x3FFFFFF0, s1;
	[sflag:s13] =	ssyncadd.s32 @!p0 $0xFFFFC000  }
0x147: {  	v3 =	vld [tilespmem:s1+$0x0];
	_ =	sdelay $0x4  }
0x148: {  	v4 =	vshll.u32 v3, $0x3  }
0x149: {  	v3 =	vand.u32 $0x7, v3;
	v4 =	vand.u32 $0xFFFFFFC0, v4  }
0x14a: {  	v3 =	vor.u32 v3, v4  }
0x14b: {  	v4 =	vperm.xlane v3, v0;
	_ =	sdelay $0x1  }
0x14c: {  	v4 =	vadd.s32 v1, v4;
	_ =	sdelay $0x3  }
0x14d: {  	s1 =	simm.s32 $0x0  }
0x14e: {  	[tilespmem:s18], [sflag:$0x4] =	stream.indirect_vreg.gather [hbm4b:s2+s1], $0x80, v4, vm0, $0xb8;
	[tilespmem:$0x10400] =	vst v63  }
0x14f: {  	s24 =	simm.s32 $0xCC00;
	v3 =	vperm.xlane v3, v2  }
0x150: {  	[tilespmem:s24], [sflag:$0x4] =	stream.indirect_vreg.gather [hbm4b:s5+s1], $0x80, v4, vm0, $0xb8;
	[tilespmem:$0x10400] =	vst v63  }
0x151: {  	s14 =	simm.s32 $0xD400;
	v3 =	vadd.s32 v1, v3  }
0x152: {  	[tilespmem:s14], [sflag:$0x4] =	stream.indirect_vreg.gather [hbm4b:s6+s1], $0x80, v4, vm0, $0xb8;
	[tilespmem:$0x10400] =	vst v63  }
0x153: {  	s15 =	simm.s32 $0xDC00  }
0x154: {  	[tilespmem:s15], [sflag:$0x4] =	stream.indirect_vreg.gather [hbm4b:s8+s1], $0x80, v4, vm0, $0xb8;
	[tilespmem:$0x10400] =	vst v63  }
0x155: {  	s16 =	simm.s32 $0xE400  }
0x156: {  	[tilespmem:s16], [sflag:$0x4] =	stream.indirect_vreg.gather [hbm4b:s2+s1], $0x80, v3, vm0, $0xb8;
	[tilespmem:$0x10400] =	vst v63  }
0x157: {  	s19 =	simm.s32 $0xEC00;
	s21 =	simm.s32 $0x0  }
0x158: {  	[tilespmem:s19], [sflag:$0x4] =	stream.indirect_vreg.gather [hbm4b:s5+s1], $0x80, v3, vm0, $0xb8;
	[tilespmem:$0x10400] =	vst v63  }
0x159: {  	s13 =	sand.u32 $0x2000, s21;
	s22 =	sand.u32 $0x380, s1  }
0x15a: {  	[tilespmem:s25], [sflag:$0x4] =	stream.indirect_vreg.gather [hbm4b:s6+s1], $0x80, v3, vm0, $0xb8;
	[tilespmem:$0x10400] =	vst v63  }
0x15b: {  	s15 =	sor.u32 s22, s13  }
0x15c: {  	[tilespmem:s26], [sflag:$0x4] =	stream.indirect_vreg.gather [hbm4b:s8+s1], $0x80, v3, vm0, $0xb8;
	[tilespmem:$0x10400] =	vst v63  }
0x15d: {  	v3 =	vld [tilespmem:s15+$0x4400]  }
0x15e: {  	v4 =	vld [tilespmem:s15+$0x4410]  }
0x15f: {  	v5 =	vld [tilespmem:s15+$0x4420]  }
0x160: {  	v6 =	vld [tilespmem:s15+$0x4430]  }
0x161: {  	v7 =	vld [tilespmem:s15+$0x4450]  }
0x162: {  	v8 =	vld [tilespmem:s15+$0x4460]  }
0x163: {  	v9 =	vld [tilespmem:s15+$0x4470];
	v3 =	vmul.f32 $3.200000000e+01, v3  }
0x164: {  	v10 =	vld [tilespmem:s15+$0x4800];
	v4 =	vmul.f32 $3.200000000e+01, v4  }
0x165: {  	s23 =	simm.s32 $0x80;
	s24 =	simm.s32 $0x400;
	v11 =	vld [tilespmem:s15+$0x4810];
	[tilespmem:s15+$0x4400] =	vst v3;
	v3 =	vmul.f32 $3.200000000e+01, v5  }
0x166: {  	s14 =	sand.u32 $0x2000, s24;
	s13 =	sand.u32 $0x380, s23;
	v12 =	vld [tilespmem:s15+$0x4820];
	[tilespmem:s15+$0x4410] =	vst v4;
	v4 =	vmul.f32 $3.200000000e+01, v6  }
0x167: {  	s13 =	sor.u32 s13, s14;
	v13 =	vld [tilespmem:s15+$0x4830];
	[tilespmem:s15+$0x4420] =	vst v3;
	v3 =	vmul.f32 $3.200000000e+01, v7  }
0x168: {  	v59 =	vld [tilespmem:s13+$0x4460];
	[tilespmem:s15+$0x4430] =	vst v4;
	v4 =	vmul.f32 $3.200000000e+01, v8  }
0x169: {  	v51 =	vld [tilespmem:s15+$0x4C50];
	[tilespmem:s15+$0x4450] =	vst v3;
	v3 =	vmul.f32 $3.200000000e+01, v9  }
0x16a: {  	v5 =	vld [tilespmem:s15+$0x4850];
	[tilespmem:s15+$0x4460] =	vst v4;
	v4 =	vmul.f32 $3.200000000e+01, v10  }
0x16b: {  	v60 =	vld [tilespmem:s13+$0x4470];
	[tilespmem:s15+$0x4470] =	vst v3;
	v3 =	vmul.f32 $3.200000000e+01, v11  }
0x16c: {  	v6 =	vld [tilespmem:s15+$0x4860];
	[tilespmem:s15+$0x4800] =	vst v4;
	v4 =	vmul.f32 $3.200000000e+01, v12  }
0x16d: {  	v7 =	vld [tilespmem:s15+$0x4870];
	v12 =	vmul.f32 $3.200000000e+01, v59;
	[tilespmem:s15+$0x4810] =	vst v3  }
0x16e: {  	v8 =	vld [tilespmem:s15+$0x4C00];
	v3 =	vmul.f32 $3.200000000e+01, v13;
	[tilespmem:s15+$0x4820] =	vst v4  }
0x16f: {  	v9 =	vld [tilespmem:s15+$0x4C10];
	v4 =	vmul.f32 $3.200000000e+01, v5;
	[tilespmem:s13+$0x4460] =	vst v12  }
0x170: {  	v10 =	vld [tilespmem:s15+$0x4C20];
	v13 =	vmul.f32 $3.200000000e+01, v60;
	[tilespmem:s15+$0x4830] =	vst v3  }
0x171: {  	v11 =	vld [tilespmem:s15+$0x4C30];
	v3 =	vmul.f32 $3.200000000e+01, v6;
	[tilespmem:s15+$0x4850] =	vst v4  }
0x172: {  	v52 =	vld [tilespmem:s15+$0x4C60];
	v4 =	vmul.f32 $3.200000000e+01, v7;
	[tilespmem:s13+$0x4470] =	vst v13  }
0x173: {  	v53 =	vld [tilespmem:s15+$0x5070];
	[tilespmem:s15+$0x4860] =	vst v3;
	v3 =	vmul.f32 $3.200000000e+01, v8  }
0x174: {  	v5 =	vld [tilespmem:s15+$0x4C70];
	[tilespmem:s15+$0x4870] =	vst v4;
	v4 =	vmul.f32 $3.200000000e+01, v9  }
0x175: {  	v6 =	vld [tilespmem:s15+$0x5000];
	[tilespmem:s15+$0x4C00] =	vst v3;
	v3 =	vmul.f32 $3.200000000e+01, v10  }
0x176: {  	v7 =	vld [tilespmem:s15+$0x5010];
	[tilespmem:s15+$0x4C10] =	vst v4;
	v4 =	vmul.f32 $3.200000000e+01, v11  }
0x177: {  	v8 =	vld [tilespmem:s15+$0x5020];
	[tilespmem:s15+$0x4C20] =	vst v3;
	v3 =	vmul.f32 $3.200000000e+01, v51  }
0x178: {  	v9 =	vld [tilespmem:s15+$0x5030];
	[tilespmem:s15+$0x4C30] =	vst v4;
	v4 =	vmul.f32 $3.200000000e+01, v52  }
0x179: {  	v10 =	vld [tilespmem:s15+$0x5050];
	[tilespmem:s15+$0x4C50] =	vst v3;
	v3 =	vmul.f32 $3.200000000e+01, v5  }
0x17a: {  	v11 =	vld [tilespmem:s15+$0x5060];
	[tilespmem:s15+$0x4C60] =	vst v4;
	v4 =	vmul.f32 $3.200000000e+01, v6  }
0x17b: {  	v54 =	vld [tilespmem:s15+$0x5400];
	[tilespmem:s15+$0x4C70] =	vst v3;
	v3 =	vmul.f32 $3.200000000e+01, v7  }
0x17c: {  	v55 =	vld [tilespmem:s15+$0x5810];
	[tilespmem:s15+$0x5000] =	vst v4;
	v4 =	vmul.f32 $3.200000000e+01, v8  }
0x17d: {  	v5 =	vld [tilespmem:s15+$0x5410];
	[tilespmem:s15+$0x5010] =	vst v3;
	v3 =	vmul.f32 $3.200000000e+01, v9  }
0x17e: {  	v6 =	vld [tilespmem:s15+$0x5420];
	[tilespmem:s15+$0x5020] =	vst v4;
	v4 =	vmul.f32 $3.200000000e+01, v10  }
0x17f: {  	v7 =	vld [tilespmem:s15+$0x5430];
	[tilespmem:s15+$0x5030] =	vst v3;
	v3 =	vmul.f32 $3.200000000e+01, v11  }
0x180: {  	v8 =	vld [tilespmem:s15+$0x5450];
	[tilespmem:s15+$0x5050] =	vst v4;
	v4 =	vmul.f32 $3.200000000e+01, v53  }
0x181: {  	v9 =	vld [tilespmem:s15+$0x5460];
	[tilespmem:s15+$0x5060] =	vst v3;
	v3 =	vmul.f32 $3.200000000e+01, v54  }
0x182: {  	v10 =	vld [tilespmem:s15+$0x5470];
	[tilespmem:s15+$0x5070] =	vst v4;
	v4 =	vmul.f32 $3.200000000e+01, v5  }
0x183: {  	v11 =	vld [tilespmem:s15+$0x5800];
	[tilespmem:s15+$0x5400] =	vst v3;
	v3 =	vmul.f32 $3.200000000e+01, v6  }
0x184: {  	v56 =	vld [tilespmem:s15+$0x5820];
	[tilespmem:s15+$0x5410] =	vst v4;
	v4 =	vmul.f32 $3.200000000e+01, v7  }
0x185: {  	v57 =	vld [tilespmem:s13+$0x4400];
	[tilespmem:s15+$0x5420] =	vst v3;
	v3 =	vmul.f32 $3.200000000e+01, v8  }
0x186: {  	v8 =	vld [tilespmem:s15+$0x5870];
	[tilespmem:s15+$0x5430] =	vst v4;
	v4 =	vmul.f32 $3.200000000e+01, v9  }
0x187: {  	v5 =	vld [tilespmem:s15+$0x5830];
	[tilespmem:s15+$0x5450] =	vst v3;
	v3 =	vmul.f32 $3.200000000e+01, v10  }
0x188: {  	v6 =	vld [tilespmem:s15+$0x5850];
	[tilespmem:s15+$0x5460] =	vst v4;
	v4 =	vmul.f32 $3.200000000e+01, v11  }
0x189: {  	v9 =	vld [tilespmem:s15+$0x5C00];
	[tilespmem:s15+$0x5470] =	vst v3;
	v3 =	vmul.f32 $3.200000000e+01, v55  }
0x18a: {  	v10 =	vld [tilespmem:s15+$0x5C10];
	[tilespmem:s15+$0x5800] =	vst v4;
	v4 =	vmul.f32 $3.200000000e+01, v56  }
0x18b: {  	v11 =	vld [tilespmem:s15+$0x5C20];
	v8 =	vmul.f32 $3.200000000e+01, v8;
	[tilespmem:s15+$0x5810] =	vst v3  }
0x18c: {  	v7 =	vld [tilespmem:s15+$0x5860];
	v3 =	vmul.f32 $3.200000000e+01, v5;
	[tilespmem:s15+$0x5820] =	vst v4  }
0x18d: {  	v58 =	vld [tilespmem:s13+$0x4410];
	v4 =	vmul.f32 $3.200000000e+01, v6;
	[tilespmem:s15+$0x5870] =	vst v8  }
0x18e: {  	v61 =	vld [tilespmem:s15+$0x4840];
	v8 =	vmul.f32 $3.200000000e+01, v9;
	[tilespmem:s15+$0x5830] =	vst v3  }
0x18f: {  	v5 =	vld [tilespmem:s13+$0x4420];
	v10 =	vmul.f32 $3.200000000e+01, v10;
	[tilespmem:s15+$0x5850] =	vst v4  }
0x190: {  	v6 =	vld [tilespmem:s13+$0x4430];
	v11 =	vmul.f32 $3.200000000e+01, v11;
	[tilespmem:s15+$0x5C00] =	vst v8  }
0x191: {  	v3 =	vmul.f32 $3.200000000e+01, v7;
	v7 =	vld [tilespmem:s13+$0x4450];
	[tilespmem:s15+$0x5C10] =	vst v10  }
0x192: {  	v4 =	vmul.f32 $3.200000000e+01, v57;
	v10 =	vld [tilespmem:s13+$0x4820];
	[tilespmem:s15+$0x5C20] =	vst v11  }
0x193: {  	v11 =	vld [tilespmem:s13+$0x4830];
	[tilespmem:s15+$0x5860] =	vst v3;
	v3 =	vmul.f32 $3.200000000e+01, v58  }
0x194: {  	[tilespmem:s13+$0x4400] =	vst v4;
	v4 =	vld [tilespmem:s15+$0x5C30];
	v5 =	vmul.f32 $3.200000000e+01, v5  }
0x195: {  	v6 =	vmul.f32 $3.200000000e+01, v6;
	[tilespmem:s13+$0x4410] =	vst v3;
	v3 =	vld [tilespmem:s15+$0x5C50]  }
0x196: {  	[tilespmem:s13+$0x4420] =	vst v5;
	v5 =	vld [tilespmem:s15+$0x5C60];
	v7 =	vmul.f32 $3.200000000e+01, v7  }
0x197: {  	[tilespmem:s13+$0x4430] =	vst v6;
	v6 =	vld [tilespmem:s15+$0x5C70];
	v10 =	vmul.f32 $3.200000000e+01, v10  }
0x198: {  	v9 =	vld [tilespmem:s13+$0x4800];
	v11 =	vmul.f32 $3.200000000e+01, v11;
	[tilespmem:s13+$0x4450] =	vst v7  }
0x199: {  	v8 =	vld [tilespmem:s13+$0x4810];
	v4 =	vmul.f32 $3.200000000e+01, v4;
	[tilespmem:s13+$0x4820] =	vst v10  }
0x19a: {  	v7 =	vld [tilespmem:s15+$0x4440];
	[tilespmem:s13+$0x4830] =	vst v11;
	v3 =	vmul.f32 $3.200000000e+01, v3  }
0x19b: {  	[tilespmem:s15+$0x5C30] =	vst v4;
	v4 =	vld [tilespmem:s13+$0x4850];
	v5 =	vmul.f32 $3.200000000e+01, v5  }
0x19c: {  	v62 =	vld [tilespmem:s15+$0x4C40];
	v6 =	vmul.f32 $3.200000000e+01, v6;
	[tilespmem:s15+$0x5C50] =	vst v3  }
0x19d: {  	v3 =	vmul.f32 $3.200000000e+01, v9;
	v9 =	vld [tilespmem:s13+$0x4860];
	[tilespmem:s15+$0x5C60] =	vst v5  }
0x19e: {  	v10 =	vld [tilespmem:s15+$0x5840];
	v5 =	vmul.f32 $3.200000000e+01, v8;
	[tilespmem:s15+$0x5C70] =	vst v6  }
0x19f: {  	s16 =	sand.u32 $0x7, s1;
	v8 =	vld [tilespmem:s13+$0x4870];
	v7 =	vmul.f32 $3.200000000e+01, v7;
	[tilespmem:s13+$0x4800] =	vst v3  }
0x1a0: {  	s14 =	sshll.u32 s16, $0x7;
	v3 =	vld [tilespmem:s15+$0x5040];
	[tilespmem:s13+$0x4810] =	vst v5;
	v4 =	vmul.f32 $3.200000000e+01, v4  }
0x1a1: {  	s14 =	sadd.s32 $0x0, s14;
	v12 =	vmul.f32 $3.200000000e+01, v61;
	v5 =	vld [tilespmem:s15+$0x5440];
	[tilespmem:s15+$0x4440] =	vst v7  }
0x1a2: {  	s16 =	sor.u32 $0x1C00, s14;
	v7 =	vld [tilespmem:s13+$0x4C10];
	[tilespmem:s13+$0x4850] =	vst v4;
	v4 =	vmul.f32 $3.200000000e+01, v9  }
0x1a3: {  	v13 =	vmul.f32 $3.200000000e+01, v62;
	v11 =	vld [tilespmem:s16+$0x4400];
	[tilespmem:s15+$0x4840] =	vst v12  }
0x1a4: {  	v8 =	vmul.f32 $3.200000000e+01, v8;
	[tilespmem:s13+$0x4860] =	vst v4;
	v4 =	vld [tilespmem:s15+$0x5C40]  }
0x1a5: {  	[tilespmem:s15+$0x4C40] =	vst v13;
	v3 =	vmul.f32 $3.200000000e+01, v3  }
0x1a6: {  	v5 =	vmul.f32 $3.200000000e+01, v5;
	[tilespmem:s13+$0x4870] =	vst v8  }
0x1a7: {  	v8 =	vmul.f32 $3.200000000e+01, v10;
	[tilespmem:s15+$0x5040] =	vst v3  }
0x1a8: {  	v7 =	vmul.f32 $3.200000000e+01, v7;
	[tilespmem:s15+$0x5440] =	vst v5  }
0x1a9: {  	[tilespmem:s15+$0x5840] =	vst v8;
	v4 =	vmul.f32 $3.200000000e+01, v4  }
0x1aa: {  	v6 =	vld [tilespmem:s13+$0x4C00];
	[tilespmem:s13+$0x4C10] =	vst v7;
	v7 =	vmul.f32 $3.200000000e+01, v11  }
0x1ab: {  	[tilespmem:s15+$0x5C40] =	vst v4  }
0x1ac: {  	s19 =	sor.u32 $0x1C10, s14;
	v3 =	vld [tilespmem:s13+$0x4C50];
	[tilespmem:s16+$0x4400] =	vst v7  }
0x1ad: {  	v7 =	vld [tilespmem:s19+$0x4400]  }
0x1ae: {  	v4 =	vld [tilespmem:s13+$0x5000]  }
0x1af: {  	v5 =	vmul.f32 $3.200000000e+01, v6;
	v6 =	vld [tilespmem:s13+$0x4C60];
	_ =	sdelay $0x1  }
0x1b0: {  	v3 =	vmul.f32 $3.200000000e+01, v3  }
0x1b1: {  	v7 =	vmul.f32 $3.200000000e+01, v7  }
0x1b2: {  	[tilespmem:s13+$0x4C50] =	vst v3;
	v3 =	vld [tilespmem:s13+$0x5030];
	v4 =	vmul.f32 $3.200000000e+01, v4  }
0x1b3: {  	s21 =	sor.u32 $0x1C20, s14;
	v63 =	vld [tilespmem:s13+$0x4C20];
	v6 =	vmul.f32 $3.200000000e+01, v6;
	[tilespmem:s19+$0x4400] =	vst v7  }
0x1b4: {  	[tilespmem:s13+$0x5000] =	vst v4;
	v4 =	vld [tilespmem:s21+$0x4400]  }
0x1b5: {  	[tilespmem:s13+$0x4C60] =	vst v6;
	v6 =	vld [tilespmem:s13+$0x5050];
	_ =	sdelay $0x1  }
0x1b6: {  	v3 =	vmul.f32 $3.200000000e+01, v3  }
0x1b7: {  	[tilespmem:s13+$0x4C00] =	vst v5;
	v5 =	vmul.f32 $3.200000000e+01, v63  }
0x1b8: {  	v9 =	vld [tilespmem:s13+$0x4C30];
	[tilespmem:s13+$0x5030] =	vst v3;
	v3 =	vmul.f32 $3.200000000e+01, v4  }
0x1b9: {  	v8 =	vld [tilespmem:s13+$0x4C70];
	[tilespmem:s13+$0x4C20] =	vst v5;
	v6 =	vmul.f32 $3.200000000e+01, v6  }
0x1ba: {  	s22 =	sor.u32 $0x1C30, s14;
	v5 =	vld [tilespmem:s13+$0x5010];
	[tilespmem:s21+$0x4400] =	vst v3  }
0x1bb: {  	[tilespmem:s13+$0x5050] =	vst v6;
	v6 =	vld [tilespmem:s22+$0x4400];
	_ =	sdelay $0x1  }
0x1bc: {  	v9 =	vmul.f32 $3.200000000e+01, v9;
	v7 =	vld [tilespmem:s13+$0x5070]  }
0x1bd: {  	v8 =	vmul.f32 $3.200000000e+01, v8  }
0x1be: {  	[tilespmem:s13+$0x4C30] =	vst v9;
	v5 =	vmul.f32 $3.200000000e+01, v5  }
0x1bf: {  	v9 =	vld [tilespmem:s13+$0x5020];
	[tilespmem:s13+$0x4C70] =	vst v8;
	v6 =	vmul.f32 $3.200000000e+01, v6  }
0x1c0: {  	v8 =	vld [tilespmem:s13+$0x5060];
	[tilespmem:s13+$0x5010] =	vst v5  }
0x1c1: {  	s23 =	sor.u32 $0x1C40, s14;
	v5 =	vld [tilespmem:s13+$0x5400];
	v7 =	vmul.f32 $3.200000000e+01, v7;
	[tilespmem:s22+$0x4400] =	vst v6  }
0x1c2: {  	v6 =	vld [tilespmem:s23+$0x4400]  }
0x1c3: {  	[tilespmem:s13+$0x5070] =	vst v7;
	v7 =	vld [tilespmem:s13+$0x5460]  }
0x1c4: {  	v9 =	vmul.f32 $3.200000000e+01, v9;
	v3 =	vld [tilespmem:s13+$0x5430]  }
0x1c5: {  	v8 =	vmul.f32 $3.200000000e+01, v8;
	v4 =	vld [tilespmem:s13+$0x5420]  }
0x1c6: {  	[tilespmem:s13+$0x5020] =	vst v9;
	v9 =	vld [tilespmem:s13+$0x5410];
	v5 =	vmul.f32 $3.200000000e+01, v5  }
0x1c7: {  	[tilespmem:s13+$0x5060] =	vst v8;
	v8 =	vld [tilespmem:s13+$0x5450];
	v6 =	vmul.f32 $3.200000000e+01, v6  }
0x1c8: {  	[tilespmem:s13+$0x5400] =	vst v5;
	v5 =	vld [tilespmem:s13+$0x5800];
	v7 =	vmul.f32 $3.200000000e+01, v7  }
0x1c9: {  	s24 =	sor.u32 $0x1C50, s14;
	v10 =	vld [tilespmem:s13+$0x5470];
	v3 =	vmul.f32 $3.200000000e+01, v3;
	[tilespmem:s23+$0x4400] =	vst v6  }
0x1ca: {  	v4 =	vmul.f32 $3.200000000e+01, v4;
	[tilespmem:s13+$0x5460] =	vst v7;
	v7 =	vld [tilespmem:s24+$0x4400]  }
0x1cb: {  	v9 =	vmul.f32 $3.200000000e+01, v9;
	[tilespmem:s13+$0x5430] =	vst v3;
	v3 =	vld [tilespmem:s13+$0x5820]  }
0x1cc: {  	v8 =	vmul.f32 $3.200000000e+01, v8;
	[tilespmem:s13+$0x5420] =	vst v4;
	v4 =	vld [tilespmem:s13+$0x5810]  }
0x1cd: {  	[tilespmem:s13+$0x5410] =	vst v9;
	v5 =	vmul.f32 $3.200000000e+01, v5  }
0x1ce: {  	v9 =	vmul.f32 $3.200000000e+01, v10;
	[tilespmem:s13+$0x5450] =	vst v8;
	v8 =	vld [tilespmem:s13+$0x5830]  }
0x1cf: {  	[tilespmem:s13+$0x5800] =	vst v5;
	v6 =	vld [tilespmem:s13+$0x5850];
	v5 =	vmul.f32 $3.200000000e+01, v7  }
0x1d0: {  	[tilespmem:s13+$0x5470] =	vst v9;
	v9 =	vld [tilespmem:s13+$0x5860];
	v3 =	vmul.f32 $3.200000000e+01, v3  }
0x1d1: {  	v10 =	vld [tilespmem:s13+$0x5870];
	s21 =	sor.u32 $0x1C60, s14;
	v4 =	vmul.f32 $3.200000000e+01, v4;
	[tilespmem:s24+$0x4400] =	vst v5  }
0x1d2: {  	[tilespmem:s13+$0x5820] =	vst v3;
	v3 =	vld [tilespmem:s21+$0x4400]  }
0x1d3: {  	[tilespmem:s13+$0x5810] =	vst v4;
	v4 =	vld [tilespmem:s13+$0x5C00];
	v7 =	vmul.f32 $3.200000000e+01, v8  }
0x1d4: {  	v8 =	vld [tilespmem:s13+$0x5C10];
	v5 =	vmul.f32 $3.200000000e+01, v6  }
0x1d5: {  	[tilespmem:s13+$0x5830] =	vst v7;
	v7 =	vld [tilespmem:s13+$0x5C20];
	v6 =	vmul.f32 $3.200000000e+01, v9  }
0x1d6: {  	v9 =	vmul.f32 $3.200000000e+01, v10;
	[tilespmem:s13+$0x5850] =	vst v5;
	v5 =	vld [tilespmem:s13+$0x5C30]  }
0x1d7: {  	s15 =	simm.s32 $0x0;
	s16 =	simm.s32 $0xFFFFC400;
	s19 =	simm.s32 $0x100;
	[tilespmem:s13+$0x5860] =	vst v6;
	v6 =	vld [tilespmem:s13+$0x5C50];
	v3 =	vmul.f32 $3.200000000e+01, v3  }
.LBB2_5:
0x1d8: {  	p0 =	sne.s32 s19, $0x780;
	[tilespmem:s13+$0x5870] =	vst v9;
	v4 =	vmul.f32 $3.200000000e+01, v4;
	v9 =	vld [tilespmem:s13+$0x5C60]  }
0x1d9: {  	v8 =	vmul.f32 $3.200000000e+01, v8;
	v10 =	vld [tilespmem:s13+$0x5C70];
	[tilespmem:s21+$0x4400] =	vst v3;
	s21 =	sor.u32 $0x1C70, s14  }
0x1da: {  	[tilespmem:s13+$0x5C00] =	vst v4;
	v3 =	vmul.f32 $3.200000000e+01, v7;
	v4 =	vld [tilespmem:s21+$0x4400]  }
0x1db: {  	v7 =	vld [tilespmem:s13+$0x4440];
	[tilespmem:s13+$0x5C10] =	vst v8;
	v5 =	vmul.f32 $3.200000000e+01, v5  }
0x1dc: {  	v8 =	vld [tilespmem:s13+$0x4840];
	[tilespmem:s13+$0x5C20] =	vst v3;
	v3 =	vmul.f32 $3.200000000e+01, v6  }
0x1dd: {  	s1 =	sadd.s32 $0x1, s1;
	v6 =	vld [tilespmem:s13+$0x4C40];
	[tilespmem:s13+$0x5C30] =	vst v5;
	v5 =	vmul.f32 $3.200000000e+01, v9  }
0x1de: {  	s14 =	sand.u32 $0x7, s1;
	v9 =	vld [tilespmem:s13+$0x5040];
	[tilespmem:s13+$0x5C50] =	vst v3;
	v3 =	vmul.f32 $3.200000000e+01, v10  }
0x1df: {  	s16 =	sadd.s32 $0x400, s16;
	s15 =	sadd.s32 $0x400, s15;
	s14 =	sshll.u32 s14, $0x7;
	v10 =	vld [tilespmem:s13+$0x5440];
	[tilespmem:s13+$0x5C60] =	vst v5;
	v4 =	vmul.f32 $3.200000000e+01, v4  }
0x1e0: {  	s22 =	sadd.s32 $0x4000, s16;
	s14 =	sadd.s32 s14, s15;
	v5 =	vmul.f32 $3.200000000e+01, v7;
	v7 =	vld [tilespmem:s13+$0x5840];
	[tilespmem:s13+$0x5C70] =	vst v3  }
0x1e1: {  	s23 =	sand.u32 $0x380, s19;
	s22 =	sand.u32 $0x2000, s22;
	s24 =	sor.u32 $0x1C00, s14;
	v3 =	vmul.f32 $3.200000000e+01, v8;
	v8 =	vld [tilespmem:s13+$0x5C40];
	[tilespmem:s21+$0x4400] =	vst v4  }
0x1e2: {  	s21 =	sor.u32 s23, s22;
	[tilespmem:s13+$0x4440] =	vst v5;
	v4 =	vmul.f32 $3.200000000e+01, v6;
	v5 =	vld [tilespmem:s24+$0x4400]  }
0x1e3: {  	v6 =	vld [tilespmem:s21+$0x4400];
	[tilespmem:s13+$0x4840] =	vst v3;
	v3 =	vmul.f32 $3.200000000e+01, v9  }
0x1e4: {  	v9 =	vld [tilespmem:s21+$0x4410];
	[tilespmem:s13+$0x4C40] =	vst v4;
	v4 =	vmul.f32 $3.200000000e+01, v10  }
0x1e5: {  	v10 =	vld [tilespmem:s21+$0x4420];
	[tilespmem:s13+$0x5040] =	vst v3;
	v3 =	vmul.f32 $3.200000000e+01, v7  }
0x1e6: {  	v7 =	vld [tilespmem:s21+$0x4430];
	[tilespmem:s13+$0x5440] =	vst v4;
	v4 =	vmul.f32 $3.200000000e+01, v8  }
0x1e7: {  	v8 =	vld [tilespmem:s21+$0x4450];
	[tilespmem:s13+$0x5840] =	vst v3;
	v3 =	vmul.f32 $3.200000000e+01, v5  }
0x1e8: {  	v5 =	vmul.f32 $3.200000000e+01, v6;
	v6 =	vld [tilespmem:s21+$0x4460];
	[tilespmem:s13+$0x5C40] =	vst v4;
	s13 =	smov.u32 s21  }
0x1e9: {  	s21 =	sor.u32 $0x1C10, s14;
	v4 =	vmul.f32 $3.200000000e+01, v9;
	v9 =	vld [tilespmem:s13+$0x4470];
	[tilespmem:s24+$0x4400] =	vst v3  }
0x1ea: {  	[tilespmem:s13+$0x4400] =	vst v5;
	v3 =	vmul.f32 $3.200000000e+01, v10;
	v5 =	vld [tilespmem:s21+$0x4400]  }
0x1eb: {  	[tilespmem:s13+$0x4410] =	vst v4;
	v4 =	vmul.f32 $3.200000000e+01, v7;
	v7 =	vld [tilespmem:s13+$0x4800]  }
0x1ec: {  	[tilespmem:s13+$0x4420] =	vst v3;
	v3 =	vmul.f32 $3.200000000e+01, v8;
	v8 =	vld [tilespmem:s13+$0x4810]  }
0x1ed: {  	[tilespmem:s13+$0x4430] =	vst v4;
	v4 =	vmul.f32 $3.200000000e+01, v6;
	v6 =	vld [tilespmem:s13+$0x4820]  }
0x1ee: {  	[tilespmem:s13+$0x4450] =	vst v3;
	v3 =	vmul.f32 $3.200000000e+01, v9;
	v9 =	vld [tilespmem:s13+$0x4830]  }
0x1ef: {  	[tilespmem:s13+$0x4460] =	vst v4;
	v4 =	vld [tilespmem:s13+$0x4850];
	v5 =	vmul.f32 $3.200000000e+01, v5  }
0x1f0: {  	[tilespmem:s13+$0x4470] =	vst v3;
	v3 =	vmul.f32 $3.200000000e+01, v7;
	v7 =	vld [tilespmem:s13+$0x4860]  }
0x1f1: {  	v8 =	vmul.f32 $3.200000000e+01, v8;
	v10 =	vld [tilespmem:s13+$0x4870];
	[tilespmem:s21+$0x4400] =	vst v5;
	s21 =	sor.u32 $0x1C20, s14  }
0x1f2: {  	[tilespmem:s13+$0x4800] =	vst v3;
	v3 =	vmul.f32 $3.200000000e+01, v6;
	v5 =	vld [tilespmem:s21+$0x4400]  }
0x1f3: {  	[tilespmem:s13+$0x4810] =	vst v8;
	v6 =	vmul.f32 $3.200000000e+01, v9;
	v8 =	vld [tilespmem:s13+$0x4C00]  }
0x1f4: {  	[tilespmem:s13+$0x4820] =	vst v3;
	v3 =	vmul.f32 $3.200000000e+01, v4;
	v4 =	vld [tilespmem:s13+$0x4C10]  }
0x1f5: {  	[tilespmem:s13+$0x4830] =	vst v6;
	v6 =	vmul.f32 $3.200000000e+01, v7;
	v7 =	vld [tilespmem:s13+$0x4C20]  }
0x1f6: {  	[tilespmem:s13+$0x4850] =	vst v3;
	v3 =	vmul.f32 $3.200000000e+01, v10;
	v9 =	vld [tilespmem:s13+$0x4C30]  }
0x1f7: {  	[tilespmem:s13+$0x4860] =	vst v6;
	v6 =	vld [tilespmem:s13+$0x4C50];
	v5 =	vmul.f32 $3.200000000e+01, v5  }
0x1f8: {  	[tilespmem:s13+$0x4870] =	vst v3;
	v3 =	vmul.f32 $3.200000000e+01, v8;
	v8 =	vld [tilespmem:s13+$0x4C60]  }
0x1f9: {  	v4 =	vmul.f32 $3.200000000e+01, v4;
	v10 =	vld [tilespmem:s13+$0x4C70];
	[tilespmem:s21+$0x4400] =	vst v5;
	s21 =	sor.u32 $0x1C30, s14  }
0x1fa: {  	[tilespmem:s13+$0x4C00] =	vst v3;
	v3 =	vmul.f32 $3.200000000e+01, v7;
	v5 =	vld [tilespmem:s21+$0x4400]  }
0x1fb: {  	[tilespmem:s13+$0x4C10] =	vst v4;
	v4 =	vmul.f32 $3.200000000e+01, v9;
	v7 =	vld [tilespmem:s13+$0x5000]  }
0x1fc: {  	[tilespmem:s13+$0x4C20] =	vst v3;
	v3 =	vmul.f32 $3.200000000e+01, v6;
	v6 =	vld [tilespmem:s13+$0x5010]  }
0x1fd: {  	[tilespmem:s13+$0x4C30] =	vst v4;
	v4 =	vmul.f32 $3.200000000e+01, v8;
	v8 =	vld [tilespmem:s13+$0x5020]  }
0x1fe: {  	[tilespmem:s13+$0x4C50] =	vst v3;
	v3 =	vmul.f32 $3.200000000e+01, v10;
	v9 =	vld [tilespmem:s13+$0x5030]  }
0x1ff: {  	[tilespmem:s13+$0x4C60] =	vst v4;
	v4 =	vld [tilespmem:s13+$0x5050];
	v5 =	vmul.f32 $3.200000000e+01, v5  }
0x200: {  	[tilespmem:s13+$0x4C70] =	vst v3;
	v3 =	vmul.f32 $3.200000000e+01, v7;
	v7 =	vld [tilespmem:s13+$0x5060]  }
0x201: {  	v6 =	vmul.f32 $3.200000000e+01, v6;
	v10 =	vld [tilespmem:s13+$0x5070];
	[tilespmem:s21+$0x4400] =	vst v5;
	s21 =	sor.u32 $0x1C40, s14  }
0x202: {  	[tilespmem:s13+$0x5000] =	vst v3;
	v3 =	vmul.f32 $3.200000000e+01, v8;
	v5 =	vld [tilespmem:s21+$0x4400]  }
0x203: {  	[tilespmem:s13+$0x5010] =	vst v6;
	v6 =	vmul.f32 $3.200000000e+01, v9;
	v8 =	vld [tilespmem:s13+$0x5400]  }
0x204: {  	[tilespmem:s13+$0x5020] =	vst v3;
	v3 =	vmul.f32 $3.200000000e+01, v4;
	v4 =	vld [tilespmem:s13+$0x5410]  }
0x205: {  	[tilespmem:s13+$0x5030] =	vst v6;
	v6 =	vmul.f32 $3.200000000e+01, v7;
	v7 =	vld [tilespmem:s13+$0x5420]  }
0x206: {  	[tilespmem:s13+$0x5050] =	vst v3;
	v3 =	vmul.f32 $3.200000000e+01, v10;
	v9 =	vld [tilespmem:s13+$0x5430]  }
0x207: {  	[tilespmem:s13+$0x5060] =	vst v6;
	v6 =	vld [tilespmem:s13+$0x5450];
	v5 =	vmul.f32 $3.200000000e+01, v5  }
0x208: {  	[tilespmem:s13+$0x5070] =	vst v3;
	v3 =	vmul.f32 $3.200000000e+01, v8;
	v8 =	vld [tilespmem:s13+$0x5460]  }
0x209: {  	v4 =	vmul.f32 $3.200000000e+01, v4;
	v10 =	vld [tilespmem:s13+$0x5470];
	[tilespmem:s21+$0x4400] =	vst v5;
	s21 =	sor.u32 $0x1C50, s14  }
0x20a: {  	[tilespmem:s13+$0x5400] =	vst v3;
	v3 =	vmul.f32 $3.200000000e+01, v7;
	v5 =	vld [tilespmem:s21+$0x4400]  }
0x20b: {  	[tilespmem:s13+$0x5410] =	vst v4;
	v4 =	vmul.f32 $3.200000000e+01, v9;
	v7 =	vld [tilespmem:s13+$0x5800]  }
0x20c: {  	[tilespmem:s13+$0x5420] =	vst v3;
	v3 =	vmul.f32 $3.200000000e+01, v6;
	v6 =	vld [tilespmem:s13+$0x5810]  }
0x20d: {  	[tilespmem:s13+$0x5430] =	vst v4;
	v4 =	vmul.f32 $3.200000000e+01, v8;
	v8 =	vld [tilespmem:s13+$0x5820]  }
0x20e: {  	[tilespmem:s13+$0x5450] =	vst v3;
	v3 =	vmul.f32 $3.200000000e+01, v10;
	v9 =	vld [tilespmem:s13+$0x5830]  }
0x20f: {  	[tilespmem:s13+$0x5460] =	vst v4;
	v10 =	vld [tilespmem:s13+$0x5850];
	v4 =	vmul.f32 $3.200000000e+01, v5  }
0x210: {  	[tilespmem:s13+$0x5470] =	vst v3;
	v3 =	vmul.f32 $3.200000000e+01, v7;
	v5 =	vld [tilespmem:s13+$0x5860]  }
0x211: {  	v6 =	vmul.f32 $3.200000000e+01, v6;
	v11 =	vld [tilespmem:s13+$0x5870];
	[tilespmem:s21+$0x4400] =	vst v4;
	s21 =	sor.u32 $0x1C60, s14  }
0x212: {  	[tilespmem:s13+$0x5800] =	vst v3;
	v3 =	vmul.f32 $3.200000000e+01, v8;
	v12 =	vld [tilespmem:s21+$0x4400]  }
.Ltmp1:
0x213: {  	[tilespmem:s13+$0x5810] =	vst v6;
	v6 =	vmul.f32 $3.200000000e+01, v9;
	v4 =	vld [tilespmem:s13+$0x5C00];
	(pc) =	sbr.rel @p0 .LBB2_5-.Ltmp1, $4  }
0x214: {  	[tilespmem:s13+$0x5820] =	vst v3;
	v3 =	vmul.f32 $3.200000000e+01, v10;
	v8 =	vld [tilespmem:s13+$0x5C10]  }
0x215: {  	[tilespmem:s13+$0x5830] =	vst v6;
	v6 =	vmul.f32 $3.200000000e+01, v5;
	v7 =	vld [tilespmem:s13+$0x5C20]  }
0x216: {  	[tilespmem:s13+$0x5850] =	vst v3;
	v9 =	vmul.f32 $3.200000000e+01, v11;
	v5 =	vld [tilespmem:s13+$0x5C30]  }
0x217: {  	s19 =	sadd.s32 $0x80, s19;
	[tilespmem:s13+$0x5860] =	vst v6;
	v6 =	vld [tilespmem:s13+$0x5C50];
	v3 =	vmul.f32 $3.200000000e+01, v12  }
0x218: {  	[tilespmem:s13+$0x5870] =	vst v9;
	v4 =	vmul.f32 $3.200000000e+01, v4;
	v9 =	vld [tilespmem:s13+$0x5C60]  }
0x219: {  	v10 =	vld [tilespmem:s13+$0x5C70];
	v8 =	vmul.f32 $3.200000000e+01, v8  }
0x21a: {  	[tilespmem:s13+$0x5C00] =	vst v4;
	v4 =	vld [tilespmem:s13+$0x4440];
	v7 =	vmul.f32 $3.200000000e+01, v7  }
0x21b: {  	[tilespmem:s13+$0x5C10] =	vst v8;
	v5 =	vmul.f32 $3.200000000e+01, v5  }
0x21c: {  	v8 =	vld [tilespmem:s13+$0x4840];
	[tilespmem:s13+$0x5C20] =	vst v7;
	v6 =	vmul.f32 $3.200000000e+01, v6  }
0x21d: {  	s1 =	sadd.s32 $0x1, s1;
	v7 =	vld [tilespmem:s13+$0x4C40];
	[tilespmem:s13+$0x5C30] =	vst v5;
	v9 =	vmul.f32 $3.200000000e+01, v9  }
0x21e: {  	s1 =	sand.u32 $0x7, s1;
	v5 =	vld [tilespmem:s13+$0x5040];
	v10 =	vmul.f32 $3.200000000e+01, v10;
	[tilespmem:s13+$0x5C50] =	vst v6  }
0x21f: {  	s15 =	sadd.s32 $0x400, s15;
	s1 =	sshll.u32 s1, $0x7;
	v6 =	vld [tilespmem:s13+$0x5440];
	[tilespmem:s13+$0x5C60] =	vst v9;
	v4 =	vmul.f32 $3.200000000e+01, v4  }
0x220: {  	s1 =	sadd.s32 s1, s15;
	v9 =	vld [tilespmem:s13+$0x5840];
	[tilespmem:s13+$0x5C70] =	vst v10  }
0x221: {  	s15 =	sor.u32 $0x1C00, s1;
	v10 =	vld [tilespmem:s13+$0x5C40];
	v8 =	vmul.f32 $3.200000000e+01, v8;
	[tilespmem:s13+$0x4440] =	vst v4  }
0x222: {  	v4 =	vmul.f32 $3.200000000e+01, v7;
	v7 =	vld [tilespmem:s15+$0x4400]  }
0x223: {  	[tilespmem:s13+$0x4840] =	vst v8;
	v5 =	vmul.f32 $3.200000000e+01, v5  }
0x224: {  	[tilespmem:s13+$0x4C40] =	vst v4;
	v4 =	vmul.f32 $3.200000000e+01, v6  }
0x225: {  	[tilespmem:s13+$0x5040] =	vst v5;
	v5 =	vmul.f32 $3.200000000e+01, v9  }
0x226: {  	[tilespmem:s13+$0x5440] =	vst v4;
	v4 =	vmul.f32 $3.200000000e+01, v10  }
0x227: {  	[tilespmem:s13+$0x5840] =	vst v5;
	v5 =	vmul.f32 $3.200000000e+01, v7  }
0x228: {  	[tilespmem:s13+$0x5C40] =	vst v4  }
0x229: {  	s19 =	sor.u32 $0x1C10, s1;
	[tilespmem:s15+$0x4400] =	vst v5  }
0x22a: {  	v4 =	vld [tilespmem:s19+$0x4400];
	_ =	sdelay $0x4  }
0x22b: {  	v4 =	vmul.f32 $3.200000000e+01, v4;
	_ =	sdelay $0x1  }
0x22c: {  	s22 =	sor.u32 $0x1C20, s1;
	[tilespmem:s19+$0x4400] =	vst v4  }
0x22d: {  	v4 =	vld [tilespmem:s22+$0x4400];
	_ =	sdelay $0x4  }
0x22e: {  	v4 =	vmul.f32 $3.200000000e+01, v4;
	_ =	sdelay $0x1  }
0x22f: {  	s23 =	sor.u32 $0x1C30, s1;
	[tilespmem:s22+$0x4400] =	vst v4  }
0x230: {  	v4 =	vld [tilespmem:s23+$0x4400];
	_ =	sdelay $0x4  }
0x231: {  	v4 =	vmul.f32 $3.200000000e+01, v4;
	_ =	sdelay $0x1  }
0x232: {  	s24 =	sor.u32 $0x1C40, s1;
	[tilespmem:s23+$0x4400] =	vst v4  }
0x233: {  	v4 =	vld [tilespmem:s24+$0x4400];
	_ =	sdelay $0x4  }
0x234: {  	v4 =	vmul.f32 $3.200000000e+01, v4;
	_ =	sdelay $0x1  }
0x235: {  	s15 =	sor.u32 $0x1C50, s1;
	[tilespmem:s24+$0x4400] =	vst v4  }
0x236: {  	v4 =	vld [tilespmem:s15+$0x4400];
	_ =	sdelay $0x4  }
0x237: {  	v4 =	vmul.f32 $3.200000000e+01, v4;
	_ =	sdelay $0x1  }
0x238: {  	s16 =	sor.u32 $0x1C60, s1;
	[tilespmem:s15+$0x4400] =	vst v4  }
0x239: {  	v4 =	vld [tilespmem:s16+$0x4400];
	_ =	sdelay $0x4  }
0x23a: {  	v4 =	vmul.f32 $3.200000000e+01, v4  }
0x23b: {  	s14 =	sor.u32 $0x1C70, s14;
	[tilespmem:s21+$0x4400] =	vst v3  }
0x23c: {  	v3 =	vld [tilespmem:s14+$0x4400];
	s1 =	sor.u32 $0x1C70, s1;
	[tilespmem:s16+$0x4400] =	vst v4  }
0x23d: {  	v4 =	vld [tilespmem:s1+$0x4400];
	_ =	sdelay $0x3  }
0x23e: {  	v3 =	vmul.f32 $3.200000000e+01, v3  }
0x23f: {  	v4 =	vmul.f32 $3.200000000e+01, v4  }
0x240: {  	[tilespmem:s14+$0x4400] =	vst v3  }
0x241: {  	s0 =	sadd.s32 s10, s0;
	[tilespmem:s1+$0x4400] =	vst v4  }
0x242: {  	[hbm4b:s0+s3] =	stream.linear.scatter [tilespmem:s20], [sflag:$0x6], $0x4000, $0x38;
	[tilespmem:$0x10400] =	vst v63  }
0x243: {  	_ =	swait.ge [sflag:s28], $0x4000  }
0x244: {  	p0 =	seq.s32 s11, $0xF;
	[sflag:s28] =	ssyncset.done $0x0  }
0x245: {  	s0 =	simm.s32 @!p0 $0x5;
	[sflag:s28] =	ssyncadd.s32 $0xFFFFC000  }
0x246: {  	_ =	swait.ge @!p0 [sflag:s0], $0x4000  }
0x247: {  	s1 =	sshll.u32 @!p0 s11, $0x6;
	[sflag:s0] =	ssyncset.done @!p0 $0x0  }
0x248: {  	s1 =	sand.u32 @!p0 $0x3FFFFFC0, s1;
	[sflag:s0] =	ssyncadd.s32 @!p0 $0xFFFFC000  }
0x249: {  	v3 =	vld @!p0 [tilespmem:s1+$0x40];
	_ =	sdelay $0x4  }
0x24a: {  	v4 =	vshll.u32 @!p0 v3, $0x3  }
0x24b: {  	v5 =	vlaneseq.u32 @!p0;
	v3 =	vand.u32 @!p0 $0x7, v3;
	v4 =	vand.u32 @!p0 $0xFFFFFFC0, v4  }
0x24c: {  	v6 =	vshrl.u32 @!p0 v5, $0x3;
	v3 =	vor.u32 @!p0 v3, v4;
	v4 =	vand.u32 @!p0 $0x7, v5  }
0x24d: {  	v6 =	vmul.u32 @!p0 $0x8, v6;
	v4 =	vperm.xlane @!p0 v3, v4;
	_ =	sdelay $0x1  }
0x24e: {  	v4 =	vadd.s32 @!p0 v6, v4;
	_ =	sdelay $0x3  }
0x24f: {  	vm1 =	vmmov @!p0 $0xffff;
	s13 =	simm.s32 @!p0 $0x400;
	s0 =	simm.s32 @!p0 $0x0  }
0x250: {  	v5 =	vor.u32 @!p0 $0x8, v5;
	[tilespmem:s13], [sflag:$0x1] =	stream.indirect_vreg.gather @!p0 [hbm4b:s2+s0], $0x80, v4, vm1, $0xb8;
	[tilespmem:$0x10400] =	vst v63  }
0x251: {  	v3 =	vperm.xlane @!p0 v3, v5;
	s13 =	simm.s32 @!p0 $0xC00  }
0x252: {  	[tilespmem:s13], [sflag:$0x1] =	stream.indirect_vreg.gather @!p0 [hbm4b:s5+s0], $0x80, v4, vm1, $0xb8;
	[tilespmem:$0x10400] =	vst v63  }
0x253: {  	v3 =	vadd.s32 @!p0 v6, v3;
	s13 =	simm.s32 @!p0 $0x1400  }
0x254: {  	[tilespmem:s13], [sflag:$0x1] =	stream.indirect_vreg.gather @!p0 [hbm4b:s6+s0], $0x80, v4, vm1, $0xb8;
	[tilespmem:$0x10400] =	vst v63  }
0x255: {  	s13 =	simm.s32 @!p0 $0x1C00  }
0x256: {  	[tilespmem:s13], [sflag:$0x1] =	stream.indirect_vreg.gather @!p0 [hbm4b:s8+s0], $0x80, v4, vm1, $0xb8;
	[tilespmem:$0x10400] =	vst v63  }
0x257: {  	s13 =	simm.s32 @!p0 $0x2400  }
0x258: {  	[tilespmem:s13], [sflag:$0x1] =	stream.indirect_vreg.gather @!p0 [hbm4b:s2+s0], $0x80, v3, vm1, $0xb8;
	[tilespmem:$0x10400] =	vst v63  }
0x259: {  	s13 =	simm.s32 @!p0 $0x2C00  }
0x25a: {  	[tilespmem:s13], [sflag:$0x1] =	stream.indirect_vreg.gather @!p0 [hbm4b:s5+s0], $0x80, v3, vm1, $0xb8;
	[tilespmem:$0x10400] =	vst v63  }
0x25b: {  	s13 =	simm.s32 @!p0 $0x3400  }
0x25c: {  	[tilespmem:s13], [sflag:$0x1] =	stream.indirect_vreg.gather @!p0 [hbm4b:s6+s0], $0x80, v3, vm1, $0xb8;
	[tilespmem:$0x10400] =	vst v63  }
0x25d: {  	s13 =	simm.s32 @!p0 $0x3C00  }
0x25e: {  	[tilespmem:s13], [sflag:$0x1] =	stream.indirect_vreg.gather @!p0 [hbm4b:s8+s0], $0x80, v3, vm1, $0xb8;
	[tilespmem:$0x10400] =	vst v63  }
0x25f: {  	s19 =	simm.s32 $0x0;
	s0 =	simm.s32 $0x0  }
0x260: {  	s13 =	sand.u32 $0x2000, s19;
	s21 =	sand.u32 $0x380, s0  }
0x261: {  	s22 =	sor.u32 s21, s13  }
0x262: {  	v3 =	vld [tilespmem:s22+$0x8400]  }
0x263: {  	v4 =	vld [tilespmem:s22+$0x8410]  }
0x264: {  	v5 =	vld [tilespmem:s22+$0x8420]  }
0x265: {  	v6 =	vld [tilespmem:s22+$0x8430]  }
0x266: {  	v7 =	vld [tilespmem:s22+$0x8450]  }
0x267: {  	v8 =	vld [tilespmem:s22+$0x8460]  }
0x268: {  	v9 =	vld [tilespmem:s22+$0x8470];
	v3 =	vmul.f32 $3.200000000e+01, v3  }
0x269: {  	v10 =	vld [tilespmem:s22+$0x8800];
	v4 =	vmul.f32 $3.200000000e+01, v4  }
0x26a: {  	s23 =	simm.s32 $0x80;
	s24 =	simm.s32 $0x400;
	v11 =	vld [tilespmem:s22+$0x8810];
	[tilespmem:s22+$0x8400] =	vst v3;
	v3 =	vmul.f32 $3.200000000e+01, v5  }
0x26b: {  	s14 =	sand.u32 $0x2000, s24;
	s13 =	sand.u32 $0x380, s23;
	v12 =	vld [tilespmem:s22+$0x8820];
	[tilespmem:s22+$0x8410] =	vst v4;
	v4 =	vmul.f32 $3.200000000e+01, v6  }
0x26c: {  	v13 =	vld [tilespmem:s22+$0x8830];
	s13 =	sor.u32 s13, s14;
	[tilespmem:s22+$0x8420] =	vst v3;
	v3 =	vmul.f32 $3.200000000e+01, v7  }
0x26d: {  	v59 =	vld [tilespmem:s13+$0x8460];
	[tilespmem:s22+$0x8430] =	vst v4;
	v4 =	vmul.f32 $3.200000000e+01, v8  }
0x26e: {  	v51 =	vld [tilespmem:s22+$0x8C50];
	[tilespmem:s22+$0x8450] =	vst v3;
	v3 =	vmul.f32 $3.200000000e+01, v9  }
0x26f: {  	v5 =	vld [tilespmem:s22+$0x8850];
	[tilespmem:s22+$0x8460] =	vst v4;
	v4 =	vmul.f32 $3.200000000e+01, v10  }
0x270: {  	v60 =	vld [tilespmem:s13+$0x8470];
	[tilespmem:s22+$0x8470] =	vst v3;
	v3 =	vmul.f32 $3.200000000e+01, v11  }
0x271: {  	v6 =	vld [tilespmem:s22+$0x8860];
	[tilespmem:s22+$0x8800] =	vst v4;
	v4 =	vmul.f32 $3.200000000e+01, v12  }
0x272: {  	v7 =	vld [tilespmem:s22+$0x8870];
	v12 =	vmul.f32 $3.200000000e+01, v59;
	[tilespmem:s22+$0x8810] =	vst v3  }
0x273: {  	v8 =	vld [tilespmem:s22+$0x8C00];
	v3 =	vmul.f32 $3.200000000e+01, v13;
	[tilespmem:s22+$0x8820] =	vst v4  }
0x274: {  	v9 =	vld [tilespmem:s22+$0x8C10];
	v4 =	vmul.f32 $3.200000000e+01, v5;
	[tilespmem:s13+$0x8460] =	vst v12  }
0x275: {  	v10 =	vld [tilespmem:s22+$0x8C20];
	v13 =	vmul.f32 $3.200000000e+01, v60;
	[tilespmem:s22+$0x8830] =	vst v3  }
0x276: {  	v11 =	vld [tilespmem:s22+$0x8C30];
	v3 =	vmul.f32 $3.200000000e+01, v6;
	[tilespmem:s22+$0x8850] =	vst v4  }
0x277: {  	v52 =	vld [tilespmem:s22+$0x8C60];
	v4 =	vmul.f32 $3.200000000e+01, v7;
	[tilespmem:s13+$0x8470] =	vst v13  }
0x278: {  	v53 =	vld [tilespmem:s22+$0x9070];
	[tilespmem:s22+$0x8860] =	vst v3;
	v3 =	vmul.f32 $3.200000000e+01, v8  }
0x279: {  	v5 =	vld [tilespmem:s22+$0x8C70];
	[tilespmem:s22+$0x8870] =	vst v4;
	v4 =	vmul.f32 $3.200000000e+01, v9  }
0x27a: {  	v6 =	vld [tilespmem:s22+$0x9000];
	[tilespmem:s22+$0x8C00] =	vst v3;
	v3 =	vmul.f32 $3.200000000e+01, v10  }
0x27b: {  	v7 =	vld [tilespmem:s22+$0x9010];
	[tilespmem:s22+$0x8C10] =	vst v4;
	v4 =	vmul.f32 $3.200000000e+01, v11  }
0x27c: {  	v8 =	vld [tilespmem:s22+$0x9020];
	[tilespmem:s22+$0x8C20] =	vst v3;
	v3 =	vmul.f32 $3.200000000e+01, v51  }
0x27d: {  	v9 =	vld [tilespmem:s22+$0x9030];
	[tilespmem:s22+$0x8C30] =	vst v4;
	v4 =	vmul.f32 $3.200000000e+01, v52  }
0x27e: {  	v10 =	vld [tilespmem:s22+$0x9050];
	[tilespmem:s22+$0x8C50] =	vst v3;
	v3 =	vmul.f32 $3.200000000e+01, v5  }
0x27f: {  	v11 =	vld [tilespmem:s22+$0x9060];
	[tilespmem:s22+$0x8C60] =	vst v4;
	v4 =	vmul.f32 $3.200000000e+01, v6  }
0x280: {  	v54 =	vld [tilespmem:s22+$0x9400];
	[tilespmem:s22+$0x8C70] =	vst v3;
	v3 =	vmul.f32 $3.200000000e+01, v7  }
0x281: {  	v55 =	vld [tilespmem:s22+$0x9810];
	[tilespmem:s22+$0x9000] =	vst v4;
	v4 =	vmul.f32 $3.200000000e+01, v8  }
0x282: {  	v5 =	vld [tilespmem:s22+$0x9410];
	[tilespmem:s22+$0x9010] =	vst v3;
	v3 =	vmul.f32 $3.200000000e+01, v9  }
0x283: {  	v6 =	vld [tilespmem:s22+$0x9420];
	[tilespmem:s22+$0x9020] =	vst v4;
	v4 =	vmul.f32 $3.200000000e+01, v10  }
0x284: {  	v7 =	vld [tilespmem:s22+$0x9430];
	[tilespmem:s22+$0x9030] =	vst v3;
	v3 =	vmul.f32 $3.200000000e+01, v11  }
0x285: {  	v8 =	vld [tilespmem:s22+$0x9450];
	[tilespmem:s22+$0x9050] =	vst v4;
	v4 =	vmul.f32 $3.200000000e+01, v53  }
0x286: {  	v9 =	vld [tilespmem:s22+$0x9460];
	[tilespmem:s22+$0x9060] =	vst v3;
	v3 =	vmul.f32 $3.200000000e+01, v54  }
0x287: {  	v10 =	vld [tilespmem:s22+$0x9470];
	[tilespmem:s22+$0x9070] =	vst v4;
	v4 =	vmul.f32 $3.200000000e+01, v5  }
0x288: {  	v11 =	vld [tilespmem:s22+$0x9800];
	[tilespmem:s22+$0x9400] =	vst v3;
	v3 =	vmul.f32 $3.200000000e+01, v6  }
0x289: {  	v56 =	vld [tilespmem:s22+$0x9820];
	[tilespmem:s22+$0x9410] =	vst v4;
	v4 =	vmul.f32 $3.200000000e+01, v7  }
0x28a: {  	v61 =	vld [tilespmem:s22+$0x8840];
	[tilespmem:s22+$0x9420] =	vst v3;
	v3 =	vmul.f32 $3.200000000e+01, v8  }
0x28b: {  	v8 =	vld [tilespmem:s22+$0x9870];
	[tilespmem:s22+$0x9430] =	vst v4;
	v4 =	vmul.f32 $3.200000000e+01, v9  }
0x28c: {  	v5 =	vld [tilespmem:s22+$0x9830];
	[tilespmem:s22+$0x9450] =	vst v3;
	v3 =	vmul.f32 $3.200000000e+01, v10  }
0x28d: {  	v6 =	vld [tilespmem:s22+$0x9850];
	[tilespmem:s22+$0x9460] =	vst v4;
	v4 =	vmul.f32 $3.200000000e+01, v11  }
0x28e: {  	v9 =	vld [tilespmem:s22+$0x9C00];
	[tilespmem:s22+$0x9470] =	vst v3;
	v3 =	vmul.f32 $3.200000000e+01, v55  }
0x28f: {  	v10 =	vld [tilespmem:s22+$0x9C10];
	[tilespmem:s22+$0x9800] =	vst v4;
	v4 =	vmul.f32 $3.200000000e+01, v56  }
0x290: {  	v11 =	vld [tilespmem:s22+$0x9C20];
	v8 =	vmul.f32 $3.200000000e+01, v8;
	[tilespmem:s22+$0x9810] =	vst v3  }
0x291: {  	v7 =	vld [tilespmem:s22+$0x9860];
	v3 =	vmul.f32 $3.200000000e+01, v5;
	[tilespmem:s22+$0x9820] =	vst v4  }
0x292: {  	v57 =	vld [tilespmem:s13+$0x8400];
	v4 =	vmul.f32 $3.200000000e+01, v6;
	[tilespmem:s22+$0x9870] =	vst v8  }
0x293: {  	v58 =	vld [tilespmem:s13+$0x8410];
	v8 =	vmul.f32 $3.200000000e+01, v9;
	[tilespmem:s22+$0x9830] =	vst v3  }
0x294: {  	v5 =	vld [tilespmem:s13+$0x8420];
	v10 =	vmul.f32 $3.200000000e+01, v10;
	[tilespmem:s22+$0x9850] =	vst v4  }
0x295: {  	v6 =	vld [tilespmem:s13+$0x8430];
	v11 =	vmul.f32 $3.200000000e+01, v11;
	[tilespmem:s22+$0x9C00] =	vst v8  }
0x296: {  	v3 =	vmul.f32 $3.200000000e+01, v7;
	v7 =	vld [tilespmem:s13+$0x8450];
	[tilespmem:s22+$0x9C10] =	vst v10  }
0x297: {  	v4 =	vmul.f32 $3.200000000e+01, v57;
	v10 =	vld [tilespmem:s13+$0x8820];
	[tilespmem:s22+$0x9C20] =	vst v11  }
0x298: {  	v11 =	vld [tilespmem:s13+$0x8830];
	[tilespmem:s22+$0x9860] =	vst v3;
	v3 =	vmul.f32 $3.200000000e+01, v58  }
0x299: {  	[tilespmem:s13+$0x8400] =	vst v4;
	v4 =	vld [tilespmem:s22+$0x9C30];
	v5 =	vmul.f32 $3.200000000e+01, v5  }
0x29a: {  	v6 =	vmul.f32 $3.200000000e+01, v6;
	[tilespmem:s13+$0x8410] =	vst v3;
	v3 =	vld [tilespmem:s22+$0x9C50]  }
0x29b: {  	[tilespmem:s13+$0x8420] =	vst v5;
	v5 =	vld [tilespmem:s22+$0x9C60];
	v7 =	vmul.f32 $3.200000000e+01, v7  }
0x29c: {  	[tilespmem:s13+$0x8430] =	vst v6;
	v6 =	vld [tilespmem:s22+$0x9C70];
	v10 =	vmul.f32 $3.200000000e+01, v10  }
0x29d: {  	v9 =	vld [tilespmem:s13+$0x8800];
	v11 =	vmul.f32 $3.200000000e+01, v11;
	[tilespmem:s13+$0x8450] =	vst v7  }
0x29e: {  	v8 =	vld [tilespmem:s13+$0x8810];
	v4 =	vmul.f32 $3.200000000e+01, v4;
	[tilespmem:s13+$0x8820] =	vst v10  }
0x29f: {  	v7 =	vld [tilespmem:s22+$0x8440];
	[tilespmem:s13+$0x8830] =	vst v11;
	v3 =	vmul.f32 $3.200000000e+01, v3  }
0x2a0: {  	[tilespmem:s22+$0x9C30] =	vst v4;
	v4 =	vld [tilespmem:s13+$0x8850];
	v5 =	vmul.f32 $3.200000000e+01, v5  }
0x2a1: {  	v62 =	vld [tilespmem:s22+$0x8C40];
	v6 =	vmul.f32 $3.200000000e+01, v6;
	[tilespmem:s22+$0x9C50] =	vst v3  }
0x2a2: {  	v3 =	vmul.f32 $3.200000000e+01, v9;
	v9 =	vld [tilespmem:s13+$0x8860];
	[tilespmem:s22+$0x9C60] =	vst v5  }
0x2a3: {  	v10 =	vld [tilespmem:s22+$0x9840];
	v5 =	vmul.f32 $3.200000000e+01, v8;
	[tilespmem:s22+$0x9C70] =	vst v6  }
0x2a4: {  	s16 =	sand.u32 $0x7, s0;
	v8 =	vld [tilespmem:s13+$0x8870];
	v7 =	vmul.f32 $3.200000000e+01, v7;
	[tilespmem:s13+$0x8800] =	vst v3  }
0x2a5: {  	s14 =	sshll.u32 s16, $0x7;
	v3 =	vld [tilespmem:s22+$0x9040];
	[tilespmem:s13+$0x8810] =	vst v5;
	v4 =	vmul.f32 $3.200000000e+01, v4  }
0x2a6: {  	s14 =	sadd.s32 $0x0, s14;
	v12 =	vmul.f32 $3.200000000e+01, v61;
	v5 =	vld [tilespmem:s22+$0x9440];
	[tilespmem:s22+$0x8440] =	vst v7  }
0x2a7: {  	s16 =	sor.u32 $0x1C00, s14;
	v7 =	vld [tilespmem:s13+$0x8C10];
	[tilespmem:s13+$0x8850] =	vst v4;
	v4 =	vmul.f32 $3.200000000e+01, v9  }
0x2a8: {  	v13 =	vmul.f32 $3.200000000e+01, v62;
	v11 =	vld [tilespmem:s16+$0x8400];
	[tilespmem:s22+$0x8840] =	vst v12  }
0x2a9: {  	v8 =	vmul.f32 $3.200000000e+01, v8;
	[tilespmem:s13+$0x8860] =	vst v4;
	v4 =	vld [tilespmem:s22+$0x9C40]  }
0x2aa: {  	[tilespmem:s22+$0x8C40] =	vst v13;
	v3 =	vmul.f32 $3.200000000e+01, v3  }
0x2ab: {  	v5 =	vmul.f32 $3.200000000e+01, v5;
	[tilespmem:s13+$0x8870] =	vst v8  }
0x2ac: {  	v8 =	vmul.f32 $3.200000000e+01, v10;
	[tilespmem:s22+$0x9040] =	vst v3  }
0x2ad: {  	v7 =	vmul.f32 $3.200000000e+01, v7;
	[tilespmem:s22+$0x9440] =	vst v5  }
0x2ae: {  	[tilespmem:s22+$0x9840] =	vst v8;
	v4 =	vmul.f32 $3.200000000e+01, v4  }
0x2af: {  	v6 =	vld [tilespmem:s13+$0x8C00];
	[tilespmem:s13+$0x8C10] =	vst v7;
	v7 =	vmul.f32 $3.200000000e+01, v11  }
0x2b0: {  	[tilespmem:s22+$0x9C40] =	vst v4  }
0x2b1: {  	s19 =	sor.u32 $0x1C10, s14;
	v3 =	vld [tilespmem:s13+$0x8C50];
	[tilespmem:s16+$0x8400] =	vst v7  }
0x2b2: {  	v7 =	vld [tilespmem:s19+$0x8400]  }
0x2b3: {  	v4 =	vld [tilespmem:s13+$0x9000]  }
0x2b4: {  	v5 =	vmul.f32 $3.200000000e+01, v6;
	v6 =	vld [tilespmem:s13+$0x8C60];
	_ =	sdelay $0x1  }
0x2b5: {  	v3 =	vmul.f32 $3.200000000e+01, v3  }
0x2b6: {  	v7 =	vmul.f32 $3.200000000e+01, v7  }
0x2b7: {  	[tilespmem:s13+$0x8C50] =	vst v3;
	v3 =	vld [tilespmem:s13+$0x9030];
	v4 =	vmul.f32 $3.200000000e+01, v4  }
0x2b8: {  	v63 =	vld [tilespmem:s13+$0x8C20];
	s21 =	sor.u32 $0x1C20, s14;
	v6 =	vmul.f32 $3.200000000e+01, v6;
	[tilespmem:s19+$0x8400] =	vst v7  }
0x2b9: {  	[tilespmem:s13+$0x9000] =	vst v4;
	v4 =	vld [tilespmem:s21+$0x8400]  }
0x2ba: {  	[tilespmem:s13+$0x8C60] =	vst v6;
	v6 =	vld [tilespmem:s13+$0x9050];
	_ =	sdelay $0x1  }
0x2bb: {  	v3 =	vmul.f32 $3.200000000e+01, v3  }
0x2bc: {  	[tilespmem:s13+$0x8C00] =	vst v5;
	v5 =	vmul.f32 $3.200000000e+01, v63  }
0x2bd: {  	v9 =	vld [tilespmem:s13+$0x8C30];
	[tilespmem:s13+$0x9030] =	vst v3;
	v3 =	vmul.f32 $3.200000000e+01, v4  }
0x2be: {  	v8 =	vld [tilespmem:s13+$0x8C70];
	[tilespmem:s13+$0x8C20] =	vst v5;
	v6 =	vmul.f32 $3.200000000e+01, v6  }
0x2bf: {  	v5 =	vld [tilespmem:s13+$0x9010];
	s22 =	sor.u32 $0x1C30, s14;
	[tilespmem:s21+$0x8400] =	vst v3  }
0x2c0: {  	[tilespmem:s13+$0x9050] =	vst v6;
	v6 =	vld [tilespmem:s22+$0x8400];
	_ =	sdelay $0x1  }
0x2c1: {  	v9 =	vmul.f32 $3.200000000e+01, v9;
	v7 =	vld [tilespmem:s13+$0x9070]  }
0x2c2: {  	v8 =	vmul.f32 $3.200000000e+01, v8  }
0x2c3: {  	[tilespmem:s13+$0x8C30] =	vst v9;
	v5 =	vmul.f32 $3.200000000e+01, v5  }
0x2c4: {  	v9 =	vld [tilespmem:s13+$0x9020];
	[tilespmem:s13+$0x8C70] =	vst v8;
	v6 =	vmul.f32 $3.200000000e+01, v6  }
0x2c5: {  	v8 =	vld [tilespmem:s13+$0x9060];
	[tilespmem:s13+$0x9010] =	vst v5  }
0x2c6: {  	s23 =	sor.u32 $0x1C40, s14;
	v5 =	vld [tilespmem:s13+$0x9400];
	v7 =	vmul.f32 $3.200000000e+01, v7;
	[tilespmem:s22+$0x8400] =	vst v6  }
0x2c7: {  	v6 =	vld [tilespmem:s23+$0x8400]  }
0x2c8: {  	[tilespmem:s13+$0x9070] =	vst v7;
	v7 =	vld [tilespmem:s13+$0x9460]  }
0x2c9: {  	v9 =	vmul.f32 $3.200000000e+01, v9;
	v3 =	vld [tilespmem:s13+$0x9430]  }
0x2ca: {  	v8 =	vmul.f32 $3.200000000e+01, v8;
	v4 =	vld [tilespmem:s13+$0x9420]  }
0x2cb: {  	[tilespmem:s13+$0x9020] =	vst v9;
	v9 =	vld [tilespmem:s13+$0x9410];
	v5 =	vmul.f32 $3.200000000e+01, v5  }
0x2cc: {  	[tilespmem:s13+$0x9060] =	vst v8;
	v8 =	vld [tilespmem:s13+$0x9450];
	v6 =	vmul.f32 $3.200000000e+01, v6  }
0x2cd: {  	[tilespmem:s13+$0x9400] =	vst v5;
	v5 =	vld [tilespmem:s13+$0x9800];
	v7 =	vmul.f32 $3.200000000e+01, v7  }
0x2ce: {  	s24 =	sor.u32 $0x1C50, s14;
	v10 =	vld [tilespmem:s13+$0x9470];
	v3 =	vmul.f32 $3.200000000e+01, v3;
	[tilespmem:s23+$0x8400] =	vst v6  }
0x2cf: {  	v4 =	vmul.f32 $3.200000000e+01, v4;
	[tilespmem:s13+$0x9460] =	vst v7;
	v7 =	vld [tilespmem:s24+$0x8400]  }
0x2d0: {  	v9 =	vmul.f32 $3.200000000e+01, v9;
	[tilespmem:s13+$0x9430] =	vst v3;
	v3 =	vld [tilespmem:s13+$0x9820]  }
0x2d1: {  	v8 =	vmul.f32 $3.200000000e+01, v8;
	[tilespmem:s13+$0x9420] =	vst v4;
	v4 =	vld [tilespmem:s13+$0x9810]  }
0x2d2: {  	[tilespmem:s13+$0x9410] =	vst v9;
	v5 =	vmul.f32 $3.200000000e+01, v5  }
0x2d3: {  	v9 =	vmul.f32 $3.200000000e+01, v10;
	[tilespmem:s13+$0x9450] =	vst v8;
	v8 =	vld [tilespmem:s13+$0x9830]  }
0x2d4: {  	[tilespmem:s13+$0x9800] =	vst v5;
	v6 =	vld [tilespmem:s13+$0x9850];
	v5 =	vmul.f32 $3.200000000e+01, v7  }
0x2d5: {  	[tilespmem:s13+$0x9470] =	vst v9;
	v9 =	vld [tilespmem:s13+$0x9860];
	v3 =	vmul.f32 $3.200000000e+01, v3  }
0x2d6: {  	v10 =	vld [tilespmem:s13+$0x9870];
	s21 =	sor.u32 $0x1C60, s14;
	v4 =	vmul.f32 $3.200000000e+01, v4;
	[tilespmem:s24+$0x8400] =	vst v5  }
0x2d7: {  	[tilespmem:s13+$0x9820] =	vst v3;
	v3 =	vld [tilespmem:s21+$0x8400]  }
0x2d8: {  	[tilespmem:s13+$0x9810] =	vst v4;
	v4 =	vld [tilespmem:s13+$0x9C00];
	v7 =	vmul.f32 $3.200000000e+01, v8  }
0x2d9: {  	v8 =	vld [tilespmem:s13+$0x9C10];
	v5 =	vmul.f32 $3.200000000e+01, v6  }
0x2da: {  	[tilespmem:s13+$0x9830] =	vst v7;
	v7 =	vld [tilespmem:s13+$0x9C20];
	v6 =	vmul.f32 $3.200000000e+01, v9  }
0x2db: {  	v9 =	vmul.f32 $3.200000000e+01, v10;
	[tilespmem:s13+$0x9850] =	vst v5;
	v5 =	vld [tilespmem:s13+$0x9C30]  }
0x2dc: {  	s15 =	simm.s32 $0x0;
	s16 =	simm.s32 $0xFFFFC400;
	s19 =	simm.s32 $0x100;
	[tilespmem:s13+$0x9860] =	vst v6;
	v6 =	vld [tilespmem:s13+$0x9C50];
	v3 =	vmul.f32 $3.200000000e+01, v3  }
.LBB2_7:
0x2dd: {  	p1 =	sne.s32 s19, $0x780;
	[tilespmem:s13+$0x9870] =	vst v9;
	v4 =	vmul.f32 $3.200000000e+01, v4;
	v9 =	vld [tilespmem:s13+$0x9C60]  }
0x2de: {  	v8 =	vmul.f32 $3.200000000e+01, v8;
	v10 =	vld [tilespmem:s13+$0x9C70];
	[tilespmem:s21+$0x8400] =	vst v3;
	s21 =	sor.u32 $0x1C70, s14  }
0x2df: {  	[tilespmem:s13+$0x9C00] =	vst v4;
	v3 =	vmul.f32 $3.200000000e+01, v7;
	v4 =	vld [tilespmem:s21+$0x8400]  }
0x2e0: {  	v7 =	vld [tilespmem:s13+$0x8440];
	[tilespmem:s13+$0x9C10] =	vst v8;
	v5 =	vmul.f32 $3.200000000e+01, v5  }
0x2e1: {  	v8 =	vld [tilespmem:s13+$0x8840];
	[tilespmem:s13+$0x9C20] =	vst v3;
	v3 =	vmul.f32 $3.200000000e+01, v6  }
0x2e2: {  	s0 =	sadd.s32 $0x1, s0;
	v6 =	vld [tilespmem:s13+$0x8C40];
	[tilespmem:s13+$0x9C30] =	vst v5;
	v5 =	vmul.f32 $3.200000000e+01, v9  }
0x2e3: {  	s14 =	sand.u32 $0x7, s0;
	v9 =	vld [tilespmem:s13+$0x9040];
	[tilespmem:s13+$0x9C50] =	vst v3;
	v3 =	vmul.f32 $3.200000000e+01, v10  }
0x2e4: {  	s16 =	sadd.s32 $0x400, s16;
	s15 =	sadd.s32 $0x400, s15;
	s14 =	sshll.u32 s14, $0x7;
	v10 =	vld [tilespmem:s13+$0x9440];
	[tilespmem:s13+$0x9C60] =	vst v5;
	v4 =	vmul.f32 $3.200000000e+01, v4  }
0x2e5: {  	s22 =	sadd.s32 $0x4000, s16;
	s14 =	sadd.s32 s14, s15;
	v5 =	vmul.f32 $3.200000000e+01, v7;
	v7 =	vld [tilespmem:s13+$0x9840];
	[tilespmem:s13+$0x9C70] =	vst v3  }
0x2e6: {  	s23 =	sand.u32 $0x380, s19;
	s22 =	sand.u32 $0x2000, s22;
	s24 =	sor.u32 $0x1C00, s14;
	v3 =	vmul.f32 $3.200000000e+01, v8;
	v8 =	vld [tilespmem:s13+$0x9C40];
	[tilespmem:s21+$0x8400] =	vst v4  }
0x2e7: {  	s21 =	sor.u32 s23, s22;
	[tilespmem:s13+$0x8440] =	vst v5;
	v4 =	vmul.f32 $3.200000000e+01, v6;
	v5 =	vld [tilespmem:s24+$0x8400]  }
0x2e8: {  	v6 =	vld [tilespmem:s21+$0x8400];
	[tilespmem:s13+$0x8840] =	vst v3;
	v3 =	vmul.f32 $3.200000000e+01, v9  }
0x2e9: {  	v9 =	vld [tilespmem:s21+$0x8410];
	[tilespmem:s13+$0x8C40] =	vst v4;
	v4 =	vmul.f32 $3.200000000e+01, v10  }
0x2ea: {  	v10 =	vld [tilespmem:s21+$0x8420];
	[tilespmem:s13+$0x9040] =	vst v3;
	v3 =	vmul.f32 $3.200000000e+01, v7  }
0x2eb: {  	v7 =	vld [tilespmem:s21+$0x8430];
	[tilespmem:s13+$0x9440] =	vst v4;
	v4 =	vmul.f32 $3.200000000e+01, v8  }
0x2ec: {  	v8 =	vld [tilespmem:s21+$0x8450];
	[tilespmem:s13+$0x9840] =	vst v3;
	v3 =	vmul.f32 $3.200000000e+01, v5  }
0x2ed: {  	v5 =	vmul.f32 $3.200000000e+01, v6;
	v6 =	vld [tilespmem:s21+$0x8460];
	[tilespmem:s13+$0x9C40] =	vst v4;
	s13 =	smov.u32 s21  }
0x2ee: {  	s21 =	sor.u32 $0x1C10, s14;
	v4 =	vmul.f32 $3.200000000e+01, v9;
	v9 =	vld [tilespmem:s13+$0x8470];
	[tilespmem:s24+$0x8400] =	vst v3  }
0x2ef: {  	[tilespmem:s13+$0x8400] =	vst v5;
	v3 =	vmul.f32 $3.200000000e+01, v10;
	v5 =	vld [tilespmem:s21+$0x8400]  }
0x2f0: {  	[tilespmem:s13+$0x8410] =	vst v4;
	v4 =	vmul.f32 $3.200000000e+01, v7;
	v7 =	vld [tilespmem:s13+$0x8800]  }
0x2f1: {  	[tilespmem:s13+$0x8420] =	vst v3;
	v3 =	vmul.f32 $3.200000000e+01, v8;
	v8 =	vld [tilespmem:s13+$0x8810]  }
0x2f2: {  	[tilespmem:s13+$0x8430] =	vst v4;
	v4 =	vmul.f32 $3.200000000e+01, v6;
	v6 =	vld [tilespmem:s13+$0x8820]  }
0x2f3: {  	[tilespmem:s13+$0x8450] =	vst v3;
	v3 =	vmul.f32 $3.200000000e+01, v9;
	v9 =	vld [tilespmem:s13+$0x8830]  }
0x2f4: {  	[tilespmem:s13+$0x8460] =	vst v4;
	v4 =	vld [tilespmem:s13+$0x8850];
	v5 =	vmul.f32 $3.200000000e+01, v5  }
0x2f5: {  	[tilespmem:s13+$0x8470] =	vst v3;
	v3 =	vmul.f32 $3.200000000e+01, v7;
	v7 =	vld [tilespmem:s13+$0x8860]  }
0x2f6: {  	v8 =	vmul.f32 $3.200000000e+01, v8;
	v10 =	vld [tilespmem:s13+$0x8870];
	[tilespmem:s21+$0x8400] =	vst v5;
	s21 =	sor.u32 $0x1C20, s14  }
0x2f7: {  	[tilespmem:s13+$0x8800] =	vst v3;
	v3 =	vmul.f32 $3.200000000e+01, v6;
	v5 =	vld [tilespmem:s21+$0x8400]  }
0x2f8: {  	[tilespmem:s13+$0x8810] =	vst v8;
	v6 =	vmul.f32 $3.200000000e+01, v9;
	v8 =	vld [tilespmem:s13+$0x8C00]  }
0x2f9: {  	[tilespmem:s13+$0x8820] =	vst v3;
	v3 =	vmul.f32 $3.200000000e+01, v4;
	v4 =	vld [tilespmem:s13+$0x8C10]  }
0x2fa: {  	[tilespmem:s13+$0x8830] =	vst v6;
	v6 =	vmul.f32 $3.200000000e+01, v7;
	v7 =	vld [tilespmem:s13+$0x8C20]  }
0x2fb: {  	[tilespmem:s13+$0x8850] =	vst v3;
	v3 =	vmul.f32 $3.200000000e+01, v10;
	v9 =	vld [tilespmem:s13+$0x8C30]  }
0x2fc: {  	[tilespmem:s13+$0x8860] =	vst v6;
	v6 =	vld [tilespmem:s13+$0x8C50];
	v5 =	vmul.f32 $3.200000000e+01, v5  }
0x2fd: {  	[tilespmem:s13+$0x8870] =	vst v3;
	v3 =	vmul.f32 $3.200000000e+01, v8;
	v8 =	vld [tilespmem:s13+$0x8C60]  }
0x2fe: {  	v4 =	vmul.f32 $3.200000000e+01, v4;
	v10 =	vld [tilespmem:s13+$0x8C70];
	[tilespmem:s21+$0x8400] =	vst v5;
	s21 =	sor.u32 $0x1C30, s14  }
0x2ff: {  	[tilespmem:s13+$0x8C00] =	vst v3;
	v3 =	vmul.f32 $3.200000000e+01, v7;
	v5 =	vld [tilespmem:s21+$0x8400]  }
0x300: {  	[tilespmem:s13+$0x8C10] =	vst v4;
	v4 =	vmul.f32 $3.200000000e+01, v9;
	v7 =	vld [tilespmem:s13+$0x9000]  }
0x301: {  	[tilespmem:s13+$0x8C20] =	vst v3;
	v3 =	vmul.f32 $3.200000000e+01, v6;
	v6 =	vld [tilespmem:s13+$0x9010]  }
0x302: {  	[tilespmem:s13+$0x8C30] =	vst v4;
	v4 =	vmul.f32 $3.200000000e+01, v8;
	v8 =	vld [tilespmem:s13+$0x9020]  }
0x303: {  	[tilespmem:s13+$0x8C50] =	vst v3;
	v3 =	vmul.f32 $3.200000000e+01, v10;
	v9 =	vld [tilespmem:s13+$0x9030]  }
0x304: {  	[tilespmem:s13+$0x8C60] =	vst v4;
	v4 =	vld [tilespmem:s13+$0x9050];
	v5 =	vmul.f32 $3.200000000e+01, v5  }
0x305: {  	[tilespmem:s13+$0x8C70] =	vst v3;
	v3 =	vmul.f32 $3.200000000e+01, v7;
	v7 =	vld [tilespmem:s13+$0x9060]  }
0x306: {  	v6 =	vmul.f32 $3.200000000e+01, v6;
	v10 =	vld [tilespmem:s13+$0x9070];
	[tilespmem:s21+$0x8400] =	vst v5;
	s21 =	sor.u32 $0x1C40, s14  }
0x307: {  	[tilespmem:s13+$0x9000] =	vst v3;
	v3 =	vmul.f32 $3.200000000e+01, v8;
	v5 =	vld [tilespmem:s21+$0x8400]  }
0x308: {  	[tilespmem:s13+$0x9010] =	vst v6;
	v6 =	vmul.f32 $3.200000000e+01, v9;
	v8 =	vld [tilespmem:s13+$0x9400]  }
0x309: {  	[tilespmem:s13+$0x9020] =	vst v3;
	v3 =	vmul.f32 $3.200000000e+01, v4;
	v4 =	vld [tilespmem:s13+$0x9410]  }
0x30a: {  	[tilespmem:s13+$0x9030] =	vst v6;
	v6 =	vmul.f32 $3.200000000e+01, v7;
	v7 =	vld [tilespmem:s13+$0x9420]  }
0x30b: {  	[tilespmem:s13+$0x9050] =	vst v3;
	v3 =	vmul.f32 $3.200000000e+01, v10;
	v9 =	vld [tilespmem:s13+$0x9430]  }
0x30c: {  	[tilespmem:s13+$0x9060] =	vst v6;
	v6 =	vld [tilespmem:s13+$0x9450];
	v5 =	vmul.f32 $3.200000000e+01, v5  }
0x30d: {  	[tilespmem:s13+$0x9070] =	vst v3;
	v3 =	vmul.f32 $3.200000000e+01, v8;
	v8 =	vld [tilespmem:s13+$0x9460]  }
0x30e: {  	v4 =	vmul.f32 $3.200000000e+01, v4;
	v10 =	vld [tilespmem:s13+$0x9470];
	[tilespmem:s21+$0x8400] =	vst v5;
	s21 =	sor.u32 $0x1C50, s14  }
0x30f: {  	[tilespmem:s13+$0x9400] =	vst v3;
	v3 =	vmul.f32 $3.200000000e+01, v7;
	v5 =	vld [tilespmem:s21+$0x8400]  }
0x310: {  	[tilespmem:s13+$0x9410] =	vst v4;
	v4 =	vmul.f32 $3.200000000e+01, v9;
	v7 =	vld [tilespmem:s13+$0x9800]  }
0x311: {  	[tilespmem:s13+$0x9420] =	vst v3;
	v3 =	vmul.f32 $3.200000000e+01, v6;
	v6 =	vld [tilespmem:s13+$0x9810]  }
0x312: {  	[tilespmem:s13+$0x9430] =	vst v4;
	v4 =	vmul.f32 $3.200000000e+01, v8;
	v8 =	vld [tilespmem:s13+$0x9820]  }
0x313: {  	[tilespmem:s13+$0x9450] =	vst v3;
	v3 =	vmul.f32 $3.200000000e+01, v10;
	v9 =	vld [tilespmem:s13+$0x9830]  }
0x314: {  	[tilespmem:s13+$0x9460] =	vst v4;
	v10 =	vld [tilespmem:s13+$0x9850];
	v4 =	vmul.f32 $3.200000000e+01, v5  }
0x315: {  	[tilespmem:s13+$0x9470] =	vst v3;
	v3 =	vmul.f32 $3.200000000e+01, v7;
	v5 =	vld [tilespmem:s13+$0x9860]  }
0x316: {  	v6 =	vmul.f32 $3.200000000e+01, v6;
	v11 =	vld [tilespmem:s13+$0x9870];
	[tilespmem:s21+$0x8400] =	vst v4;
	s21 =	sor.u32 $0x1C60, s14  }
0x317: {  	[tilespmem:s13+$0x9800] =	vst v3;
	v3 =	vmul.f32 $3.200000000e+01, v8;
	v12 =	vld [tilespmem:s21+$0x8400]  }
.Ltmp2:
0x318: {  	[tilespmem:s13+$0x9810] =	vst v6;
	v6 =	vmul.f32 $3.200000000e+01, v9;
	v4 =	vld [tilespmem:s13+$0x9C00];
	(pc) =	sbr.rel @p1 .LBB2_7-.Ltmp2, $4  }
0x319: {  	[tilespmem:s13+$0x9820] =	vst v3;
	v3 =	vmul.f32 $3.200000000e+01, v10;
	v8 =	vld [tilespmem:s13+$0x9C10]  }
0x31a: {  	[tilespmem:s13+$0x9830] =	vst v6;
	v6 =	vmul.f32 $3.200000000e+01, v5;
	v7 =	vld [tilespmem:s13+$0x9C20]  }
0x31b: {  	[tilespmem:s13+$0x9850] =	vst v3;
	v9 =	vmul.f32 $3.200000000e+01, v11;
	v5 =	vld [tilespmem:s13+$0x9C30]  }
0x31c: {  	s19 =	sadd.s32 $0x80, s19;
	[tilespmem:s13+$0x9860] =	vst v6;
	v6 =	vld [tilespmem:s13+$0x9C50];
	v3 =	vmul.f32 $3.200000000e+01, v12  }
0x31d: {  	[tilespmem:s13+$0x9870] =	vst v9;
	v4 =	vmul.f32 $3.200000000e+01, v4;
	v9 =	vld [tilespmem:s13+$0x9C60]  }
0x31e: {  	v10 =	vld [tilespmem:s13+$0x9C70];
	v8 =	vmul.f32 $3.200000000e+01, v8  }
0x31f: {  	[tilespmem:s13+$0x9C00] =	vst v4;
	v4 =	vld [tilespmem:s13+$0x8440];
	v7 =	vmul.f32 $3.200000000e+01, v7  }
0x320: {  	[tilespmem:s13+$0x9C10] =	vst v8;
	v5 =	vmul.f32 $3.200000000e+01, v5  }
0x321: {  	v8 =	vld [tilespmem:s13+$0x8840];
	[tilespmem:s13+$0x9C20] =	vst v7;
	v6 =	vmul.f32 $3.200000000e+01, v6  }
0x322: {  	s0 =	sadd.s32 $0x1, s0;
	v7 =	vld [tilespmem:s13+$0x8C40];
	[tilespmem:s13+$0x9C30] =	vst v5;
	v9 =	vmul.f32 $3.200000000e+01, v9  }
0x323: {  	s0 =	sand.u32 $0x7, s0;
	v5 =	vld [tilespmem:s13+$0x9040];
	v10 =	vmul.f32 $3.200000000e+01, v10;
	[tilespmem:s13+$0x9C50] =	vst v6  }
0x324: {  	s15 =	sadd.s32 $0x400, s15;
	s0 =	sshll.u32 s0, $0x7;
	v6 =	vld [tilespmem:s13+$0x9440];
	[tilespmem:s13+$0x9C60] =	vst v9;
	v4 =	vmul.f32 $3.200000000e+01, v4  }
0x325: {  	s0 =	sadd.s32 s0, s15;
	v9 =	vld [tilespmem:s13+$0x9840];
	[tilespmem:s13+$0x9C70] =	vst v10  }
0x326: {  	s15 =	sor.u32 $0x1C00, s0;
	v10 =	vld [tilespmem:s13+$0x9C40];
	v8 =	vmul.f32 $3.200000000e+01, v8;
	[tilespmem:s13+$0x8440] =	vst v4  }
0x327: {  	v4 =	vmul.f32 $3.200000000e+01, v7;
	v7 =	vld [tilespmem:s15+$0x8400]  }
0x328: {  	[tilespmem:s13+$0x8840] =	vst v8;
	v5 =	vmul.f32 $3.200000000e+01, v5  }
0x329: {  	[tilespmem:s13+$0x8C40] =	vst v4;
	v4 =	vmul.f32 $3.200000000e+01, v6  }
0x32a: {  	[tilespmem:s13+$0x9040] =	vst v5;
	v5 =	vmul.f32 $3.200000000e+01, v9  }
0x32b: {  	[tilespmem:s13+$0x9440] =	vst v4;
	v4 =	vmul.f32 $3.200000000e+01, v10  }
0x32c: {  	[tilespmem:s13+$0x9840] =	vst v5;
	v5 =	vmul.f32 $3.200000000e+01, v7  }
0x32d: {  	[tilespmem:s13+$0x9C40] =	vst v4  }
0x32e: {  	s19 =	sor.u32 $0x1C10, s0;
	[tilespmem:s15+$0x8400] =	vst v5  }
0x32f: {  	v4 =	vld [tilespmem:s19+$0x8400];
	_ =	sdelay $0x4  }
0x330: {  	v4 =	vmul.f32 $3.200000000e+01, v4;
	_ =	sdelay $0x1  }
0x331: {  	s22 =	sor.u32 $0x1C20, s0;
	[tilespmem:s19+$0x8400] =	vst v4  }
0x332: {  	v4 =	vld [tilespmem:s22+$0x8400];
	_ =	sdelay $0x4  }
0x333: {  	v4 =	vmul.f32 $3.200000000e+01, v4;
	_ =	sdelay $0x1  }
0x334: {  	s23 =	sor.u32 $0x1C30, s0;
	[tilespmem:s22+$0x8400] =	vst v4  }
0x335: {  	v4 =	vld [tilespmem:s23+$0x8400];
	_ =	sdelay $0x4  }
0x336: {  	v4 =	vmul.f32 $3.200000000e+01, v4;
	_ =	sdelay $0x1  }
0x337: {  	s24 =	sor.u32 $0x1C40, s0;
	[tilespmem:s23+$0x8400] =	vst v4  }
0x338: {  	v4 =	vld [tilespmem:s24+$0x8400];
	_ =	sdelay $0x4  }
0x339: {  	v4 =	vmul.f32 $3.200000000e+01, v4;
	_ =	sdelay $0x1  }
0x33a: {  	s15 =	sor.u32 $0x1C50, s0;
	[tilespmem:s24+$0x8400] =	vst v4  }
0x33b: {  	v4 =	vld [tilespmem:s15+$0x8400];
	_ =	sdelay $0x4  }
0x33c: {  	v4 =	vmul.f32 $3.200000000e+01, v4;
	_ =	sdelay $0x1  }
0x33d: {  	s16 =	sor.u32 $0x1C60, s0;
	[tilespmem:s15+$0x8400] =	vst v4  }
0x33e: {  	v4 =	vld [tilespmem:s16+$0x8400];
	_ =	sdelay $0x4  }
0x33f: {  	v4 =	vmul.f32 $3.200000000e+01, v4  }
0x340: {  	s14 =	sor.u32 $0x1C70, s14;
	[tilespmem:s21+$0x8400] =	vst v3  }
0x341: {  	v3 =	vld [tilespmem:s14+$0x8400];
	s0 =	sor.u32 $0x1C70, s0;
	[tilespmem:s16+$0x8400] =	vst v4  }
0x342: {  	v4 =	vld [tilespmem:s0+$0x8400];
	_ =	sdelay $0x3  }
0x343: {  	v3 =	vmul.f32 $3.200000000e+01, v3  }
0x344: {  	v4 =	vmul.f32 $3.200000000e+01, v4  }
0x345: {  	[tilespmem:s14+$0x8400] =	vst v3;
	s19 =	sshll.u32 s31, $0xB  }
0x346: {  	s21 =	sadd.s32 s19, s7;
	[tilespmem:s0+$0x8400] =	vst v4  }
0x347: {  	[hbm4b:s21+s3] =	stream.linear.scatter [tilespmem:s30], [sflag:$0x7], $0x4000, $0x38;
	[tilespmem:$0x10400] =	vst v63  }
0x348: {  	_ =	swait.ge [sflag:s4], $0x4000  }
0x349: {  	[sflag:s4] =	ssyncset.done $0x0  }
0x34a: {  	s0 =	simm.s32 @!p0 $0x6;
	[sflag:s4] =	ssyncadd.s32 $0xFFFFC000  }
0x34b: {  	_ =	swait.ge @!p0 [sflag:s0], $0x4000  }
0x34c: {  	[sflag:s0] =	ssyncset.done @!p0 $0x0  }
0x34d: {  	[sflag:s0] =	ssyncadd.s32 @!p0 $0xFFFFC000  }
0x34e: {  	v3 =	vld @!p0 [tilespmem:s1+$0x50];
	_ =	sdelay $0x4  }
0x34f: {  	v4 =	vshll.u32 @!p0 v3, $0x3  }
0x350: {  	v5 =	vlaneseq.u32 @!p0;
	v3 =	vand.u32 @!p0 $0x7, v3;
	v4 =	vand.u32 @!p0 $0xFFFFFFC0, v4  }
0x351: {  	v6 =	vshrl.u32 @!p0 v5, $0x3;
	v3 =	vor.u32 @!p0 v3, v4;
	v4 =	vand.u32 @!p0 $0x7, v5  }
0x352: {  	v6 =	vmul.u32 @!p0 $0x8, v6;
	v4 =	vperm.xlane @!p0 v3, v4;
	_ =	sdelay $0x1  }
0x353: {  	v4 =	vadd.s32 @!p0 v6, v4;
	_ =	sdelay $0x3  }
0x354: {  	s0 =	simm.s32 @!p0 $0x0;
	s1 =	simm.s32 @!p0 $0x4400  }
0x355: {  	v5 =	vor.u32 @!p0 $0x8, v5;
	[tilespmem:s1], [sflag:$0x2] =	stream.indirect_vreg.gather @!p0 [hbm4b:s2+s0], $0x80, v4, vm1, $0xb8;
	[tilespmem:$0x10400] =	vst v63  }
0x356: {  	v3 =	vperm.xlane @!p0 v3, v5;
	s1 =	simm.s32 @!p0 $0x4C00  }
0x357: {  	[tilespmem:s1], [sflag:$0x2] =	stream.indirect_vreg.gather @!p0 [hbm4b:s5+s0], $0x80, v4, vm1, $0xb8;
	[tilespmem:$0x10400] =	vst v63  }
0x358: {  	v3 =	vadd.s32 @!p0 v6, v3;
	s1 =	simm.s32 @!p0 $0x5400  }
0x359: {  	[tilespmem:s1], [sflag:$0x2] =	stream.indirect_vreg.gather @!p0 [hbm4b:s6+s0], $0x80, v4, vm1, $0xb8;
	[tilespmem:$0x10400] =	vst v63  }
0x35a: {  	s1 =	simm.s32 @!p0 $0x5C00  }
0x35b: {  	[tilespmem:s1], [sflag:$0x2] =	stream.indirect_vreg.gather @!p0 [hbm4b:s8+s0], $0x80, v4, vm1, $0xb8;
	[tilespmem:$0x10400] =	vst v63  }
0x35c: {  	s1 =	simm.s32 @!p0 $0x6400  }
0x35d: {  	[tilespmem:s1], [sflag:$0x2] =	stream.indirect_vreg.gather @!p0 [hbm4b:s2+s0], $0x80, v3, vm1, $0xb8;
	[tilespmem:$0x10400] =	vst v63  }
0x35e: {  	s1 =	simm.s32 @!p0 $0x6C00  }
0x35f: {  	[tilespmem:s1], [sflag:$0x2] =	stream.indirect_vreg.gather @!p0 [hbm4b:s5+s0], $0x80, v3, vm1, $0xb8;
	[tilespmem:$0x10400] =	vst v63  }
0x360: {  	s1 =	simm.s32 @!p0 $0x7400  }
0x361: {  	[tilespmem:s1], [sflag:$0x2] =	stream.indirect_vreg.gather @!p0 [hbm4b:s6+s0], $0x80, v3, vm1, $0xb8;
	[tilespmem:$0x10400] =	vst v63  }
0x362: {  	s1 =	simm.s32 @!p0 $0x7C00  }
0x363: {  	[tilespmem:s1], [sflag:$0x2] =	stream.indirect_vreg.gather @!p0 [hbm4b:s8+s0], $0x80, v3, vm1, $0xb8;
	[tilespmem:$0x10400] =	vst v63  }
0x364: {  	s22 =	simm.s32 $0x0;
	s0 =	simm.s32 $0x0  }
0x365: {  	s1 =	sand.u32 $0x2000, s22;
	s23 =	sand.u32 $0x380, s0  }
0x366: {  	s24 =	sor.u32 s23, s1  }
0x367: {  	v3 =	vld [tilespmem:s24+$0xC400]  }
0x368: {  	v4 =	vld [tilespmem:s24+$0xC410]  }
0x369: {  	v5 =	vld [tilespmem:s24+$0xC420]  }
0x36a: {  	v6 =	vld [tilespmem:s24+$0xC430]  }
0x36b: {  	v7 =	vld [tilespmem:s24+$0xC450]  }
0x36c: {  	v8 =	vld [tilespmem:s24+$0xC460]  }
0x36d: {  	v9 =	vld [tilespmem:s24+$0xC470];
	v3 =	vmul.f32 $3.200000000e+01, v3  }
0x36e: {  	v10 =	vld [tilespmem:s24+$0xC800];
	v4 =	vmul.f32 $3.200000000e+01, v4  }
0x36f: {  	s31 =	simm.s32 $0x80;
	s15 =	simm.s32 $0x400;
	v11 =	vld [tilespmem:s24+$0xC810];
	[tilespmem:s24+$0xC400] =	vst v3;
	v3 =	vmul.f32 $3.200000000e+01, v5  }
0x370: {  	s13 =	sand.u32 $0x2000, s15;
	s1 =	sand.u32 $0x380, s31;
	v12 =	vld [tilespmem:s24+$0xC820];
	[tilespmem:s24+$0xC410] =	vst v4;
	v4 =	vmul.f32 $3.200000000e+01, v6  }
0x371: {  	v13 =	vld [tilespmem:s24+$0xC830];
	s1 =	sor.u32 s1, s13;
	[tilespmem:s24+$0xC420] =	vst v3;
	v3 =	vmul.f32 $3.200000000e+01, v7  }
0x372: {  	v59 =	vld [tilespmem:s1+$0xC460];
	[tilespmem:s24+$0xC430] =	vst v4;
	v4 =	vmul.f32 $3.200000000e+01, v8  }
0x373: {  	v51 =	vld [tilespmem:s24+$0xCC50];
	[tilespmem:s24+$0xC450] =	vst v3;
	v3 =	vmul.f32 $3.200000000e+01, v9  }
0x374: {  	v5 =	vld [tilespmem:s24+$0xC850];
	[tilespmem:s24+$0xC460] =	vst v4;
	v4 =	vmul.f32 $3.200000000e+01, v10  }
0x375: {  	v60 =	vld [tilespmem:s1+$0xC470];
	[tilespmem:s24+$0xC470] =	vst v3;
	v3 =	vmul.f32 $3.200000000e+01, v11  }
0x376: {  	v6 =	vld [tilespmem:s24+$0xC860];
	[tilespmem:s24+$0xC800] =	vst v4;
	v4 =	vmul.f32 $3.200000000e+01, v12  }
0x377: {  	v7 =	vld [tilespmem:s24+$0xC870];
	v12 =	vmul.f32 $3.200000000e+01, v59;
	[tilespmem:s24+$0xC810] =	vst v3  }
0x378: {  	v8 =	vld [tilespmem:s24+$0xCC00];
	v3 =	vmul.f32 $3.200000000e+01, v13;
	[tilespmem:s24+$0xC820] =	vst v4  }
0x379: {  	v9 =	vld [tilespmem:s24+$0xCC10];
	v4 =	vmul.f32 $3.200000000e+01, v5;
	[tilespmem:s1+$0xC460] =	vst v12  }
0x37a: {  	v10 =	vld [tilespmem:s24+$0xCC20];
	v13 =	vmul.f32 $3.200000000e+01, v60;
	[tilespmem:s24+$0xC830] =	vst v3  }
0x37b: {  	v11 =	vld [tilespmem:s24+$0xCC30];
	v3 =	vmul.f32 $3.200000000e+01, v6;
	[tilespmem:s24+$0xC850] =	vst v4  }
0x37c: {  	v52 =	vld [tilespmem:s24+$0xCC60];
	v4 =	vmul.f32 $3.200000000e+01, v7;
	[tilespmem:s1+$0xC470] =	vst v13  }
0x37d: {  	v53 =	vld [tilespmem:s24+$0xD070];
	[tilespmem:s24+$0xC860] =	vst v3;
	v3 =	vmul.f32 $3.200000000e+01, v8  }
0x37e: {  	v5 =	vld [tilespmem:s24+$0xCC70];
	[tilespmem:s24+$0xC870] =	vst v4;
	v4 =	vmul.f32 $3.200000000e+01, v9  }
0x37f: {  	v6 =	vld [tilespmem:s24+$0xD000];
	[tilespmem:s24+$0xCC00] =	vst v3;
	v3 =	vmul.f32 $3.200000000e+01, v10  }
0x380: {  	v7 =	vld [tilespmem:s24+$0xD010];
	[tilespmem:s24+$0xCC10] =	vst v4;
	v4 =	vmul.f32 $3.200000000e+01, v11  }
0x381: {  	v8 =	vld [tilespmem:s24+$0xD020];
	[tilespmem:s24+$0xCC20] =	vst v3;
	v3 =	vmul.f32 $3.200000000e+01, v51  }
0x382: {  	v9 =	vld [tilespmem:s24+$0xD030];
	[tilespmem:s24+$0xCC30] =	vst v4;
	v4 =	vmul.f32 $3.200000000e+01, v52  }
0x383: {  	v10 =	vld [tilespmem:s24+$0xD050];
	[tilespmem:s24+$0xCC50] =	vst v3;
	v3 =	vmul.f32 $3.200000000e+01, v5  }
0x384: {  	v11 =	vld [tilespmem:s24+$0xD060];
	[tilespmem:s24+$0xCC60] =	vst v4;
	v4 =	vmul.f32 $3.200000000e+01, v6  }
0x385: {  	v54 =	vld [tilespmem:s24+$0xD400];
	[tilespmem:s24+$0xCC70] =	vst v3;
	v3 =	vmul.f32 $3.200000000e+01, v7  }
0x386: {  	v55 =	vld [tilespmem:s24+$0xD810];
	[tilespmem:s24+$0xD000] =	vst v4;
	v4 =	vmul.f32 $3.200000000e+01, v8  }
0x387: {  	v5 =	vld [tilespmem:s24+$0xD410];
	[tilespmem:s24+$0xD010] =	vst v3;
	v3 =	vmul.f32 $3.200000000e+01, v9  }
0x388: {  	v6 =	vld [tilespmem:s24+$0xD420];
	[tilespmem:s24+$0xD020] =	vst v4;
	v4 =	vmul.f32 $3.200000000e+01, v10  }
0x389: {  	v7 =	vld [tilespmem:s24+$0xD430];
	[tilespmem:s24+$0xD030] =	vst v3;
	v3 =	vmul.f32 $3.200000000e+01, v11  }
0x38a: {  	v8 =	vld [tilespmem:s24+$0xD450];
	[tilespmem:s24+$0xD050] =	vst v4;
	v4 =	vmul.f32 $3.200000000e+01, v53  }
0x38b: {  	v9 =	vld [tilespmem:s24+$0xD460];
	[tilespmem:s24+$0xD060] =	vst v3;
	v3 =	vmul.f32 $3.200000000e+01, v54  }
0x38c: {  	v10 =	vld [tilespmem:s24+$0xD470];
	[tilespmem:s24+$0xD070] =	vst v4;
	v4 =	vmul.f32 $3.200000000e+01, v5  }
0x38d: {  	v11 =	vld [tilespmem:s24+$0xD800];
	[tilespmem:s24+$0xD400] =	vst v3;
	v3 =	vmul.f32 $3.200000000e+01, v6  }
0x38e: {  	v56 =	vld [tilespmem:s24+$0xD820];
	[tilespmem:s24+$0xD410] =	vst v4;
	v4 =	vmul.f32 $3.200000000e+01, v7  }
0x38f: {  	v61 =	vld [tilespmem:s24+$0xC840];
	[tilespmem:s24+$0xD420] =	vst v3;
	v3 =	vmul.f32 $3.200000000e+01, v8  }
0x390: {  	v8 =	vld [tilespmem:s24+$0xD870];
	[tilespmem:s24+$0xD430] =	vst v4;
	v4 =	vmul.f32 $3.200000000e+01, v9  }
0x391: {  	v5 =	vld [tilespmem:s24+$0xD830];
	[tilespmem:s24+$0xD450] =	vst v3;
	v3 =	vmul.f32 $3.200000000e+01, v10  }
0x392: {  	v6 =	vld [tilespmem:s24+$0xD850];
	[tilespmem:s24+$0xD460] =	vst v4;
	v4 =	vmul.f32 $3.200000000e+01, v11  }
0x393: {  	v9 =	vld [tilespmem:s24+$0xDC00];
	[tilespmem:s24+$0xD470] =	vst v3;
	v3 =	vmul.f32 $3.200000000e+01, v55  }
0x394: {  	v10 =	vld [tilespmem:s24+$0xDC10];
	[tilespmem:s24+$0xD800] =	vst v4;
	v4 =	vmul.f32 $3.200000000e+01, v56  }
0x395: {  	v11 =	vld [tilespmem:s24+$0xDC20];
	v8 =	vmul.f32 $3.200000000e+01, v8;
	[tilespmem:s24+$0xD810] =	vst v3  }
0x396: {  	v7 =	vld [tilespmem:s24+$0xD860];
	v3 =	vmul.f32 $3.200000000e+01, v5;
	[tilespmem:s24+$0xD820] =	vst v4  }
0x397: {  	v57 =	vld [tilespmem:s1+$0xC400];
	v4 =	vmul.f32 $3.200000000e+01, v6;
	[tilespmem:s24+$0xD870] =	vst v8  }
0x398: {  	v58 =	vld [tilespmem:s1+$0xC410];
	v8 =	vmul.f32 $3.200000000e+01, v9;
	[tilespmem:s24+$0xD830] =	vst v3  }
0x399: {  	v5 =	vld [tilespmem:s1+$0xC420];
	v10 =	vmul.f32 $3.200000000e+01, v10;
	[tilespmem:s24+$0xD850] =	vst v4  }
0x39a: {  	v6 =	vld [tilespmem:s1+$0xC430];
	v11 =	vmul.f32 $3.200000000e+01, v11;
	[tilespmem:s24+$0xDC00] =	vst v8  }
0x39b: {  	v3 =	vmul.f32 $3.200000000e+01, v7;
	v7 =	vld [tilespmem:s1+$0xC450];
	[tilespmem:s24+$0xDC10] =	vst v10  }
0x39c: {  	v4 =	vmul.f32 $3.200000000e+01, v57;
	v10 =	vld [tilespmem:s1+$0xC820];
	[tilespmem:s24+$0xDC20] =	vst v11  }
0x39d: {  	v11 =	vld [tilespmem:s1+$0xC830];
	[tilespmem:s24+$0xD860] =	vst v3;
	v3 =	vmul.f32 $3.200000000e+01, v58  }
0x39e: {  	[tilespmem:s1+$0xC400] =	vst v4;
	v4 =	vld [tilespmem:s24+$0xDC30];
	v5 =	vmul.f32 $3.200000000e+01, v5  }
0x39f: {  	v6 =	vmul.f32 $3.200000000e+01, v6;
	[tilespmem:s1+$0xC410] =	vst v3;
	v3 =	vld [tilespmem:s24+$0xDC50]  }
0x3a0: {  	[tilespmem:s1+$0xC420] =	vst v5;
	v5 =	vld [tilespmem:s24+$0xDC60];
	v7 =	vmul.f32 $3.200000000e+01, v7  }
0x3a1: {  	[tilespmem:s1+$0xC430] =	vst v6;
	v6 =	vld [tilespmem:s24+$0xDC70];
	v10 =	vmul.f32 $3.200000000e+01, v10  }
0x3a2: {  	v9 =	vld [tilespmem:s1+$0xC800];
	v11 =	vmul.f32 $3.200000000e+01, v11;
	[tilespmem:s1+$0xC450] =	vst v7  }
0x3a3: {  	v8 =	vld [tilespmem:s1+$0xC810];
	v4 =	vmul.f32 $3.200000000e+01, v4;
	[tilespmem:s1+$0xC820] =	vst v10  }
0x3a4: {  	v7 =	vld [tilespmem:s24+$0xC440];
	[tilespmem:s1+$0xC830] =	vst v11;
	v3 =	vmul.f32 $3.200000000e+01, v3  }
0x3a5: {  	[tilespmem:s24+$0xDC30] =	vst v4;
	v4 =	vld [tilespmem:s1+$0xC850];
	v5 =	vmul.f32 $3.200000000e+01, v5  }
0x3a6: {  	v62 =	vld [tilespmem:s24+$0xCC40];
	v6 =	vmul.f32 $3.200000000e+01, v6;
	[tilespmem:s24+$0xDC50] =	vst v3  }
0x3a7: {  	v3 =	vmul.f32 $3.200000000e+01, v9;
	v9 =	vld [tilespmem:s1+$0xC860];
	[tilespmem:s24+$0xDC60] =	vst v5  }
0x3a8: {  	v10 =	vld [tilespmem:s24+$0xD840];
	v5 =	vmul.f32 $3.200000000e+01, v8;
	[tilespmem:s24+$0xDC70] =	vst v6  }
0x3a9: {  	s16 =	sand.u32 $0x7, s0;
	v8 =	vld [tilespmem:s1+$0xC870];
	v7 =	vmul.f32 $3.200000000e+01, v7;
	[tilespmem:s1+$0xC800] =	vst v3  }
0x3aa: {  	s13 =	sshll.u32 s16, $0x7;
	v3 =	vld [tilespmem:s24+$0xD040];
	[tilespmem:s1+$0xC810] =	vst v5;
	v4 =	vmul.f32 $3.200000000e+01, v4  }
0x3ab: {  	s13 =	sadd.s32 $0x0, s13;
	v12 =	vmul.f32 $3.200000000e+01, v61;
	v5 =	vld [tilespmem:s24+$0xD440];
	[tilespmem:s24+$0xC440] =	vst v7  }
0x3ac: {  	s19 =	sor.u32 $0x1C00, s13;
	v7 =	vld [tilespmem:s1+$0xCC10];
	[tilespmem:s1+$0xC850] =	vst v4;
	v4 =	vmul.f32 $3.200000000e+01, v9  }
0x3ad: {  	v13 =	vmul.f32 $3.200000000e+01, v62;
	v11 =	vld [tilespmem:s19+$0xC400];
	[tilespmem:s24+$0xC840] =	vst v12  }
0x3ae: {  	v8 =	vmul.f32 $3.200000000e+01, v8;
	[tilespmem:s1+$0xC860] =	vst v4;
	v4 =	vld [tilespmem:s24+$0xDC40]  }
0x3af: {  	[tilespmem:s24+$0xCC40] =	vst v13;
	v3 =	vmul.f32 $3.200000000e+01, v3  }
0x3b0: {  	v5 =	vmul.f32 $3.200000000e+01, v5;
	[tilespmem:s1+$0xC870] =	vst v8  }
0x3b1: {  	v8 =	vmul.f32 $3.200000000e+01, v10;
	[tilespmem:s24+$0xD040] =	vst v3  }
0x3b2: {  	v7 =	vmul.f32 $3.200000000e+01, v7;
	[tilespmem:s24+$0xD440] =	vst v5  }
0x3b3: {  	[tilespmem:s24+$0xD840] =	vst v8;
	v4 =	vmul.f32 $3.200000000e+01, v4  }
0x3b4: {  	v6 =	vld [tilespmem:s1+$0xCC00];
	[tilespmem:s1+$0xCC10] =	vst v7;
	v7 =	vmul.f32 $3.200000000e+01, v11  }
0x3b5: {  	[tilespmem:s24+$0xDC40] =	vst v4  }
0x3b6: {  	s21 =	sor.u32 $0x1C10, s13;
	v3 =	vld [tilespmem:s1+$0xCC50];
	[tilespmem:s19+$0xC400] =	vst v7  }
0x3b7: {  	v7 =	vld [tilespmem:s21+$0xC400]  }
0x3b8: {  	v4 =	vld [tilespmem:s1+$0xD000]  }
0x3b9: {  	v5 =	vmul.f32 $3.200000000e+01, v6;
	v6 =	vld [tilespmem:s1+$0xCC60];
	_ =	sdelay $0x1  }
0x3ba: {  	v3 =	vmul.f32 $3.200000000e+01, v3  }
0x3bb: {  	v7 =	vmul.f32 $3.200000000e+01, v7  }
0x3bc: {  	[tilespmem:s1+$0xCC50] =	vst v3;
	v3 =	vld [tilespmem:s1+$0xD030];
	v4 =	vmul.f32 $3.200000000e+01, v4  }
0x3bd: {  	v63 =	vld [tilespmem:s1+$0xCC20];
	s22 =	sor.u32 $0x1C20, s13;
	v6 =	vmul.f32 $3.200000000e+01, v6;
	[tilespmem:s21+$0xC400] =	vst v7  }
0x3be: {  	[tilespmem:s1+$0xD000] =	vst v4;
	v4 =	vld [tilespmem:s22+$0xC400]  }
0x3bf: {  	[tilespmem:s1+$0xCC60] =	vst v6;
	v6 =	vld [tilespmem:s1+$0xD050];
	_ =	sdelay $0x1  }
0x3c0: {  	v3 =	vmul.f32 $3.200000000e+01, v3  }
0x3c1: {  	[tilespmem:s1+$0xCC00] =	vst v5;
	v5 =	vmul.f32 $3.200000000e+01, v63  }
0x3c2: {  	v9 =	vld [tilespmem:s1+$0xCC30];
	[tilespmem:s1+$0xD030] =	vst v3;
	v3 =	vmul.f32 $3.200000000e+01, v4  }
0x3c3: {  	v8 =	vld [tilespmem:s1+$0xCC70];
	[tilespmem:s1+$0xCC20] =	vst v5;
	v6 =	vmul.f32 $3.200000000e+01, v6  }
0x3c4: {  	s23 =	sor.u32 $0x1C30, s13;
	v5 =	vld [tilespmem:s1+$0xD010];
	[tilespmem:s22+$0xC400] =	vst v3  }
0x3c5: {  	[tilespmem:s1+$0xD050] =	vst v6;
	v6 =	vld [tilespmem:s23+$0xC400];
	_ =	sdelay $0x1  }
0x3c6: {  	v9 =	vmul.f32 $3.200000000e+01, v9;
	v7 =	vld [tilespmem:s1+$0xD070]  }
0x3c7: {  	v8 =	vmul.f32 $3.200000000e+01, v8  }
0x3c8: {  	[tilespmem:s1+$0xCC30] =	vst v9;
	v5 =	vmul.f32 $3.200000000e+01, v5  }
0x3c9: {  	v9 =	vld [tilespmem:s1+$0xD020];
	[tilespmem:s1+$0xCC70] =	vst v8;
	v6 =	vmul.f32 $3.200000000e+01, v6  }
0x3ca: {  	v8 =	vld [tilespmem:s1+$0xD060];
	[tilespmem:s1+$0xD010] =	vst v5  }
0x3cb: {  	s24 =	sor.u32 $0x1C40, s13;
	v5 =	vld [tilespmem:s1+$0xD400];
	v7 =	vmul.f32 $3.200000000e+01, v7;
	[tilespmem:s23+$0xC400] =	vst v6  }
0x3cc: {  	v6 =	vld [tilespmem:s24+$0xC400]  }
0x3cd: {  	[tilespmem:s1+$0xD070] =	vst v7;
	v7 =	vld [tilespmem:s1+$0xD460]  }
0x3ce: {  	v9 =	vmul.f32 $3.200000000e+01, v9;
	v3 =	vld [tilespmem:s1+$0xD430]  }
0x3cf: {  	v8 =	vmul.f32 $3.200000000e+01, v8;
	v4 =	vld [tilespmem:s1+$0xD420]  }
0x3d0: {  	[tilespmem:s1+$0xD020] =	vst v9;
	v9 =	vld [tilespmem:s1+$0xD410];
	v5 =	vmul.f32 $3.200000000e+01, v5  }
0x3d1: {  	[tilespmem:s1+$0xD060] =	vst v8;
	v8 =	vld [tilespmem:s1+$0xD450];
	v6 =	vmul.f32 $3.200000000e+01, v6  }
0x3d2: {  	[tilespmem:s1+$0xD400] =	vst v5;
	v5 =	vld [tilespmem:s1+$0xD800];
	v7 =	vmul.f32 $3.200000000e+01, v7  }
0x3d3: {  	s31 =	sor.u32 $0x1C50, s13;
	v10 =	vld [tilespmem:s1+$0xD470];
	v3 =	vmul.f32 $3.200000000e+01, v3;
	[tilespmem:s24+$0xC400] =	vst v6  }
0x3d4: {  	v4 =	vmul.f32 $3.200000000e+01, v4;
	[tilespmem:s1+$0xD460] =	vst v7;
	v7 =	vld [tilespmem:s31+$0xC400]  }
0x3d5: {  	v9 =	vmul.f32 $3.200000000e+01, v9;
	[tilespmem:s1+$0xD430] =	vst v3;
	v3 =	vld [tilespmem:s1+$0xD820]  }
0x3d6: {  	v8 =	vmul.f32 $3.200000000e+01, v8;
	[tilespmem:s1+$0xD420] =	vst v4;
	v4 =	vld [tilespmem:s1+$0xD810]  }
0x3d7: {  	[tilespmem:s1+$0xD410] =	vst v9;
	v5 =	vmul.f32 $3.200000000e+01, v5  }
0x3d8: {  	v9 =	vmul.f32 $3.200000000e+01, v10;
	[tilespmem:s1+$0xD450] =	vst v8;
	v8 =	vld [tilespmem:s1+$0xD830]  }
0x3d9: {  	[tilespmem:s1+$0xD800] =	vst v5;
	v6 =	vld [tilespmem:s1+$0xD850];
	v5 =	vmul.f32 $3.200000000e+01, v7  }
0x3da: {  	[tilespmem:s1+$0xD470] =	vst v9;
	v9 =	vld [tilespmem:s1+$0xD860];
	v3 =	vmul.f32 $3.200000000e+01, v3  }
0x3db: {  	s19 =	sor.u32 $0x1C60, s13;
	v10 =	vld [tilespmem:s1+$0xD870];
	v4 =	vmul.f32 $3.200000000e+01, v4;
	[tilespmem:s31+$0xC400] =	vst v5  }
0x3dc: {  	[tilespmem:s1+$0xD820] =	vst v3;
	v3 =	vld [tilespmem:s19+$0xC400]  }
0x3dd: {  	[tilespmem:s1+$0xD810] =	vst v4;
	v4 =	vld [tilespmem:s1+$0xDC00];
	v7 =	vmul.f32 $3.200000000e+01, v8  }
0x3de: {  	v8 =	vld [tilespmem:s1+$0xDC10];
	v5 =	vmul.f32 $3.200000000e+01, v6  }
0x3df: {  	[tilespmem:s1+$0xD830] =	vst v7;
	v7 =	vld [tilespmem:s1+$0xDC20];
	v6 =	vmul.f32 $3.200000000e+01, v9  }
0x3e0: {  	v9 =	vmul.f32 $3.200000000e+01, v10;
	[tilespmem:s1+$0xD850] =	vst v5;
	v5 =	vld [tilespmem:s1+$0xDC30]  }
0x3e1: {  	s14 =	simm.s32 $0x0;
	s15 =	simm.s32 $0xFFFFC400;
	s16 =	simm.s32 $0x100;
	[tilespmem:s1+$0xD860] =	vst v6;
	v6 =	vld [tilespmem:s1+$0xDC50];
	v3 =	vmul.f32 $3.200000000e+01, v3  }
.LBB2_9:
0x3e2: {  	p0 =	sne.s32 s16, $0x780;
	[tilespmem:s1+$0xD870] =	vst v9;
	v4 =	vmul.f32 $3.200000000e+01, v4;
	v9 =	vld [tilespmem:s1+$0xDC60]  }
0x3e3: {  	v8 =	vmul.f32 $3.200000000e+01, v8;
	v10 =	vld [tilespmem:s1+$0xDC70];
	[tilespmem:s19+$0xC400] =	vst v3;
	s19 =	sor.u32 $0x1C70, s13  }
0x3e4: {  	[tilespmem:s1+$0xDC00] =	vst v4;
	v3 =	vmul.f32 $3.200000000e+01, v7;
	v4 =	vld [tilespmem:s19+$0xC400]  }
0x3e5: {  	v7 =	vld [tilespmem:s1+$0xC440];
	[tilespmem:s1+$0xDC10] =	vst v8;
	v5 =	vmul.f32 $3.200000000e+01, v5  }
0x3e6: {  	v8 =	vld [tilespmem:s1+$0xC840];
	[tilespmem:s1+$0xDC20] =	vst v3;
	v3 =	vmul.f32 $3.200000000e+01, v6  }
0x3e7: {  	s0 =	sadd.s32 $0x1, s0;
	v6 =	vld [tilespmem:s1+$0xCC40];
	[tilespmem:s1+$0xDC30] =	vst v5;
	v5 =	vmul.f32 $3.200000000e+01, v9  }
0x3e8: {  	s13 =	sand.u32 $0x7, s0;
	v9 =	vld [tilespmem:s1+$0xD040];
	[tilespmem:s1+$0xDC50] =	vst v3;
	v3 =	vmul.f32 $3.200000000e+01, v10  }
0x3e9: {  	s15 =	sadd.s32 $0x400, s15;
	s14 =	sadd.s32 $0x400, s14;
	s13 =	sshll.u32 s13, $0x7;
	v10 =	vld [tilespmem:s1+$0xD440];
	[tilespmem:s1+$0xDC60] =	vst v5;
	v4 =	vmul.f32 $3.200000000e+01, v4  }
0x3ea: {  	s21 =	sadd.s32 $0x4000, s15;
	s13 =	sadd.s32 s13, s14;
	v5 =	vmul.f32 $3.200000000e+01, v7;
	v7 =	vld [tilespmem:s1+$0xD840];
	[tilespmem:s1+$0xDC70] =	vst v3  }
0x3eb: {  	s22 =	sand.u32 $0x380, s16;
	s21 =	sand.u32 $0x2000, s21;
	s23 =	sor.u32 $0x1C00, s13;
	v3 =	vmul.f32 $3.200000000e+01, v8;
	v8 =	vld [tilespmem:s1+$0xDC40];
	[tilespmem:s19+$0xC400] =	vst v4  }
0x3ec: {  	s19 =	sor.u32 s22, s21;
	[tilespmem:s1+$0xC440] =	vst v5;
	v4 =	vmul.f32 $3.200000000e+01, v6;
	v5 =	vld [tilespmem:s23+$0xC400]  }
0x3ed: {  	v6 =	vld [tilespmem:s19+$0xC400];
	[tilespmem:s1+$0xC840] =	vst v3;
	v3 =	vmul.f32 $3.200000000e+01, v9  }
0x3ee: {  	v9 =	vld [tilespmem:s19+$0xC410];
	[tilespmem:s1+$0xCC40] =	vst v4;
	v4 =	vmul.f32 $3.200000000e+01, v10  }
0x3ef: {  	v10 =	vld [tilespmem:s19+$0xC420];
	[tilespmem:s1+$0xD040] =	vst v3;
	v3 =	vmul.f32 $3.200000000e+01, v7  }
0x3f0: {  	v7 =	vld [tilespmem:s19+$0xC430];
	[tilespmem:s1+$0xD440] =	vst v4;
	v4 =	vmul.f32 $3.200000000e+01, v8  }
0x3f1: {  	v8 =	vld [tilespmem:s19+$0xC450];
	[tilespmem:s1+$0xD840] =	vst v3;
	v3 =	vmul.f32 $3.200000000e+01, v5  }
0x3f2: {  	v5 =	vmul.f32 $3.200000000e+01, v6;
	v6 =	vld [tilespmem:s19+$0xC460];
	[tilespmem:s1+$0xDC40] =	vst v4;
	s1 =	smov.u32 s19  }
0x3f3: {  	s19 =	sor.u32 $0x1C10, s13;
	v4 =	vmul.f32 $3.200000000e+01, v9;
	v9 =	vld [tilespmem:s1+$0xC470];
	[tilespmem:s23+$0xC400] =	vst v3  }
0x3f4: {  	[tilespmem:s1+$0xC400] =	vst v5;
	v3 =	vmul.f32 $3.200000000e+01, v10;
	v5 =	vld [tilespmem:s19+$0xC400]  }
0x3f5: {  	[tilespmem:s1+$0xC410] =	vst v4;
	v4 =	vmul.f32 $3.200000000e+01, v7;
	v7 =	vld [tilespmem:s1+$0xC800]  }
0x3f6: {  	[tilespmem:s1+$0xC420] =	vst v3;
	v3 =	vmul.f32 $3.200000000e+01, v8;
	v8 =	vld [tilespmem:s1+$0xC810]  }
0x3f7: {  	[tilespmem:s1+$0xC430] =	vst v4;
	v4 =	vmul.f32 $3.200000000e+01, v6;
	v6 =	vld [tilespmem:s1+$0xC820]  }
0x3f8: {  	[tilespmem:s1+$0xC450] =	vst v3;
	v3 =	vmul.f32 $3.200000000e+01, v9;
	v9 =	vld [tilespmem:s1+$0xC830]  }
0x3f9: {  	[tilespmem:s1+$0xC460] =	vst v4;
	v4 =	vld [tilespmem:s1+$0xC850];
	v5 =	vmul.f32 $3.200000000e+01, v5  }
0x3fa: {  	[tilespmem:s1+$0xC470] =	vst v3;
	v3 =	vmul.f32 $3.200000000e+01, v7;
	v7 =	vld [tilespmem:s1+$0xC860]  }
0x3fb: {  	v8 =	vmul.f32 $3.200000000e+01, v8;
	v10 =	vld [tilespmem:s1+$0xC870];
	[tilespmem:s19+$0xC400] =	vst v5;
	s19 =	sor.u32 $0x1C20, s13  }
0x3fc: {  	[tilespmem:s1+$0xC800] =	vst v3;
	v3 =	vmul.f32 $3.200000000e+01, v6;
	v5 =	vld [tilespmem:s19+$0xC400]  }
0x3fd: {  	[tilespmem:s1+$0xC810] =	vst v8;
	v6 =	vmul.f32 $3.200000000e+01, v9;
	v8 =	vld [tilespmem:s1+$0xCC00]  }
0x3fe: {  	[tilespmem:s1+$0xC820] =	vst v3;
	v3 =	vmul.f32 $3.200000000e+01, v4;
	v4 =	vld [tilespmem:s1+$0xCC10]  }
0x3ff: {  	[tilespmem:s1+$0xC830] =	vst v6;
	v6 =	vmul.f32 $3.200000000e+01, v7;
	v7 =	vld [tilespmem:s1+$0xCC20]  }
0x400: {  	[tilespmem:s1+$0xC850] =	vst v3;
	v3 =	vmul.f32 $3.200000000e+01, v10;
	v9 =	vld [tilespmem:s1+$0xCC30]  }
0x401: {  	[tilespmem:s1+$0xC860] =	vst v6;
	v6 =	vld [tilespmem:s1+$0xCC50];
	v5 =	vmul.f32 $3.200000000e+01, v5  }
0x402: {  	[tilespmem:s1+$0xC870] =	vst v3;
	v3 =	vmul.f32 $3.200000000e+01, v8;
	v8 =	vld [tilespmem:s1+$0xCC60]  }
0x403: {  	v4 =	vmul.f32 $3.200000000e+01, v4;
	v10 =	vld [tilespmem:s1+$0xCC70];
	[tilespmem:s19+$0xC400] =	vst v5;
	s19 =	sor.u32 $0x1C30, s13  }
0x404: {  	[tilespmem:s1+$0xCC00] =	vst v3;
	v3 =	vmul.f32 $3.200000000e+01, v7;
	v5 =	vld [tilespmem:s19+$0xC400]  }
0x405: {  	[tilespmem:s1+$0xCC10] =	vst v4;
	v4 =	vmul.f32 $3.200000000e+01, v9;
	v7 =	vld [tilespmem:s1+$0xD000]  }
0x406: {  	[tilespmem:s1+$0xCC20] =	vst v3;
	v3 =	vmul.f32 $3.200000000e+01, v6;
	v6 =	vld [tilespmem:s1+$0xD010]  }
0x407: {  	[tilespmem:s1+$0xCC30] =	vst v4;
	v4 =	vmul.f32 $3.200000000e+01, v8;
	v8 =	vld [tilespmem:s1+$0xD020]  }
0x408: {  	[tilespmem:s1+$0xCC50] =	vst v3;
	v3 =	vmul.f32 $3.200000000e+01, v10;
	v9 =	vld [tilespmem:s1+$0xD030]  }
0x409: {  	[tilespmem:s1+$0xCC60] =	vst v4;
	v4 =	vld [tilespmem:s1+$0xD050];
	v5 =	vmul.f32 $3.200000000e+01, v5  }
0x40a: {  	[tilespmem:s1+$0xCC70] =	vst v3;
	v3 =	vmul.f32 $3.200000000e+01, v7;
	v7 =	vld [tilespmem:s1+$0xD060]  }
0x40b: {  	v6 =	vmul.f32 $3.200000000e+01, v6;
	v10 =	vld [tilespmem:s1+$0xD070];
	[tilespmem:s19+$0xC400] =	vst v5;
	s19 =	sor.u32 $0x1C40, s13  }
0x40c: {  	[tilespmem:s1+$0xD000] =	vst v3;
	v3 =	vmul.f32 $3.200000000e+01, v8;
	v5 =	vld [tilespmem:s19+$0xC400]  }
0x40d: {  	[tilespmem:s1+$0xD010] =	vst v6;
	v6 =	vmul.f32 $3.200000000e+01, v9;
	v8 =	vld [tilespmem:s1+$0xD400]  }
0x40e: {  	[tilespmem:s1+$0xD020] =	vst v3;
	v3 =	vmul.f32 $3.200000000e+01, v4;
	v4 =	vld [tilespmem:s1+$0xD410]  }
0x40f: {  	[tilespmem:s1+$0xD030] =	vst v6;
	v6 =	vmul.f32 $3.200000000e+01, v7;
	v7 =	vld [tilespmem:s1+$0xD420]  }
0x410: {  	[tilespmem:s1+$0xD050] =	vst v3;
	v3 =	vmul.f32 $3.200000000e+01, v10;
	v9 =	vld [tilespmem:s1+$0xD430]  }
0x411: {  	[tilespmem:s1+$0xD060] =	vst v6;
	v6 =	vld [tilespmem:s1+$0xD450];
	v5 =	vmul.f32 $3.200000000e+01, v5  }
0x412: {  	[tilespmem:s1+$0xD070] =	vst v3;
	v3 =	vmul.f32 $3.200000000e+01, v8;
	v8 =	vld [tilespmem:s1+$0xD460]  }
0x413: {  	v4 =	vmul.f32 $3.200000000e+01, v4;
	v10 =	vld [tilespmem:s1+$0xD470];
	[tilespmem:s19+$0xC400] =	vst v5;
	s19 =	sor.u32 $0x1C50, s13  }
0x414: {  	[tilespmem:s1+$0xD400] =	vst v3;
	v3 =	vmul.f32 $3.200000000e+01, v7;
	v5 =	vld [tilespmem:s19+$0xC400]  }
0x415: {  	[tilespmem:s1+$0xD410] =	vst v4;
	v4 =	vmul.f32 $3.200000000e+01, v9;
	v7 =	vld [tilespmem:s1+$0xD800]  }
0x416: {  	[tilespmem:s1+$0xD420] =	vst v3;
	v3 =	vmul.f32 $3.200000000e+01, v6;
	v6 =	vld [tilespmem:s1+$0xD810]  }
0x417: {  	[tilespmem:s1+$0xD430] =	vst v4;
	v4 =	vmul.f32 $3.200000000e+01, v8;
	v8 =	vld [tilespmem:s1+$0xD820]  }
0x418: {  	[tilespmem:s1+$0xD450] =	vst v3;
	v3 =	vmul.f32 $3.200000000e+01, v10;
	v9 =	vld [tilespmem:s1+$0xD830]  }
0x419: {  	[tilespmem:s1+$0xD460] =	vst v4;
	v10 =	vld [tilespmem:s1+$0xD850];
	v4 =	vmul.f32 $3.200000000e+01, v5  }
0x41a: {  	[tilespmem:s1+$0xD470] =	vst v3;
	v3 =	vmul.f32 $3.200000000e+01, v7;
	v5 =	vld [tilespmem:s1+$0xD860]  }
0x41b: {  	v6 =	vmul.f32 $3.200000000e+01, v6;
	v11 =	vld [tilespmem:s1+$0xD870];
	[tilespmem:s19+$0xC400] =	vst v4;
	s19 =	sor.u32 $0x1C60, s13  }
0x41c: {  	[tilespmem:s1+$0xD800] =	vst v3;
	v3 =	vmul.f32 $3.200000000e+01, v8;
	v12 =	vld [tilespmem:s19+$0xC400]  }
.Ltmp3:
0x41d: {  	[tilespmem:s1+$0xD810] =	vst v6;
	v6 =	vmul.f32 $3.200000000e+01, v9;
	v4 =	vld [tilespmem:s1+$0xDC00];
	(pc) =	sbr.rel @p0 .LBB2_9-.Ltmp3, $4  }
0x41e: {  	[tilespmem:s1+$0xD820] =	vst v3;
	v3 =	vmul.f32 $3.200000000e+01, v10;
	v8 =	vld [tilespmem:s1+$0xDC10]  }
0x41f: {  	[tilespmem:s1+$0xD830] =	vst v6;
	v6 =	vmul.f32 $3.200000000e+01, v5;
	v7 =	vld [tilespmem:s1+$0xDC20]  }
0x420: {  	[tilespmem:s1+$0xD850] =	vst v3;
	v9 =	vmul.f32 $3.200000000e+01, v11;
	v5 =	vld [tilespmem:s1+$0xDC30]  }
0x421: {  	s16 =	sadd.s32 $0x80, s16;
	[tilespmem:s1+$0xD860] =	vst v6;
	v6 =	vld [tilespmem:s1+$0xDC50];
	v3 =	vmul.f32 $3.200000000e+01, v12  }
0x422: {  	v4 =	vmul.f32 $3.200000000e+01, v4;
	v50 =	vld [tilespmem:s1+$0xDC60]  }
0x423: {  	[tilespmem:s1+$0xD870] =	vst v9;
	v10 =	vld [tilespmem:s1+$0xDC70];
	v8 =	vmul.f32 $3.200000000e+01, v8  }
0x424: {  	v51 =	vld [tilespmem:s1+$0xC440];
	[tilespmem:s1+$0xDC00] =	vst v4;
	v7 =	vmul.f32 $3.200000000e+01, v7  }
0x425: {  	[tilespmem:s1+$0xDC10] =	vst v8;
	v5 =	vmul.f32 $3.200000000e+01, v5  }
0x426: {  	v52 =	vld [tilespmem:s1+$0xC840];
	[tilespmem:s1+$0xDC20] =	vst v7;
	v6 =	vmul.f32 $3.200000000e+01, v6  }
0x427: {  	v53 =	vld [tilespmem:s1+$0xCC40];
	s0 =	sadd.s32 $0x1, s0;
	[tilespmem:s1+$0xDC30] =	vst v5;
	v9 =	vmul.f32 $3.200000000e+01, v50  }
0x428: {  	v54 =	vld [tilespmem:s1+$0xD040];
	s0 =	sand.u32 $0x7, s0;
	v10 =	vmul.f32 $3.200000000e+01, v10;
	[tilespmem:s1+$0xDC50] =	vst v6  }
0x429: {  	v55 =	vld [tilespmem:s1+$0xD440];
	s14 =	sadd.s32 $0x400, s14;
	s0 =	sshll.u32 s0, $0x7;
	v4 =	vmul.f32 $3.200000000e+01, v51;
	[tilespmem:s1+$0xDC60] =	vst v9  }
0x42a: {  	v56 =	vld [tilespmem:s1+$0xD840];
	s0 =	sadd.s32 s0, s14;
	[tilespmem:s1+$0xDC70] =	vst v10  }
0x42b: {  	v57 =	vld [tilespmem:s1+$0xDC40];
	s14 =	sor.u32 $0x1C00, s0;
	v8 =	vmul.f32 $3.200000000e+01, v52;
	[tilespmem:s1+$0xC440] =	vst v4  }
0x42c: {  	v58 =	vmul.f32 $3.200000000e+01, v53;
	v59 =	vld [tilespmem:s14+$0xC400]  }
0x42d: {  	v5 =	vmul.f32 $3.200000000e+01, v54;
	[tilespmem:s1+$0xC840] =	vst v8  }
0x42e: {  	v60 =	vmul.f32 $3.200000000e+01, v55;
	[tilespmem:s1+$0xCC40] =	vst v58  }
0x42f: {  	v61 =	vmul.f32 $3.200000000e+01, v56;
	[tilespmem:s1+$0xD040] =	vst v5  }
0x430: {  	v62 =	vmul.f32 $3.200000000e+01, v57;
	[tilespmem:s1+$0xD440] =	vst v60  }
0x431: {  	[tilespmem:s1+$0xD840] =	vst v61;
	v63 =	vmul.f32 $3.200000000e+01, v59  }
0x432: {  	[tilespmem:s1+$0xDC40] =	vst v62  }
0x433: {  	[tilespmem:s14+$0xC400] =	vst v63;
	s14 =	sor.u32 $0x1C10, s0  }
0x434: {  	v4 =	vld [tilespmem:s14+$0xC400];
	_ =	sdelay $0x4  }
0x435: {  	v4 =	vmul.f32 $3.200000000e+01, v4;
	_ =	sdelay $0x1  }
0x436: {  	s15 =	sor.u32 $0x1C20, s0;
	[tilespmem:s14+$0xC400] =	vst v4  }
0x437: {  	v4 =	vld [tilespmem:s15+$0xC400];
	_ =	sdelay $0x4  }
0x438: {  	v4 =	vmul.f32 $3.200000000e+01, v4;
	_ =	sdelay $0x1  }
0x439: {  	s16 =	sor.u32 $0x1C30, s0;
	[tilespmem:s15+$0xC400] =	vst v4  }
0x43a: {  	v4 =	vld [tilespmem:s16+$0xC400];
	_ =	sdelay $0x4  }
0x43b: {  	v4 =	vmul.f32 $3.200000000e+01, v4;
	_ =	sdelay $0x1  }
0x43c: {  	s21 =	sor.u32 $0x1C40, s0;
	[tilespmem:s16+$0xC400] =	vst v4  }
0x43d: {  	v4 =	vld [tilespmem:s21+$0xC400];
	_ =	sdelay $0x4  }
0x43e: {  	v4 =	vmul.f32 $3.200000000e+01, v4;
	_ =	sdelay $0x1  }
0x43f: {  	s22 =	sor.u32 $0x1C50, s0;
	[tilespmem:s21+$0xC400] =	vst v4  }
0x440: {  	v4 =	vld [tilespmem:s22+$0xC400];
	_ =	sdelay $0x4  }
0x441: {  	v4 =	vmul.f32 $3.200000000e+01, v4;
	_ =	sdelay $0x1  }
0x442: {  	s23 =	sor.u32 $0x1C60, s0;
	[tilespmem:s22+$0xC400] =	vst v4  }
0x443: {  	v4 =	vld [tilespmem:s23+$0xC400];
	_ =	sdelay $0x4  }
0x444: {  	v4 =	vmul.f32 $3.200000000e+01, v4  }
0x445: {  	s13 =	sor.u32 $0x1C70, s13;
	[tilespmem:s19+$0xC400] =	vst v3  }
0x446: {  	v3 =	vld [tilespmem:s13+$0xC400];
	s0 =	sor.u32 $0x1C70, s0;
	[tilespmem:s23+$0xC400] =	vst v4  }
0x447: {  	v4 =	vld [tilespmem:s0+$0xC400];
	_ =	sdelay $0x1  }
0x448: {  	s11 =	sadd.s32 $0x1, s11  }
0x449: {  	p0 =	sne.s32 s11, $0x10  }
.Ltmp4:
0x44a: {  	v3 =	vmul.f32 $3.200000000e+01, v3;
	(pc) =	sbr.rel @p0 .LBB2_2-.Ltmp4, $4  }
0x44b: {  	v4 =	vmul.f32 $3.200000000e+01, v4  }
0x44c: {  	s24 =	sshll.u32 s9, $0xB;
	[tilespmem:s13+$0xC400] =	vst v3  }
0x44d: {  	s31 =	sadd.s32 s24, s7;
	[tilespmem:s0+$0xC400] =	vst v4  }
0x44e: {  	[hbm4b:s31+s3] =	stream.linear.scatter [tilespmem:s18], [sflag:$0x8], $0x4000, $0x38;
	[tilespmem:$0x10400] =	vst v63  }
0x44f: {  	s0 =	simm.s32 $0x5  }
0x450: {  	_ =	swait.ge [sflag:s0], $0x4000  }
0x451: {  	[sflag:s0] =	ssyncset.done $0x0  }
0x452: {  	s23 =	simm.s32 $0x6;
	[sflag:s0] =	ssyncadd.s32 $0xFFFFC000  }
0x453: {  	_ =	swait.ge [sflag:s23], $0x4000  }
0x454: {  	[sflag:s23] =	ssyncset.done $0x0  }
0x455: {  	s24 =	simm.s32 $0x7;
	[sflag:s23] =	ssyncadd.s32 $0xFFFFC000  }
0x456: {  	_ =	swait.ge [sflag:s24], $0x4000  }
0x457: {  	[sflag:s24] =	ssyncset.done $0x0  }
0x458: {  	s1 =	simm.s32 $0x8;
	[sflag:s24] =	ssyncadd.s32 $0xFFFFC000  }
0x459: {  	_ =	swait.ge [sflag:s1], $0x4000  }
0x45a: {  	s9 =	rddreg [dreg:$0x6]  }
0x45b: {  	s31 =	rddreg [dreg:$0x5];
	s9 =	sadd.s32 $0x1, s9  }
0x45c: {  	p0 =	sne.s32 s9, s31  }
.Ltmp5:
0x45d: {  	_ = 	snop;
	(pc) =	sbr.rel @p0 .LBB2_1-.Ltmp5, $3  }
0x45e: {  	_ =	sdelay $0x1  }
0x45f: {  	[sflag:s1] =	ssyncset.done $0x0  }
0x460: {  	[sflag:s1] =	ssyncadd.s32 $0xFFFFC000  }
0x461: {  	_ =	sfence.sel $0x180000  }
0x462: {  	[bflag:$0x0] =	sbarrier.arrive $0xFFFF  }
0x463: {  	_ =	strace $0x90000047  }
0x464: {  	s0 =	stileid.u32;
	[bflag:$0x2] =	sbarrier.arrive $0xFFFF  }
0x465: {  	p0 =	sne.s32 s0, $0x0;
	s0 =	rddreg [dreg:$0x3]  }
0x466: {  	s0 =	sadd.s32 @!p0 $0x100000, s0  }
0x467: {  	[sflag:s0] =	ssyncadd.tile.s32 @!p0 $0x1;
	_ =	shalt  }
.Lfunc_end2:
_tile_overlayer_lowered:
.L_overlay_start_2:
0x468: {  	(tag) =	ssettag $0x2  }
0x469: {  	s0 =	rddreg [dreg:$0x0];
	s2 =	stileid.u32  }
0x46a: {  	s1 =	rddreg [dreg:$0x1];
	p0 =	sne.s32 s2, $0x0  }
0x46b: {  	s3 =	rddreg [dreg:$0x2];
	[bflag:$0x3] =	sbarrier.arrive $0xFFFF;
	s2 =	simm.s32 @!p0 $0x1C09  }
0x46c: {  	[timem:s3], [sflag:s2] =	dma.local @!p0 [hbm:s0], s1  }
0x46d: {  	s0 =	simm.s32 @!p0 $0x9  }
0x46e: {  	_ =	swait.ge @!p0 [sflag:s0], s1  }
0x46f: {  	s1 =	ssub.s32 @!p0 $0x0, s1;
	[sflag:s0] =	ssyncset.done @!p0 $0x0  }
0x470: {  	[sflag:s0] =	ssyncadd.s32 @!p0 s1  }
0x471: {  	[bflag:$0x3] =	sbarrier.arrive $0xFFFF  }
0x472: {  	_ =	shalt  }

</sc_bundles>
